<compile_context>
chip_gen: v7x
topology: tpu7x:2x2x1
jax: 0.10.2.dev20260603
libtpu: 0.0.44.dev20260713+nightly
codegen_flags: <defaults>
</compile_context>

<pallas_src>
import jax
import jax.numpy as jnp
from jax import lax
from jax.experimental import pallas as pl
from jax.experimental.pallas import tpu as pltpu
from jax.experimental.pallas import tpu_sc as plsc

N = 10000
D = 128
H = 64
E = 320000
L = 16
NC = 2
NS = 16
NW = NC * NS
FPT = H // NS
HALF = E // NC
C1 = 6400
NCH1 = HALF // C1
SUB1 = C1 // NS
EP = E // NW
C2 = 2000
NCH2 = EP // C2
NPAD = 10240
TC1 = 2560
TSUB = TC1 // NS
NEG = -3.0e38


def _proj_body(x_ref, w1_ref, b1_ref, at_ref, bt_ref):
    x = x_ref[...]
    w1 = w1_ref[...]
    wa = w1[:D, :]
    wb = w1[D:, :]
    dn = (((0,), (1,)), ((), ()))
    at = lax.dot_general(wa, x, dn, preferred_element_type=jnp.float32)
    bcol = jnp.transpose(b1_ref[...])
    at_ref[...] = at + bcol
    bt_ref[...] = lax.dot_general(wb, x, dn, preferred_element_type=jnp.float32)


def _agg_body(t2_ref, x_ref, o_ref):
    t2 = t2_ref[...]
    x = x_ref[...]
    t = t2[0:1, :N] + t2[1:2, :N]
    dn = (((1,), (0,)), ((), ()))
    o_ref[...] = lax.dot_general(t, x, dn, preferred_element_type=jnp.float32) * (1.0 / N)


def _sc_a_body(at_hbm, bt_hbm, src_hbm, dst_hbm, ea_hbm, w2_hbm, b2_hbm,
               sc_out, ms_out,
               atab, btab, srcb, dstb, accb, rb16, sbuf, eabuf,
               w2b, b2b, tmp16, dsem,
               part_sh):
    c = lax.axis_index("c")
    s = lax.axis_index("s")
    wid = c * NS + s

    pltpu.sync_copy(at_hbm.at[pl.ds(FPT * N * s, FPT * N)], atab)
    pltpu.sync_copy(bt_hbm.at[pl.ds(FPT * N * s, FPT * N)], btab)
    pltpu.sync_copy(w2_hbm, w2b)
    pltpu.sync_copy(b2_hbm, b2b)
    w2v = [plsc.load_gather(w2b, [jnp.full((L,), FPT * s + j, jnp.int32)])
           for j in range(FPT)]
    joff = [jnp.full((L,), j * N, jnp.int32) for j in range(FPT)]

    def chunk_body(ch, _):
        base = c * HALF + ch * C1
        pltpu.sync_copy(src_hbm.at[pl.ds(base, C1)], srcb)
        pltpu.sync_copy(dst_hbm.at[pl.ds(base, C1)], dstb)

        @plsc.parallel_loop(0, C1 // L, unroll=4)
        def grp(g):
            sv = srcb[pl.ds(g * L, L)]
            dv = dstb[pl.ds(g * L, L)]
            acc = jnp.zeros((L,), jnp.float32)
            for j in range(FPT):
                ga = plsc.load_gather(atab, [sv + joff[j]])
                gb = plsc.load_gather(btab, [dv + joff[j]])
                h = ga + gb
                lk = jnp.where(h >= 0, h, h * 0.2)
                acc = acc + w2v[j] * lk
            accb[pl.ds(g * L, L)] = acc

        pltpu.sync_copy(accb, part_sh.at[pl.ds(s * C1, C1)])
        plsc.subcore_barrier()
        descs = [pltpu.async_copy(part_sh.at[pl.ds(r * C1 + s * SUB1, SUB1)],
                                  rb16.at[pl.ds(r * SUB1, SUB1)], dsem)
                 for r in range(NS)]
        for dsc in descs:
            dsc.wait()

        @plsc.parallel_loop(0, SUB1 // L, unroll=2)
        def colsum(cc):
            v = rb16[pl.ds(cc * L, L)]
            for r in range(1, NS):
                v = v + rb16[pl.ds(r * SUB1 + cc * L, L)]
            sbuf[pl.ds(cc * L, L)] = v

        pltpu.sync_copy(sbuf.at[pl.ds(0, SUB1)],
                        sc_out.at[pl.ds(base + s * SUB1, SUB1)])
        plsc.subcore_barrier()
        return 0

    lax.fori_loop(0, NCH1, chunk_body, 0)

    b2vec = b2b[...]
    base2 = wid * EP

    def mod_chunk(k, mvec):
        sb = base2 + k * C2
        pltpu.sync_copy(sc_out.at[pl.ds(sb, C2)], sbuf)
        pltpu.sync_copy(ea_hbm.at[pl.ds(sb, C2)], eabuf)

        @plsc.parallel_loop(0, C2 // L, unroll=4, carry=mvec)
        def grp(g, mv):
            sc = eabuf[pl.ds(g * L, L)] * (sbuf[pl.ds(g * L, L)] + b2vec)
            sbuf[pl.ds(g * L, L)] = sc
            return jnp.maximum(mv, sc)

        pltpu.sync_copy(sbuf, sc_out.at[pl.ds(sb, C2)])
        return grp

    mvec = lax.fori_loop(0, NCH2, mod_chunk, jnp.full((L,), NEG, jnp.float32))
    mvec = jnp.full((L,), jnp.max(mvec), jnp.float32)

    def exp_chunk(k, zvec):
        sb = base2 + k * C2
        pltpu.sync_copy(sc_out.at[pl.ds(sb, C2)], sbuf)

        @plsc.parallel_loop(0, C2 // L, unroll=4, carry=zvec)
        def grp(g, zv):
            ex = jnp.exp(sbuf[pl.ds(g * L, L)] - mvec)
            sbuf[pl.ds(g * L, L)] = ex
            return zv + ex

        pltpu.sync_copy(sbuf, sc_out.at[pl.ds(sb, C2)])
        return grp

    zvec = lax.fori_loop(0, NCH2, exp_chunk, jnp.zeros((L,), jnp.float32))
    tmp16[...] = mvec
    pltpu.sync_copy(tmp16, ms_out.at[pl.ds(wid * L, L)])
    tmp16[...] = jnp.full((L,), jnp.sum(zvec), jnp.float32)
    pltpu.sync_copy(tmp16, ms_out.at[pl.ds(NW * L + wid * L, L)])


def _sc_b_body(sc_hbm, ms_hbm, dst_hbm,
               w_out, t2_out,
               msb, sbuf, dst2b, tloc, rb16, dsem,
               part_sh):
    c = lax.axis_index("c")
    s = lax.axis_index("s")
    wid = c * NS + s
    base2 = wid * EP

    pltpu.sync_copy(ms_hbm, msb)
    mv = msb[pl.ds(0, L)]
    for r in range(1, NW):
        mv = jnp.maximum(mv, msb[pl.ds(r * L, L)])
    zv = jnp.zeros((L,), jnp.float32)
    for r in range(NW):
        zv = zv + msb[pl.ds(NW * L + r * L, L)] * jnp.exp(msb[pl.ds(r * L, L)] - mv)
    myscale = jnp.exp(msb[pl.ds(wid * L, L)] - mv) / zv

    @plsc.parallel_loop(0, NPAD // L, unroll=4)
    def zt(i):
        tloc[pl.ds(i * L, L)] = jnp.zeros((L,), jnp.float32)

    def norm_chunk(k, _):
        sb = base2 + k * C2
        pltpu.sync_copy(sc_hbm.at[pl.ds(sb, C2)], sbuf)
        pltpu.sync_copy(dst_hbm.at[pl.ds(sb, C2)], dst2b)

        @plsc.parallel_loop(0, C2 // L, unroll=4)
        def grp(g):
            wv = sbuf[pl.ds(g * L, L)] * myscale
            sbuf[pl.ds(g * L, L)] = wv
            dv = dst2b[pl.ds(g * L, L)]
            plsc.addupdate_scatter(tloc, [dv], wv)

        pltpu.sync_copy(sbuf, w_out.at[pl.ds(sb, C2)])
        return 0

    lax.fori_loop(0, NCH2, norm_chunk, 0)

    for r4 in range(NPAD // TC1):
        pltpu.sync_copy(tloc.at[pl.ds(r4 * TC1, TC1)],
                        part_sh.at[pl.ds(s * TC1, TC1)])
        plsc.subcore_barrier()
        descs = [pltpu.async_copy(part_sh.at[pl.ds(r * TC1 + s * TSUB, TSUB)],
                                  rb16.at[pl.ds(r * TSUB, TSUB)], dsem)
                 for r in range(NS)]
        for dsc in descs:
            dsc.wait()

        @plsc.parallel_loop(0, TSUB // L, unroll=2)
        def tsum(cc):
            v = rb16[pl.ds(cc * L, L)]
            for r in range(1, NS):
                v = v + rb16[pl.ds(r * TSUB + cc * L, L)]
            sbuf[pl.ds(cc * L, L)] = v

        pltpu.sync_copy(sbuf.at[pl.ds(0, TSUB)],
                        t2_out.at[pl.ds(c * NPAD + r4 * TC1 + s * TSUB, TSUB)])
        plsc.subcore_barrier()


@jax.jit
def kernel(node_feats, edge_index, edge_attr, W1, b1, W2, b2):
    x = node_feats[0]
    src = edge_index[0]
    dst = edge_index[1]
    ea = edge_attr[:, 0]
    w2f = W2[:, 0]
    b1r = b1.reshape(1, H)
    b2v = jnp.broadcast_to(b2.astype(jnp.float32), (L,))

    at, bt = pl.pallas_call(
        _proj_body,
        out_shape=(
            jax.ShapeDtypeStruct((H, N), jnp.float32),
            jax.ShapeDtypeStruct((H, N), jnp.float32),
        ),
    )(x, W1, b1r)

    mesh = plsc.VectorSubcoreMesh(core_axis_name="c", subcore_axis_name="s",
                                  num_cores=NC, num_subcores=NS)
    sc_exp, ms = pl.kernel(
        _sc_a_body,
        out_type=(
            jax.ShapeDtypeStruct((E,), jnp.float32),
            jax.ShapeDtypeStruct((2 * NW * L,), jnp.float32),
        ),
        mesh=mesh,
        compiler_params=pltpu.CompilerParams(needs_layout_passes=False),
        scratch_types=[
            pltpu.VMEM((FPT * N,), jnp.float32),
            pltpu.VMEM((FPT * N,), jnp.float32),
            pltpu.VMEM((C1,), jnp.int32),
            pltpu.VMEM((C1,), jnp.int32),
            pltpu.VMEM((C1,), jnp.float32),
            pltpu.VMEM((C1,), jnp.float32),
            pltpu.VMEM((C2,), jnp.float32),
            pltpu.VMEM((C2,), jnp.float32),
            pltpu.VMEM((H,), jnp.float32),
            pltpu.VMEM((L,), jnp.float32),
            pltpu.VMEM((L,), jnp.float32),
            pltpu.SemaphoreType.DMA,
            pltpu.VMEM_SHARED((NS * C1,), jnp.float32),
        ],
    )(at.reshape(H * N), bt.reshape(H * N), src, dst, ea, w2f, b2v)

    w, t2 = pl.kernel(
        _sc_b_body,
        out_type=(
            jax.ShapeDtypeStruct((E,), jnp.float32),
            jax.ShapeDtypeStruct((NC * NPAD,), jnp.float32),
        ),
        mesh=mesh,
        compiler_params=pltpu.CompilerParams(needs_layout_passes=False),
        scratch_types=[
            pltpu.VMEM((2 * NW * L,), jnp.float32),
            pltpu.VMEM((C2,), jnp.float32),
            pltpu.VMEM((C2,), jnp.int32),
            pltpu.VMEM((NPAD,), jnp.float32),
            pltpu.VMEM((TC1,), jnp.float32),
            pltpu.SemaphoreType.DMA,
            pltpu.VMEM_SHARED((NS * TC1,), jnp.float32),
        ],
    )(sc_exp, ms, dst)

    gf = pl.pallas_call(
        _agg_body,
        out_shape=jax.ShapeDtypeStruct((1, D), jnp.float32),
    )(t2.reshape(NC, NPAD), x)

    return gf, w.reshape(1, E)

# --- scband reference (transcript-rebuilt; emitter-appended) ---
"""Pipeline reference for scband-sparse-attention-pooling-42442866819267 (READ-ONLY COPY).

The authoritative reference and input builder live on the scoring server;
editing this copy changes nothing except your own understanding.
"""

import jax, jax.numpy as jnp
import numpy as np


def setup_inputs(seed: int = 0) -> dict:
    key = jax.random.key(seed)
    ks = jax.random.split(key, 8)
    B, N, D, E = 1, 10000, 128, 320000
    H = D // 2
    node_feats = jax.random.normal(ks[0], (B, N, D), dtype=jnp.float32)
    edge_index = jax.random.randint(ks[1], (2, E), 0, N, dtype=jnp.int32)
    edge_attr = jax.random.uniform(ks[2], (E, 1), dtype=jnp.float32)
    W1 = jax.random.normal(ks[3], (2 * D, H), dtype=jnp.float32) * (1.0 / np.sqrt(2 * D))
    b1 = jnp.zeros((H,), dtype=jnp.float32)
    W2 = jax.random.normal(ks[4], (H, 1), dtype=jnp.float32) * (1.0 / np.sqrt(H))
    b2 = jnp.zeros((1,), dtype=jnp.float32)
    return {"node_feats": node_feats, "edge_index": edge_index, "edge_attr": edge_attr,
            "W1": W1, "b1": b1, "W2": W2, "b2": b2}


def reference(node_feats, edge_index, edge_attr, W1, b1, W2, b2):
    # Sparse path of SparseAttentionPooling.forward with valid_masks=None,
    # sparse_adj=(edge_index, edge_attr), dropout=0 (eval).
    B, N, D = node_feats.shape
    src = edge_index[0]
    dst = edge_index[1]
    ea = edge_attr[:, 0]
    graph_feats = []
    att_weights = []
    for b in range(B):
        x = node_feats[b]
        src_feats = x[src]                     # gather [E, D]
        dst_feats = x[dst]                     # gather [E, D]
        pair = jnp.concatenate([src_feats, dst_feats], axis=1)  # [E, 2D]
        h = pair @ W1 + b1
        h = jnp.where(h >= 0, h, 0.2 * h)      # LeakyReLU(0.2)
        scores = (h @ W2 + b2)[:, 0]           # [E]
        scores = scores * ea                   # edge_attr modulation
        w = jax.nn.softmax(scores, axis=0)     # softmax over all edges (dim=0)
        # torch.sparse.mm(A, x) with A[src, dst] = w  ->  out[src] += w * x[dst]
        agg = jnp.zeros((N, D), dtype=node_feats.dtype).at[src].add(w[:, None] * dst_feats)
        graph_feats.append(agg.mean(axis=0))   # valid_masks is None -> mean over all nodes
        att_weights.append(w)
    return jnp.stack(graph_feats), jnp.stack(att_weights)

if __name__ == "__main__":
    import jax
    _d = setup_inputs()
    print(jax.jit(kernel)(*tuple(_d.values())))

</pallas_src>

<mosaic_0001>
#map = affine_map<(d0, d1) -> (0)>
module attributes {stable_mosaic.version = 14 : i64} {
  func.func @_sc_a_body(%arg0: i32, %arg1: i32, %arg2: memref<640000xf32, #tpu.memory_space<hbm>>, %arg3: memref<640000xf32, #tpu.memory_space<hbm>>, %arg4: memref<320000xi32, #tpu.memory_space<hbm>>, %arg5: memref<320000xi32, #tpu.memory_space<hbm>>, %arg6: memref<320000xf32, #tpu.memory_space<hbm>>, %arg7: memref<64xf32, #tpu.memory_space<hbm>>, %arg8: memref<16xf32, #tpu.memory_space<hbm>>, %arg9: memref<320000xf32, #tpu.memory_space<hbm>>, %arg10: memref<1024xf32, #tpu.memory_space<hbm>>, %arg11: memref<40000xf32, #tpu.memory_space<vmem>>, %arg12: memref<40000xf32, #tpu.memory_space<vmem>>, %arg13: memref<6400xi32, #tpu.memory_space<vmem>>, %arg14: memref<6400xi32, #tpu.memory_space<vmem>>, %arg15: memref<6400xf32, #tpu.memory_space<vmem>>, %arg16: memref<6400xf32, #tpu.memory_space<vmem>>, %arg17: memref<2000xf32, #tpu.memory_space<vmem>>, %arg18: memref<2000xf32, #tpu.memory_space<vmem>>, %arg19: memref<64xf32, #tpu.memory_space<vmem>>, %arg20: memref<16xf32, #tpu.memory_space<vmem>>, %arg21: memref<16xf32, #tpu.memory_space<vmem>>, %arg22: memref<!tpu.dma_semaphore, #tpu.memory_space<semaphore_mem>>, %arg23: memref<102400xf32, #tpu.memory_space<vmem_shared>>) attributes {dimension_semantics = [#tpu.dimension_semantics<core_parallel>, #tpu.dimension_semantics<subcore_parallel>], iteration_bounds = array<i64: 2, 16>, scalar_prefetch = 0 : i64, scratch_operands = 13 : i64, tpu.core_type = #tpu.core_type<sc_vector_subcore>, window_params = [{transform_indices = #map}, {transform_indices = #map}, {transform_indices = #map}, {transform_indices = #map}, {transform_indices = #map}, {transform_indices = #map}, {transform_indices = #map}, {transform_indices = #map}, {transform_indices = #map}]} {
    %mul3A = arith.constant 16 : i32
    %mul3A_0 = arith.muli %arg0, %mul3A : i32
    %add3A = arith.addi %mul3A_0, %arg1 : i32
    %mul3A_1 = arith.constant 40000 : i32
    %mul3A_2 = arith.muli %mul3A_1, %arg1 : i32
    "tpu.region"() ({
      %run_scoped3A = tpu.sem_alloc : memref<!tpu.dma_semaphore, #tpu.memory_space<semaphore_mem>>
      %dma_start3A = tpu.memref_slice %arg2[%mul3A_2] : memref<640000xf32, #tpu.memory_space<hbm>> -> memref<40000xf32, #tpu.memory_space<hbm>>
      %dma_start3A_77 = tpu.memref_slice %arg2[%mul3A_2] : memref<640000xf32, #tpu.memory_space<hbm>> -> memref<40000xf32, #tpu.memory_space<hbm>>
      tpu.enqueue_dma source(%dma_start3A_77 : memref<40000xf32, #tpu.memory_space<hbm>>) target(%arg11 : memref<40000xf32, #tpu.memory_space<vmem>>) target_semaphore(%run_scoped3A : memref<!tpu.dma_semaphore, #tpu.memory_space<semaphore_mem>>)
      %dma_wait3A = tpu.memref_slice %arg2[%mul3A_2] : memref<640000xf32, #tpu.memory_space<hbm>> -> memref<40000xf32, #tpu.memory_space<hbm>>
      %dma_wait3A_78 = tpu.memref_slice %arg2[%mul3A_2] : memref<640000xf32, #tpu.memory_space<hbm>> -> memref<40000xf32, #tpu.memory_space<hbm>>
      tpu.wait_dma2 semaphore(%run_scoped3A : memref<!tpu.dma_semaphore, #tpu.memory_space<semaphore_mem>>) src(%dma_wait3A_78 : memref<40000xf32, #tpu.memory_space<hbm>>) dst(%arg11 : memref<40000xf32, #tpu.memory_space<vmem>>)
      tpu.yield
    }) : () -> ()
    %mul3A_3 = arith.constant 40000 : i32
    %mul3A_4 = arith.muli %mul3A_3, %arg1 : i32
    "tpu.region"() ({
      %run_scoped3A = tpu.sem_alloc : memref<!tpu.dma_semaphore, #tpu.memory_space<semaphore_mem>>
      %dma_start3A = tpu.memref_slice %arg3[%mul3A_4] : memref<640000xf32, #tpu.memory_space<hbm>> -> memref<40000xf32, #tpu.memory_space<hbm>>
      %dma_start3A_77 = tpu.memref_slice %arg3[%mul3A_4] : memref<640000xf32, #tpu.memory_space<hbm>> -> memref<40000xf32, #tpu.memory_space<hbm>>
      tpu.enqueue_dma source(%dma_start3A_77 : memref<40000xf32, #tpu.memory_space<hbm>>) target(%arg12 : memref<40000xf32, #tpu.memory_space<vmem>>) target_semaphore(%run_scoped3A : memref<!tpu.dma_semaphore, #tpu.memory_space<semaphore_mem>>)
      %dma_wait3A = tpu.memref_slice %arg3[%mul3A_4] : memref<640000xf32, #tpu.memory_space<hbm>> -> memref<40000xf32, #tpu.memory_space<hbm>>
      %dma_wait3A_78 = tpu.memref_slice %arg3[%mul3A_4] : memref<640000xf32, #tpu.memory_space<hbm>> -> memref<40000xf32, #tpu.memory_space<hbm>>
      tpu.wait_dma2 semaphore(%run_scoped3A : memref<!tpu.dma_semaphore, #tpu.memory_space<semaphore_mem>>) src(%dma_wait3A_78 : memref<40000xf32, #tpu.memory_space<hbm>>) dst(%arg12 : memref<40000xf32, #tpu.memory_space<vmem>>)
      tpu.yield
    }) : () -> ()
    "tpu.region"() ({
      %run_scoped3A = tpu.sem_alloc : memref<!tpu.dma_semaphore, #tpu.memory_space<semaphore_mem>>
      tpu.enqueue_dma source(%arg7 : memref<64xf32, #tpu.memory_space<hbm>>) target(%arg19 : memref<64xf32, #tpu.memory_space<vmem>>) target_semaphore(%run_scoped3A : memref<!tpu.dma_semaphore, #tpu.memory_space<semaphore_mem>>)
      tpu.wait_dma2 semaphore(%run_scoped3A : memref<!tpu.dma_semaphore, #tpu.memory_space<semaphore_mem>>) src(%arg7 : memref<64xf32, #tpu.memory_space<hbm>>) dst(%arg19 : memref<64xf32, #tpu.memory_space<vmem>>)
      tpu.yield
    }) : () -> ()
    "tpu.region"() ({
      %run_scoped3A = tpu.sem_alloc : memref<!tpu.dma_semaphore, #tpu.memory_space<semaphore_mem>>
      tpu.enqueue_dma source(%arg8 : memref<16xf32, #tpu.memory_space<hbm>>) target(%arg20 : memref<16xf32, #tpu.memory_space<vmem>>) target_semaphore(%run_scoped3A : memref<!tpu.dma_semaphore, #tpu.memory_space<semaphore_mem>>)
      tpu.wait_dma2 semaphore(%run_scoped3A : memref<!tpu.dma_semaphore, #tpu.memory_space<semaphore_mem>>) src(%arg8 : memref<16xf32, #tpu.memory_space<hbm>>) dst(%arg20 : memref<16xf32, #tpu.memory_space<vmem>>)
      tpu.yield
    }) : () -> ()
    %mul3A_5 = arith.constant 4 : i32
    %mul3A_6 = arith.muli %mul3A_5, %arg1 : i32
    %add3A_7 = arith.constant 0 : i32
    %add3A_8 = arith.addi %mul3A_6, %add3A_7 : i32
    %broadcast_in_dim3A = vector.broadcast %add3A_8 : i32 to vector<16xi32>
    %gather3A = tpu.vector_load_idx %arg19[%broadcast_in_dim3A] : memref<64xf32, #tpu.memory_space<vmem>>[vector<16xi32>], vector<16xf32>,
    %mul3A_9 = arith.constant 4 : i32
    %mul3A_10 = arith.muli %mul3A_9, %arg1 : i32
    %add3A_11 = arith.constant 1 : i32
    %add3A_12 = arith.addi %mul3A_10, %add3A_11 : i32
    %broadcast_in_dim3A_13 = vector.broadcast %add3A_12 : i32 to vector<16xi32>
    %gather3A_14 = tpu.vector_load_idx %arg19[%broadcast_in_dim3A_13] : memref<64xf32, #tpu.memory_space<vmem>>[vector<16xi32>], vector<16xf32>,
    %mul3A_15 = arith.constant 4 : i32
    %mul3A_16 = arith.muli %mul3A_15, %arg1 : i32
    %add3A_17 = arith.constant 2 : i32
    %add3A_18 = arith.addi %mul3A_16, %add3A_17 : i32
    %broadcast_in_dim3A_19 = vector.broadcast %add3A_18 : i32 to vector<16xi32>
    %gather3A_20 = tpu.vector_load_idx %arg19[%broadcast_in_dim3A_19] : memref<64xf32, #tpu.memory_space<vmem>>[vector<16xi32>], vector<16xf32>,
    %mul3A_21 = arith.constant 4 : i32
    %mul3A_22 = arith.muli %mul3A_21, %arg1 : i32
    %add3A_23 = arith.constant 3 : i32
    %add3A_24 = arith.addi %mul3A_22, %add3A_23 : i32
    %broadcast_in_dim3A_25 = vector.broadcast %add3A_24 : i32 to vector<16xi32>
    %gather3A_26 = tpu.vector_load_idx %arg19[%broadcast_in_dim3A_25] : memref<64xf32, #tpu.memory_space<vmem>>[vector<16xi32>], vector<16xf32>,
    %broadcast_in_dim3A_27 = arith.constant 0 : i32
    %broadcast_in_dim3A_28 = vector.broadcast %broadcast_in_dim3A_27 : i32 to vector<16xi32>
    %broadcast_in_dim3A_29 = arith.constant 10000 : i32
    %broadcast_in_dim3A_30 = vector.broadcast %broadcast_in_dim3A_29 : i32 to vector<16xi32>
    %broadcast_in_dim3A_31 = arith.constant 20000 : i32
    %broadcast_in_dim3A_32 = vector.broadcast %broadcast_in_dim3A_31 : i32 to vector<16xi32>
    %broadcast_in_dim3A_33 = arith.constant 30000 : i32
    %broadcast_in_dim3A_34 = vector.broadcast %broadcast_in_dim3A_33 : i32 to vector<16xi32>
    %scan3A = arith.constant 0 : i32
    %scan3A_35 = arith.constant 0 : i32
    %scan3A_36 = arith.constant 25 : i32
    %scan3A_37 = arith.addi %scan3A_35, %scan3A_36 : i32
    %scan3A_38 = arith.constant 1 : i32
    %scan3A_39 = scf.for %scan3A_77 = %scan3A_35 to %scan3A_37 step %scan3A_38 iter_args(%scan3A_78 = %scan3A) -> (i32)  : i32 {
      %mul3A_79 = arith.constant 160000 : i32
      %mul3A_80 = arith.muli %arg0, %mul3A_79 : i32
      %mul3A_81 = arith.constant 6400 : i32
      %mul3A_82 = arith.muli %scan3A_77, %mul3A_81 : i32
      %add3A_83 = arith.addi %mul3A_80, %mul3A_82 : i32
      "tpu.region"() ({
        %run_scoped3A = tpu.sem_alloc : memref<!tpu.dma_semaphore, #tpu.memory_space<semaphore_mem>>
        %dma_start3A_350 = tpu.memref_slice %arg4[%add3A_83] : memref<320000xi32, #tpu.memory_space<hbm>> -> memref<6400xi32, #tpu.memory_space<hbm>>
        %dma_start3A_351 = tpu.memref_slice %arg4[%add3A_83] : memref<320000xi32, #tpu.memory_space<hbm>> -> memref<6400xi32, #tpu.memory_space<hbm>>
        tpu.enqueue_dma source(%dma_start3A_351 : memref<6400xi32, #tpu.memory_space<hbm>>) target(%arg13 : memref<6400xi32, #tpu.memory_space<vmem>>) target_semaphore(%run_scoped3A : memref<!tpu.dma_semaphore, #tpu.memory_space<semaphore_mem>>)
        %dma_wait3A_352 = tpu.memref_slice %arg4[%add3A_83] : memref<320000xi32, #tpu.memory_space<hbm>> -> memref<6400xi32, #tpu.memory_space<hbm>>
        %dma_wait3A_353 = tpu.memref_slice %arg4[%add3A_83] : memref<320000xi32, #tpu.memory_space<hbm>> -> memref<6400xi32, #tpu.memory_space<hbm>>
        tpu.wait_dma2 semaphore(%run_scoped3A : memref<!tpu.dma_semaphore, #tpu.memory_space<semaphore_mem>>) src(%dma_wait3A_353 : memref<6400xi32, #tpu.memory_space<hbm>>) dst(%arg13 : memref<6400xi32, #tpu.memory_space<vmem>>)
        tpu.yield
      }) : () -> ()
      "tpu.region"() ({
        %run_scoped3A = tpu.sem_alloc : memref<!tpu.dma_semaphore, #tpu.memory_space<semaphore_mem>>
        %dma_start3A_350 = tpu.memref_slice %arg5[%add3A_83] : memref<320000xi32, #tpu.memory_space<hbm>> -> memref<6400xi32, #tpu.memory_space<hbm>>
        %dma_start3A_351 = tpu.memref_slice %arg5[%add3A_83] : memref<320000xi32, #tpu.memory_space<hbm>> -> memref<6400xi32, #tpu.memory_space<hbm>>
        tpu.enqueue_dma source(%dma_start3A_351 : memref<6400xi32, #tpu.memory_space<hbm>>) target(%arg14 : memref<6400xi32, #tpu.memory_space<vmem>>) target_semaphore(%run_scoped3A : memref<!tpu.dma_semaphore, #tpu.memory_space<semaphore_mem>>)
        %dma_wait3A_352 = tpu.memref_slice %arg5[%add3A_83] : memref<320000xi32, #tpu.memory_space<hbm>> -> memref<6400xi32, #tpu.memory_space<hbm>>
        %dma_wait3A_353 = tpu.memref_slice %arg5[%add3A_83] : memref<320000xi32, #tpu.memory_space<hbm>> -> memref<6400xi32, #tpu.memory_space<hbm>>
        tpu.wait_dma2 semaphore(%run_scoped3A : memref<!tpu.dma_semaphore, #tpu.memory_space<semaphore_mem>>) src(%dma_wait3A_353 : memref<6400xi32, #tpu.memory_space<hbm>>) dst(%arg14 : memref<6400xi32, #tpu.memory_space<vmem>>)
        tpu.yield
      }) : () -> ()
      %parallel_loop3A = arith.constant 0 : i32
      %parallel_loop3A_84 = arith.constant 400 : i32
      %parallel_loop3A_85 = arith.constant 1 : i32
      scf.for %parallel_loop3A_350 = %parallel_loop3A to %parallel_loop3A_84 step %parallel_loop3A_85  : i32 {
        %parallel_loop3A_351 = arith.constant 16 : i32
        %parallel_loop3A_352 = arith.muli %parallel_loop3A_350, %parallel_loop3A_351 : i32
        %parallel_loop3A_353 = arith.index_cast %parallel_loop3A_352 : i32 to index
        %parallel_loop3A_354 = tpu.vector_load %arg13[%parallel_loop3A_353] {strides = array<i32>} : memref<6400xi32, #tpu.memory_space<vmem>>, vector<16xi32>,
        %parallel_loop3A_355 = arith.constant 16 : i32
        %parallel_loop3A_356 = arith.muli %parallel_loop3A_350, %parallel_loop3A_355 : i32
        %parallel_loop3A_357 = arith.index_cast %parallel_loop3A_356 : i32 to index
        %parallel_loop3A_358 = tpu.vector_load %arg14[%parallel_loop3A_357] {strides = array<i32>} : memref<6400xi32, #tpu.memory_space<vmem>>, vector<16xi32>,
        %parallel_loop3A_359 = arith.constant 0.000000e+00 : f32
        %parallel_loop3A_360 = vector.broadcast %parallel_loop3A_359 : f32 to vector<16xf32>
        %parallel_loop3A_361 = arith.addi %parallel_loop3A_354, %broadcast_in_dim3A_28 : vector<16xi32>
        %parallel_loop3A_362 = tpu.vector_load_idx %arg11[%parallel_loop3A_361] : memref<40000xf32, #tpu.memory_space<vmem>>[vector<16xi32>], vector<16xf32>,
        %parallel_loop3A_363 = arith.addi %parallel_loop3A_358, %broadcast_in_dim3A_28 : vector<16xi32>
        %parallel_loop3A_364 = tpu.vector_load_idx %arg12[%parallel_loop3A_363] : memref<40000xf32, #tpu.memory_space<vmem>>[vector<16xi32>], vector<16xf32>,
        %parallel_loop3A_365 = arith.addf %parallel_loop3A_362, %parallel_loop3A_364 : vector<16xf32>
        %parallel_loop3A_366 = arith.constant 0.000000e+00 : f32
        %parallel_loop3A_367 = vector.broadcast %parallel_loop3A_366 : f32 to vector<16xf32>
        %parallel_loop3A_368 = arith.cmpf oge, %parallel_loop3A_365, %parallel_loop3A_367 : vector<16xf32>
        %parallel_loop3A_369 = arith.constant 2.000000e-01 : f32
        %parallel_loop3A_370 = vector.broadcast %parallel_loop3A_369 : f32 to vector<16xf32>
        %parallel_loop3A_371 = arith.mulf %parallel_loop3A_365, %parallel_loop3A_370 : vector<16xf32>
        %parallel_loop3A_372 = arith.select %parallel_loop3A_368, %parallel_loop3A_365, %parallel_loop3A_371 : vector<16xi1>, vector<16xf32>
        %parallel_loop3A_373 = arith.mulf %gather3A, %parallel_loop3A_372 : vector<16xf32>
        %parallel_loop3A_374 = arith.addf %parallel_loop3A_360, %parallel_loop3A_373 : vector<16xf32>
        %parallel_loop3A_375 = arith.addi %parallel_loop3A_354, %broadcast_in_dim3A_30 : vector<16xi32>
        %parallel_loop3A_376 = tpu.vector_load_idx %arg11[%parallel_loop3A_375] : memref<40000xf32, #tpu.memory_space<vmem>>[vector<16xi32>], vector<16xf32>,
        %parallel_loop3A_377 = arith.addi %parallel_loop3A_358, %broadcast_in_dim3A_30 : vector<16xi32>
        %parallel_loop3A_378 = tpu.vector_load_idx %arg12[%parallel_loop3A_377] : memref<40000xf32, #tpu.memory_space<vmem>>[vector<16xi32>], vector<16xf32>,
        %parallel_loop3A_379 = arith.addf %parallel_loop3A_376, %parallel_loop3A_378 : vector<16xf32>
        %parallel_loop3A_380 = arith.constant 0.000000e+00 : f32
        %parallel_loop3A_381 = vector.broadcast %parallel_loop3A_380 : f32 to vector<16xf32>
        %parallel_loop3A_382 = arith.cmpf oge, %parallel_loop3A_379, %parallel_loop3A_381 : vector<16xf32>
        %parallel_loop3A_383 = arith.constant 2.000000e-01 : f32
        %parallel_loop3A_384 = vector.broadcast %parallel_loop3A_383 : f32 to vector<16xf32>
        %parallel_loop3A_385 = arith.mulf %parallel_loop3A_379, %parallel_loop3A_384 : vector<16xf32>
        %parallel_loop3A_386 = arith.select %parallel_loop3A_382, %parallel_loop3A_379, %parallel_loop3A_385 : vector<16xi1>, vector<16xf32>
        %parallel_loop3A_387 = arith.mulf %gather3A_14, %parallel_loop3A_386 : vector<16xf32>
        %parallel_loop3A_388 = arith.addf %parallel_loop3A_374, %parallel_loop3A_387 : vector<16xf32>
        %parallel_loop3A_389 = arith.addi %parallel_loop3A_354, %broadcast_in_dim3A_32 : vector<16xi32>
        %parallel_loop3A_390 = tpu.vector_load_idx %arg11[%parallel_loop3A_389] : memref<40000xf32, #tpu.memory_space<vmem>>[vector<16xi32>], vector<16xf32>,
        %parallel_loop3A_391 = arith.addi %parallel_loop3A_358, %broadcast_in_dim3A_32 : vector<16xi32>
        %parallel_loop3A_392 = tpu.vector_load_idx %arg12[%parallel_loop3A_391] : memref<40000xf32, #tpu.memory_space<vmem>>[vector<16xi32>], vector<16xf32>,
        %parallel_loop3A_393 = arith.addf %parallel_loop3A_390, %parallel_loop3A_392 : vector<16xf32>
        %parallel_loop3A_394 = arith.constant 0.000000e+00 : f32
        %parallel_loop3A_395 = vector.broadcast %parallel_loop3A_394 : f32 to vector<16xf32>
        %parallel_loop3A_396 = arith.cmpf oge, %parallel_loop3A_393, %parallel_loop3A_395 : vector<16xf32>
        %parallel_loop3A_397 = arith.constant 2.000000e-01 : f32
        %parallel_loop3A_398 = vector.broadcast %parallel_loop3A_397 : f32 to vector<16xf32>
        %parallel_loop3A_399 = arith.mulf %parallel_loop3A_393, %parallel_loop3A_398 : vector<16xf32>
        %parallel_loop3A_400 = arith.select %parallel_loop3A_396, %parallel_loop3A_393, %parallel_loop3A_399 : vector<16xi1>, vector<16xf32>
        %parallel_loop3A_401 = arith.mulf %gather3A_20, %parallel_loop3A_400 : vector<16xf32>
        %parallel_loop3A_402 = arith.addf %parallel_loop3A_388, %parallel_loop3A_401 : vector<16xf32>
        %parallel_loop3A_403 = arith.addi %parallel_loop3A_354, %broadcast_in_dim3A_34 : vector<16xi32>
        %parallel_loop3A_404 = tpu.vector_load_idx %arg11[%parallel_loop3A_403] : memref<40000xf32, #tpu.memory_space<vmem>>[vector<16xi32>], vector<16xf32>,
        %parallel_loop3A_405 = arith.addi %parallel_loop3A_358, %broadcast_in_dim3A_34 : vector<16xi32>
        %parallel_loop3A_406 = tpu.vector_load_idx %arg12[%parallel_loop3A_405] : memref<40000xf32, #tpu.memory_space<vmem>>[vector<16xi32>], vector<16xf32>,
        %parallel_loop3A_407 = arith.addf %parallel_loop3A_404, %parallel_loop3A_406 : vector<16xf32>
        %parallel_loop3A_408 = arith.constant 0.000000e+00 : f32
        %parallel_loop3A_409 = vector.broadcast %parallel_loop3A_408 : f32 to vector<16xf32>
        %parallel_loop3A_410 = arith.cmpf oge, %parallel_loop3A_407, %parallel_loop3A_409 : vector<16xf32>
        %parallel_loop3A_411 = arith.constant 2.000000e-01 : f32
        %parallel_loop3A_412 = vector.broadcast %parallel_loop3A_411 : f32 to vector<16xf32>
        %parallel_loop3A_413 = arith.mulf %parallel_loop3A_407, %parallel_loop3A_412 : vector<16xf32>
        %parallel_loop3A_414 = arith.select %parallel_loop3A_410, %parallel_loop3A_407, %parallel_loop3A_413 : vector<16xi1>, vector<16xf32>
        %parallel_loop3A_415 = arith.mulf %gather3A_26, %parallel_loop3A_414 : vector<16xf32>
        %parallel_loop3A_416 = arith.addf %parallel_loop3A_402, %parallel_loop3A_415 : vector<16xf32>
        %parallel_loop3A_417 = arith.constant 16 : i32
        %parallel_loop3A_418 = arith.muli %parallel_loop3A_350, %parallel_loop3A_417 : i32
        %parallel_loop3A_419 = arith.index_cast %parallel_loop3A_418 : i32 to index
        %parallel_loop3A_420 = tpu.vector_load %arg15[%parallel_loop3A_419] {strides = array<i32>} : memref<6400xf32, #tpu.memory_space<vmem>>, vector<16xf32>,
        tpu.vector_store %arg15[%parallel_loop3A_419], %parallel_loop3A_416 {strides = array<i32>} : memref<6400xf32, #tpu.memory_space<vmem>>, vector<16xf32>,
      } {sc.loop_unroll_factor = 4 : i64, sc.parallel_access}
      %mul3A_86 = arith.constant 6400 : i32
      %mul3A_87 = arith.muli %arg1, %mul3A_86 : i32
      "tpu.region"() ({
        %run_scoped3A = tpu.sem_alloc : memref<!tpu.dma_semaphore, #tpu.memory_space<semaphore_mem>>
        %dma_start3A_350 = tpu.memref_slice %arg23[%mul3A_87] : memref<102400xf32, #tpu.memory_space<vmem_shared>> -> memref<6400xf32, #tpu.memory_space<vmem_shared>>
        %dma_start3A_351 = tpu.memref_slice %arg23[%mul3A_87] : memref<102400xf32, #tpu.memory_space<vmem_shared>> -> memref<6400xf32, #tpu.memory_space<vmem_shared>>
        tpu.enqueue_dma source(%arg15 : memref<6400xf32, #tpu.memory_space<vmem>>) target(%dma_start3A_351 : memref<6400xf32, #tpu.memory_space<vmem_shared>>) target_semaphore(%run_scoped3A : memref<!tpu.dma_semaphore, #tpu.memory_space<semaphore_mem>>)
        %dma_wait3A_352 = tpu.memref_slice %arg23[%mul3A_87] : memref<102400xf32, #tpu.memory_space<vmem_shared>> -> memref<6400xf32, #tpu.memory_space<vmem_shared>>
        %dma_wait3A_353 = tpu.memref_slice %arg23[%mul3A_87] : memref<102400xf32, #tpu.memory_space<vmem_shared>> -> memref<6400xf32, #tpu.memory_space<vmem_shared>>
        tpu.wait_dma2 semaphore(%run_scoped3A : memref<!tpu.dma_semaphore, #tpu.memory_space<semaphore_mem>>) src(%arg15 : memref<6400xf32, #tpu.memory_space<vmem>>) dst(%dma_wait3A_353 : memref<6400xf32, #tpu.memory_space<vmem_shared>>)
        tpu.yield
      }) : () -> ()
      %barrier3A = arith.constant 0 : index
      tpu.barrier barrier_id(%barrier3A)
      %mul3A_88 = arith.constant 400 : i32
      %mul3A_89 = arith.muli %arg1, %mul3A_88 : i32
      %add3A_90 = arith.constant 0 : i32
      %add3A_91 = arith.addi %add3A_90, %mul3A_89 : i32
      %dma_start3A = arith.constant 0 : i32
      %dma_start3A_92 = tpu.memref_slice %arg16[%dma_start3A] : memref<6400xf32, #tpu.memory_space<vmem>> -> memref<400xf32, #tpu.memory_space<vmem>>
      %dma_start3A_93 = tpu.memref_slice %arg23[%add3A_91] : memref<102400xf32, #tpu.memory_space<vmem_shared>> -> memref<400xf32, #tpu.memory_space<vmem_shared>>
      %dma_start3A_94 = arith.constant 0 : i32
      %dma_start3A_95 = tpu.memref_slice %arg16[%dma_start3A_94] : memref<6400xf32, #tpu.memory_space<vmem>> -> memref<400xf32, #tpu.memory_space<vmem>>
      %dma_start3A_96 = tpu.memref_slice %arg23[%add3A_91] : memref<102400xf32, #tpu.memory_space<vmem_shared>> -> memref<400xf32, #tpu.memory_space<vmem_shared>>
      tpu.enqueue_dma source(%dma_start3A_96 : memref<400xf32, #tpu.memory_space<vmem_shared>>) target(%dma_start3A_95 : memref<400xf32, #tpu.memory_space<vmem>>) target_semaphore(%arg22 : memref<!tpu.dma_semaphore, #tpu.memory_space<semaphore_mem>>)
      %mul3A_97 = arith.constant 400 : i32
      %mul3A_98 = arith.muli %arg1, %mul3A_97 : i32
      %add3A_99 = arith.constant 6400 : i32
      %add3A_100 = arith.addi %add3A_99, %mul3A_98 : i32
      %dma_start3A_101 = arith.constant 400 : i32
      %dma_start3A_102 = tpu.memref_slice %arg16[%dma_start3A_101] : memref<6400xf32, #tpu.memory_space<vmem>> -> memref<400xf32, #tpu.memory_space<vmem>>
      %dma_start3A_103 = tpu.memref_slice %arg23[%add3A_100] : memref<102400xf32, #tpu.memory_space<vmem_shared>> -> memref<400xf32, #tpu.memory_space<vmem_shared>>
      %dma_start3A_104 = arith.constant 400 : i32
      %dma_start3A_105 = tpu.memref_slice %arg16[%dma_start3A_104] : memref<6400xf32, #tpu.memory_space<vmem>> -> memref<400xf32, #tpu.memory_space<vmem>>
      %dma_start3A_106 = tpu.memref_slice %arg23[%add3A_100] : memref<102400xf32, #tpu.memory_space<vmem_shared>> -> memref<400xf32, #tpu.memory_space<vmem_shared>>
      tpu.enqueue_dma source(%dma_start3A_106 : memref<400xf32, #tpu.memory_space<vmem_shared>>) target(%dma_start3A_105 : memref<400xf32, #tpu.memory_space<vmem>>) target_semaphore(%arg22 : memref<!tpu.dma_semaphore, #tpu.memory_space<semaphore_mem>>)
      %mul3A_107 = arith.constant 400 : i32
      %mul3A_108 = arith.muli %arg1, %mul3A_107 : i32
      %add3A_109 = arith.constant 12800 : i32
      %add3A_110 = arith.addi %add3A_109, %mul3A_108 : i32
      %dma_start3A_111 = arith.constant 800 : i32
      %dma_start3A_112 = tpu.memref_slice %arg16[%dma_start3A_111] : memref<6400xf32, #tpu.memory_space<vmem>> -> memref<400xf32, #tpu.memory_space<vmem>>
      %dma_start3A_113 = tpu.memref_slice %arg23[%add3A_110] : memref<102400xf32, #tpu.memory_space<vmem_shared>> -> memref<400xf32, #tpu.memory_space<vmem_shared>>
      %dma_start3A_114 = arith.constant 800 : i32
      %dma_start3A_115 = tpu.memref_slice %arg16[%dma_start3A_114] : memref<6400xf32, #tpu.memory_space<vmem>> -> memref<400xf32, #tpu.memory_space<vmem>>
      %dma_start3A_116 = tpu.memref_slice %arg23[%add3A_110] : memref<102400xf32, #tpu.memory_space<vmem_shared>> -> memref<400xf32, #tpu.memory_space<vmem_shared>>
      tpu.enqueue_dma source(%dma_start3A_116 : memref<400xf32, #tpu.memory_space<vmem_shared>>) target(%dma_start3A_115 : memref<400xf32, #tpu.memory_space<vmem>>) target_semaphore(%arg22 : memref<!tpu.dma_semaphore, #tpu.memory_space<semaphore_mem>>)
      %mul3A_117 = arith.constant 400 : i32
      %mul3A_118 = arith.muli %arg1, %mul3A_117 : i32
      %add3A_119 = arith.constant 19200 : i32
      %add3A_120 = arith.addi %add3A_119, %mul3A_118 : i32
      %dma_start3A_121 = arith.constant 1200 : i32
      %dma_start3A_122 = tpu.memref_slice %arg16[%dma_start3A_121] : memref<6400xf32, #tpu.memory_space<vmem>> -> memref<400xf32, #tpu.memory_space<vmem>>
      %dma_start3A_123 = tpu.memref_slice %arg23[%add3A_120] : memref<102400xf32, #tpu.memory_space<vmem_shared>> -> memref<400xf32, #tpu.memory_space<vmem_shared>>
      %dma_start3A_124 = arith.constant 1200 : i32
      %dma_start3A_125 = tpu.memref_slice %arg16[%dma_start3A_124] : memref<6400xf32, #tpu.memory_space<vmem>> -> memref<400xf32, #tpu.memory_space<vmem>>
      %dma_start3A_126 = tpu.memref_slice %arg23[%add3A_120] : memref<102400xf32, #tpu.memory_space<vmem_shared>> -> memref<400xf32, #tpu.memory_space<vmem_shared>>
      tpu.enqueue_dma source(%dma_start3A_126 : memref<400xf32, #tpu.memory_space<vmem_shared>>) target(%dma_start3A_125 : memref<400xf32, #tpu.memory_space<vmem>>) target_semaphore(%arg22 : memref<!tpu.dma_semaphore, #tpu.memory_space<semaphore_mem>>)
      %mul3A_127 = arith.constant 400 : i32
      %mul3A_128 = arith.muli %arg1, %mul3A_127 : i32
      %add3A_129 = arith.constant 25600 : i32
      %add3A_130 = arith.addi %add3A_129, %mul3A_128 : i32
      %dma_start3A_131 = arith.constant 1600 : i32
      %dma_start3A_132 = tpu.memref_slice %arg16[%dma_start3A_131] : memref<6400xf32, #tpu.memory_space<vmem>> -> memref<400xf32, #tpu.memory_space<vmem>>
      %dma_start3A_133 = tpu.memref_slice %arg23[%add3A_130] : memref<102400xf32, #tpu.memory_space<vmem_shared>> -> memref<400xf32, #tpu.memory_space<vmem_shared>>
      %dma_start3A_134 = arith.constant 1600 : i32
      %dma_start3A_135 = tpu.memref_slice %arg16[%dma_start3A_134] : memref<6400xf32, #tpu.memory_space<vmem>> -> memref<400xf32, #tpu.memory_space<vmem>>
      %dma_start3A_136 = tpu.memref_slice %arg23[%add3A_130] : memref<102400xf32, #tpu.memory_space<vmem_shared>> -> memref<400xf32, #tpu.memory_space<vmem_shared>>
      tpu.enqueue_dma source(%dma_start3A_136 : memref<400xf32, #tpu.memory_space<vmem_shared>>) target(%dma_start3A_135 : memref<400xf32, #tpu.memory_space<vmem>>) target_semaphore(%arg22 : memref<!tpu.dma_semaphore, #tpu.memory_space<semaphore_mem>>)
      %mul3A_137 = arith.constant 400 : i32
      %mul3A_138 = arith.muli %arg1, %mul3A_137 : i32
      %add3A_139 = arith.constant 32000 : i32
      %add3A_140 = arith.addi %add3A_139, %mul3A_138 : i32
      %dma_start3A_141 = arith.constant 2000 : i32
      %dma_start3A_142 = tpu.memref_slice %arg16[%dma_start3A_141] : memref<6400xf32, #tpu.memory_space<vmem>> -> memref<400xf32, #tpu.memory_space<vmem>>
      %dma_start3A_143 = tpu.memref_slice %arg23[%add3A_140] : memref<102400xf32, #tpu.memory_space<vmem_shared>> -> memref<400xf32, #tpu.memory_space<vmem_shared>>
      %dma_start3A_144 = arith.constant 2000 : i32
      %dma_start3A_145 = tpu.memref_slice %arg16[%dma_start3A_144] : memref<6400xf32, #tpu.memory_space<vmem>> -> memref<400xf32, #tpu.memory_space<vmem>>
      %dma_start3A_146 = tpu.memref_slice %arg23[%add3A_140] : memref<102400xf32, #tpu.memory_space<vmem_shared>> -> memref<400xf32, #tpu.memory_space<vmem_shared>>
      tpu.enqueue_dma source(%dma_start3A_146 : memref<400xf32, #tpu.memory_space<vmem_shared>>) target(%dma_start3A_145 : memref<400xf32, #tpu.memory_space<vmem>>) target_semaphore(%arg22 : memref<!tpu.dma_semaphore, #tpu.memory_space<semaphore_mem>>)
      %mul3A_147 = arith.constant 400 : i32
      %mul3A_148 = arith.muli %arg1, %mul3A_147 : i32
      %add3A_149 = arith.constant 38400 : i32
      %add3A_150 = arith.addi %add3A_149, %mul3A_148 : i32
      %dma_start3A_151 = arith.constant 2400 : i32
      %dma_start3A_152 = tpu.memref_slice %arg16[%dma_start3A_151] : memref<6400xf32, #tpu.memory_space<vmem>> -> memref<400xf32, #tpu.memory_space<vmem>>
      %dma_start3A_153 = tpu.memref_slice %arg23[%add3A_150] : memref<102400xf32, #tpu.memory_space<vmem_shared>> -> memref<400xf32, #tpu.memory_space<vmem_shared>>
      %dma_start3A_154 = arith.constant 2400 : i32
      %dma_start3A_155 = tpu.memref_slice %arg16[%dma_start3A_154] : memref<6400xf32, #tpu.memory_space<vmem>> -> memref<400xf32, #tpu.memory_space<vmem>>
      %dma_start3A_156 = tpu.memref_slice %arg23[%add3A_150] : memref<102400xf32, #tpu.memory_space<vmem_shared>> -> memref<400xf32, #tpu.memory_space<vmem_shared>>
      tpu.enqueue_dma source(%dma_start3A_156 : memref<400xf32, #tpu.memory_space<vmem_shared>>) target(%dma_start3A_155 : memref<400xf32, #tpu.memory_space<vmem>>) target_semaphore(%arg22 : memref<!tpu.dma_semaphore, #tpu.memory_space<semaphore_mem>>)
      %mul3A_157 = arith.constant 400 : i32
      %mul3A_158 = arith.muli %arg1, %mul3A_157 : i32
      %add3A_159 = arith.constant 44800 : i32
      %add3A_160 = arith.addi %add3A_159, %mul3A_158 : i32
      %dma_start3A_161 = arith.constant 2800 : i32
      %dma_start3A_162 = tpu.memref_slice %arg16[%dma_start3A_161] : memref<6400xf32, #tpu.memory_space<vmem>> -> memref<400xf32, #tpu.memory_space<vmem>>
      %dma_start3A_163 = tpu.memref_slice %arg23[%add3A_160] : memref<102400xf32, #tpu.memory_space<vmem_shared>> -> memref<400xf32, #tpu.memory_space<vmem_shared>>
      %dma_start3A_164 = arith.constant 2800 : i32
      %dma_start3A_165 = tpu.memref_slice %arg16[%dma_start3A_164] : memref<6400xf32, #tpu.memory_space<vmem>> -> memref<400xf32, #tpu.memory_space<vmem>>
      %dma_start3A_166 = tpu.memref_slice %arg23[%add3A_160] : memref<102400xf32, #tpu.memory_space<vmem_shared>> -> memref<400xf32, #tpu.memory_space<vmem_shared>>
      tpu.enqueue_dma source(%dma_start3A_166 : memref<400xf32, #tpu.memory_space<vmem_shared>>) target(%dma_start3A_165 : memref<400xf32, #tpu.memory_space<vmem>>) target_semaphore(%arg22 : memref<!tpu.dma_semaphore, #tpu.memory_space<semaphore_mem>>)
      %mul3A_167 = arith.constant 400 : i32
      %mul3A_168 = arith.muli %arg1, %mul3A_167 : i32
      %add3A_169 = arith.constant 51200 : i32
      %add3A_170 = arith.addi %add3A_169, %mul3A_168 : i32
      %dma_start3A_171 = arith.constant 3200 : i32
      %dma_start3A_172 = tpu.memref_slice %arg16[%dma_start3A_171] : memref<6400xf32, #tpu.memory_space<vmem>> -> memref<400xf32, #tpu.memory_space<vmem>>
      %dma_start3A_173 = tpu.memref_slice %arg23[%add3A_170] : memref<102400xf32, #tpu.memory_space<vmem_shared>> -> memref<400xf32, #tpu.memory_space<vmem_shared>>
      %dma_start3A_174 = arith.constant 3200 : i32
      %dma_start3A_175 = tpu.memref_slice %arg16[%dma_start3A_174] : memref<6400xf32, #tpu.memory_space<vmem>> -> memref<400xf32, #tpu.memory_space<vmem>>
      %dma_start3A_176 = tpu.memref_slice %arg23[%add3A_170] : memref<102400xf32, #tpu.memory_space<vmem_shared>> -> memref<400xf32, #tpu.memory_space<vmem_shared>>
      tpu.enqueue_dma source(%dma_start3A_176 : memref<400xf32, #tpu.memory_space<vmem_shared>>) target(%dma_start3A_175 : memref<400xf32, #tpu.memory_space<vmem>>) target_semaphore(%arg22 : memref<!tpu.dma_semaphore, #tpu.memory_space<semaphore_mem>>)
      %mul3A_177 = arith.constant 400 : i32
      %mul3A_178 = arith.muli %arg1, %mul3A_177 : i32
      %add3A_179 = arith.constant 57600 : i32
      %add3A_180 = arith.addi %add3A_179, %mul3A_178 : i32
      %dma_start3A_181 = arith.constant 3600 : i32
      %dma_start3A_182 = tpu.memref_slice %arg16[%dma_start3A_181] : memref<6400xf32, #tpu.memory_space<vmem>> -> memref<400xf32, #tpu.memory_space<vmem>>
      %dma_start3A_183 = tpu.memref_slice %arg23[%add3A_180] : memref<102400xf32, #tpu.memory_space<vmem_shared>> -> memref<400xf32, #tpu.memory_space<vmem_shared>>
      %dma_start3A_184 = arith.constant 3600 : i32
      %dma_start3A_185 = tpu.memref_slice %arg16[%dma_start3A_184] : memref<6400xf32, #tpu.memory_space<vmem>> -> memref<400xf32, #tpu.memory_space<vmem>>
      %dma_start3A_186 = tpu.memref_slice %arg23[%add3A_180] : memref<102400xf32, #tpu.memory_space<vmem_shared>> -> memref<400xf32, #tpu.memory_space<vmem_shared>>
      tpu.enqueue_dma source(%dma_start3A_186 : memref<400xf32, #tpu.memory_space<vmem_shared>>) target(%dma_start3A_185 : memref<400xf32, #tpu.memory_space<vmem>>) target_semaphore(%arg22 : memref<!tpu.dma_semaphore, #tpu.memory_space<semaphore_mem>>)
      %mul3A_187 = arith.constant 400 : i32
      %mul3A_188 = arith.muli %arg1, %mul3A_187 : i32
      %add3A_189 = arith.constant 64000 : i32
      %add3A_190 = arith.addi %add3A_189, %mul3A_188 : i32
      %dma_start3A_191 = arith.constant 4000 : i32
      %dma_start3A_192 = tpu.memref_slice %arg16[%dma_start3A_191] : memref<6400xf32, #tpu.memory_space<vmem>> -> memref<400xf32, #tpu.memory_space<vmem>>
      %dma_start3A_193 = tpu.memref_slice %arg23[%add3A_190] : memref<102400xf32, #tpu.memory_space<vmem_shared>> -> memref<400xf32, #tpu.memory_space<vmem_shared>>
      %dma_start3A_194 = arith.constant 4000 : i32
      %dma_start3A_195 = tpu.memref_slice %arg16[%dma_start3A_194] : memref<6400xf32, #tpu.memory_space<vmem>> -> memref<400xf32, #tpu.memory_space<vmem>>
      %dma_start3A_196 = tpu.memref_slice %arg23[%add3A_190] : memref<102400xf32, #tpu.memory_space<vmem_shared>> -> memref<400xf32, #tpu.memory_space<vmem_shared>>
      tpu.enqueue_dma source(%dma_start3A_196 : memref<400xf32, #tpu.memory_space<vmem_shared>>) target(%dma_start3A_195 : memref<400xf32, #tpu.memory_space<vmem>>) target_semaphore(%arg22 : memref<!tpu.dma_semaphore, #tpu.memory_space<semaphore_mem>>)
      %mul3A_197 = arith.constant 400 : i32
      %mul3A_198 = arith.muli %arg1, %mul3A_197 : i32
      %add3A_199 = arith.constant 70400 : i32
      %add3A_200 = arith.addi %add3A_199, %mul3A_198 : i32
      %dma_start3A_201 = arith.constant 4400 : i32
      %dma_start3A_202 = tpu.memref_slice %arg16[%dma_start3A_201] : memref<6400xf32, #tpu.memory_space<vmem>> -> memref<400xf32, #tpu.memory_space<vmem>>
      %dma_start3A_203 = tpu.memref_slice %arg23[%add3A_200] : memref<102400xf32, #tpu.memory_space<vmem_shared>> -> memref<400xf32, #tpu.memory_space<vmem_shared>>
      %dma_start3A_204 = arith.constant 4400 : i32
      %dma_start3A_205 = tpu.memref_slice %arg16[%dma_start3A_204] : memref<6400xf32, #tpu.memory_space<vmem>> -> memref<400xf32, #tpu.memory_space<vmem>>
      %dma_start3A_206 = tpu.memref_slice %arg23[%add3A_200] : memref<102400xf32, #tpu.memory_space<vmem_shared>> -> memref<400xf32, #tpu.memory_space<vmem_shared>>
      tpu.enqueue_dma source(%dma_start3A_206 : memref<400xf32, #tpu.memory_space<vmem_shared>>) target(%dma_start3A_205 : memref<400xf32, #tpu.memory_space<vmem>>) target_semaphore(%arg22 : memref<!tpu.dma_semaphore, #tpu.memory_space<semaphore_mem>>)
      %mul3A_207 = arith.constant 400 : i32
      %mul3A_208 = arith.muli %arg1, %mul3A_207 : i32
      %add3A_209 = arith.constant 76800 : i32
      %add3A_210 = arith.addi %add3A_209, %mul3A_208 : i32
      %dma_start3A_211 = arith.constant 4800 : i32
      %dma_start3A_212 = tpu.memref_slice %arg16[%dma_start3A_211] : memref<6400xf32, #tpu.memory_space<vmem>> -> memref<400xf32, #tpu.memory_space<vmem>>
      %dma_start3A_213 = tpu.memref_slice %arg23[%add3A_210] : memref<102400xf32, #tpu.memory_space<vmem_shared>> -> memref<400xf32, #tpu.memory_space<vmem_shared>>
      %dma_start3A_214 = arith.constant 4800 : i32
      %dma_start3A_215 = tpu.memref_slice %arg16[%dma_start3A_214] : memref<6400xf32, #tpu.memory_space<vmem>> -> memref<400xf32, #tpu.memory_space<vmem>>
      %dma_start3A_216 = tpu.memref_slice %arg23[%add3A_210] : memref<102400xf32, #tpu.memory_space<vmem_shared>> -> memref<400xf32, #tpu.memory_space<vmem_shared>>
      tpu.enqueue_dma source(%dma_start3A_216 : memref<400xf32, #tpu.memory_space<vmem_shared>>) target(%dma_start3A_215 : memref<400xf32, #tpu.memory_space<vmem>>) target_semaphore(%arg22 : memref<!tpu.dma_semaphore, #tpu.memory_space<semaphore_mem>>)
      %mul3A_217 = arith.constant 400 : i32
      %mul3A_218 = arith.muli %arg1, %mul3A_217 : i32
      %add3A_219 = arith.constant 83200 : i32
      %add3A_220 = arith.addi %add3A_219, %mul3A_218 : i32
      %dma_start3A_221 = arith.constant 5200 : i32
      %dma_start3A_222 = tpu.memref_slice %arg16[%dma_start3A_221] : memref<6400xf32, #tpu.memory_space<vmem>> -> memref<400xf32, #tpu.memory_space<vmem>>
      %dma_start3A_223 = tpu.memref_slice %arg23[%add3A_220] : memref<102400xf32, #tpu.memory_space<vmem_shared>> -> memref<400xf32, #tpu.memory_space<vmem_shared>>
      %dma_start3A_224 = arith.constant 5200 : i32
      %dma_start3A_225 = tpu.memref_slice %arg16[%dma_start3A_224] : memref<6400xf32, #tpu.memory_space<vmem>> -> memref<400xf32, #tpu.memory_space<vmem>>
      %dma_start3A_226 = tpu.memref_slice %arg23[%add3A_220] : memref<102400xf32, #tpu.memory_space<vmem_shared>> -> memref<400xf32, #tpu.memory_space<vmem_shared>>
      tpu.enqueue_dma source(%dma_start3A_226 : memref<400xf32, #tpu.memory_space<vmem_shared>>) target(%dma_start3A_225 : memref<400xf32, #tpu.memory_space<vmem>>) target_semaphore(%arg22 : memref<!tpu.dma_semaphore, #tpu.memory_space<semaphore_mem>>)
      %mul3A_227 = arith.constant 400 : i32
      %mul3A_228 = arith.muli %arg1, %mul3A_227 : i32
      %add3A_229 = arith.constant 89600 : i32
      %add3A_230 = arith.addi %add3A_229, %mul3A_228 : i32
      %dma_start3A_231 = arith.constant 5600 : i32
      %dma_start3A_232 = tpu.memref_slice %arg16[%dma_start3A_231] : memref<6400xf32, #tpu.memory_space<vmem>> -> memref<400xf32, #tpu.memory_space<vmem>>
      %dma_start3A_233 = tpu.memref_slice %arg23[%add3A_230] : memref<102400xf32, #tpu.memory_space<vmem_shared>> -> memref<400xf32, #tpu.memory_space<vmem_shared>>
      %dma_start3A_234 = arith.constant 5600 : i32
      %dma_start3A_235 = tpu.memref_slice %arg16[%dma_start3A_234] : memref<6400xf32, #tpu.memory_space<vmem>> -> memref<400xf32, #tpu.memory_space<vmem>>
      %dma_start3A_236 = tpu.memref_slice %arg23[%add3A_230] : memref<102400xf32, #tpu.memory_space<vmem_shared>> -> memref<400xf32, #tpu.memory_space<vmem_shared>>
      tpu.enqueue_dma source(%dma_start3A_236 : memref<400xf32, #tpu.memory_space<vmem_shared>>) target(%dma_start3A_235 : memref<400xf32, #tpu.memory_space<vmem>>) target_semaphore(%arg22 : memref<!tpu.dma_semaphore, #tpu.memory_space<semaphore_mem>>)
      %mul3A_237 = arith.constant 400 : i32
      %mul3A_238 = arith.muli %arg1, %mul3A_237 : i32
      %add3A_239 = arith.constant 96000 : i32
      %add3A_240 = arith.addi %add3A_239, %mul3A_238 : i32
      %dma_start3A_241 = arith.constant 6000 : i32
      %dma_start3A_242 = tpu.memref_slice %arg16[%dma_start3A_241] : memref<6400xf32, #tpu.memory_space<vmem>> -> memref<400xf32, #tpu.memory_space<vmem>>
      %dma_start3A_243 = tpu.memref_slice %arg23[%add3A_240] : memref<102400xf32, #tpu.memory_space<vmem_shared>> -> memref<400xf32, #tpu.memory_space<vmem_shared>>
      %dma_start3A_244 = arith.constant 6000 : i32
      %dma_start3A_245 = tpu.memref_slice %arg16[%dma_start3A_244] : memref<6400xf32, #tpu.memory_space<vmem>> -> memref<400xf32, #tpu.memory_space<vmem>>
      %dma_start3A_246 = tpu.memref_slice %arg23[%add3A_240] : memref<102400xf32, #tpu.memory_space<vmem_shared>> -> memref<400xf32, #tpu.memory_space<vmem_shared>>
      tpu.enqueue_dma source(%dma_start3A_246 : memref<400xf32, #tpu.memory_space<vmem_shared>>) target(%dma_start3A_245 : memref<400xf32, #tpu.memory_space<vmem>>) target_semaphore(%arg22 : memref<!tpu.dma_semaphore, #tpu.memory_space<semaphore_mem>>)
      %dma_wait3A = arith.constant 0 : i32
      %dma_wait3A_247 = tpu.memref_slice %arg16[%dma_wait3A] : memref<6400xf32, #tpu.memory_space<vmem>> -> memref<400xf32, #tpu.memory_space<vmem>>
      %dma_wait3A_248 = tpu.memref_slice %arg23[%add3A_91] : memref<102400xf32, #tpu.memory_space<vmem_shared>> -> memref<400xf32, #tpu.memory_space<vmem_shared>>
      %dma_wait3A_249 = arith.constant 0 : i32
      %dma_wait3A_250 = tpu.memref_slice %arg16[%dma_wait3A_249] : memref<6400xf32, #tpu.memory_space<vmem>> -> memref<400xf32, #tpu.memory_space<vmem>>
      %dma_wait3A_251 = tpu.memref_slice %arg23[%add3A_91] : memref<102400xf32, #tpu.memory_space<vmem_shared>> -> memref<400xf32, #tpu.memory_space<vmem_shared>>
      tpu.wait_dma2 semaphore(%arg22 : memref<!tpu.dma_semaphore, #tpu.memory_space<semaphore_mem>>) src(%dma_wait3A_251 : memref<400xf32, #tpu.memory_space<vmem_shared>>) dst(%dma_wait3A_250 : memref<400xf32, #tpu.memory_space<vmem>>)
      %dma_wait3A_252 = arith.constant 400 : i32
      %dma_wait3A_253 = tpu.memref_slice %arg16[%dma_wait3A_252] : memref<6400xf32, #tpu.memory_space<vmem>> -> memref<400xf32, #tpu.memory_space<vmem>>
      %dma_wait3A_254 = tpu.memref_slice %arg23[%add3A_100] : memref<102400xf32, #tpu.memory_space<vmem_shared>> -> memref<400xf32, #tpu.memory_space<vmem_shared>>
      %dma_wait3A_255 = arith.constant 400 : i32
      %dma_wait3A_256 = tpu.memref_slice %arg16[%dma_wait3A_255] : memref<6400xf32, #tpu.memory_space<vmem>> -> memref<400xf32, #tpu.memory_space<vmem>>
      %dma_wait3A_257 = tpu.memref_slice %arg23[%add3A_100] : memref<102400xf32, #tpu.memory_space<vmem_shared>> -> memref<400xf32, #tpu.memory_space<vmem_shared>>
      tpu.wait_dma2 semaphore(%arg22 : memref<!tpu.dma_semaphore, #tpu.memory_space<semaphore_mem>>) src(%dma_wait3A_257 : memref<400xf32, #tpu.memory_space<vmem_shared>>) dst(%dma_wait3A_256 : memref<400xf32, #tpu.memory_space<vmem>>)
      %dma_wait3A_258 = arith.constant 800 : i32
      %dma_wait3A_259 = tpu.memref_slice %arg16[%dma_wait3A_258] : memref<6400xf32, #tpu.memory_space<vmem>> -> memref<400xf32, #tpu.memory_space<vmem>>
      %dma_wait3A_260 = tpu.memref_slice %arg23[%add3A_110] : memref<102400xf32, #tpu.memory_space<vmem_shared>> -> memref<400xf32, #tpu.memory_space<vmem_shared>>
      %dma_wait3A_261 = arith.constant 800 : i32
      %dma_wait3A_262 = tpu.memref_slice %arg16[%dma_wait3A_261] : memref<6400xf32, #tpu.memory_space<vmem>> -> memref<400xf32, #tpu.memory_space<vmem>>
      %dma_wait3A_263 = tpu.memref_slice %arg23[%add3A_110] : memref<102400xf32, #tpu.memory_space<vmem_shared>> -> memref<400xf32, #tpu.memory_space<vmem_shared>>
      tpu.wait_dma2 semaphore(%arg22 : memref<!tpu.dma_semaphore, #tpu.memory_space<semaphore_mem>>) src(%dma_wait3A_263 : memref<400xf32, #tpu.memory_space<vmem_shared>>) dst(%dma_wait3A_262 : memref<400xf32, #tpu.memory_space<vmem>>)
      %dma_wait3A_264 = arith.constant 1200 : i32
      %dma_wait3A_265 = tpu.memref_slice %arg16[%dma_wait3A_264] : memref<6400xf32, #tpu.memory_space<vmem>> -> memref<400xf32, #tpu.memory_space<vmem>>
      %dma_wait3A_266 = tpu.memref_slice %arg23[%add3A_120] : memref<102400xf32, #tpu.memory_space<vmem_shared>> -> memref<400xf32, #tpu.memory_space<vmem_shared>>
      %dma_wait3A_267 = arith.constant 1200 : i32
      %dma_wait3A_268 = tpu.memref_slice %arg16[%dma_wait3A_267] : memref<6400xf32, #tpu.memory_space<vmem>> -> memref<400xf32, #tpu.memory_space<vmem>>
      %dma_wait3A_269 = tpu.memref_slice %arg23[%add3A_120] : memref<102400xf32, #tpu.memory_space<vmem_shared>> -> memref<400xf32, #tpu.memory_space<vmem_shared>>
      tpu.wait_dma2 semaphore(%arg22 : memref<!tpu.dma_semaphore, #tpu.memory_space<semaphore_mem>>) src(%dma_wait3A_269 : memref<400xf32, #tpu.memory_space<vmem_shared>>) dst(%dma_wait3A_268 : memref<400xf32, #tpu.memory_space<vmem>>)
      %dma_wait3A_270 = arith.constant 1600 : i32
      %dma_wait3A_271 = tpu.memref_slice %arg16[%dma_wait3A_270] : memref<6400xf32, #tpu.memory_space<vmem>> -> memref<400xf32, #tpu.memory_space<vmem>>
      %dma_wait3A_272 = tpu.memref_slice %arg23[%add3A_130] : memref<102400xf32, #tpu.memory_space<vmem_shared>> -> memref<400xf32, #tpu.memory_space<vmem_shared>>
      %dma_wait3A_273 = arith.constant 1600 : i32
      %dma_wait3A_274 = tpu.memref_slice %arg16[%dma_wait3A_273] : memref<6400xf32, #tpu.memory_space<vmem>> -> memref<400xf32, #tpu.memory_space<vmem>>
      %dma_wait3A_275 = tpu.memref_slice %arg23[%add3A_130] : memref<102400xf32, #tpu.memory_space<vmem_shared>> -> memref<400xf32, #tpu.memory_space<vmem_shared>>
      tpu.wait_dma2 semaphore(%arg22 : memref<!tpu.dma_semaphore, #tpu.memory_space<semaphore_mem>>) src(%dma_wait3A_275 : memref<400xf32, #tpu.memory_space<vmem_shared>>) dst(%dma_wait3A_274 : memref<400xf32, #tpu.memory_space<vmem>>)
      %dma_wait3A_276 = arith.constant 2000 : i32
      %dma_wait3A_277 = tpu.memref_slice %arg16[%dma_wait3A_276] : memref<6400xf32, #tpu.memory_space<vmem>> -> memref<400xf32, #tpu.memory_space<vmem>>
      %dma_wait3A_278 = tpu.memref_slice %arg23[%add3A_140] : memref<102400xf32, #tpu.memory_space<vmem_shared>> -> memref<400xf32, #tpu.memory_space<vmem_shared>>
      %dma_wait3A_279 = arith.constant 2000 : i32
      %dma_wait3A_280 = tpu.memref_slice %arg16[%dma_wait3A_279] : memref<6400xf32, #tpu.memory_space<vmem>> -> memref<400xf32, #tpu.memory_space<vmem>>
      %dma_wait3A_281 = tpu.memref_slice %arg23[%add3A_140] : memref<102400xf32, #tpu.memory_space<vmem_shared>> -> memref<400xf32, #tpu.memory_space<vmem_shared>>
      tpu.wait_dma2 semaphore(%arg22 : memref<!tpu.dma_semaphore, #tpu.memory_space<semaphore_mem>>) src(%dma_wait3A_281 : memref<400xf32, #tpu.memory_space<vmem_shared>>) dst(%dma_wait3A_280 : memref<400xf32, #tpu.memory_space<vmem>>)
      %dma_wait3A_282 = arith.constant 2400 : i32
      %dma_wait3A_283 = tpu.memref_slice %arg16[%dma_wait3A_282] : memref<6400xf32, #tpu.memory_space<vmem>> -> memref<400xf32, #tpu.memory_space<vmem>>
      %dma_wait3A_284 = tpu.memref_slice %arg23[%add3A_150] : memref<102400xf32, #tpu.memory_space<vmem_shared>> -> memref<400xf32, #tpu.memory_space<vmem_shared>>
      %dma_wait3A_285 = arith.constant 2400 : i32
      %dma_wait3A_286 = tpu.memref_slice %arg16[%dma_wait3A_285] : memref<6400xf32, #tpu.memory_space<vmem>> -> memref<400xf32, #tpu.memory_space<vmem>>
      %dma_wait3A_287 = tpu.memref_slice %arg23[%add3A_150] : memref<102400xf32, #tpu.memory_space<vmem_shared>> -> memref<400xf32, #tpu.memory_space<vmem_shared>>
      tpu.wait_dma2 semaphore(%arg22 : memref<!tpu.dma_semaphore, #tpu.memory_space<semaphore_mem>>) src(%dma_wait3A_287 : memref<400xf32, #tpu.memory_space<vmem_shared>>) dst(%dma_wait3A_286 : memref<400xf32, #tpu.memory_space<vmem>>)
      %dma_wait3A_288 = arith.constant 2800 : i32
      %dma_wait3A_289 = tpu.memref_slice %arg16[%dma_wait3A_288] : memref<6400xf32, #tpu.memory_space<vmem>> -> memref<400xf32, #tpu.memory_space<vmem>>
      %dma_wait3A_290 = tpu.memref_slice %arg23[%add3A_160] : memref<102400xf32, #tpu.memory_space<vmem_shared>> -> memref<400xf32, #tpu.memory_space<vmem_shared>>
      %dma_wait3A_291 = arith.constant 2800 : i32
      %dma_wait3A_292 = tpu.memref_slice %arg16[%dma_wait3A_291] : memref<6400xf32, #tpu.memory_space<vmem>> -> memref<400xf32, #tpu.memory_space<vmem>>
      %dma_wait3A_293 = tpu.memref_slice %arg23[%add3A_160] : memref<102400xf32, #tpu.memory_space<vmem_shared>> -> memref<400xf32, #tpu.memory_space<vmem_shared>>
      tpu.wait_dma2 semaphore(%arg22 : memref<!tpu.dma_semaphore, #tpu.memory_space<semaphore_mem>>) src(%dma_wait3A_293 : memref<400xf32, #tpu.memory_space<vmem_shared>>) dst(%dma_wait3A_292 : memref<400xf32, #tpu.memory_space<vmem>>)
      %dma_wait3A_294 = arith.constant 3200 : i32
      %dma_wait3A_295 = tpu.memref_slice %arg16[%dma_wait3A_294] : memref<6400xf32, #tpu.memory_space<vmem>> -> memref<400xf32, #tpu.memory_space<vmem>>
      %dma_wait3A_296 = tpu.memref_slice %arg23[%add3A_170] : memref<102400xf32, #tpu.memory_space<vmem_shared>> -> memref<400xf32, #tpu.memory_space<vmem_shared>>
      %dma_wait3A_297 = arith.constant 3200 : i32
      %dma_wait3A_298 = tpu.memref_slice %arg16[%dma_wait3A_297] : memref<6400xf32, #tpu.memory_space<vmem>> -> memref<400xf32, #tpu.memory_space<vmem>>
      %dma_wait3A_299 = tpu.memref_slice %arg23[%add3A_170] : memref<102400xf32, #tpu.memory_space<vmem_shared>> -> memref<400xf32, #tpu.memory_space<vmem_shared>>
      tpu.wait_dma2 semaphore(%arg22 : memref<!tpu.dma_semaphore, #tpu.memory_space<semaphore_mem>>) src(%dma_wait3A_299 : memref<400xf32, #tpu.memory_space<vmem_shared>>) dst(%dma_wait3A_298 : memref<400xf32, #tpu.memory_space<vmem>>)
      %dma_wait3A_300 = arith.constant 3600 : i32
      %dma_wait3A_301 = tpu.memref_slice %arg16[%dma_wait3A_300] : memref<6400xf32, #tpu.memory_space<vmem>> -> memref<400xf32, #tpu.memory_space<vmem>>
      %dma_wait3A_302 = tpu.memref_slice %arg23[%add3A_180] : memref<102400xf32, #tpu.memory_space<vmem_shared>> -> memref<400xf32, #tpu.memory_space<vmem_shared>>
      %dma_wait3A_303 = arith.constant 3600 : i32
      %dma_wait3A_304 = tpu.memref_slice %arg16[%dma_wait3A_303] : memref<6400xf32, #tpu.memory_space<vmem>> -> memref<400xf32, #tpu.memory_space<vmem>>
      %dma_wait3A_305 = tpu.memref_slice %arg23[%add3A_180] : memref<102400xf32, #tpu.memory_space<vmem_shared>> -> memref<400xf32, #tpu.memory_space<vmem_shared>>
      tpu.wait_dma2 semaphore(%arg22 : memref<!tpu.dma_semaphore, #tpu.memory_space<semaphore_mem>>) src(%dma_wait3A_305 : memref<400xf32, #tpu.memory_space<vmem_shared>>) dst(%dma_wait3A_304 : memref<400xf32, #tpu.memory_space<vmem>>)
      %dma_wait3A_306 = arith.constant 4000 : i32
      %dma_wait3A_307 = tpu.memref_slice %arg16[%dma_wait3A_306] : memref<6400xf32, #tpu.memory_space<vmem>> -> memref<400xf32, #tpu.memory_space<vmem>>
      %dma_wait3A_308 = tpu.memref_slice %arg23[%add3A_190] : memref<102400xf32, #tpu.memory_space<vmem_shared>> -> memref<400xf32, #tpu.memory_space<vmem_shared>>
      %dma_wait3A_309 = arith.constant 4000 : i32
      %dma_wait3A_310 = tpu.memref_slice %arg16[%dma_wait3A_309] : memref<6400xf32, #tpu.memory_space<vmem>> -> memref<400xf32, #tpu.memory_space<vmem>>
      %dma_wait3A_311 = tpu.memref_slice %arg23[%add3A_190] : memref<102400xf32, #tpu.memory_space<vmem_shared>> -> memref<400xf32, #tpu.memory_space<vmem_shared>>
      tpu.wait_dma2 semaphore(%arg22 : memref<!tpu.dma_semaphore, #tpu.memory_space<semaphore_mem>>) src(%dma_wait3A_311 : memref<400xf32, #tpu.memory_space<vmem_shared>>) dst(%dma_wait3A_310 : memref<400xf32, #tpu.memory_space<vmem>>)
      %dma_wait3A_312 = arith.constant 4400 : i32
      %dma_wait3A_313 = tpu.memref_slice %arg16[%dma_wait3A_312] : memref<6400xf32, #tpu.memory_space<vmem>> -> memref<400xf32, #tpu.memory_space<vmem>>
      %dma_wait3A_314 = tpu.memref_slice %arg23[%add3A_200] : memref<102400xf32, #tpu.memory_space<vmem_shared>> -> memref<400xf32, #tpu.memory_space<vmem_shared>>
      %dma_wait3A_315 = arith.constant 4400 : i32
      %dma_wait3A_316 = tpu.memref_slice %arg16[%dma_wait3A_315] : memref<6400xf32, #tpu.memory_space<vmem>> -> memref<400xf32, #tpu.memory_space<vmem>>
      %dma_wait3A_317 = tpu.memref_slice %arg23[%add3A_200] : memref<102400xf32, #tpu.memory_space<vmem_shared>> -> memref<400xf32, #tpu.memory_space<vmem_shared>>
      tpu.wait_dma2 semaphore(%arg22 : memref<!tpu.dma_semaphore, #tpu.memory_space<semaphore_mem>>) src(%dma_wait3A_317 : memref<400xf32, #tpu.memory_space<vmem_shared>>) dst(%dma_wait3A_316 : memref<400xf32, #tpu.memory_space<vmem>>)
      %dma_wait3A_318 = arith.constant 4800 : i32
      %dma_wait3A_319 = tpu.memref_slice %arg16[%dma_wait3A_318] : memref<6400xf32, #tpu.memory_space<vmem>> -> memref<400xf32, #tpu.memory_space<vmem>>
      %dma_wait3A_320 = tpu.memref_slice %arg23[%add3A_210] : memref<102400xf32, #tpu.memory_space<vmem_shared>> -> memref<400xf32, #tpu.memory_space<vmem_shared>>
      %dma_wait3A_321 = arith.constant 4800 : i32
      %dma_wait3A_322 = tpu.memref_slice %arg16[%dma_wait3A_321] : memref<6400xf32, #tpu.memory_space<vmem>> -> memref<400xf32, #tpu.memory_space<vmem>>
      %dma_wait3A_323 = tpu.memref_slice %arg23[%add3A_210] : memref<102400xf32, #tpu.memory_space<vmem_shared>> -> memref<400xf32, #tpu.memory_space<vmem_shared>>
      tpu.wait_dma2 semaphore(%arg22 : memref<!tpu.dma_semaphore, #tpu.memory_space<semaphore_mem>>) src(%dma_wait3A_323 : memref<400xf32, #tpu.memory_space<vmem_shared>>) dst(%dma_wait3A_322 : memref<400xf32, #tpu.memory_space<vmem>>)
      %dma_wait3A_324 = arith.constant 5200 : i32
      %dma_wait3A_325 = tpu.memref_slice %arg16[%dma_wait3A_324] : memref<6400xf32, #tpu.memory_space<vmem>> -> memref<400xf32, #tpu.memory_space<vmem>>
      %dma_wait3A_326 = tpu.memref_slice %arg23[%add3A_220] : memref<102400xf32, #tpu.memory_space<vmem_shared>> -> memref<400xf32, #tpu.memory_space<vmem_shared>>
      %dma_wait3A_327 = arith.constant 5200 : i32
      %dma_wait3A_328 = tpu.memref_slice %arg16[%dma_wait3A_327] : memref<6400xf32, #tpu.memory_space<vmem>> -> memref<400xf32, #tpu.memory_space<vmem>>
      %dma_wait3A_329 = tpu.memref_slice %arg23[%add3A_220] : memref<102400xf32, #tpu.memory_space<vmem_shared>> -> memref<400xf32, #tpu.memory_space<vmem_shared>>
      tpu.wait_dma2 semaphore(%arg22 : memref<!tpu.dma_semaphore, #tpu.memory_space<semaphore_mem>>) src(%dma_wait3A_329 : memref<400xf32, #tpu.memory_space<vmem_shared>>) dst(%dma_wait3A_328 : memref<400xf32, #tpu.memory_space<vmem>>)
      %dma_wait3A_330 = arith.constant 5600 : i32
      %dma_wait3A_331 = tpu.memref_slice %arg16[%dma_wait3A_330] : memref<6400xf32, #tpu.memory_space<vmem>> -> memref<400xf32, #tpu.memory_space<vmem>>
      %dma_wait3A_332 = tpu.memref_slice %arg23[%add3A_230] : memref<102400xf32, #tpu.memory_space<vmem_shared>> -> memref<400xf32, #tpu.memory_space<vmem_shared>>
      %dma_wait3A_333 = arith.constant 5600 : i32
      %dma_wait3A_334 = tpu.memref_slice %arg16[%dma_wait3A_333] : memref<6400xf32, #tpu.memory_space<vmem>> -> memref<400xf32, #tpu.memory_space<vmem>>
      %dma_wait3A_335 = tpu.memref_slice %arg23[%add3A_230] : memref<102400xf32, #tpu.memory_space<vmem_shared>> -> memref<400xf32, #tpu.memory_space<vmem_shared>>
      tpu.wait_dma2 semaphore(%arg22 : memref<!tpu.dma_semaphore, #tpu.memory_space<semaphore_mem>>) src(%dma_wait3A_335 : memref<400xf32, #tpu.memory_space<vmem_shared>>) dst(%dma_wait3A_334 : memref<400xf32, #tpu.memory_space<vmem>>)
      %dma_wait3A_336 = arith.constant 6000 : i32
      %dma_wait3A_337 = tpu.memref_slice %arg16[%dma_wait3A_336] : memref<6400xf32, #tpu.memory_space<vmem>> -> memref<400xf32, #tpu.memory_space<vmem>>
      %dma_wait3A_338 = tpu.memref_slice %arg23[%add3A_240] : memref<102400xf32, #tpu.memory_space<vmem_shared>> -> memref<400xf32, #tpu.memory_space<vmem_shared>>
      %dma_wait3A_339 = arith.constant 6000 : i32
      %dma_wait3A_340 = tpu.memref_slice %arg16[%dma_wait3A_339] : memref<6400xf32, #tpu.memory_space<vmem>> -> memref<400xf32, #tpu.memory_space<vmem>>
      %dma_wait3A_341 = tpu.memref_slice %arg23[%add3A_240] : memref<102400xf32, #tpu.memory_space<vmem_shared>> -> memref<400xf32, #tpu.memory_space<vmem_shared>>
      tpu.wait_dma2 semaphore(%arg22 : memref<!tpu.dma_semaphore, #tpu.memory_space<semaphore_mem>>) src(%dma_wait3A_341 : memref<400xf32, #tpu.memory_space<vmem_shared>>) dst(%dma_wait3A_340 : memref<400xf32, #tpu.memory_space<vmem>>)
      %parallel_loop3A_342 = arith.constant 0 : i32
      %parallel_loop3A_343 = arith.constant 25 : i32
      %parallel_loop3A_344 = arith.constant 1 : i32
      scf.for %parallel_loop3A_350 = %parallel_loop3A_342 to %parallel_loop3A_343 step %parallel_loop3A_344  : i32 {
        %parallel_loop3A_351 = arith.constant 16 : i32
        %parallel_loop3A_352 = arith.muli %parallel_loop3A_350, %parallel_loop3A_351 : i32
        %parallel_loop3A_353 = arith.index_cast %parallel_loop3A_352 : i32 to index
        %parallel_loop3A_354 = tpu.vector_load %arg16[%parallel_loop3A_353] {strides = array<i32>} : memref<6400xf32, #tpu.memory_space<vmem>>, vector<16xf32>,
        %parallel_loop3A_355 = arith.constant 16 : i32
        %parallel_loop3A_356 = arith.muli %parallel_loop3A_350, %parallel_loop3A_355 : i32
        %parallel_loop3A_357 = arith.constant 400 : i32
        %parallel_loop3A_358 = arith.addi %parallel_loop3A_357, %parallel_loop3A_356 : i32
        %parallel_loop3A_359 = arith.index_cast %parallel_loop3A_358 : i32 to index
        %parallel_loop3A_360 = tpu.vector_load %arg16[%parallel_loop3A_359] {strides = array<i32>} : memref<6400xf32, #tpu.memory_space<vmem>>, vector<16xf32>,
        %parallel_loop3A_361 = arith.addf %parallel_loop3A_354, %parallel_loop3A_360 : vector<16xf32>
        %parallel_loop3A_362 = arith.constant 16 : i32
        %parallel_loop3A_363 = arith.muli %parallel_loop3A_350, %parallel_loop3A_362 : i32
        %parallel_loop3A_364 = arith.constant 800 : i32
        %parallel_loop3A_365 = arith.addi %parallel_loop3A_364, %parallel_loop3A_363 : i32
        %parallel_loop3A_366 = arith.index_cast %parallel_loop3A_365 : i32 to index
        %parallel_loop3A_367 = tpu.vector_load %arg16[%parallel_loop3A_366] {strides = array<i32>} : memref<6400xf32, #tpu.memory_space<vmem>>, vector<16xf32>,
        %parallel_loop3A_368 = arith.addf %parallel_loop3A_361, %parallel_loop3A_367 : vector<16xf32>
        %parallel_loop3A_369 = arith.constant 16 : i32
        %parallel_loop3A_370 = arith.muli %parallel_loop3A_350, %parallel_loop3A_369 : i32
        %parallel_loop3A_371 = arith.constant 1200 : i32
        %parallel_loop3A_372 = arith.addi %parallel_loop3A_371, %parallel_loop3A_370 : i32
        %parallel_loop3A_373 = arith.index_cast %parallel_loop3A_372 : i32 to index
        %parallel_loop3A_374 = tpu.vector_load %arg16[%parallel_loop3A_373] {strides = array<i32>} : memref<6400xf32, #tpu.memory_space<vmem>>, vector<16xf32>,
        %parallel_loop3A_375 = arith.addf %parallel_loop3A_368, %parallel_loop3A_374 : vector<16xf32>
        %parallel_loop3A_376 = arith.constant 16 : i32
        %parallel_loop3A_377 = arith.muli %parallel_loop3A_350, %parallel_loop3A_376 : i32
        %parallel_loop3A_378 = arith.constant 1600 : i32
        %parallel_loop3A_379 = arith.addi %parallel_loop3A_378, %parallel_loop3A_377 : i32
        %parallel_loop3A_380 = arith.index_cast %parallel_loop3A_379 : i32 to index
        %parallel_loop3A_381 = tpu.vector_load %arg16[%parallel_loop3A_380] {strides = array<i32>} : memref<6400xf32, #tpu.memory_space<vmem>>, vector<16xf32>,
        %parallel_loop3A_382 = arith.addf %parallel_loop3A_375, %parallel_loop3A_381 : vector<16xf32>
        %parallel_loop3A_383 = arith.constant 16 : i32
        %parallel_loop3A_384 = arith.muli %parallel_loop3A_350, %parallel_loop3A_383 : i32
        %parallel_loop3A_385 = arith.constant 2000 : i32
        %parallel_loop3A_386 = arith.addi %parallel_loop3A_385, %parallel_loop3A_384 : i32
        %parallel_loop3A_387 = arith.index_cast %parallel_loop3A_386 : i32 to index
        %parallel_loop3A_388 = tpu.vector_load %arg16[%parallel_loop3A_387] {strides = array<i32>} : memref<6400xf32, #tpu.memory_space<vmem>>, vector<16xf32>,
        %parallel_loop3A_389 = arith.addf %parallel_loop3A_382, %parallel_loop3A_388 : vector<16xf32>
        %parallel_loop3A_390 = arith.constant 16 : i32
        %parallel_loop3A_391 = arith.muli %parallel_loop3A_350, %parallel_loop3A_390 : i32
        %parallel_loop3A_392 = arith.constant 2400 : i32
        %parallel_loop3A_393 = arith.addi %parallel_loop3A_392, %parallel_loop3A_391 : i32
        %parallel_loop3A_394 = arith.index_cast %parallel_loop3A_393 : i32 to index
        %parallel_loop3A_395 = tpu.vector_load %arg16[%parallel_loop3A_394] {strides = array<i32>} : memref<6400xf32, #tpu.memory_space<vmem>>, vector<16xf32>,
        %parallel_loop3A_396 = arith.addf %parallel_loop3A_389, %parallel_loop3A_395 : vector<16xf32>
        %parallel_loop3A_397 = arith.constant 16 : i32
        %parallel_loop3A_398 = arith.muli %parallel_loop3A_350, %parallel_loop3A_397 : i32
        %parallel_loop3A_399 = arith.constant 2800 : i32
        %parallel_loop3A_400 = arith.addi %parallel_loop3A_399, %parallel_loop3A_398 : i32
        %parallel_loop3A_401 = arith.index_cast %parallel_loop3A_400 : i32 to index
        %parallel_loop3A_402 = tpu.vector_load %arg16[%parallel_loop3A_401] {strides = array<i32>} : memref<6400xf32, #tpu.memory_space<vmem>>, vector<16xf32>,
        %parallel_loop3A_403 = arith.addf %parallel_loop3A_396, %parallel_loop3A_402 : vector<16xf32>
        %parallel_loop3A_404 = arith.constant 16 : i32
        %parallel_loop3A_405 = arith.muli %parallel_loop3A_350, %parallel_loop3A_404 : i32
        %parallel_loop3A_406 = arith.constant 3200 : i32
        %parallel_loop3A_407 = arith.addi %parallel_loop3A_406, %parallel_loop3A_405 : i32
        %parallel_loop3A_408 = arith.index_cast %parallel_loop3A_407 : i32 to index
        %parallel_loop3A_409 = tpu.vector_load %arg16[%parallel_loop3A_408] {strides = array<i32>} : memref<6400xf32, #tpu.memory_space<vmem>>, vector<16xf32>,
        %parallel_loop3A_410 = arith.addf %parallel_loop3A_403, %parallel_loop3A_409 : vector<16xf32>
        %parallel_loop3A_411 = arith.constant 16 : i32
        %parallel_loop3A_412 = arith.muli %parallel_loop3A_350, %parallel_loop3A_411 : i32
        %parallel_loop3A_413 = arith.constant 3600 : i32
        %parallel_loop3A_414 = arith.addi %parallel_loop3A_413, %parallel_loop3A_412 : i32
        %parallel_loop3A_415 = arith.index_cast %parallel_loop3A_414 : i32 to index
        %parallel_loop3A_416 = tpu.vector_load %arg16[%parallel_loop3A_415] {strides = array<i32>} : memref<6400xf32, #tpu.memory_space<vmem>>, vector<16xf32>,
        %parallel_loop3A_417 = arith.addf %parallel_loop3A_410, %parallel_loop3A_416 : vector<16xf32>
        %parallel_loop3A_418 = arith.constant 16 : i32
        %parallel_loop3A_419 = arith.muli %parallel_loop3A_350, %parallel_loop3A_418 : i32
        %parallel_loop3A_420 = arith.constant 4000 : i32
        %parallel_loop3A_421 = arith.addi %parallel_loop3A_420, %parallel_loop3A_419 : i32
        %parallel_loop3A_422 = arith.index_cast %parallel_loop3A_421 : i32 to index
        %parallel_loop3A_423 = tpu.vector_load %arg16[%parallel_loop3A_422] {strides = array<i32>} : memref<6400xf32, #tpu.memory_space<vmem>>, vector<16xf32>,
        %parallel_loop3A_424 = arith.addf %parallel_loop3A_417, %parallel_loop3A_423 : vector<16xf32>
        %parallel_loop3A_425 = arith.constant 16 : i32
        %parallel_loop3A_426 = arith.muli %parallel_loop3A_350, %parallel_loop3A_425 : i32
        %parallel_loop3A_427 = arith.constant 4400 : i32
        %parallel_loop3A_428 = arith.addi %parallel_loop3A_427, %parallel_loop3A_426 : i32
        %parallel_loop3A_429 = arith.index_cast %parallel_loop3A_428 : i32 to index
        %parallel_loop3A_430 = tpu.vector_load %arg16[%parallel_loop3A_429] {strides = array<i32>} : memref<6400xf32, #tpu.memory_space<vmem>>, vector<16xf32>,
        %parallel_loop3A_431 = arith.addf %parallel_loop3A_424, %parallel_loop3A_430 : vector<16xf32>
        %parallel_loop3A_432 = arith.constant 16 : i32
        %parallel_loop3A_433 = arith.muli %parallel_loop3A_350, %parallel_loop3A_432 : i32
        %parallel_loop3A_434 = arith.constant 4800 : i32
        %parallel_loop3A_435 = arith.addi %parallel_loop3A_434, %parallel_loop3A_433 : i32
        %parallel_loop3A_436 = arith.index_cast %parallel_loop3A_435 : i32 to index
        %parallel_loop3A_437 = tpu.vector_load %arg16[%parallel_loop3A_436] {strides = array<i32>} : memref<6400xf32, #tpu.memory_space<vmem>>, vector<16xf32>,
        %parallel_loop3A_438 = arith.addf %parallel_loop3A_431, %parallel_loop3A_437 : vector<16xf32>
        %parallel_loop3A_439 = arith.constant 16 : i32
        %parallel_loop3A_440 = arith.muli %parallel_loop3A_350, %parallel_loop3A_439 : i32
        %parallel_loop3A_441 = arith.constant 5200 : i32
        %parallel_loop3A_442 = arith.addi %parallel_loop3A_441, %parallel_loop3A_440 : i32
        %parallel_loop3A_443 = arith.index_cast %parallel_loop3A_442 : i32 to index
        %parallel_loop3A_444 = tpu.vector_load %arg16[%parallel_loop3A_443] {strides = array<i32>} : memref<6400xf32, #tpu.memory_space<vmem>>, vector<16xf32>,
        %parallel_loop3A_445 = arith.addf %parallel_loop3A_438, %parallel_loop3A_444 : vector<16xf32>
        %parallel_loop3A_446 = arith.constant 16 : i32
        %parallel_loop3A_447 = arith.muli %parallel_loop3A_350, %parallel_loop3A_446 : i32
        %parallel_loop3A_448 = arith.constant 5600 : i32
        %parallel_loop3A_449 = arith.addi %parallel_loop3A_448, %parallel_loop3A_447 : i32
        %parallel_loop3A_450 = arith.index_cast %parallel_loop3A_449 : i32 to index
        %parallel_loop3A_451 = tpu.vector_load %arg16[%parallel_loop3A_450] {strides = array<i32>} : memref<6400xf32, #tpu.memory_space<vmem>>, vector<16xf32>,
        %parallel_loop3A_452 = arith.addf %parallel_loop3A_445, %parallel_loop3A_451 : vector<16xf32>
        %parallel_loop3A_453 = arith.constant 16 : i32
        %parallel_loop3A_454 = arith.muli %parallel_loop3A_350, %parallel_loop3A_453 : i32
        %parallel_loop3A_455 = arith.constant 6000 : i32
        %parallel_loop3A_456 = arith.addi %parallel_loop3A_455, %parallel_loop3A_454 : i32
        %parallel_loop3A_457 = arith.index_cast %parallel_loop3A_456 : i32 to index
        %parallel_loop3A_458 = tpu.vector_load %arg16[%parallel_loop3A_457] {strides = array<i32>} : memref<6400xf32, #tpu.memory_space<vmem>>, vector<16xf32>,
        %parallel_loop3A_459 = arith.addf %parallel_loop3A_452, %parallel_loop3A_458 : vector<16xf32>
        %parallel_loop3A_460 = arith.constant 16 : i32
        %parallel_loop3A_461 = arith.muli %parallel_loop3A_350, %parallel_loop3A_460 : i32
        %parallel_loop3A_462 = arith.index_cast %parallel_loop3A_461 : i32 to index
        %parallel_loop3A_463 = tpu.vector_load %arg17[%parallel_loop3A_462] {strides = array<i32>} : memref<2000xf32, #tpu.memory_space<vmem>>, vector<16xf32>,
        tpu.vector_store %arg17[%parallel_loop3A_462], %parallel_loop3A_459 {strides = array<i32>} : memref<2000xf32, #tpu.memory_space<vmem>>, vector<16xf32>,
      } {sc.loop_unroll_factor = 2 : i64, sc.parallel_access}
      %mul3A_345 = arith.constant 400 : i32
      %mul3A_346 = arith.muli %arg1, %mul3A_345 : i32
      %add3A_347 = arith.addi %add3A_83, %mul3A_346 : i32
      "tpu.region"() ({
        %run_scoped3A = tpu.sem_alloc : memref<!tpu.dma_semaphore, #tpu.memory_space<semaphore_mem>>
        %dma_start3A_350 = arith.constant 0 : i32
        %dma_start3A_351 = tpu.memref_slice %arg17[%dma_start3A_350] : memref<2000xf32, #tpu.memory_space<vmem>> -> memref<400xf32, #tpu.memory_space<vmem>>
        %dma_start3A_352 = tpu.memref_slice %arg9[%add3A_347] : memref<320000xf32, #tpu.memory_space<hbm>> -> memref<400xf32, #tpu.memory_space<hbm>>
        %dma_start3A_353 = tpu.memref_slice %arg9[%add3A_347] : memref<320000xf32, #tpu.memory_space<hbm>> -> memref<400xf32, #tpu.memory_space<hbm>>
        %dma_start3A_354 = arith.constant 0 : i32
        %dma_start3A_355 = tpu.memref_slice %arg17[%dma_start3A_354] : memref<2000xf32, #tpu.memory_space<vmem>> -> memref<400xf32, #tpu.memory_space<vmem>>
        tpu.enqueue_dma source(%dma_start3A_355 : memref<400xf32, #tpu.memory_space<vmem>>) target(%dma_start3A_353 : memref<400xf32, #tpu.memory_space<hbm>>) target_semaphore(%run_scoped3A : memref<!tpu.dma_semaphore, #tpu.memory_space<semaphore_mem>>)
        %dma_wait3A_356 = arith.constant 0 : i32
        %dma_wait3A_357 = tpu.memref_slice %arg17[%dma_wait3A_356] : memref<2000xf32, #tpu.memory_space<vmem>> -> memref<400xf32, #tpu.memory_space<vmem>>
        %dma_wait3A_358 = tpu.memref_slice %arg9[%add3A_347] : memref<320000xf32, #tpu.memory_space<hbm>> -> memref<400xf32, #tpu.memory_space<hbm>>
        %dma_wait3A_359 = tpu.memref_slice %arg9[%add3A_347] : memref<320000xf32, #tpu.memory_space<hbm>> -> memref<400xf32, #tpu.memory_space<hbm>>
        %dma_wait3A_360 = arith.constant 0 : i32
        %dma_wait3A_361 = tpu.memref_slice %arg17[%dma_wait3A_360] : memref<2000xf32, #tpu.memory_space<vmem>> -> memref<400xf32, #tpu.memory_space<vmem>>
        tpu.wait_dma2 semaphore(%run_scoped3A : memref<!tpu.dma_semaphore, #tpu.memory_space<semaphore_mem>>) src(%dma_wait3A_361 : memref<400xf32, #tpu.memory_space<vmem>>) dst(%dma_wait3A_359 : memref<400xf32, #tpu.memory_space<hbm>>)
        tpu.yield
      }) : () -> ()
      %barrier3A_348 = arith.constant 0 : index
      tpu.barrier barrier_id(%barrier3A_348)
      %scan3A_349 = arith.constant 0 : i32
      scf.yield %scan3A_349 : i32
    }
    %scan3A_40 = arith.constant 25 : i32
    %get3A = arith.constant 0 : index
    %get3A_41 = tpu.vector_load %arg20[%get3A] {strides = array<i32>} : memref<16xf32, #tpu.memory_space<vmem>>, vector<16xf32>,
    %mul3A_42 = arith.constant 10000 : i32
    %mul3A_43 = arith.muli %add3A, %mul3A_42 : i32
    %broadcast_in_dim3A_44 = arith.constant -3.000000e+38 : f32
    %broadcast_in_dim3A_45 = vector.broadcast %broadcast_in_dim3A_44 : f32 to vector<16xf32>
    %scan3A_46 = arith.constant 0 : i32
    %scan3A_47 = arith.constant 5 : i32
    %scan3A_48 = arith.addi %scan3A_46, %scan3A_47 : i32
    %scan3A_49 = arith.constant 1 : i32
    %scan3A_50 = scf.for %scan3A_77 = %scan3A_46 to %scan3A_48 step %scan3A_49 iter_args(%scan3A_78 = %broadcast_in_dim3A_45) -> (vector<16xf32>)  : i32 {
      %mul3A_79 = arith.constant 2000 : i32
      %mul3A_80 = arith.muli %scan3A_77, %mul3A_79 : i32
      %add3A_81 = arith.addi %mul3A_43, %mul3A_80 : i32
      "tpu.region"() ({
        %run_scoped3A = tpu.sem_alloc : memref<!tpu.dma_semaphore, #tpu.memory_space<semaphore_mem>>
        %dma_start3A = tpu.memref_slice %arg9[%add3A_81] : memref<320000xf32, #tpu.memory_space<hbm>> -> memref<2000xf32, #tpu.memory_space<hbm>>
        %dma_start3A_85 = tpu.memref_slice %arg9[%add3A_81] : memref<320000xf32, #tpu.memory_space<hbm>> -> memref<2000xf32, #tpu.memory_space<hbm>>
        tpu.enqueue_dma source(%dma_start3A_85 : memref<2000xf32, #tpu.memory_space<hbm>>) target(%arg17 : memref<2000xf32, #tpu.memory_space<vmem>>) target_semaphore(%run_scoped3A : memref<!tpu.dma_semaphore, #tpu.memory_space<semaphore_mem>>)
        %dma_wait3A = tpu.memref_slice %arg9[%add3A_81] : memref<320000xf32, #tpu.memory_space<hbm>> -> memref<2000xf32, #tpu.memory_space<hbm>>
        %dma_wait3A_86 = tpu.memref_slice %arg9[%add3A_81] : memref<320000xf32, #tpu.memory_space<hbm>> -> memref<2000xf32, #tpu.memory_space<hbm>>
        tpu.wait_dma2 semaphore(%run_scoped3A : memref<!tpu.dma_semaphore, #tpu.memory_space<semaphore_mem>>) src(%dma_wait3A_86 : memref<2000xf32, #tpu.memory_space<hbm>>) dst(%arg17 : memref<2000xf32, #tpu.memory_space<vmem>>)
        tpu.yield
      }) : () -> ()
      "tpu.region"() ({
        %run_scoped3A = tpu.sem_alloc : memref<!tpu.dma_semaphore, #tpu.memory_space<semaphore_mem>>
        %dma_start3A = tpu.memref_slice %arg6[%add3A_81] : memref<320000xf32, #tpu.memory_space<hbm>> -> memref<2000xf32, #tpu.memory_space<hbm>>
        %dma_start3A_85 = tpu.memref_slice %arg6[%add3A_81] : memref<320000xf32, #tpu.memory_space<hbm>> -> memref<2000xf32, #tpu.memory_space<hbm>>
        tpu.enqueue_dma source(%dma_start3A_85 : memref<2000xf32, #tpu.memory_space<hbm>>) target(%arg18 : memref<2000xf32, #tpu.memory_space<vmem>>) target_semaphore(%run_scoped3A : memref<!tpu.dma_semaphore, #tpu.memory_space<semaphore_mem>>)
        %dma_wait3A = tpu.memref_slice %arg6[%add3A_81] : memref<320000xf32, #tpu.memory_space<hbm>> -> memref<2000xf32, #tpu.memory_space<hbm>>
        %dma_wait3A_86 = tpu.memref_slice %arg6[%add3A_81] : memref<320000xf32, #tpu.memory_space<hbm>> -> memref<2000xf32, #tpu.memory_space<hbm>>
        tpu.wait_dma2 semaphore(%run_scoped3A : memref<!tpu.dma_semaphore, #tpu.memory_space<semaphore_mem>>) src(%dma_wait3A_86 : memref<2000xf32, #tpu.memory_space<hbm>>) dst(%arg18 : memref<2000xf32, #tpu.memory_space<vmem>>)
        tpu.yield
      }) : () -> ()
      %parallel_loop3A = arith.constant 0 : i32
      %parallel_loop3A_82 = arith.constant 125 : i32
      %parallel_loop3A_83 = arith.constant 1 : i32
      %parallel_loop3A_84 = scf.for %parallel_loop3A_85 = %parallel_loop3A to %parallel_loop3A_82 step %parallel_loop3A_83 iter_args(%parallel_loop3A_86 = %scan3A_78) -> (vector<16xf32>)  : i32 {
        %parallel_loop3A_87 = arith.constant 16 : i32
        %parallel_loop3A_88 = arith.muli %parallel_loop3A_85, %parallel_loop3A_87 : i32
        %parallel_loop3A_89 = arith.index_cast %parallel_loop3A_88 : i32 to index
        %parallel_loop3A_90 = tpu.vector_load %arg18[%parallel_loop3A_89] {strides = array<i32>} : memref<2000xf32, #tpu.memory_space<vmem>>, vector<16xf32>,
        %parallel_loop3A_91 = arith.constant 16 : i32
        %parallel_loop3A_92 = arith.muli %parallel_loop3A_85, %parallel_loop3A_91 : i32
        %parallel_loop3A_93 = arith.index_cast %parallel_loop3A_92 : i32 to index
        %parallel_loop3A_94 = tpu.vector_load %arg17[%parallel_loop3A_93] {strides = array<i32>} : memref<2000xf32, #tpu.memory_space<vmem>>, vector<16xf32>,
        %parallel_loop3A_95 = arith.addf %parallel_loop3A_94, %get3A_41 : vector<16xf32>
        %parallel_loop3A_96 = arith.mulf %parallel_loop3A_90, %parallel_loop3A_95 : vector<16xf32>
        %parallel_loop3A_97 = arith.constant 16 : i32
        %parallel_loop3A_98 = arith.muli %parallel_loop3A_85, %parallel_loop3A_97 : i32
        %parallel_loop3A_99 = arith.index_cast %parallel_loop3A_98 : i32 to index
        %parallel_loop3A_100 = tpu.vector_load %arg17[%parallel_loop3A_99] {strides = array<i32>} : memref<2000xf32, #tpu.memory_space<vmem>>, vector<16xf32>,
        tpu.vector_store %arg17[%parallel_loop3A_99], %parallel_loop3A_96 {strides = array<i32>} : memref<2000xf32, #tpu.memory_space<vmem>>, vector<16xf32>,
        %parallel_loop3A_101 = arith.maximumf %parallel_loop3A_86, %parallel_loop3A_96 : vector<16xf32>
        scf.yield %parallel_loop3A_101 : vector<16xf32>
      } {sc.loop_unroll_factor = 4 : i64, sc.parallel_access}
      "tpu.region"() ({
        %run_scoped3A = tpu.sem_alloc : memref<!tpu.dma_semaphore, #tpu.memory_space<semaphore_mem>>
        %dma_start3A = tpu.memref_slice %arg9[%add3A_81] : memref<320000xf32, #tpu.memory_space<hbm>> -> memref<2000xf32, #tpu.memory_space<hbm>>
        %dma_start3A_85 = tpu.memref_slice %arg9[%add3A_81] : memref<320000xf32, #tpu.memory_space<hbm>> -> memref<2000xf32, #tpu.memory_space<hbm>>
        tpu.enqueue_dma source(%arg17 : memref<2000xf32, #tpu.memory_space<vmem>>) target(%dma_start3A_85 : memref<2000xf32, #tpu.memory_space<hbm>>) target_semaphore(%run_scoped3A : memref<!tpu.dma_semaphore, #tpu.memory_space<semaphore_mem>>)
        %dma_wait3A = tpu.memref_slice %arg9[%add3A_81] : memref<320000xf32, #tpu.memory_space<hbm>> -> memref<2000xf32, #tpu.memory_space<hbm>>
        %dma_wait3A_86 = tpu.memref_slice %arg9[%add3A_81] : memref<320000xf32, #tpu.memory_space<hbm>> -> memref<2000xf32, #tpu.memory_space<hbm>>
        tpu.wait_dma2 semaphore(%run_scoped3A : memref<!tpu.dma_semaphore, #tpu.memory_space<semaphore_mem>>) src(%arg17 : memref<2000xf32, #tpu.memory_space<vmem>>) dst(%dma_wait3A_86 : memref<2000xf32, #tpu.memory_space<hbm>>)
        tpu.yield
      }) : () -> ()
      scf.yield %parallel_loop3A_84 : vector<16xf32>
    }
    %scan3A_51 = arith.constant 5 : i32
    %reduce_max3A = arith.constant true
    %reduce_max3A_52 = vector.broadcast %reduce_max3A : i1 to vector<16xi1>
    %reduce_max3A_53 = tpu.scan <max>, %scan3A_50 masked %reduce_max3A_52 : vector<16xf32>, vector<16xi1> -> vector<16xf32>
    %reduce_max3A_54 = vector.extract %reduce_max3A_53[15] : f32 from vector<16xf32>
    %broadcast_in_dim3A_55 = vector.broadcast %reduce_max3A_54 : f32 to vector<16xf32>
    %broadcast_in_dim3A_56 = arith.constant 0.000000e+00 : f32
    %broadcast_in_dim3A_57 = vector.broadcast %broadcast_in_dim3A_56 : f32 to vector<16xf32>
    %scan3A_58 = arith.constant 0 : i32
    %scan3A_59 = arith.constant 5 : i32
    %scan3A_60 = arith.addi %scan3A_58, %scan3A_59 : i32
    %scan3A_61 = arith.constant 1 : i32
    %scan3A_62 = scf.for %scan3A_77 = %scan3A_58 to %scan3A_60 step %scan3A_61 iter_args(%scan3A_78 = %broadcast_in_dim3A_57) -> (vector<16xf32>)  : i32 {
      %mul3A_79 = arith.constant 2000 : i32
      %mul3A_80 = arith.muli %scan3A_77, %mul3A_79 : i32
      %add3A_81 = arith.addi %mul3A_43, %mul3A_80 : i32
      "tpu.region"() ({
        %run_scoped3A = tpu.sem_alloc : memref<!tpu.dma_semaphore, #tpu.memory_space<semaphore_mem>>
        %dma_start3A = tpu.memref_slice %arg9[%add3A_81] : memref<320000xf32, #tpu.memory_space<hbm>> -> memref<2000xf32, #tpu.memory_space<hbm>>
        %dma_start3A_85 = tpu.memref_slice %arg9[%add3A_81] : memref<320000xf32, #tpu.memory_space<hbm>> -> memref<2000xf32, #tpu.memory_space<hbm>>
        tpu.enqueue_dma source(%dma_start3A_85 : memref<2000xf32, #tpu.memory_space<hbm>>) target(%arg17 : memref<2000xf32, #tpu.memory_space<vmem>>) target_semaphore(%run_scoped3A : memref<!tpu.dma_semaphore, #tpu.memory_space<semaphore_mem>>)
        %dma_wait3A = tpu.memref_slice %arg9[%add3A_81] : memref<320000xf32, #tpu.memory_space<hbm>> -> memref<2000xf32, #tpu.memory_space<hbm>>
        %dma_wait3A_86 = tpu.memref_slice %arg9[%add3A_81] : memref<320000xf32, #tpu.memory_space<hbm>> -> memref<2000xf32, #tpu.memory_space<hbm>>
        tpu.wait_dma2 semaphore(%run_scoped3A : memref<!tpu.dma_semaphore, #tpu.memory_space<semaphore_mem>>) src(%dma_wait3A_86 : memref<2000xf32, #tpu.memory_space<hbm>>) dst(%arg17 : memref<2000xf32, #tpu.memory_space<vmem>>)
        tpu.yield
      }) : () -> ()
      %parallel_loop3A = arith.constant 0 : i32
      %parallel_loop3A_82 = arith.constant 125 : i32
      %parallel_loop3A_83 = arith.constant 1 : i32
      %parallel_loop3A_84 = scf.for %parallel_loop3A_85 = %parallel_loop3A to %parallel_loop3A_82 step %parallel_loop3A_83 iter_args(%parallel_loop3A_86 = %scan3A_78) -> (vector<16xf32>)  : i32 {
        %parallel_loop3A_87 = arith.constant 16 : i32
        %parallel_loop3A_88 = arith.muli %parallel_loop3A_85, %parallel_loop3A_87 : i32
        %parallel_loop3A_89 = arith.index_cast %parallel_loop3A_88 : i32 to index
        %parallel_loop3A_90 = tpu.vector_load %arg17[%parallel_loop3A_89] {strides = array<i32>} : memref<2000xf32, #tpu.memory_space<vmem>>, vector<16xf32>,
        %parallel_loop3A_91 = arith.subf %parallel_loop3A_90, %broadcast_in_dim3A_55 : vector<16xf32>
        %parallel_loop3A_92 = math.exp %parallel_loop3A_91 : vector<16xf32>
        %parallel_loop3A_93 = arith.constant 16 : i32
        %parallel_loop3A_94 = arith.muli %parallel_loop3A_85, %parallel_loop3A_93 : i32
        %parallel_loop3A_95 = arith.index_cast %parallel_loop3A_94 : i32 to index
        %parallel_loop3A_96 = tpu.vector_load %arg17[%parallel_loop3A_95] {strides = array<i32>} : memref<2000xf32, #tpu.memory_space<vmem>>, vector<16xf32>,
        tpu.vector_store %arg17[%parallel_loop3A_95], %parallel_loop3A_92 {strides = array<i32>} : memref<2000xf32, #tpu.memory_space<vmem>>, vector<16xf32>,
        %parallel_loop3A_97 = arith.addf %parallel_loop3A_86, %parallel_loop3A_92 : vector<16xf32>
        scf.yield %parallel_loop3A_97 : vector<16xf32>
      } {sc.loop_unroll_factor = 4 : i64, sc.parallel_access}
      "tpu.region"() ({
        %run_scoped3A = tpu.sem_alloc : memref<!tpu.dma_semaphore, #tpu.memory_space<semaphore_mem>>
        %dma_start3A = tpu.memref_slice %arg9[%add3A_81] : memref<320000xf32, #tpu.memory_space<hbm>> -> memref<2000xf32, #tpu.memory_space<hbm>>
        %dma_start3A_85 = tpu.memref_slice %arg9[%add3A_81] : memref<320000xf32, #tpu.memory_space<hbm>> -> memref<2000xf32, #tpu.memory_space<hbm>>
        tpu.enqueue_dma source(%arg17 : memref<2000xf32, #tpu.memory_space<vmem>>) target(%dma_start3A_85 : memref<2000xf32, #tpu.memory_space<hbm>>) target_semaphore(%run_scoped3A : memref<!tpu.dma_semaphore, #tpu.memory_space<semaphore_mem>>)
        %dma_wait3A = tpu.memref_slice %arg9[%add3A_81] : memref<320000xf32, #tpu.memory_space<hbm>> -> memref<2000xf32, #tpu.memory_space<hbm>>
        %dma_wait3A_86 = tpu.memref_slice %arg9[%add3A_81] : memref<320000xf32, #tpu.memory_space<hbm>> -> memref<2000xf32, #tpu.memory_space<hbm>>
        tpu.wait_dma2 semaphore(%run_scoped3A : memref<!tpu.dma_semaphore, #tpu.memory_space<semaphore_mem>>) src(%arg17 : memref<2000xf32, #tpu.memory_space<vmem>>) dst(%dma_wait3A_86 : memref<2000xf32, #tpu.memory_space<hbm>>)
        tpu.yield
      }) : () -> ()
      scf.yield %parallel_loop3A_84 : vector<16xf32>
    }
    %scan3A_63 = arith.constant 5 : i32
    %swap3A = arith.constant 0 : index
    %swap3A_64 = tpu.vector_load %arg21[%swap3A] {strides = array<i32>} : memref<16xf32, #tpu.memory_space<vmem>>, vector<16xf32>,
    tpu.vector_store %arg21[%swap3A], %broadcast_in_dim3A_55 {strides = array<i32>} : memref<16xf32, #tpu.memory_space<vmem>>, vector<16xf32>,
    %mul3A_65 = arith.constant 16 : i32
    %mul3A_66 = arith.muli %add3A, %mul3A_65 : i32
    "tpu.region"() ({
      %run_scoped3A = tpu.sem_alloc : memref<!tpu.dma_semaphore, #tpu.memory_space<semaphore_mem>>
      %dma_start3A = tpu.memref_slice %arg10[%mul3A_66] : memref<1024xf32, #tpu.memory_space<hbm>> -> memref<16xf32, #tpu.memory_space<hbm>>
      %dma_start3A_77 = tpu.memref_slice %arg10[%mul3A_66] : memref<1024xf32, #tpu.memory_space<hbm>> -> memref<16xf32, #tpu.memory_space<hbm>>
      tpu.enqueue_dma source(%arg21 : memref<16xf32, #tpu.memory_space<vmem>>) target(%dma_start3A_77 : memref<16xf32, #tpu.memory_space<hbm>>) target_semaphore(%run_scoped3A : memref<!tpu.dma_semaphore, #tpu.memory_space<semaphore_mem>>)
      %dma_wait3A = tpu.memref_slice %arg10[%mul3A_66] : memref<1024xf32, #tpu.memory_space<hbm>> -> memref<16xf32, #tpu.memory_space<hbm>>
      %dma_wait3A_78 = tpu.memref_slice %arg10[%mul3A_66] : memref<1024xf32, #tpu.memory_space<hbm>> -> memref<16xf32, #tpu.memory_space<hbm>>
      tpu.wait_dma2 semaphore(%run_scoped3A : memref<!tpu.dma_semaphore, #tpu.memory_space<semaphore_mem>>) src(%arg21 : memref<16xf32, #tpu.memory_space<vmem>>) dst(%dma_wait3A_78 : memref<16xf32, #tpu.memory_space<hbm>>)
      tpu.yield
    }) : () -> ()
    %reduce_sum3A = arith.constant true
    %reduce_sum3A_67 = vector.broadcast %reduce_sum3A : i1 to vector<16xi1>
    %reduce_sum3A_68 = tpu.scan <sum>, %scan3A_62 masked %reduce_sum3A_67 : vector<16xf32>, vector<16xi1> -> vector<16xf32>
    %reduce_sum3A_69 = vector.extract %reduce_sum3A_68[15] : f32 from vector<16xf32>
    %broadcast_in_dim3A_70 = vector.broadcast %reduce_sum3A_69 : f32 to vector<16xf32>
    %swap3A_71 = arith.constant 0 : index
    %swap3A_72 = tpu.vector_load %arg21[%swap3A_71] {strides = array<i32>} : memref<16xf32, #tpu.memory_space<vmem>>, vector<16xf32>,
    tpu.vector_store %arg21[%swap3A_71], %broadcast_in_dim3A_70 {strides = array<i32>} : memref<16xf32, #tpu.memory_space<vmem>>, vector<16xf32>,
    %mul3A_73 = arith.constant 16 : i32
    %mul3A_74 = arith.muli %add3A, %mul3A_73 : i32
    %add3A_75 = arith.constant 512 : i32
    %add3A_76 = arith.addi %add3A_75, %mul3A_74 : i32
    "tpu.region"() ({
      %run_scoped3A = tpu.sem_alloc : memref<!tpu.dma_semaphore, #tpu.memory_space<semaphore_mem>>
      %dma_start3A = tpu.memref_slice %arg10[%add3A_76] : memref<1024xf32, #tpu.memory_space<hbm>> -> memref<16xf32, #tpu.memory_space<hbm>>
      %dma_start3A_77 = tpu.memref_slice %arg10[%add3A_76] : memref<1024xf32, #tpu.memory_space<hbm>> -> memref<16xf32, #tpu.memory_space<hbm>>
      tpu.enqueue_dma source(%arg21 : memref<16xf32, #tpu.memory_space<vmem>>) target(%dma_start3A_77 : memref<16xf32, #tpu.memory_space<hbm>>) target_semaphore(%run_scoped3A : memref<!tpu.dma_semaphore, #tpu.memory_space<semaphore_mem>>)
      %dma_wait3A = tpu.memref_slice %arg10[%add3A_76] : memref<1024xf32, #tpu.memory_space<hbm>> -> memref<16xf32, #tpu.memory_space<hbm>>
      %dma_wait3A_78 = tpu.memref_slice %arg10[%add3A_76] : memref<1024xf32, #tpu.memory_space<hbm>> -> memref<16xf32, #tpu.memory_space<hbm>>
      tpu.wait_dma2 semaphore(%run_scoped3A : memref<!tpu.dma_semaphore, #tpu.memory_space<semaphore_mem>>) src(%arg21 : memref<16xf32, #tpu.memory_space<vmem>>) dst(%dma_wait3A_78 : memref<16xf32, #tpu.memory_space<hbm>>)
      tpu.yield
    }) : () -> ()
    return
  }
}

#map = affine_map<(d0, d1) -> (0)>
module attributes {stable_mosaic.version = 14 : i64} {
  func.func @_sc_b_body(%arg0: i32, %arg1: i32, %arg2: memref<320000xf32, #tpu.memory_space<hbm>>, %arg3: memref<1024xf32, #tpu.memory_space<hbm>>, %arg4: memref<320000xi32, #tpu.memory_space<hbm>>, %arg5: memref<320000xf32, #tpu.memory_space<hbm>>, %arg6: memref<20480xf32, #tpu.memory_space<hbm>>, %arg7: memref<1024xf32, #tpu.memory_space<vmem>>, %arg8: memref<2000xf32, #tpu.memory_space<vmem>>, %arg9: memref<2000xi32, #tpu.memory_space<vmem>>, %arg10: memref<10240xf32, #tpu.memory_space<vmem>>, %arg11: memref<2560xf32, #tpu.memory_space<vmem>>, %arg12: memref<!tpu.dma_semaphore, #tpu.memory_space<semaphore_mem>>, %arg13: memref<40960xf32, #tpu.memory_space<vmem_shared>>) attributes {dimension_semantics = [#tpu.dimension_semantics<core_parallel>, #tpu.dimension_semantics<subcore_parallel>], iteration_bounds = array<i64: 2, 16>, scalar_prefetch = 0 : i64, scratch_operands = 7 : i64, tpu.core_type = #tpu.core_type<sc_vector_subcore>, window_params = [{transform_indices = #map}, {transform_indices = #map}, {transform_indices = #map}, {transform_indices = #map}, {transform_indices = #map}]} {
    %mul3A = arith.constant 16 : i32
    %mul3A_0 = arith.muli %arg0, %mul3A : i32
    %add3A = arith.addi %mul3A_0, %arg1 : i32
    %mul3A_1 = arith.constant 10000 : i32
    %mul3A_2 = arith.muli %add3A, %mul3A_1 : i32
    "tpu.region"() ({
      %run_scoped3A = tpu.sem_alloc : memref<!tpu.dma_semaphore, #tpu.memory_space<semaphore_mem>>
      tpu.enqueue_dma source(%arg3 : memref<1024xf32, #tpu.memory_space<hbm>>) target(%arg7 : memref<1024xf32, #tpu.memory_space<vmem>>) target_semaphore(%run_scoped3A : memref<!tpu.dma_semaphore, #tpu.memory_space<semaphore_mem>>)
      tpu.wait_dma2 semaphore(%run_scoped3A : memref<!tpu.dma_semaphore, #tpu.memory_space<semaphore_mem>>) src(%arg3 : memref<1024xf32, #tpu.memory_space<hbm>>) dst(%arg7 : memref<1024xf32, #tpu.memory_space<vmem>>)
      tpu.yield
    }) : () -> ()
    %get3A = arith.constant 0 : index
    %get3A_3 = tpu.vector_load %arg7[%get3A] {strides = array<i32>} : memref<1024xf32, #tpu.memory_space<vmem>>, vector<16xf32>,
    %get3A_4 = arith.constant 16 : index
    %get3A_5 = tpu.vector_load %arg7[%get3A_4] {strides = array<i32>} : memref<1024xf32, #tpu.memory_space<vmem>>, vector<16xf32>,
    %max3A = arith.maximumf %get3A_3, %get3A_5 : vector<16xf32>
    %get3A_6 = arith.constant 32 : index
    %get3A_7 = tpu.vector_load %arg7[%get3A_6] {strides = array<i32>} : memref<1024xf32, #tpu.memory_space<vmem>>, vector<16xf32>,
    %max3A_8 = arith.maximumf %max3A, %get3A_7 : vector<16xf32>
    %get3A_9 = arith.constant 48 : index
    %get3A_10 = tpu.vector_load %arg7[%get3A_9] {strides = array<i32>} : memref<1024xf32, #tpu.memory_space<vmem>>, vector<16xf32>,
    %max3A_11 = arith.maximumf %max3A_8, %get3A_10 : vector<16xf32>
    %get3A_12 = arith.constant 64 : index
    %get3A_13 = tpu.vector_load %arg7[%get3A_12] {strides = array<i32>} : memref<1024xf32, #tpu.memory_space<vmem>>, vector<16xf32>,
    %max3A_14 = arith.maximumf %max3A_11, %get3A_13 : vector<16xf32>
    %get3A_15 = arith.constant 80 : index
    %get3A_16 = tpu.vector_load %arg7[%get3A_15] {strides = array<i32>} : memref<1024xf32, #tpu.memory_space<vmem>>, vector<16xf32>,
    %max3A_17 = arith.maximumf %max3A_14, %get3A_16 : vector<16xf32>
    %get3A_18 = arith.constant 96 : index
    %get3A_19 = tpu.vector_load %arg7[%get3A_18] {strides = array<i32>} : memref<1024xf32, #tpu.memory_space<vmem>>, vector<16xf32>,
    %max3A_20 = arith.maximumf %max3A_17, %get3A_19 : vector<16xf32>
    %get3A_21 = arith.constant 112 : index
    %get3A_22 = tpu.vector_load %arg7[%get3A_21] {strides = array<i32>} : memref<1024xf32, #tpu.memory_space<vmem>>, vector<16xf32>,
    %max3A_23 = arith.maximumf %max3A_20, %get3A_22 : vector<16xf32>
    %get3A_24 = arith.constant 128 : index
    %get3A_25 = tpu.vector_load %arg7[%get3A_24] {strides = array<i32>} : memref<1024xf32, #tpu.memory_space<vmem>>, vector<16xf32>,
    %max3A_26 = arith.maximumf %max3A_23, %get3A_25 : vector<16xf32>
    %get3A_27 = arith.constant 144 : index
    %get3A_28 = tpu.vector_load %arg7[%get3A_27] {strides = array<i32>} : memref<1024xf32, #tpu.memory_space<vmem>>, vector<16xf32>,
    %max3A_29 = arith.maximumf %max3A_26, %get3A_28 : vector<16xf32>
    %get3A_30 = arith.constant 160 : index
    %get3A_31 = tpu.vector_load %arg7[%get3A_30] {strides = array<i32>} : memref<1024xf32, #tpu.memory_space<vmem>>, vector<16xf32>,
    %max3A_32 = arith.maximumf %max3A_29, %get3A_31 : vector<16xf32>
    %get3A_33 = arith.constant 176 : index
    %get3A_34 = tpu.vector_load %arg7[%get3A_33] {strides = array<i32>} : memref<1024xf32, #tpu.memory_space<vmem>>, vector<16xf32>,
    %max3A_35 = arith.maximumf %max3A_32, %get3A_34 : vector<16xf32>
    %get3A_36 = arith.constant 192 : index
    %get3A_37 = tpu.vector_load %arg7[%get3A_36] {strides = array<i32>} : memref<1024xf32, #tpu.memory_space<vmem>>, vector<16xf32>,
    %max3A_38 = arith.maximumf %max3A_35, %get3A_37 : vector<16xf32>
    %get3A_39 = arith.constant 208 : index
    %get3A_40 = tpu.vector_load %arg7[%get3A_39] {strides = array<i32>} : memref<1024xf32, #tpu.memory_space<vmem>>, vector<16xf32>,
    %max3A_41 = arith.maximumf %max3A_38, %get3A_40 : vector<16xf32>
    %get3A_42 = arith.constant 224 : index
    %get3A_43 = tpu.vector_load %arg7[%get3A_42] {strides = array<i32>} : memref<1024xf32, #tpu.memory_space<vmem>>, vector<16xf32>,
    %max3A_44 = arith.maximumf %max3A_41, %get3A_43 : vector<16xf32>
    %get3A_45 = arith.constant 240 : index
    %get3A_46 = tpu.vector_load %arg7[%get3A_45] {strides = array<i32>} : memref<1024xf32, #tpu.memory_space<vmem>>, vector<16xf32>,
    %max3A_47 = arith.maximumf %max3A_44, %get3A_46 : vector<16xf32>
    %get3A_48 = arith.constant 256 : index
    %get3A_49 = tpu.vector_load %arg7[%get3A_48] {strides = array<i32>} : memref<1024xf32, #tpu.memory_space<vmem>>, vector<16xf32>,
    %max3A_50 = arith.maximumf %max3A_47, %get3A_49 : vector<16xf32>
    %get3A_51 = arith.constant 272 : index
    %get3A_52 = tpu.vector_load %arg7[%get3A_51] {strides = array<i32>} : memref<1024xf32, #tpu.memory_space<vmem>>, vector<16xf32>,
    %max3A_53 = arith.maximumf %max3A_50, %get3A_52 : vector<16xf32>
    %get3A_54 = arith.constant 288 : index
    %get3A_55 = tpu.vector_load %arg7[%get3A_54] {strides = array<i32>} : memref<1024xf32, #tpu.memory_space<vmem>>, vector<16xf32>,
    %max3A_56 = arith.maximumf %max3A_53, %get3A_55 : vector<16xf32>
    %get3A_57 = arith.constant 304 : index
    %get3A_58 = tpu.vector_load %arg7[%get3A_57] {strides = array<i32>} : memref<1024xf32, #tpu.memory_space<vmem>>, vector<16xf32>,
    %max3A_59 = arith.maximumf %max3A_56, %get3A_58 : vector<16xf32>
    %get3A_60 = arith.constant 320 : index
    %get3A_61 = tpu.vector_load %arg7[%get3A_60] {strides = array<i32>} : memref<1024xf32, #tpu.memory_space<vmem>>, vector<16xf32>,
    %max3A_62 = arith.maximumf %max3A_59, %get3A_61 : vector<16xf32>
    %get3A_63 = arith.constant 336 : index
    %get3A_64 = tpu.vector_load %arg7[%get3A_63] {strides = array<i32>} : memref<1024xf32, #tpu.memory_space<vmem>>, vector<16xf32>,
    %max3A_65 = arith.maximumf %max3A_62, %get3A_64 : vector<16xf32>
    %get3A_66 = arith.constant 352 : index
    %get3A_67 = tpu.vector_load %arg7[%get3A_66] {strides = array<i32>} : memref<1024xf32, #tpu.memory_space<vmem>>, vector<16xf32>,
    %max3A_68 = arith.maximumf %max3A_65, %get3A_67 : vector<16xf32>
    %get3A_69 = arith.constant 368 : index
    %get3A_70 = tpu.vector_load %arg7[%get3A_69] {strides = array<i32>} : memref<1024xf32, #tpu.memory_space<vmem>>, vector<16xf32>,
    %max3A_71 = arith.maximumf %max3A_68, %get3A_70 : vector<16xf32>
    %get3A_72 = arith.constant 384 : index
    %get3A_73 = tpu.vector_load %arg7[%get3A_72] {strides = array<i32>} : memref<1024xf32, #tpu.memory_space<vmem>>, vector<16xf32>,
    %max3A_74 = arith.maximumf %max3A_71, %get3A_73 : vector<16xf32>
    %get3A_75 = arith.constant 400 : index
    %get3A_76 = tpu.vector_load %arg7[%get3A_75] {strides = array<i32>} : memref<1024xf32, #tpu.memory_space<vmem>>, vector<16xf32>,
    %max3A_77 = arith.maximumf %max3A_74, %get3A_76 : vector<16xf32>
    %get3A_78 = arith.constant 416 : index
    %get3A_79 = tpu.vector_load %arg7[%get3A_78] {strides = array<i32>} : memref<1024xf32, #tpu.memory_space<vmem>>, vector<16xf32>,
    %max3A_80 = arith.maximumf %max3A_77, %get3A_79 : vector<16xf32>
    %get3A_81 = arith.constant 432 : index
    %get3A_82 = tpu.vector_load %arg7[%get3A_81] {strides = array<i32>} : memref<1024xf32, #tpu.memory_space<vmem>>, vector<16xf32>,
    %max3A_83 = arith.maximumf %max3A_80, %get3A_82 : vector<16xf32>
    %get3A_84 = arith.constant 448 : index
    %get3A_85 = tpu.vector_load %arg7[%get3A_84] {strides = array<i32>} : memref<1024xf32, #tpu.memory_space<vmem>>, vector<16xf32>,
    %max3A_86 = arith.maximumf %max3A_83, %get3A_85 : vector<16xf32>
    %get3A_87 = arith.constant 464 : index
    %get3A_88 = tpu.vector_load %arg7[%get3A_87] {strides = array<i32>} : memref<1024xf32, #tpu.memory_space<vmem>>, vector<16xf32>,
    %max3A_89 = arith.maximumf %max3A_86, %get3A_88 : vector<16xf32>
    %get3A_90 = arith.constant 480 : index
    %get3A_91 = tpu.vector_load %arg7[%get3A_90] {strides = array<i32>} : memref<1024xf32, #tpu.memory_space<vmem>>, vector<16xf32>,
    %max3A_92 = arith.maximumf %max3A_89, %get3A_91 : vector<16xf32>
    %get3A_93 = arith.constant 496 : index
    %get3A_94 = tpu.vector_load %arg7[%get3A_93] {strides = array<i32>} : memref<1024xf32, #tpu.memory_space<vmem>>, vector<16xf32>,
    %max3A_95 = arith.maximumf %max3A_92, %get3A_94 : vector<16xf32>
    %broadcast_in_dim3A = arith.constant 0.000000e+00 : f32
    %broadcast_in_dim3A_96 = vector.broadcast %broadcast_in_dim3A : f32 to vector<16xf32>
    %get3A_97 = arith.constant 512 : index
    %get3A_98 = tpu.vector_load %arg7[%get3A_97] {strides = array<i32>} : memref<1024xf32, #tpu.memory_space<vmem>>, vector<16xf32>,
    %get3A_99 = arith.constant 0 : index
    %get3A_100 = tpu.vector_load %arg7[%get3A_99] {strides = array<i32>} : memref<1024xf32, #tpu.memory_space<vmem>>, vector<16xf32>,
    %sub3A = arith.subf %get3A_100, %max3A_95 : vector<16xf32>
    %exp3A = math.exp %sub3A : vector<16xf32>
    %mul3A_101 = arith.mulf %get3A_98, %exp3A : vector<16xf32>
    %add3A_102 = arith.addf %broadcast_in_dim3A_96, %mul3A_101 : vector<16xf32>
    %get3A_103 = arith.constant 528 : index
    %get3A_104 = tpu.vector_load %arg7[%get3A_103] {strides = array<i32>} : memref<1024xf32, #tpu.memory_space<vmem>>, vector<16xf32>,
    %get3A_105 = arith.constant 16 : index
    %get3A_106 = tpu.vector_load %arg7[%get3A_105] {strides = array<i32>} : memref<1024xf32, #tpu.memory_space<vmem>>, vector<16xf32>,
    %sub3A_107 = arith.subf %get3A_106, %max3A_95 : vector<16xf32>
    %exp3A_108 = math.exp %sub3A_107 : vector<16xf32>
    %mul3A_109 = arith.mulf %get3A_104, %exp3A_108 : vector<16xf32>
    %add3A_110 = arith.addf %add3A_102, %mul3A_109 : vector<16xf32>
    %get3A_111 = arith.constant 544 : index
    %get3A_112 = tpu.vector_load %arg7[%get3A_111] {strides = array<i32>} : memref<1024xf32, #tpu.memory_space<vmem>>, vector<16xf32>,
    %get3A_113 = arith.constant 32 : index
    %get3A_114 = tpu.vector_load %arg7[%get3A_113] {strides = array<i32>} : memref<1024xf32, #tpu.memory_space<vmem>>, vector<16xf32>,
    %sub3A_115 = arith.subf %get3A_114, %max3A_95 : vector<16xf32>
    %exp3A_116 = math.exp %sub3A_115 : vector<16xf32>
    %mul3A_117 = arith.mulf %get3A_112, %exp3A_116 : vector<16xf32>
    %add3A_118 = arith.addf %add3A_110, %mul3A_117 : vector<16xf32>
    %get3A_119 = arith.constant 560 : index
    %get3A_120 = tpu.vector_load %arg7[%get3A_119] {strides = array<i32>} : memref<1024xf32, #tpu.memory_space<vmem>>, vector<16xf32>,
    %get3A_121 = arith.constant 48 : index
    %get3A_122 = tpu.vector_load %arg7[%get3A_121] {strides = array<i32>} : memref<1024xf32, #tpu.memory_space<vmem>>, vector<16xf32>,
    %sub3A_123 = arith.subf %get3A_122, %max3A_95 : vector<16xf32>
    %exp3A_124 = math.exp %sub3A_123 : vector<16xf32>
    %mul3A_125 = arith.mulf %get3A_120, %exp3A_124 : vector<16xf32>
    %add3A_126 = arith.addf %add3A_118, %mul3A_125 : vector<16xf32>
    %get3A_127 = arith.constant 576 : index
    %get3A_128 = tpu.vector_load %arg7[%get3A_127] {strides = array<i32>} : memref<1024xf32, #tpu.memory_space<vmem>>, vector<16xf32>,
    %get3A_129 = arith.constant 64 : index
    %get3A_130 = tpu.vector_load %arg7[%get3A_129] {strides = array<i32>} : memref<1024xf32, #tpu.memory_space<vmem>>, vector<16xf32>,
    %sub3A_131 = arith.subf %get3A_130, %max3A_95 : vector<16xf32>
    %exp3A_132 = math.exp %sub3A_131 : vector<16xf32>
    %mul3A_133 = arith.mulf %get3A_128, %exp3A_132 : vector<16xf32>
    %add3A_134 = arith.addf %add3A_126, %mul3A_133 : vector<16xf32>
    %get3A_135 = arith.constant 592 : index
    %get3A_136 = tpu.vector_load %arg7[%get3A_135] {strides = array<i32>} : memref<1024xf32, #tpu.memory_space<vmem>>, vector<16xf32>,
    %get3A_137 = arith.constant 80 : index
    %get3A_138 = tpu.vector_load %arg7[%get3A_137] {strides = array<i32>} : memref<1024xf32, #tpu.memory_space<vmem>>, vector<16xf32>,
    %sub3A_139 = arith.subf %get3A_138, %max3A_95 : vector<16xf32>
    %exp3A_140 = math.exp %sub3A_139 : vector<16xf32>
    %mul3A_141 = arith.mulf %get3A_136, %exp3A_140 : vector<16xf32>
    %add3A_142 = arith.addf %add3A_134, %mul3A_141 : vector<16xf32>
    %get3A_143 = arith.constant 608 : index
    %get3A_144 = tpu.vector_load %arg7[%get3A_143] {strides = array<i32>} : memref<1024xf32, #tpu.memory_space<vmem>>, vector<16xf32>,
    %get3A_145 = arith.constant 96 : index
    %get3A_146 = tpu.vector_load %arg7[%get3A_145] {strides = array<i32>} : memref<1024xf32, #tpu.memory_space<vmem>>, vector<16xf32>,
    %sub3A_147 = arith.subf %get3A_146, %max3A_95 : vector<16xf32>
    %exp3A_148 = math.exp %sub3A_147 : vector<16xf32>
    %mul3A_149 = arith.mulf %get3A_144, %exp3A_148 : vector<16xf32>
    %add3A_150 = arith.addf %add3A_142, %mul3A_149 : vector<16xf32>
    %get3A_151 = arith.constant 624 : index
    %get3A_152 = tpu.vector_load %arg7[%get3A_151] {strides = array<i32>} : memref<1024xf32, #tpu.memory_space<vmem>>, vector<16xf32>,
    %get3A_153 = arith.constant 112 : index
    %get3A_154 = tpu.vector_load %arg7[%get3A_153] {strides = array<i32>} : memref<1024xf32, #tpu.memory_space<vmem>>, vector<16xf32>,
    %sub3A_155 = arith.subf %get3A_154, %max3A_95 : vector<16xf32>
    %exp3A_156 = math.exp %sub3A_155 : vector<16xf32>
    %mul3A_157 = arith.mulf %get3A_152, %exp3A_156 : vector<16xf32>
    %add3A_158 = arith.addf %add3A_150, %mul3A_157 : vector<16xf32>
    %get3A_159 = arith.constant 640 : index
    %get3A_160 = tpu.vector_load %arg7[%get3A_159] {strides = array<i32>} : memref<1024xf32, #tpu.memory_space<vmem>>, vector<16xf32>,
    %get3A_161 = arith.constant 128 : index
    %get3A_162 = tpu.vector_load %arg7[%get3A_161] {strides = array<i32>} : memref<1024xf32, #tpu.memory_space<vmem>>, vector<16xf32>,
    %sub3A_163 = arith.subf %get3A_162, %max3A_95 : vector<16xf32>
    %exp3A_164 = math.exp %sub3A_163 : vector<16xf32>
    %mul3A_165 = arith.mulf %get3A_160, %exp3A_164 : vector<16xf32>
    %add3A_166 = arith.addf %add3A_158, %mul3A_165 : vector<16xf32>
    %get3A_167 = arith.constant 656 : index
    %get3A_168 = tpu.vector_load %arg7[%get3A_167] {strides = array<i32>} : memref<1024xf32, #tpu.memory_space<vmem>>, vector<16xf32>,
    %get3A_169 = arith.constant 144 : index
    %get3A_170 = tpu.vector_load %arg7[%get3A_169] {strides = array<i32>} : memref<1024xf32, #tpu.memory_space<vmem>>, vector<16xf32>,
    %sub3A_171 = arith.subf %get3A_170, %max3A_95 : vector<16xf32>
    %exp3A_172 = math.exp %sub3A_171 : vector<16xf32>
    %mul3A_173 = arith.mulf %get3A_168, %exp3A_172 : vector<16xf32>
    %add3A_174 = arith.addf %add3A_166, %mul3A_173 : vector<16xf32>
    %get3A_175 = arith.constant 672 : index
    %get3A_176 = tpu.vector_load %arg7[%get3A_175] {strides = array<i32>} : memref<1024xf32, #tpu.memory_space<vmem>>, vector<16xf32>,
    %get3A_177 = arith.constant 160 : index
    %get3A_178 = tpu.vector_load %arg7[%get3A_177] {strides = array<i32>} : memref<1024xf32, #tpu.memory_space<vmem>>, vector<16xf32>,
    %sub3A_179 = arith.subf %get3A_178, %max3A_95 : vector<16xf32>
    %exp3A_180 = math.exp %sub3A_179 : vector<16xf32>
    %mul3A_181 = arith.mulf %get3A_176, %exp3A_180 : vector<16xf32>
    %add3A_182 = arith.addf %add3A_174, %mul3A_181 : vector<16xf32>
    %get3A_183 = arith.constant 688 : index
    %get3A_184 = tpu.vector_load %arg7[%get3A_183] {strides = array<i32>} : memref<1024xf32, #tpu.memory_space<vmem>>, vector<16xf32>,
    %get3A_185 = arith.constant 176 : index
    %get3A_186 = tpu.vector_load %arg7[%get3A_185] {strides = array<i32>} : memref<1024xf32, #tpu.memory_space<vmem>>, vector<16xf32>,
    %sub3A_187 = arith.subf %get3A_186, %max3A_95 : vector<16xf32>
    %exp3A_188 = math.exp %sub3A_187 : vector<16xf32>
    %mul3A_189 = arith.mulf %get3A_184, %exp3A_188 : vector<16xf32>
    %add3A_190 = arith.addf %add3A_182, %mul3A_189 : vector<16xf32>
    %get3A_191 = arith.constant 704 : index
    %get3A_192 = tpu.vector_load %arg7[%get3A_191] {strides = array<i32>} : memref<1024xf32, #tpu.memory_space<vmem>>, vector<16xf32>,
    %get3A_193 = arith.constant 192 : index
    %get3A_194 = tpu.vector_load %arg7[%get3A_193] {strides = array<i32>} : memref<1024xf32, #tpu.memory_space<vmem>>, vector<16xf32>,
    %sub3A_195 = arith.subf %get3A_194, %max3A_95 : vector<16xf32>
    %exp3A_196 = math.exp %sub3A_195 : vector<16xf32>
    %mul3A_197 = arith.mulf %get3A_192, %exp3A_196 : vector<16xf32>
    %add3A_198 = arith.addf %add3A_190, %mul3A_197 : vector<16xf32>
    %get3A_199 = arith.constant 720 : index
    %get3A_200 = tpu.vector_load %arg7[%get3A_199] {strides = array<i32>} : memref<1024xf32, #tpu.memory_space<vmem>>, vector<16xf32>,
    %get3A_201 = arith.constant 208 : index
    %get3A_202 = tpu.vector_load %arg7[%get3A_201] {strides = array<i32>} : memref<1024xf32, #tpu.memory_space<vmem>>, vector<16xf32>,
    %sub3A_203 = arith.subf %get3A_202, %max3A_95 : vector<16xf32>
    %exp3A_204 = math.exp %sub3A_203 : vector<16xf32>
    %mul3A_205 = arith.mulf %get3A_200, %exp3A_204 : vector<16xf32>
    %add3A_206 = arith.addf %add3A_198, %mul3A_205 : vector<16xf32>
    %get3A_207 = arith.constant 736 : index
    %get3A_208 = tpu.vector_load %arg7[%get3A_207] {strides = array<i32>} : memref<1024xf32, #tpu.memory_space<vmem>>, vector<16xf32>,
    %get3A_209 = arith.constant 224 : index
    %get3A_210 = tpu.vector_load %arg7[%get3A_209] {strides = array<i32>} : memref<1024xf32, #tpu.memory_space<vmem>>, vector<16xf32>,
    %sub3A_211 = arith.subf %get3A_210, %max3A_95 : vector<16xf32>
    %exp3A_212 = math.exp %sub3A_211 : vector<16xf32>
    %mul3A_213 = arith.mulf %get3A_208, %exp3A_212 : vector<16xf32>
    %add3A_214 = arith.addf %add3A_206, %mul3A_213 : vector<16xf32>
    %get3A_215 = arith.constant 752 : index
    %get3A_216 = tpu.vector_load %arg7[%get3A_215] {strides = array<i32>} : memref<1024xf32, #tpu.memory_space<vmem>>, vector<16xf32>,
    %get3A_217 = arith.constant 240 : index
    %get3A_218 = tpu.vector_load %arg7[%get3A_217] {strides = array<i32>} : memref<1024xf32, #tpu.memory_space<vmem>>, vector<16xf32>,
    %sub3A_219 = arith.subf %get3A_218, %max3A_95 : vector<16xf32>
    %exp3A_220 = math.exp %sub3A_219 : vector<16xf32>
    %mul3A_221 = arith.mulf %get3A_216, %exp3A_220 : vector<16xf32>
    %add3A_222 = arith.addf %add3A_214, %mul3A_221 : vector<16xf32>
    %get3A_223 = arith.constant 768 : index
    %get3A_224 = tpu.vector_load %arg7[%get3A_223] {strides = array<i32>} : memref<1024xf32, #tpu.memory_space<vmem>>, vector<16xf32>,
    %get3A_225 = arith.constant 256 : index
    %get3A_226 = tpu.vector_load %arg7[%get3A_225] {strides = array<i32>} : memref<1024xf32, #tpu.memory_space<vmem>>, vector<16xf32>,
    %sub3A_227 = arith.subf %get3A_226, %max3A_95 : vector<16xf32>
    %exp3A_228 = math.exp %sub3A_227 : vector<16xf32>
    %mul3A_229 = arith.mulf %get3A_224, %exp3A_228 : vector<16xf32>
    %add3A_230 = arith.addf %add3A_222, %mul3A_229 : vector<16xf32>
    %get3A_231 = arith.constant 784 : index
    %get3A_232 = tpu.vector_load %arg7[%get3A_231] {strides = array<i32>} : memref<1024xf32, #tpu.memory_space<vmem>>, vector<16xf32>,
    %get3A_233 = arith.constant 272 : index
    %get3A_234 = tpu.vector_load %arg7[%get3A_233] {strides = array<i32>} : memref<1024xf32, #tpu.memory_space<vmem>>, vector<16xf32>,
    %sub3A_235 = arith.subf %get3A_234, %max3A_95 : vector<16xf32>
    %exp3A_236 = math.exp %sub3A_235 : vector<16xf32>
    %mul3A_237 = arith.mulf %get3A_232, %exp3A_236 : vector<16xf32>
    %add3A_238 = arith.addf %add3A_230, %mul3A_237 : vector<16xf32>
    %get3A_239 = arith.constant 800 : index
    %get3A_240 = tpu.vector_load %arg7[%get3A_239] {strides = array<i32>} : memref<1024xf32, #tpu.memory_space<vmem>>, vector<16xf32>,
    %get3A_241 = arith.constant 288 : index
    %get3A_242 = tpu.vector_load %arg7[%get3A_241] {strides = array<i32>} : memref<1024xf32, #tpu.memory_space<vmem>>, vector<16xf32>,
    %sub3A_243 = arith.subf %get3A_242, %max3A_95 : vector<16xf32>
    %exp3A_244 = math.exp %sub3A_243 : vector<16xf32>
    %mul3A_245 = arith.mulf %get3A_240, %exp3A_244 : vector<16xf32>
    %add3A_246 = arith.addf %add3A_238, %mul3A_245 : vector<16xf32>
    %get3A_247 = arith.constant 816 : index
    %get3A_248 = tpu.vector_load %arg7[%get3A_247] {strides = array<i32>} : memref<1024xf32, #tpu.memory_space<vmem>>, vector<16xf32>,
    %get3A_249 = arith.constant 304 : index
    %get3A_250 = tpu.vector_load %arg7[%get3A_249] {strides = array<i32>} : memref<1024xf32, #tpu.memory_space<vmem>>, vector<16xf32>,
    %sub3A_251 = arith.subf %get3A_250, %max3A_95 : vector<16xf32>
    %exp3A_252 = math.exp %sub3A_251 : vector<16xf32>
    %mul3A_253 = arith.mulf %get3A_248, %exp3A_252 : vector<16xf32>
    %add3A_254 = arith.addf %add3A_246, %mul3A_253 : vector<16xf32>
    %get3A_255 = arith.constant 832 : index
    %get3A_256 = tpu.vector_load %arg7[%get3A_255] {strides = array<i32>} : memref<1024xf32, #tpu.memory_space<vmem>>, vector<16xf32>,
    %get3A_257 = arith.constant 320 : index
    %get3A_258 = tpu.vector_load %arg7[%get3A_257] {strides = array<i32>} : memref<1024xf32, #tpu.memory_space<vmem>>, vector<16xf32>,
    %sub3A_259 = arith.subf %get3A_258, %max3A_95 : vector<16xf32>
    %exp3A_260 = math.exp %sub3A_259 : vector<16xf32>
    %mul3A_261 = arith.mulf %get3A_256, %exp3A_260 : vector<16xf32>
    %add3A_262 = arith.addf %add3A_254, %mul3A_261 : vector<16xf32>
    %get3A_263 = arith.constant 848 : index
    %get3A_264 = tpu.vector_load %arg7[%get3A_263] {strides = array<i32>} : memref<1024xf32, #tpu.memory_space<vmem>>, vector<16xf32>,
    %get3A_265 = arith.constant 336 : index
    %get3A_266 = tpu.vector_load %arg7[%get3A_265] {strides = array<i32>} : memref<1024xf32, #tpu.memory_space<vmem>>, vector<16xf32>,
    %sub3A_267 = arith.subf %get3A_266, %max3A_95 : vector<16xf32>
    %exp3A_268 = math.exp %sub3A_267 : vector<16xf32>
    %mul3A_269 = arith.mulf %get3A_264, %exp3A_268 : vector<16xf32>
    %add3A_270 = arith.addf %add3A_262, %mul3A_269 : vector<16xf32>
    %get3A_271 = arith.constant 864 : index
    %get3A_272 = tpu.vector_load %arg7[%get3A_271] {strides = array<i32>} : memref<1024xf32, #tpu.memory_space<vmem>>, vector<16xf32>,
    %get3A_273 = arith.constant 352 : index
    %get3A_274 = tpu.vector_load %arg7[%get3A_273] {strides = array<i32>} : memref<1024xf32, #tpu.memory_space<vmem>>, vector<16xf32>,
    %sub3A_275 = arith.subf %get3A_274, %max3A_95 : vector<16xf32>
    %exp3A_276 = math.exp %sub3A_275 : vector<16xf32>
    %mul3A_277 = arith.mulf %get3A_272, %exp3A_276 : vector<16xf32>
    %add3A_278 = arith.addf %add3A_270, %mul3A_277 : vector<16xf32>
    %get3A_279 = arith.constant 880 : index
    %get3A_280 = tpu.vector_load %arg7[%get3A_279] {strides = array<i32>} : memref<1024xf32, #tpu.memory_space<vmem>>, vector<16xf32>,
    %get3A_281 = arith.constant 368 : index
    %get3A_282 = tpu.vector_load %arg7[%get3A_281] {strides = array<i32>} : memref<1024xf32, #tpu.memory_space<vmem>>, vector<16xf32>,
    %sub3A_283 = arith.subf %get3A_282, %max3A_95 : vector<16xf32>
    %exp3A_284 = math.exp %sub3A_283 : vector<16xf32>
    %mul3A_285 = arith.mulf %get3A_280, %exp3A_284 : vector<16xf32>
    %add3A_286 = arith.addf %add3A_278, %mul3A_285 : vector<16xf32>
    %get3A_287 = arith.constant 896 : index
    %get3A_288 = tpu.vector_load %arg7[%get3A_287] {strides = array<i32>} : memref<1024xf32, #tpu.memory_space<vmem>>, vector<16xf32>,
    %get3A_289 = arith.constant 384 : index
    %get3A_290 = tpu.vector_load %arg7[%get3A_289] {strides = array<i32>} : memref<1024xf32, #tpu.memory_space<vmem>>, vector<16xf32>,
    %sub3A_291 = arith.subf %get3A_290, %max3A_95 : vector<16xf32>
    %exp3A_292 = math.exp %sub3A_291 : vector<16xf32>
    %mul3A_293 = arith.mulf %get3A_288, %exp3A_292 : vector<16xf32>
    %add3A_294 = arith.addf %add3A_286, %mul3A_293 : vector<16xf32>
    %get3A_295 = arith.constant 912 : index
    %get3A_296 = tpu.vector_load %arg7[%get3A_295] {strides = array<i32>} : memref<1024xf32, #tpu.memory_space<vmem>>, vector<16xf32>,
    %get3A_297 = arith.constant 400 : index
    %get3A_298 = tpu.vector_load %arg7[%get3A_297] {strides = array<i32>} : memref<1024xf32, #tpu.memory_space<vmem>>, vector<16xf32>,
    %sub3A_299 = arith.subf %get3A_298, %max3A_95 : vector<16xf32>
    %exp3A_300 = math.exp %sub3A_299 : vector<16xf32>
    %mul3A_301 = arith.mulf %get3A_296, %exp3A_300 : vector<16xf32>
    %add3A_302 = arith.addf %add3A_294, %mul3A_301 : vector<16xf32>
    %get3A_303 = arith.constant 928 : index
    %get3A_304 = tpu.vector_load %arg7[%get3A_303] {strides = array<i32>} : memref<1024xf32, #tpu.memory_space<vmem>>, vector<16xf32>,
    %get3A_305 = arith.constant 416 : index
    %get3A_306 = tpu.vector_load %arg7[%get3A_305] {strides = array<i32>} : memref<1024xf32, #tpu.memory_space<vmem>>, vector<16xf32>,
    %sub3A_307 = arith.subf %get3A_306, %max3A_95 : vector<16xf32>
    %exp3A_308 = math.exp %sub3A_307 : vector<16xf32>
    %mul3A_309 = arith.mulf %get3A_304, %exp3A_308 : vector<16xf32>
    %add3A_310 = arith.addf %add3A_302, %mul3A_309 : vector<16xf32>
    %get3A_311 = arith.constant 944 : index
    %get3A_312 = tpu.vector_load %arg7[%get3A_311] {strides = array<i32>} : memref<1024xf32, #tpu.memory_space<vmem>>, vector<16xf32>,
    %get3A_313 = arith.constant 432 : index
    %get3A_314 = tpu.vector_load %arg7[%get3A_313] {strides = array<i32>} : memref<1024xf32, #tpu.memory_space<vmem>>, vector<16xf32>,
    %sub3A_315 = arith.subf %get3A_314, %max3A_95 : vector<16xf32>
    %exp3A_316 = math.exp %sub3A_315 : vector<16xf32>
    %mul3A_317 = arith.mulf %get3A_312, %exp3A_316 : vector<16xf32>
    %add3A_318 = arith.addf %add3A_310, %mul3A_317 : vector<16xf32>
    %get3A_319 = arith.constant 960 : index
    %get3A_320 = tpu.vector_load %arg7[%get3A_319] {strides = array<i32>} : memref<1024xf32, #tpu.memory_space<vmem>>, vector<16xf32>,
    %get3A_321 = arith.constant 448 : index
    %get3A_322 = tpu.vector_load %arg7[%get3A_321] {strides = array<i32>} : memref<1024xf32, #tpu.memory_space<vmem>>, vector<16xf32>,
    %sub3A_323 = arith.subf %get3A_322, %max3A_95 : vector<16xf32>
    %exp3A_324 = math.exp %sub3A_323 : vector<16xf32>
    %mul3A_325 = arith.mulf %get3A_320, %exp3A_324 : vector<16xf32>
    %add3A_326 = arith.addf %add3A_318, %mul3A_325 : vector<16xf32>
    %get3A_327 = arith.constant 976 : index
    %get3A_328 = tpu.vector_load %arg7[%get3A_327] {strides = array<i32>} : memref<1024xf32, #tpu.memory_space<vmem>>, vector<16xf32>,
    %get3A_329 = arith.constant 464 : index
    %get3A_330 = tpu.vector_load %arg7[%get3A_329] {strides = array<i32>} : memref<1024xf32, #tpu.memory_space<vmem>>, vector<16xf32>,
    %sub3A_331 = arith.subf %get3A_330, %max3A_95 : vector<16xf32>
    %exp3A_332 = math.exp %sub3A_331 : vector<16xf32>
    %mul3A_333 = arith.mulf %get3A_328, %exp3A_332 : vector<16xf32>
    %add3A_334 = arith.addf %add3A_326, %mul3A_333 : vector<16xf32>
    %get3A_335 = arith.constant 992 : index
    %get3A_336 = tpu.vector_load %arg7[%get3A_335] {strides = array<i32>} : memref<1024xf32, #tpu.memory_space<vmem>>, vector<16xf32>,
    %get3A_337 = arith.constant 480 : index
    %get3A_338 = tpu.vector_load %arg7[%get3A_337] {strides = array<i32>} : memref<1024xf32, #tpu.memory_space<vmem>>, vector<16xf32>,
    %sub3A_339 = arith.subf %get3A_338, %max3A_95 : vector<16xf32>
    %exp3A_340 = math.exp %sub3A_339 : vector<16xf32>
    %mul3A_341 = arith.mulf %get3A_336, %exp3A_340 : vector<16xf32>
    %add3A_342 = arith.addf %add3A_334, %mul3A_341 : vector<16xf32>
    %get3A_343 = arith.constant 1008 : index
    %get3A_344 = tpu.vector_load %arg7[%get3A_343] {strides = array<i32>} : memref<1024xf32, #tpu.memory_space<vmem>>, vector<16xf32>,
    %get3A_345 = arith.constant 496 : index
    %get3A_346 = tpu.vector_load %arg7[%get3A_345] {strides = array<i32>} : memref<1024xf32, #tpu.memory_space<vmem>>, vector<16xf32>,
    %sub3A_347 = arith.subf %get3A_346, %max3A_95 : vector<16xf32>
    %exp3A_348 = math.exp %sub3A_347 : vector<16xf32>
    %mul3A_349 = arith.mulf %get3A_344, %exp3A_348 : vector<16xf32>
    %add3A_350 = arith.addf %add3A_342, %mul3A_349 : vector<16xf32>
    %mul3A_351 = arith.constant 16 : i32
    %mul3A_352 = arith.muli %add3A, %mul3A_351 : i32
    %get3A_353 = arith.index_cast %mul3A_352 : i32 to index
    %get3A_354 = tpu.vector_load %arg7[%get3A_353] {strides = array<i32>} : memref<1024xf32, #tpu.memory_space<vmem>>, vector<16xf32>,
    %sub3A_355 = arith.subf %get3A_354, %max3A_95 : vector<16xf32>
    %exp3A_356 = math.exp %sub3A_355 : vector<16xf32>
    %div3A = arith.divf %exp3A_356, %add3A_350 : vector<16xf32>
    %parallel_loop3A = arith.constant 0 : i32
    %parallel_loop3A_357 = arith.constant 640 : i32
    %parallel_loop3A_358 = arith.constant 1 : i32
    scf.for %parallel_loop3A_1442 = %parallel_loop3A to %parallel_loop3A_357 step %parallel_loop3A_358  : i32 {
      %parallel_loop3A_1443 = arith.constant 0.000000e+00 : f32
      %parallel_loop3A_1444 = vector.broadcast %parallel_loop3A_1443 : f32 to vector<16xf32>
      %parallel_loop3A_1445 = arith.constant 16 : i32
      %parallel_loop3A_1446 = arith.muli %parallel_loop3A_1442, %parallel_loop3A_1445 : i32
      %parallel_loop3A_1447 = arith.index_cast %parallel_loop3A_1446 : i32 to index
      %parallel_loop3A_1448 = tpu.vector_load %arg10[%parallel_loop3A_1447] {strides = array<i32>} : memref<10240xf32, #tpu.memory_space<vmem>>, vector<16xf32>,
      tpu.vector_store %arg10[%parallel_loop3A_1447], %parallel_loop3A_1444 {strides = array<i32>} : memref<10240xf32, #tpu.memory_space<vmem>>, vector<16xf32>,
    } {sc.loop_unroll_factor = 4 : i64, sc.parallel_access}
    %scan3A = arith.constant 0 : i32
    %scan3A_359 = arith.constant 0 : i32
    %scan3A_360 = arith.constant 5 : i32
    %scan3A_361 = arith.addi %scan3A_359, %scan3A_360 : i32
    %scan3A_362 = arith.constant 1 : i32
    %scan3A_363 = scf.for %scan3A_1442 = %scan3A_359 to %scan3A_361 step %scan3A_362 iter_args(%scan3A_1443 = %scan3A) -> (i32)  : i32 {
      %mul3A_1444 = arith.constant 2000 : i32
      %mul3A_1445 = arith.muli %scan3A_1442, %mul3A_1444 : i32
      %add3A_1446 = arith.addi %mul3A_2, %mul3A_1445 : i32
      "tpu.region"() ({
        %run_scoped3A = tpu.sem_alloc : memref<!tpu.dma_semaphore, #tpu.memory_space<semaphore_mem>>
        %dma_start3A_1451 = tpu.memref_slice %arg2[%add3A_1446] : memref<320000xf32, #tpu.memory_space<hbm>> -> memref<2000xf32, #tpu.memory_space<hbm>>
        %dma_start3A_1452 = tpu.memref_slice %arg2[%add3A_1446] : memref<320000xf32, #tpu.memory_space<hbm>> -> memref<2000xf32, #tpu.memory_space<hbm>>
        tpu.enqueue_dma source(%dma_start3A_1452 : memref<2000xf32, #tpu.memory_space<hbm>>) target(%arg8 : memref<2000xf32, #tpu.memory_space<vmem>>) target_semaphore(%run_scoped3A : memref<!tpu.dma_semaphore, #tpu.memory_space<semaphore_mem>>)
        %dma_wait3A_1453 = tpu.memref_slice %arg2[%add3A_1446] : memref<320000xf32, #tpu.memory_space<hbm>> -> memref<2000xf32, #tpu.memory_space<hbm>>
        %dma_wait3A_1454 = tpu.memref_slice %arg2[%add3A_1446] : memref<320000xf32, #tpu.memory_space<hbm>> -> memref<2000xf32, #tpu.memory_space<hbm>>
        tpu.wait_dma2 semaphore(%run_scoped3A : memref<!tpu.dma_semaphore, #tpu.memory_space<semaphore_mem>>) src(%dma_wait3A_1454 : memref<2000xf32, #tpu.memory_space<hbm>>) dst(%arg8 : memref<2000xf32, #tpu.memory_space<vmem>>)
        tpu.yield
      }) : () -> ()
      "tpu.region"() ({
        %run_scoped3A = tpu.sem_alloc : memref<!tpu.dma_semaphore, #tpu.memory_space<semaphore_mem>>
        %dma_start3A_1451 = tpu.memref_slice %arg4[%add3A_1446] : memref<320000xi32, #tpu.memory_space<hbm>> -> memref<2000xi32, #tpu.memory_space<hbm>>
        %dma_start3A_1452 = tpu.memref_slice %arg4[%add3A_1446] : memref<320000xi32, #tpu.memory_space<hbm>> -> memref<2000xi32, #tpu.memory_space<hbm>>
        tpu.enqueue_dma source(%dma_start3A_1452 : memref<2000xi32, #tpu.memory_space<hbm>>) target(%arg9 : memref<2000xi32, #tpu.memory_space<vmem>>) target_semaphore(%run_scoped3A : memref<!tpu.dma_semaphore, #tpu.memory_space<semaphore_mem>>)
        %dma_wait3A_1453 = tpu.memref_slice %arg4[%add3A_1446] : memref<320000xi32, #tpu.memory_space<hbm>> -> memref<2000xi32, #tpu.memory_space<hbm>>
        %dma_wait3A_1454 = tpu.memref_slice %arg4[%add3A_1446] : memref<320000xi32, #tpu.memory_space<hbm>> -> memref<2000xi32, #tpu.memory_space<hbm>>
        tpu.wait_dma2 semaphore(%run_scoped3A : memref<!tpu.dma_semaphore, #tpu.memory_space<semaphore_mem>>) src(%dma_wait3A_1454 : memref<2000xi32, #tpu.memory_space<hbm>>) dst(%arg9 : memref<2000xi32, #tpu.memory_space<vmem>>)
        tpu.yield
      }) : () -> ()
      %parallel_loop3A_1447 = arith.constant 0 : i32
      %parallel_loop3A_1448 = arith.constant 125 : i32
      %parallel_loop3A_1449 = arith.constant 1 : i32
      scf.for %parallel_loop3A_1451 = %parallel_loop3A_1447 to %parallel_loop3A_1448 step %parallel_loop3A_1449  : i32 {
        %parallel_loop3A_1452 = arith.constant 16 : i32
        %parallel_loop3A_1453 = arith.muli %parallel_loop3A_1451, %parallel_loop3A_1452 : i32
        %parallel_loop3A_1454 = arith.index_cast %parallel_loop3A_1453 : i32 to index
        %parallel_loop3A_1455 = tpu.vector_load %arg8[%parallel_loop3A_1454] {strides = array<i32>} : memref<2000xf32, #tpu.memory_space<vmem>>, vector<16xf32>,
        %parallel_loop3A_1456 = arith.mulf %parallel_loop3A_1455, %div3A : vector<16xf32>
        %parallel_loop3A_1457 = arith.constant 16 : i32
        %parallel_loop3A_1458 = arith.muli %parallel_loop3A_1451, %parallel_loop3A_1457 : i32
        %parallel_loop3A_1459 = arith.index_cast %parallel_loop3A_1458 : i32 to index
        %parallel_loop3A_1460 = tpu.vector_load %arg8[%parallel_loop3A_1459] {strides = array<i32>} : memref<2000xf32, #tpu.memory_space<vmem>>, vector<16xf32>,
        tpu.vector_store %arg8[%parallel_loop3A_1459], %parallel_loop3A_1456 {strides = array<i32>} : memref<2000xf32, #tpu.memory_space<vmem>>, vector<16xf32>,
        %parallel_loop3A_1461 = arith.constant 16 : i32
        %parallel_loop3A_1462 = arith.muli %parallel_loop3A_1451, %parallel_loop3A_1461 : i32
        %parallel_loop3A_1463 = arith.index_cast %parallel_loop3A_1462 : i32 to index
        %parallel_loop3A_1464 = tpu.vector_load %arg9[%parallel_loop3A_1463] {strides = array<i32>} : memref<2000xi32, #tpu.memory_space<vmem>>, vector<16xi32>,
        tpu.vector_store_idx %arg10[%parallel_loop3A_1464], %parallel_loop3A_1456 {add = true} : memref<10240xf32, #tpu.memory_space<vmem>>[vector<16xi32>], vector<16xf32>,
      } {sc.loop_unroll_factor = 4 : i64, sc.parallel_access}
      "tpu.region"() ({
        %run_scoped3A = tpu.sem_alloc : memref<!tpu.dma_semaphore, #tpu.memory_space<semaphore_mem>>
        %dma_start3A_1451 = tpu.memref_slice %arg5[%add3A_1446] : memref<320000xf32, #tpu.memory_space<hbm>> -> memref<2000xf32, #tpu.memory_space<hbm>>
        %dma_start3A_1452 = tpu.memref_slice %arg5[%add3A_1446] : memref<320000xf32, #tpu.memory_space<hbm>> -> memref<2000xf32, #tpu.memory_space<hbm>>
        tpu.enqueue_dma source(%arg8 : memref<2000xf32, #tpu.memory_space<vmem>>) target(%dma_start3A_1452 : memref<2000xf32, #tpu.memory_space<hbm>>) target_semaphore(%run_scoped3A : memref<!tpu.dma_semaphore, #tpu.memory_space<semaphore_mem>>)
        %dma_wait3A_1453 = tpu.memref_slice %arg5[%add3A_1446] : memref<320000xf32, #tpu.memory_space<hbm>> -> memref<2000xf32, #tpu.memory_space<hbm>>
        %dma_wait3A_1454 = tpu.memref_slice %arg5[%add3A_1446] : memref<320000xf32, #tpu.memory_space<hbm>> -> memref<2000xf32, #tpu.memory_space<hbm>>
        tpu.wait_dma2 semaphore(%run_scoped3A : memref<!tpu.dma_semaphore, #tpu.memory_space<semaphore_mem>>) src(%arg8 : memref<2000xf32, #tpu.memory_space<vmem>>) dst(%dma_wait3A_1454 : memref<2000xf32, #tpu.memory_space<hbm>>)
        tpu.yield
      }) : () -> ()
      %scan3A_1450 = arith.constant 0 : i32
      scf.yield %scan3A_1450 : i32
    }
    %scan3A_364 = arith.constant 5 : i32
    %mul3A_365 = arith.constant 2560 : i32
    %mul3A_366 = arith.muli %arg1, %mul3A_365 : i32
    "tpu.region"() ({
      %run_scoped3A = tpu.sem_alloc : memref<!tpu.dma_semaphore, #tpu.memory_space<semaphore_mem>>
      %dma_start3A_1442 = arith.constant 0 : i32
      %dma_start3A_1443 = tpu.memref_slice %arg10[%dma_start3A_1442] : memref<10240xf32, #tpu.memory_space<vmem>> -> memref<2560xf32, #tpu.memory_space<vmem>>
      %dma_start3A_1444 = tpu.memref_slice %arg13[%mul3A_366] : memref<40960xf32, #tpu.memory_space<vmem_shared>> -> memref<2560xf32, #tpu.memory_space<vmem_shared>>
      %dma_start3A_1445 = tpu.memref_slice %arg13[%mul3A_366] : memref<40960xf32, #tpu.memory_space<vmem_shared>> -> memref<2560xf32, #tpu.memory_space<vmem_shared>>
      %dma_start3A_1446 = arith.constant 0 : i32
      %dma_start3A_1447 = tpu.memref_slice %arg10[%dma_start3A_1446] : memref<10240xf32, #tpu.memory_space<vmem>> -> memref<2560xf32, #tpu.memory_space<vmem>>
      tpu.enqueue_dma source(%dma_start3A_1447 : memref<2560xf32, #tpu.memory_space<vmem>>) target(%dma_start3A_1445 : memref<2560xf32, #tpu.memory_space<vmem_shared>>) target_semaphore(%run_scoped3A : memref<!tpu.dma_semaphore, #tpu.memory_space<semaphore_mem>>)
      %dma_wait3A_1448 = arith.constant 0 : i32
      %dma_wait3A_1449 = tpu.memref_slice %arg10[%dma_wait3A_1448] : memref<10240xf32, #tpu.memory_space<vmem>> -> memref<2560xf32, #tpu.memory_space<vmem>>
      %dma_wait3A_1450 = tpu.memref_slice %arg13[%mul3A_366] : memref<40960xf32, #tpu.memory_space<vmem_shared>> -> memref<2560xf32, #tpu.memory_space<vmem_shared>>
      %dma_wait3A_1451 = tpu.memref_slice %arg13[%mul3A_366] : memref<40960xf32, #tpu.memory_space<vmem_shared>> -> memref<2560xf32, #tpu.memory_space<vmem_shared>>
      %dma_wait3A_1452 = arith.constant 0 : i32
      %dma_wait3A_1453 = tpu.memref_slice %arg10[%dma_wait3A_1452] : memref<10240xf32, #tpu.memory_space<vmem>> -> memref<2560xf32, #tpu.memory_space<vmem>>
      tpu.wait_dma2 semaphore(%run_scoped3A : memref<!tpu.dma_semaphore, #tpu.memory_space<semaphore_mem>>) src(%dma_wait3A_1453 : memref<2560xf32, #tpu.memory_space<vmem>>) dst(%dma_wait3A_1451 : memref<2560xf32, #tpu.memory_space<vmem_shared>>)
      tpu.yield
    }) : () -> ()
    %barrier3A = arith.constant 0 : index
    tpu.barrier barrier_id(%barrier3A)
    %mul3A_367 = arith.constant 160 : i32
    %mul3A_368 = arith.muli %arg1, %mul3A_367 : i32
    %add3A_369 = arith.constant 0 : i32
    %add3A_370 = arith.addi %add3A_369, %mul3A_368 : i32
    %dma_start3A = arith.constant 0 : i32
    %dma_start3A_371 = tpu.memref_slice %arg11[%dma_start3A] : memref<2560xf32, #tpu.memory_space<vmem>> -> memref<160xf32, #tpu.memory_space<vmem>>
    %dma_start3A_372 = tpu.memref_slice %arg13[%add3A_370] : memref<40960xf32, #tpu.memory_space<vmem_shared>> -> memref<160xf32, #tpu.memory_space<vmem_shared>>
    %dma_start3A_373 = arith.constant 0 : i32
    %dma_start3A_374 = tpu.memref_slice %arg11[%dma_start3A_373] : memref<2560xf32, #tpu.memory_space<vmem>> -> memref<160xf32, #tpu.memory_space<vmem>>
    %dma_start3A_375 = tpu.memref_slice %arg13[%add3A_370] : memref<40960xf32, #tpu.memory_space<vmem_shared>> -> memref<160xf32, #tpu.memory_space<vmem_shared>>
    tpu.enqueue_dma source(%dma_start3A_375 : memref<160xf32, #tpu.memory_space<vmem_shared>>) target(%dma_start3A_374 : memref<160xf32, #tpu.memory_space<vmem>>) target_semaphore(%arg12 : memref<!tpu.dma_semaphore, #tpu.memory_space<semaphore_mem>>)
    %mul3A_376 = arith.constant 160 : i32
    %mul3A_377 = arith.muli %arg1, %mul3A_376 : i32
    %add3A_378 = arith.constant 2560 : i32
    %add3A_379 = arith.addi %add3A_378, %mul3A_377 : i32
    %dma_start3A_380 = arith.constant 160 : i32
    %dma_start3A_381 = tpu.memref_slice %arg11[%dma_start3A_380] : memref<2560xf32, #tpu.memory_space<vmem>> -> memref<160xf32, #tpu.memory_space<vmem>>
    %dma_start3A_382 = tpu.memref_slice %arg13[%add3A_379] : memref<40960xf32, #tpu.memory_space<vmem_shared>> -> memref<160xf32, #tpu.memory_space<vmem_shared>>
    %dma_start3A_383 = arith.constant 160 : i32
    %dma_start3A_384 = tpu.memref_slice %arg11[%dma_start3A_383] : memref<2560xf32, #tpu.memory_space<vmem>> -> memref<160xf32, #tpu.memory_space<vmem>>
    %dma_start3A_385 = tpu.memref_slice %arg13[%add3A_379] : memref<40960xf32, #tpu.memory_space<vmem_shared>> -> memref<160xf32, #tpu.memory_space<vmem_shared>>
    tpu.enqueue_dma source(%dma_start3A_385 : memref<160xf32, #tpu.memory_space<vmem_shared>>) target(%dma_start3A_384 : memref<160xf32, #tpu.memory_space<vmem>>) target_semaphore(%arg12 : memref<!tpu.dma_semaphore, #tpu.memory_space<semaphore_mem>>)
    %mul3A_386 = arith.constant 160 : i32
    %mul3A_387 = arith.muli %arg1, %mul3A_386 : i32
    %add3A_388 = arith.constant 5120 : i32
    %add3A_389 = arith.addi %add3A_388, %mul3A_387 : i32
    %dma_start3A_390 = arith.constant 320 : i32
    %dma_start3A_391 = tpu.memref_slice %arg11[%dma_start3A_390] : memref<2560xf32, #tpu.memory_space<vmem>> -> memref<160xf32, #tpu.memory_space<vmem>>
    %dma_start3A_392 = tpu.memref_slice %arg13[%add3A_389] : memref<40960xf32, #tpu.memory_space<vmem_shared>> -> memref<160xf32, #tpu.memory_space<vmem_shared>>
    %dma_start3A_393 = arith.constant 320 : i32
    %dma_start3A_394 = tpu.memref_slice %arg11[%dma_start3A_393] : memref<2560xf32, #tpu.memory_space<vmem>> -> memref<160xf32, #tpu.memory_space<vmem>>
    %dma_start3A_395 = tpu.memref_slice %arg13[%add3A_389] : memref<40960xf32, #tpu.memory_space<vmem_shared>> -> memref<160xf32, #tpu.memory_space<vmem_shared>>
    tpu.enqueue_dma source(%dma_start3A_395 : memref<160xf32, #tpu.memory_space<vmem_shared>>) target(%dma_start3A_394 : memref<160xf32, #tpu.memory_space<vmem>>) target_semaphore(%arg12 : memref<!tpu.dma_semaphore, #tpu.memory_space<semaphore_mem>>)
    %mul3A_396 = arith.constant 160 : i32
    %mul3A_397 = arith.muli %arg1, %mul3A_396 : i32
    %add3A_398 = arith.constant 7680 : i32
    %add3A_399 = arith.addi %add3A_398, %mul3A_397 : i32
    %dma_start3A_400 = arith.constant 480 : i32
    %dma_start3A_401 = tpu.memref_slice %arg11[%dma_start3A_400] : memref<2560xf32, #tpu.memory_space<vmem>> -> memref<160xf32, #tpu.memory_space<vmem>>
    %dma_start3A_402 = tpu.memref_slice %arg13[%add3A_399] : memref<40960xf32, #tpu.memory_space<vmem_shared>> -> memref<160xf32, #tpu.memory_space<vmem_shared>>
    %dma_start3A_403 = arith.constant 480 : i32
    %dma_start3A_404 = tpu.memref_slice %arg11[%dma_start3A_403] : memref<2560xf32, #tpu.memory_space<vmem>> -> memref<160xf32, #tpu.memory_space<vmem>>
    %dma_start3A_405 = tpu.memref_slice %arg13[%add3A_399] : memref<40960xf32, #tpu.memory_space<vmem_shared>> -> memref<160xf32, #tpu.memory_space<vmem_shared>>
    tpu.enqueue_dma source(%dma_start3A_405 : memref<160xf32, #tpu.memory_space<vmem_shared>>) target(%dma_start3A_404 : memref<160xf32, #tpu.memory_space<vmem>>) target_semaphore(%arg12 : memref<!tpu.dma_semaphore, #tpu.memory_space<semaphore_mem>>)
    %mul3A_406 = arith.constant 160 : i32
    %mul3A_407 = arith.muli %arg1, %mul3A_406 : i32
    %add3A_408 = arith.constant 10240 : i32
    %add3A_409 = arith.addi %add3A_408, %mul3A_407 : i32
    %dma_start3A_410 = arith.constant 640 : i32
    %dma_start3A_411 = tpu.memref_slice %arg11[%dma_start3A_410] : memref<2560xf32, #tpu.memory_space<vmem>> -> memref<160xf32, #tpu.memory_space<vmem>>
    %dma_start3A_412 = tpu.memref_slice %arg13[%add3A_409] : memref<40960xf32, #tpu.memory_space<vmem_shared>> -> memref<160xf32, #tpu.memory_space<vmem_shared>>
    %dma_start3A_413 = arith.constant 640 : i32
    %dma_start3A_414 = tpu.memref_slice %arg11[%dma_start3A_413] : memref<2560xf32, #tpu.memory_space<vmem>> -> memref<160xf32, #tpu.memory_space<vmem>>
    %dma_start3A_415 = tpu.memref_slice %arg13[%add3A_409] : memref<40960xf32, #tpu.memory_space<vmem_shared>> -> memref<160xf32, #tpu.memory_space<vmem_shared>>
    tpu.enqueue_dma source(%dma_start3A_415 : memref<160xf32, #tpu.memory_space<vmem_shared>>) target(%dma_start3A_414 : memref<160xf32, #tpu.memory_space<vmem>>) target_semaphore(%arg12 : memref<!tpu.dma_semaphore, #tpu.memory_space<semaphore_mem>>)
    %mul3A_416 = arith.constant 160 : i32
    %mul3A_417 = arith.muli %arg1, %mul3A_416 : i32
    %add3A_418 = arith.constant 12800 : i32
    %add3A_419 = arith.addi %add3A_418, %mul3A_417 : i32
    %dma_start3A_420 = arith.constant 800 : i32
    %dma_start3A_421 = tpu.memref_slice %arg11[%dma_start3A_420] : memref<2560xf32, #tpu.memory_space<vmem>> -> memref<160xf32, #tpu.memory_space<vmem>>
    %dma_start3A_422 = tpu.memref_slice %arg13[%add3A_419] : memref<40960xf32, #tpu.memory_space<vmem_shared>> -> memref<160xf32, #tpu.memory_space<vmem_shared>>
    %dma_start3A_423 = arith.constant 800 : i32
    %dma_start3A_424 = tpu.memref_slice %arg11[%dma_start3A_423] : memref<2560xf32, #tpu.memory_space<vmem>> -> memref<160xf32, #tpu.memory_space<vmem>>
    %dma_start3A_425 = tpu.memref_slice %arg13[%add3A_419] : memref<40960xf32, #tpu.memory_space<vmem_shared>> -> memref<160xf32, #tpu.memory_space<vmem_shared>>
    tpu.enqueue_dma source(%dma_start3A_425 : memref<160xf32, #tpu.memory_space<vmem_shared>>) target(%dma_start3A_424 : memref<160xf32, #tpu.memory_space<vmem>>) target_semaphore(%arg12 : memref<!tpu.dma_semaphore, #tpu.memory_space<semaphore_mem>>)
    %mul3A_426 = arith.constant 160 : i32
    %mul3A_427 = arith.muli %arg1, %mul3A_426 : i32
    %add3A_428 = arith.constant 15360 : i32
    %add3A_429 = arith.addi %add3A_428, %mul3A_427 : i32
    %dma_start3A_430 = arith.constant 960 : i32
    %dma_start3A_431 = tpu.memref_slice %arg11[%dma_start3A_430] : memref<2560xf32, #tpu.memory_space<vmem>> -> memref<160xf32, #tpu.memory_space<vmem>>
    %dma_start3A_432 = tpu.memref_slice %arg13[%add3A_429] : memref<40960xf32, #tpu.memory_space<vmem_shared>> -> memref<160xf32, #tpu.memory_space<vmem_shared>>
    %dma_start3A_433 = arith.constant 960 : i32
    %dma_start3A_434 = tpu.memref_slice %arg11[%dma_start3A_433] : memref<2560xf32, #tpu.memory_space<vmem>> -> memref<160xf32, #tpu.memory_space<vmem>>
    %dma_start3A_435 = tpu.memref_slice %arg13[%add3A_429] : memref<40960xf32, #tpu.memory_space<vmem_shared>> -> memref<160xf32, #tpu.memory_space<vmem_shared>>
    tpu.enqueue_dma source(%dma_start3A_435 : memref<160xf32, #tpu.memory_space<vmem_shared>>) target(%dma_start3A_434 : memref<160xf32, #tpu.memory_space<vmem>>) target_semaphore(%arg12 : memref<!tpu.dma_semaphore, #tpu.memory_space<semaphore_mem>>)
    %mul3A_436 = arith.constant 160 : i32
    %mul3A_437 = arith.muli %arg1, %mul3A_436 : i32
    %add3A_438 = arith.constant 17920 : i32
    %add3A_439 = arith.addi %add3A_438, %mul3A_437 : i32
    %dma_start3A_440 = arith.constant 1120 : i32
    %dma_start3A_441 = tpu.memref_slice %arg11[%dma_start3A_440] : memref<2560xf32, #tpu.memory_space<vmem>> -> memref<160xf32, #tpu.memory_space<vmem>>
    %dma_start3A_442 = tpu.memref_slice %arg13[%add3A_439] : memref<40960xf32, #tpu.memory_space<vmem_shared>> -> memref<160xf32, #tpu.memory_space<vmem_shared>>
    %dma_start3A_443 = arith.constant 1120 : i32
    %dma_start3A_444 = tpu.memref_slice %arg11[%dma_start3A_443] : memref<2560xf32, #tpu.memory_space<vmem>> -> memref<160xf32, #tpu.memory_space<vmem>>
    %dma_start3A_445 = tpu.memref_slice %arg13[%add3A_439] : memref<40960xf32, #tpu.memory_space<vmem_shared>> -> memref<160xf32, #tpu.memory_space<vmem_shared>>
    tpu.enqueue_dma source(%dma_start3A_445 : memref<160xf32, #tpu.memory_space<vmem_shared>>) target(%dma_start3A_444 : memref<160xf32, #tpu.memory_space<vmem>>) target_semaphore(%arg12 : memref<!tpu.dma_semaphore, #tpu.memory_space<semaphore_mem>>)
    %mul3A_446 = arith.constant 160 : i32
    %mul3A_447 = arith.muli %arg1, %mul3A_446 : i32
    %add3A_448 = arith.constant 20480 : i32
    %add3A_449 = arith.addi %add3A_448, %mul3A_447 : i32
    %dma_start3A_450 = arith.constant 1280 : i32
    %dma_start3A_451 = tpu.memref_slice %arg11[%dma_start3A_450] : memref<2560xf32, #tpu.memory_space<vmem>> -> memref<160xf32, #tpu.memory_space<vmem>>
    %dma_start3A_452 = tpu.memref_slice %arg13[%add3A_449] : memref<40960xf32, #tpu.memory_space<vmem_shared>> -> memref<160xf32, #tpu.memory_space<vmem_shared>>
    %dma_start3A_453 = arith.constant 1280 : i32
    %dma_start3A_454 = tpu.memref_slice %arg11[%dma_start3A_453] : memref<2560xf32, #tpu.memory_space<vmem>> -> memref<160xf32, #tpu.memory_space<vmem>>
    %dma_start3A_455 = tpu.memref_slice %arg13[%add3A_449] : memref<40960xf32, #tpu.memory_space<vmem_shared>> -> memref<160xf32, #tpu.memory_space<vmem_shared>>
    tpu.enqueue_dma source(%dma_start3A_455 : memref<160xf32, #tpu.memory_space<vmem_shared>>) target(%dma_start3A_454 : memref<160xf32, #tpu.memory_space<vmem>>) target_semaphore(%arg12 : memref<!tpu.dma_semaphore, #tpu.memory_space<semaphore_mem>>)
    %mul3A_456 = arith.constant 160 : i32
    %mul3A_457 = arith.muli %arg1, %mul3A_456 : i32
    %add3A_458 = arith.constant 23040 : i32
    %add3A_459 = arith.addi %add3A_458, %mul3A_457 : i32
    %dma_start3A_460 = arith.constant 1440 : i32
    %dma_start3A_461 = tpu.memref_slice %arg11[%dma_start3A_460] : memref<2560xf32, #tpu.memory_space<vmem>> -> memref<160xf32, #tpu.memory_space<vmem>>
    %dma_start3A_462 = tpu.memref_slice %arg13[%add3A_459] : memref<40960xf32, #tpu.memory_space<vmem_shared>> -> memref<160xf32, #tpu.memory_space<vmem_shared>>
    %dma_start3A_463 = arith.constant 1440 : i32
    %dma_start3A_464 = tpu.memref_slice %arg11[%dma_start3A_463] : memref<2560xf32, #tpu.memory_space<vmem>> -> memref<160xf32, #tpu.memory_space<vmem>>
    %dma_start3A_465 = tpu.memref_slice %arg13[%add3A_459] : memref<40960xf32, #tpu.memory_space<vmem_shared>> -> memref<160xf32, #tpu.memory_space<vmem_shared>>
    tpu.enqueue_dma source(%dma_start3A_465 : memref<160xf32, #tpu.memory_space<vmem_shared>>) target(%dma_start3A_464 : memref<160xf32, #tpu.memory_space<vmem>>) target_semaphore(%arg12 : memref<!tpu.dma_semaphore, #tpu.memory_space<semaphore_mem>>)
    %mul3A_466 = arith.constant 160 : i32
    %mul3A_467 = arith.muli %arg1, %mul3A_466 : i32
    %add3A_468 = arith.constant 25600 : i32
    %add3A_469 = arith.addi %add3A_468, %mul3A_467 : i32
    %dma_start3A_470 = arith.constant 1600 : i32
    %dma_start3A_471 = tpu.memref_slice %arg11[%dma_start3A_470] : memref<2560xf32, #tpu.memory_space<vmem>> -> memref<160xf32, #tpu.memory_space<vmem>>
    %dma_start3A_472 = tpu.memref_slice %arg13[%add3A_469] : memref<40960xf32, #tpu.memory_space<vmem_shared>> -> memref<160xf32, #tpu.memory_space<vmem_shared>>
    %dma_start3A_473 = arith.constant 1600 : i32
    %dma_start3A_474 = tpu.memref_slice %arg11[%dma_start3A_473] : memref<2560xf32, #tpu.memory_space<vmem>> -> memref<160xf32, #tpu.memory_space<vmem>>
    %dma_start3A_475 = tpu.memref_slice %arg13[%add3A_469] : memref<40960xf32, #tpu.memory_space<vmem_shared>> -> memref<160xf32, #tpu.memory_space<vmem_shared>>
    tpu.enqueue_dma source(%dma_start3A_475 : memref<160xf32, #tpu.memory_space<vmem_shared>>) target(%dma_start3A_474 : memref<160xf32, #tpu.memory_space<vmem>>) target_semaphore(%arg12 : memref<!tpu.dma_semaphore, #tpu.memory_space<semaphore_mem>>)
    %mul3A_476 = arith.constant 160 : i32
    %mul3A_477 = arith.muli %arg1, %mul3A_476 : i32
    %add3A_478 = arith.constant 28160 : i32
    %add3A_479 = arith.addi %add3A_478, %mul3A_477 : i32
    %dma_start3A_480 = arith.constant 1760 : i32
    %dma_start3A_481 = tpu.memref_slice %arg11[%dma_start3A_480] : memref<2560xf32, #tpu.memory_space<vmem>> -> memref<160xf32, #tpu.memory_space<vmem>>
    %dma_start3A_482 = tpu.memref_slice %arg13[%add3A_479] : memref<40960xf32, #tpu.memory_space<vmem_shared>> -> memref<160xf32, #tpu.memory_space<vmem_shared>>
    %dma_start3A_483 = arith.constant 1760 : i32
    %dma_start3A_484 = tpu.memref_slice %arg11[%dma_start3A_483] : memref<2560xf32, #tpu.memory_space<vmem>> -> memref<160xf32, #tpu.memory_space<vmem>>
    %dma_start3A_485 = tpu.memref_slice %arg13[%add3A_479] : memref<40960xf32, #tpu.memory_space<vmem_shared>> -> memref<160xf32, #tpu.memory_space<vmem_shared>>
    tpu.enqueue_dma source(%dma_start3A_485 : memref<160xf32, #tpu.memory_space<vmem_shared>>) target(%dma_start3A_484 : memref<160xf32, #tpu.memory_space<vmem>>) target_semaphore(%arg12 : memref<!tpu.dma_semaphore, #tpu.memory_space<semaphore_mem>>)
    %mul3A_486 = arith.constant 160 : i32
    %mul3A_487 = arith.muli %arg1, %mul3A_486 : i32
    %add3A_488 = arith.constant 30720 : i32
    %add3A_489 = arith.addi %add3A_488, %mul3A_487 : i32
    %dma_start3A_490 = arith.constant 1920 : i32
    %dma_start3A_491 = tpu.memref_slice %arg11[%dma_start3A_490] : memref<2560xf32, #tpu.memory_space<vmem>> -> memref<160xf32, #tpu.memory_space<vmem>>
    %dma_start3A_492 = tpu.memref_slice %arg13[%add3A_489] : memref<40960xf32, #tpu.memory_space<vmem_shared>> -> memref<160xf32, #tpu.memory_space<vmem_shared>>
    %dma_start3A_493 = arith.constant 1920 : i32
    %dma_start3A_494 = tpu.memref_slice %arg11[%dma_start3A_493] : memref<2560xf32, #tpu.memory_space<vmem>> -> memref<160xf32, #tpu.memory_space<vmem>>
    %dma_start3A_495 = tpu.memref_slice %arg13[%add3A_489] : memref<40960xf32, #tpu.memory_space<vmem_shared>> -> memref<160xf32, #tpu.memory_space<vmem_shared>>
    tpu.enqueue_dma source(%dma_start3A_495 : memref<160xf32, #tpu.memory_space<vmem_shared>>) target(%dma_start3A_494 : memref<160xf32, #tpu.memory_space<vmem>>) target_semaphore(%arg12 : memref<!tpu.dma_semaphore, #tpu.memory_space<semaphore_mem>>)
    %mul3A_496 = arith.constant 160 : i32
    %mul3A_497 = arith.muli %arg1, %mul3A_496 : i32
    %add3A_498 = arith.constant 33280 : i32
    %add3A_499 = arith.addi %add3A_498, %mul3A_497 : i32
    %dma_start3A_500 = arith.constant 2080 : i32
    %dma_start3A_501 = tpu.memref_slice %arg11[%dma_start3A_500] : memref<2560xf32, #tpu.memory_space<vmem>> -> memref<160xf32, #tpu.memory_space<vmem>>
    %dma_start3A_502 = tpu.memref_slice %arg13[%add3A_499] : memref<40960xf32, #tpu.memory_space<vmem_shared>> -> memref<160xf32, #tpu.memory_space<vmem_shared>>
    %dma_start3A_503 = arith.constant 2080 : i32
    %dma_start3A_504 = tpu.memref_slice %arg11[%dma_start3A_503] : memref<2560xf32, #tpu.memory_space<vmem>> -> memref<160xf32, #tpu.memory_space<vmem>>
    %dma_start3A_505 = tpu.memref_slice %arg13[%add3A_499] : memref<40960xf32, #tpu.memory_space<vmem_shared>> -> memref<160xf32, #tpu.memory_space<vmem_shared>>
    tpu.enqueue_dma source(%dma_start3A_505 : memref<160xf32, #tpu.memory_space<vmem_shared>>) target(%dma_start3A_504 : memref<160xf32, #tpu.memory_space<vmem>>) target_semaphore(%arg12 : memref<!tpu.dma_semaphore, #tpu.memory_space<semaphore_mem>>)
    %mul3A_506 = arith.constant 160 : i32
    %mul3A_507 = arith.muli %arg1, %mul3A_506 : i32
    %add3A_508 = arith.constant 35840 : i32
    %add3A_509 = arith.addi %add3A_508, %mul3A_507 : i32
    %dma_start3A_510 = arith.constant 2240 : i32
    %dma_start3A_511 = tpu.memref_slice %arg11[%dma_start3A_510] : memref<2560xf32, #tpu.memory_space<vmem>> -> memref<160xf32, #tpu.memory_space<vmem>>
    %dma_start3A_512 = tpu.memref_slice %arg13[%add3A_509] : memref<40960xf32, #tpu.memory_space<vmem_shared>> -> memref<160xf32, #tpu.memory_space<vmem_shared>>
    %dma_start3A_513 = arith.constant 2240 : i32
    %dma_start3A_514 = tpu.memref_slice %arg11[%dma_start3A_513] : memref<2560xf32, #tpu.memory_space<vmem>> -> memref<160xf32, #tpu.memory_space<vmem>>
    %dma_start3A_515 = tpu.memref_slice %arg13[%add3A_509] : memref<40960xf32, #tpu.memory_space<vmem_shared>> -> memref<160xf32, #tpu.memory_space<vmem_shared>>
    tpu.enqueue_dma source(%dma_start3A_515 : memref<160xf32, #tpu.memory_space<vmem_shared>>) target(%dma_start3A_514 : memref<160xf32, #tpu.memory_space<vmem>>) target_semaphore(%arg12 : memref<!tpu.dma_semaphore, #tpu.memory_space<semaphore_mem>>)
    %mul3A_516 = arith.constant 160 : i32
    %mul3A_517 = arith.muli %arg1, %mul3A_516 : i32
    %add3A_518 = arith.constant 38400 : i32
    %add3A_519 = arith.addi %add3A_518, %mul3A_517 : i32
    %dma_start3A_520 = arith.constant 2400 : i32
    %dma_start3A_521 = tpu.memref_slice %arg11[%dma_start3A_520] : memref<2560xf32, #tpu.memory_space<vmem>> -> memref<160xf32, #tpu.memory_space<vmem>>
    %dma_start3A_522 = tpu.memref_slice %arg13[%add3A_519] : memref<40960xf32, #tpu.memory_space<vmem_shared>> -> memref<160xf32, #tpu.memory_space<vmem_shared>>
    %dma_start3A_523 = arith.constant 2400 : i32
    %dma_start3A_524 = tpu.memref_slice %arg11[%dma_start3A_523] : memref<2560xf32, #tpu.memory_space<vmem>> -> memref<160xf32, #tpu.memory_space<vmem>>
    %dma_start3A_525 = tpu.memref_slice %arg13[%add3A_519] : memref<40960xf32, #tpu.memory_space<vmem_shared>> -> memref<160xf32, #tpu.memory_space<vmem_shared>>
    tpu.enqueue_dma source(%dma_start3A_525 : memref<160xf32, #tpu.memory_space<vmem_shared>>) target(%dma_start3A_524 : memref<160xf32, #tpu.memory_space<vmem>>) target_semaphore(%arg12 : memref<!tpu.dma_semaphore, #tpu.memory_space<semaphore_mem>>)
    %dma_wait3A = arith.constant 0 : i32
    %dma_wait3A_526 = tpu.memref_slice %arg11[%dma_wait3A] : memref<2560xf32, #tpu.memory_space<vmem>> -> memref<160xf32, #tpu.memory_space<vmem>>
    %dma_wait3A_527 = tpu.memref_slice %arg13[%add3A_370] : memref<40960xf32, #tpu.memory_space<vmem_shared>> -> memref<160xf32, #tpu.memory_space<vmem_shared>>
    %dma_wait3A_528 = arith.constant 0 : i32
    %dma_wait3A_529 = tpu.memref_slice %arg11[%dma_wait3A_528] : memref<2560xf32, #tpu.memory_space<vmem>> -> memref<160xf32, #tpu.memory_space<vmem>>
    %dma_wait3A_530 = tpu.memref_slice %arg13[%add3A_370] : memref<40960xf32, #tpu.memory_space<vmem_shared>> -> memref<160xf32, #tpu.memory_space<vmem_shared>>
    tpu.wait_dma2 semaphore(%arg12 : memref<!tpu.dma_semaphore, #tpu.memory_space<semaphore_mem>>) src(%dma_wait3A_530 : memref<160xf32, #tpu.memory_space<vmem_shared>>) dst(%dma_wait3A_529 : memref<160xf32, #tpu.memory_space<vmem>>)
    %dma_wait3A_531 = arith.constant 160 : i32
    %dma_wait3A_532 = tpu.memref_slice %arg11[%dma_wait3A_531] : memref<2560xf32, #tpu.memory_space<vmem>> -> memref<160xf32, #tpu.memory_space<vmem>>
    %dma_wait3A_533 = tpu.memref_slice %arg13[%add3A_379] : memref<40960xf32, #tpu.memory_space<vmem_shared>> -> memref<160xf32, #tpu.memory_space<vmem_shared>>
    %dma_wait3A_534 = arith.constant 160 : i32
    %dma_wait3A_535 = tpu.memref_slice %arg11[%dma_wait3A_534] : memref<2560xf32, #tpu.memory_space<vmem>> -> memref<160xf32, #tpu.memory_space<vmem>>
    %dma_wait3A_536 = tpu.memref_slice %arg13[%add3A_379] : memref<40960xf32, #tpu.memory_space<vmem_shared>> -> memref<160xf32, #tpu.memory_space<vmem_shared>>
    tpu.wait_dma2 semaphore(%arg12 : memref<!tpu.dma_semaphore, #tpu.memory_space<semaphore_mem>>) src(%dma_wait3A_536 : memref<160xf32, #tpu.memory_space<vmem_shared>>) dst(%dma_wait3A_535 : memref<160xf32, #tpu.memory_space<vmem>>)
    %dma_wait3A_537 = arith.constant 320 : i32
    %dma_wait3A_538 = tpu.memref_slice %arg11[%dma_wait3A_537] : memref<2560xf32, #tpu.memory_space<vmem>> -> memref<160xf32, #tpu.memory_space<vmem>>
    %dma_wait3A_539 = tpu.memref_slice %arg13[%add3A_389] : memref<40960xf32, #tpu.memory_space<vmem_shared>> -> memref<160xf32, #tpu.memory_space<vmem_shared>>
    %dma_wait3A_540 = arith.constant 320 : i32
    %dma_wait3A_541 = tpu.memref_slice %arg11[%dma_wait3A_540] : memref<2560xf32, #tpu.memory_space<vmem>> -> memref<160xf32, #tpu.memory_space<vmem>>
    %dma_wait3A_542 = tpu.memref_slice %arg13[%add3A_389] : memref<40960xf32, #tpu.memory_space<vmem_shared>> -> memref<160xf32, #tpu.memory_space<vmem_shared>>
    tpu.wait_dma2 semaphore(%arg12 : memref<!tpu.dma_semaphore, #tpu.memory_space<semaphore_mem>>) src(%dma_wait3A_542 : memref<160xf32, #tpu.memory_space<vmem_shared>>) dst(%dma_wait3A_541 : memref<160xf32, #tpu.memory_space<vmem>>)
    %dma_wait3A_543 = arith.constant 480 : i32
    %dma_wait3A_544 = tpu.memref_slice %arg11[%dma_wait3A_543] : memref<2560xf32, #tpu.memory_space<vmem>> -> memref<160xf32, #tpu.memory_space<vmem>>
    %dma_wait3A_545 = tpu.memref_slice %arg13[%add3A_399] : memref<40960xf32, #tpu.memory_space<vmem_shared>> -> memref<160xf32, #tpu.memory_space<vmem_shared>>
    %dma_wait3A_546 = arith.constant 480 : i32
    %dma_wait3A_547 = tpu.memref_slice %arg11[%dma_wait3A_546] : memref<2560xf32, #tpu.memory_space<vmem>> -> memref<160xf32, #tpu.memory_space<vmem>>
    %dma_wait3A_548 = tpu.memref_slice %arg13[%add3A_399] : memref<40960xf32, #tpu.memory_space<vmem_shared>> -> memref<160xf32, #tpu.memory_space<vmem_shared>>
    tpu.wait_dma2 semaphore(%arg12 : memref<!tpu.dma_semaphore, #tpu.memory_space<semaphore_mem>>) src(%dma_wait3A_548 : memref<160xf32, #tpu.memory_space<vmem_shared>>) dst(%dma_wait3A_547 : memref<160xf32, #tpu.memory_space<vmem>>)
    %dma_wait3A_549 = arith.constant 640 : i32
    %dma_wait3A_550 = tpu.memref_slice %arg11[%dma_wait3A_549] : memref<2560xf32, #tpu.memory_space<vmem>> -> memref<160xf32, #tpu.memory_space<vmem>>
    %dma_wait3A_551 = tpu.memref_slice %arg13[%add3A_409] : memref<40960xf32, #tpu.memory_space<vmem_shared>> -> memref<160xf32, #tpu.memory_space<vmem_shared>>
    %dma_wait3A_552 = arith.constant 640 : i32
    %dma_wait3A_553 = tpu.memref_slice %arg11[%dma_wait3A_552] : memref<2560xf32, #tpu.memory_space<vmem>> -> memref<160xf32, #tpu.memory_space<vmem>>
    %dma_wait3A_554 = tpu.memref_slice %arg13[%add3A_409] : memref<40960xf32, #tpu.memory_space<vmem_shared>> -> memref<160xf32, #tpu.memory_space<vmem_shared>>
    tpu.wait_dma2 semaphore(%arg12 : memref<!tpu.dma_semaphore, #tpu.memory_space<semaphore_mem>>) src(%dma_wait3A_554 : memref<160xf32, #tpu.memory_space<vmem_shared>>) dst(%dma_wait3A_553 : memref<160xf32, #tpu.memory_space<vmem>>)
    %dma_wait3A_555 = arith.constant 800 : i32
    %dma_wait3A_556 = tpu.memref_slice %arg11[%dma_wait3A_555] : memref<2560xf32, #tpu.memory_space<vmem>> -> memref<160xf32, #tpu.memory_space<vmem>>
    %dma_wait3A_557 = tpu.memref_slice %arg13[%add3A_419] : memref<40960xf32, #tpu.memory_space<vmem_shared>> -> memref<160xf32, #tpu.memory_space<vmem_shared>>
    %dma_wait3A_558 = arith.constant 800 : i32
    %dma_wait3A_559 = tpu.memref_slice %arg11[%dma_wait3A_558] : memref<2560xf32, #tpu.memory_space<vmem>> -> memref<160xf32, #tpu.memory_space<vmem>>
    %dma_wait3A_560 = tpu.memref_slice %arg13[%add3A_419] : memref<40960xf32, #tpu.memory_space<vmem_shared>> -> memref<160xf32, #tpu.memory_space<vmem_shared>>
    tpu.wait_dma2 semaphore(%arg12 : memref<!tpu.dma_semaphore, #tpu.memory_space<semaphore_mem>>) src(%dma_wait3A_560 : memref<160xf32, #tpu.memory_space<vmem_shared>>) dst(%dma_wait3A_559 : memref<160xf32, #tpu.memory_space<vmem>>)
    %dma_wait3A_561 = arith.constant 960 : i32
    %dma_wait3A_562 = tpu.memref_slice %arg11[%dma_wait3A_561] : memref<2560xf32, #tpu.memory_space<vmem>> -> memref<160xf32, #tpu.memory_space<vmem>>
    %dma_wait3A_563 = tpu.memref_slice %arg13[%add3A_429] : memref<40960xf32, #tpu.memory_space<vmem_shared>> -> memref<160xf32, #tpu.memory_space<vmem_shared>>
    %dma_wait3A_564 = arith.constant 960 : i32
    %dma_wait3A_565 = tpu.memref_slice %arg11[%dma_wait3A_564] : memref<2560xf32, #tpu.memory_space<vmem>> -> memref<160xf32, #tpu.memory_space<vmem>>
    %dma_wait3A_566 = tpu.memref_slice %arg13[%add3A_429] : memref<40960xf32, #tpu.memory_space<vmem_shared>> -> memref<160xf32, #tpu.memory_space<vmem_shared>>
    tpu.wait_dma2 semaphore(%arg12 : memref<!tpu.dma_semaphore, #tpu.memory_space<semaphore_mem>>) src(%dma_wait3A_566 : memref<160xf32, #tpu.memory_space<vmem_shared>>) dst(%dma_wait3A_565 : memref<160xf32, #tpu.memory_space<vmem>>)
    %dma_wait3A_567 = arith.constant 1120 : i32
    %dma_wait3A_568 = tpu.memref_slice %arg11[%dma_wait3A_567] : memref<2560xf32, #tpu.memory_space<vmem>> -> memref<160xf32, #tpu.memory_space<vmem>>
    %dma_wait3A_569 = tpu.memref_slice %arg13[%add3A_439] : memref<40960xf32, #tpu.memory_space<vmem_shared>> -> memref<160xf32, #tpu.memory_space<vmem_shared>>
    %dma_wait3A_570 = arith.constant 1120 : i32
    %dma_wait3A_571 = tpu.memref_slice %arg11[%dma_wait3A_570] : memref<2560xf32, #tpu.memory_space<vmem>> -> memref<160xf32, #tpu.memory_space<vmem>>
    %dma_wait3A_572 = tpu.memref_slice %arg13[%add3A_439] : memref<40960xf32, #tpu.memory_space<vmem_shared>> -> memref<160xf32, #tpu.memory_space<vmem_shared>>
    tpu.wait_dma2 semaphore(%arg12 : memref<!tpu.dma_semaphore, #tpu.memory_space<semaphore_mem>>) src(%dma_wait3A_572 : memref<160xf32, #tpu.memory_space<vmem_shared>>) dst(%dma_wait3A_571 : memref<160xf32, #tpu.memory_space<vmem>>)
    %dma_wait3A_573 = arith.constant 1280 : i32
    %dma_wait3A_574 = tpu.memref_slice %arg11[%dma_wait3A_573] : memref<2560xf32, #tpu.memory_space<vmem>> -> memref<160xf32, #tpu.memory_space<vmem>>
    %dma_wait3A_575 = tpu.memref_slice %arg13[%add3A_449] : memref<40960xf32, #tpu.memory_space<vmem_shared>> -> memref<160xf32, #tpu.memory_space<vmem_shared>>
    %dma_wait3A_576 = arith.constant 1280 : i32
    %dma_wait3A_577 = tpu.memref_slice %arg11[%dma_wait3A_576] : memref<2560xf32, #tpu.memory_space<vmem>> -> memref<160xf32, #tpu.memory_space<vmem>>
    %dma_wait3A_578 = tpu.memref_slice %arg13[%add3A_449] : memref<40960xf32, #tpu.memory_space<vmem_shared>> -> memref<160xf32, #tpu.memory_space<vmem_shared>>
    tpu.wait_dma2 semaphore(%arg12 : memref<!tpu.dma_semaphore, #tpu.memory_space<semaphore_mem>>) src(%dma_wait3A_578 : memref<160xf32, #tpu.memory_space<vmem_shared>>) dst(%dma_wait3A_577 : memref<160xf32, #tpu.memory_space<vmem>>)
    %dma_wait3A_579 = arith.constant 1440 : i32
    %dma_wait3A_580 = tpu.memref_slice %arg11[%dma_wait3A_579] : memref<2560xf32, #tpu.memory_space<vmem>> -> memref<160xf32, #tpu.memory_space<vmem>>
    %dma_wait3A_581 = tpu.memref_slice %arg13[%add3A_459] : memref<40960xf32, #tpu.memory_space<vmem_shared>> -> memref<160xf32, #tpu.memory_space<vmem_shared>>
    %dma_wait3A_582 = arith.constant 1440 : i32
    %dma_wait3A_583 = tpu.memref_slice %arg11[%dma_wait3A_582] : memref<2560xf32, #tpu.memory_space<vmem>> -> memref<160xf32, #tpu.memory_space<vmem>>
    %dma_wait3A_584 = tpu.memref_slice %arg13[%add3A_459] : memref<40960xf32, #tpu.memory_space<vmem_shared>> -> memref<160xf32, #tpu.memory_space<vmem_shared>>
    tpu.wait_dma2 semaphore(%arg12 : memref<!tpu.dma_semaphore, #tpu.memory_space<semaphore_mem>>) src(%dma_wait3A_584 : memref<160xf32, #tpu.memory_space<vmem_shared>>) dst(%dma_wait3A_583 : memref<160xf32, #tpu.memory_space<vmem>>)
    %dma_wait3A_585 = arith.constant 1600 : i32
    %dma_wait3A_586 = tpu.memref_slice %arg11[%dma_wait3A_585] : memref<2560xf32, #tpu.memory_space<vmem>> -> memref<160xf32, #tpu.memory_space<vmem>>
    %dma_wait3A_587 = tpu.memref_slice %arg13[%add3A_469] : memref<40960xf32, #tpu.memory_space<vmem_shared>> -> memref<160xf32, #tpu.memory_space<vmem_shared>>
    %dma_wait3A_588 = arith.constant 1600 : i32
    %dma_wait3A_589 = tpu.memref_slice %arg11[%dma_wait3A_588] : memref<2560xf32, #tpu.memory_space<vmem>> -> memref<160xf32, #tpu.memory_space<vmem>>
    %dma_wait3A_590 = tpu.memref_slice %arg13[%add3A_469] : memref<40960xf32, #tpu.memory_space<vmem_shared>> -> memref<160xf32, #tpu.memory_space<vmem_shared>>
    tpu.wait_dma2 semaphore(%arg12 : memref<!tpu.dma_semaphore, #tpu.memory_space<semaphore_mem>>) src(%dma_wait3A_590 : memref<160xf32, #tpu.memory_space<vmem_shared>>) dst(%dma_wait3A_589 : memref<160xf32, #tpu.memory_space<vmem>>)
    %dma_wait3A_591 = arith.constant 1760 : i32
    %dma_wait3A_592 = tpu.memref_slice %arg11[%dma_wait3A_591] : memref<2560xf32, #tpu.memory_space<vmem>> -> memref<160xf32, #tpu.memory_space<vmem>>
    %dma_wait3A_593 = tpu.memref_slice %arg13[%add3A_479] : memref<40960xf32, #tpu.memory_space<vmem_shared>> -> memref<160xf32, #tpu.memory_space<vmem_shared>>
    %dma_wait3A_594 = arith.constant 1760 : i32
    %dma_wait3A_595 = tpu.memref_slice %arg11[%dma_wait3A_594] : memref<2560xf32, #tpu.memory_space<vmem>> -> memref<160xf32, #tpu.memory_space<vmem>>
    %dma_wait3A_596 = tpu.memref_slice %arg13[%add3A_479] : memref<40960xf32, #tpu.memory_space<vmem_shared>> -> memref<160xf32, #tpu.memory_space<vmem_shared>>
    tpu.wait_dma2 semaphore(%arg12 : memref<!tpu.dma_semaphore, #tpu.memory_space<semaphore_mem>>) src(%dma_wait3A_596 : memref<160xf32, #tpu.memory_space<vmem_shared>>) dst(%dma_wait3A_595 : memref<160xf32, #tpu.memory_space<vmem>>)
    %dma_wait3A_597 = arith.constant 1920 : i32
    %dma_wait3A_598 = tpu.memref_slice %arg11[%dma_wait3A_597] : memref<2560xf32, #tpu.memory_space<vmem>> -> memref<160xf32, #tpu.memory_space<vmem>>
    %dma_wait3A_599 = tpu.memref_slice %arg13[%add3A_489] : memref<40960xf32, #tpu.memory_space<vmem_shared>> -> memref<160xf32, #tpu.memory_space<vmem_shared>>
    %dma_wait3A_600 = arith.constant 1920 : i32
    %dma_wait3A_601 = tpu.memref_slice %arg11[%dma_wait3A_600] : memref<2560xf32, #tpu.memory_space<vmem>> -> memref<160xf32, #tpu.memory_space<vmem>>
    %dma_wait3A_602 = tpu.memref_slice %arg13[%add3A_489] : memref<40960xf32, #tpu.memory_space<vmem_shared>> -> memref<160xf32, #tpu.memory_space<vmem_shared>>
    tpu.wait_dma2 semaphore(%arg12 : memref<!tpu.dma_semaphore, #tpu.memory_space<semaphore_mem>>) src(%dma_wait3A_602 : memref<160xf32, #tpu.memory_space<vmem_shared>>) dst(%dma_wait3A_601 : memref<160xf32, #tpu.memory_space<vmem>>)
    %dma_wait3A_603 = arith.constant 2080 : i32
    %dma_wait3A_604 = tpu.memref_slice %arg11[%dma_wait3A_603] : memref<2560xf32, #tpu.memory_space<vmem>> -> memref<160xf32, #tpu.memory_space<vmem>>
    %dma_wait3A_605 = tpu.memref_slice %arg13[%add3A_499] : memref<40960xf32, #tpu.memory_space<vmem_shared>> -> memref<160xf32, #tpu.memory_space<vmem_shared>>
    %dma_wait3A_606 = arith.constant 2080 : i32
    %dma_wait3A_607 = tpu.memref_slice %arg11[%dma_wait3A_606] : memref<2560xf32, #tpu.memory_space<vmem>> -> memref<160xf32, #tpu.memory_space<vmem>>
    %dma_wait3A_608 = tpu.memref_slice %arg13[%add3A_499] : memref<40960xf32, #tpu.memory_space<vmem_shared>> -> memref<160xf32, #tpu.memory_space<vmem_shared>>
    tpu.wait_dma2 semaphore(%arg12 : memref<!tpu.dma_semaphore, #tpu.memory_space<semaphore_mem>>) src(%dma_wait3A_608 : memref<160xf32, #tpu.memory_space<vmem_shared>>) dst(%dma_wait3A_607 : memref<160xf32, #tpu.memory_space<vmem>>)
    %dma_wait3A_609 = arith.constant 2240 : i32
    %dma_wait3A_610 = tpu.memref_slice %arg11[%dma_wait3A_609] : memref<2560xf32, #tpu.memory_space<vmem>> -> memref<160xf32, #tpu.memory_space<vmem>>
    %dma_wait3A_611 = tpu.memref_slice %arg13[%add3A_509] : memref<40960xf32, #tpu.memory_space<vmem_shared>> -> memref<160xf32, #tpu.memory_space<vmem_shared>>
    %dma_wait3A_612 = arith.constant 2240 : i32
    %dma_wait3A_613 = tpu.memref_slice %arg11[%dma_wait3A_612] : memref<2560xf32, #tpu.memory_space<vmem>> -> memref<160xf32, #tpu.memory_space<vmem>>
    %dma_wait3A_614 = tpu.memref_slice %arg13[%add3A_509] : memref<40960xf32, #tpu.memory_space<vmem_shared>> -> memref<160xf32, #tpu.memory_space<vmem_shared>>
    tpu.wait_dma2 semaphore(%arg12 : memref<!tpu.dma_semaphore, #tpu.memory_space<semaphore_mem>>) src(%dma_wait3A_614 : memref<160xf32, #tpu.memory_space<vmem_shared>>) dst(%dma_wait3A_613 : memref<160xf32, #tpu.memory_space<vmem>>)
    %dma_wait3A_615 = arith.constant 2400 : i32
    %dma_wait3A_616 = tpu.memref_slice %arg11[%dma_wait3A_615] : memref<2560xf32, #tpu.memory_space<vmem>> -> memref<160xf32, #tpu.memory_space<vmem>>
    %dma_wait3A_617 = tpu.memref_slice %arg13[%add3A_519] : memref<40960xf32, #tpu.memory_space<vmem_shared>> -> memref<160xf32, #tpu.memory_space<vmem_shared>>
    %dma_wait3A_618 = arith.constant 2400 : i32
    %dma_wait3A_619 = tpu.memref_slice %arg11[%dma_wait3A_618] : memref<2560xf32, #tpu.memory_space<vmem>> -> memref<160xf32, #tpu.memory_space<vmem>>
    %dma_wait3A_620 = tpu.memref_slice %arg13[%add3A_519] : memref<40960xf32, #tpu.memory_space<vmem_shared>> -> memref<160xf32, #tpu.memory_space<vmem_shared>>
    tpu.wait_dma2 semaphore(%arg12 : memref<!tpu.dma_semaphore, #tpu.memory_space<semaphore_mem>>) src(%dma_wait3A_620 : memref<160xf32, #tpu.memory_space<vmem_shared>>) dst(%dma_wait3A_619 : memref<160xf32, #tpu.memory_space<vmem>>)
    %parallel_loop3A_621 = arith.constant 0 : i32
    %parallel_loop3A_622 = arith.constant 10 : i32
    %parallel_loop3A_623 = arith.constant 1 : i32
    scf.for %parallel_loop3A_1442 = %parallel_loop3A_621 to %parallel_loop3A_622 step %parallel_loop3A_623  : i32 {
      %parallel_loop3A_1443 = arith.constant 16 : i32
      %parallel_loop3A_1444 = arith.muli %parallel_loop3A_1442, %parallel_loop3A_1443 : i32
      %parallel_loop3A_1445 = arith.index_cast %parallel_loop3A_1444 : i32 to index
      %parallel_loop3A_1446 = tpu.vector_load %arg11[%parallel_loop3A_1445] {strides = array<i32>} : memref<2560xf32, #tpu.memory_space<vmem>>, vector<16xf32>,
      %parallel_loop3A_1447 = arith.constant 16 : i32
      %parallel_loop3A_1448 = arith.muli %parallel_loop3A_1442, %parallel_loop3A_1447 : i32
      %parallel_loop3A_1449 = arith.constant 160 : i32
      %parallel_loop3A_1450 = arith.addi %parallel_loop3A_1449, %parallel_loop3A_1448 : i32
      %parallel_loop3A_1451 = arith.index_cast %parallel_loop3A_1450 : i32 to index
      %parallel_loop3A_1452 = tpu.vector_load %arg11[%parallel_loop3A_1451] {strides = array<i32>} : memref<2560xf32, #tpu.memory_space<vmem>>, vector<16xf32>,
      %parallel_loop3A_1453 = arith.addf %parallel_loop3A_1446, %parallel_loop3A_1452 : vector<16xf32>
      %parallel_loop3A_1454 = arith.constant 16 : i32
      %parallel_loop3A_1455 = arith.muli %parallel_loop3A_1442, %parallel_loop3A_1454 : i32
      %parallel_loop3A_1456 = arith.constant 320 : i32
      %parallel_loop3A_1457 = arith.addi %parallel_loop3A_1456, %parallel_loop3A_1455 : i32
      %parallel_loop3A_1458 = arith.index_cast %parallel_loop3A_1457 : i32 to index
      %parallel_loop3A_1459 = tpu.vector_load %arg11[%parallel_loop3A_1458] {strides = array<i32>} : memref<2560xf32, #tpu.memory_space<vmem>>, vector<16xf32>,
      %parallel_loop3A_1460 = arith.addf %parallel_loop3A_1453, %parallel_loop3A_1459 : vector<16xf32>
      %parallel_loop3A_1461 = arith.constant 16 : i32
      %parallel_loop3A_1462 = arith.muli %parallel_loop3A_1442, %parallel_loop3A_1461 : i32
      %parallel_loop3A_1463 = arith.constant 480 : i32
      %parallel_loop3A_1464 = arith.addi %parallel_loop3A_1463, %parallel_loop3A_1462 : i32
      %parallel_loop3A_1465 = arith.index_cast %parallel_loop3A_1464 : i32 to index
      %parallel_loop3A_1466 = tpu.vector_load %arg11[%parallel_loop3A_1465] {strides = array<i32>} : memref<2560xf32, #tpu.memory_space<vmem>>, vector<16xf32>,
      %parallel_loop3A_1467 = arith.addf %parallel_loop3A_1460, %parallel_loop3A_1466 : vector<16xf32>
      %parallel_loop3A_1468 = arith.constant 16 : i32
      %parallel_loop3A_1469 = arith.muli %parallel_loop3A_1442, %parallel_loop3A_1468 : i32
      %parallel_loop3A_1470 = arith.constant 640 : i32
      %parallel_loop3A_1471 = arith.addi %parallel_loop3A_1470, %parallel_loop3A_1469 : i32
      %parallel_loop3A_1472 = arith.index_cast %parallel_loop3A_1471 : i32 to index
      %parallel_loop3A_1473 = tpu.vector_load %arg11[%parallel_loop3A_1472] {strides = array<i32>} : memref<2560xf32, #tpu.memory_space<vmem>>, vector<16xf32>,
      %parallel_loop3A_1474 = arith.addf %parallel_loop3A_1467, %parallel_loop3A_1473 : vector<16xf32>
      %parallel_loop3A_1475 = arith.constant 16 : i32
      %parallel_loop3A_1476 = arith.muli %parallel_loop3A_1442, %parallel_loop3A_1475 : i32
      %parallel_loop3A_1477 = arith.constant 800 : i32
      %parallel_loop3A_1478 = arith.addi %parallel_loop3A_1477, %parallel_loop3A_1476 : i32
      %parallel_loop3A_1479 = arith.index_cast %parallel_loop3A_1478 : i32 to index
      %parallel_loop3A_1480 = tpu.vector_load %arg11[%parallel_loop3A_1479] {strides = array<i32>} : memref<2560xf32, #tpu.memory_space<vmem>>, vector<16xf32>,
      %parallel_loop3A_1481 = arith.addf %parallel_loop3A_1474, %parallel_loop3A_1480 : vector<16xf32>
      %parallel_loop3A_1482 = arith.constant 16 : i32
      %parallel_loop3A_1483 = arith.muli %parallel_loop3A_1442, %parallel_loop3A_1482 : i32
      %parallel_loop3A_1484 = arith.constant 960 : i32
      %parallel_loop3A_1485 = arith.addi %parallel_loop3A_1484, %parallel_loop3A_1483 : i32
      %parallel_loop3A_1486 = arith.index_cast %parallel_loop3A_1485 : i32 to index
      %parallel_loop3A_1487 = tpu.vector_load %arg11[%parallel_loop3A_1486] {strides = array<i32>} : memref<2560xf32, #tpu.memory_space<vmem>>, vector<16xf32>,
      %parallel_loop3A_1488 = arith.addf %parallel_loop3A_1481, %parallel_loop3A_1487 : vector<16xf32>
      %parallel_loop3A_1489 = arith.constant 16 : i32
      %parallel_loop3A_1490 = arith.muli %parallel_loop3A_1442, %parallel_loop3A_1489 : i32
      %parallel_loop3A_1491 = arith.constant 1120 : i32
      %parallel_loop3A_1492 = arith.addi %parallel_loop3A_1491, %parallel_loop3A_1490 : i32
      %parallel_loop3A_1493 = arith.index_cast %parallel_loop3A_1492 : i32 to index
      %parallel_loop3A_1494 = tpu.vector_load %arg11[%parallel_loop3A_1493] {strides = array<i32>} : memref<2560xf32, #tpu.memory_space<vmem>>, vector<16xf32>,
      %parallel_loop3A_1495 = arith.addf %parallel_loop3A_1488, %parallel_loop3A_1494 : vector<16xf32>
      %parallel_loop3A_1496 = arith.constant 16 : i32
      %parallel_loop3A_1497 = arith.muli %parallel_loop3A_1442, %parallel_loop3A_1496 : i32
      %parallel_loop3A_1498 = arith.constant 1280 : i32
      %parallel_loop3A_1499 = arith.addi %parallel_loop3A_1498, %parallel_loop3A_1497 : i32
      %parallel_loop3A_1500 = arith.index_cast %parallel_loop3A_1499 : i32 to index
      %parallel_loop3A_1501 = tpu.vector_load %arg11[%parallel_loop3A_1500] {strides = array<i32>} : memref<2560xf32, #tpu.memory_space<vmem>>, vector<16xf32>,
      %parallel_loop3A_1502 = arith.addf %parallel_loop3A_1495, %parallel_loop3A_1501 : vector<16xf32>
      %parallel_loop3A_1503 = arith.constant 16 : i32
      %parallel_loop3A_1504 = arith.muli %parallel_loop3A_1442, %parallel_loop3A_1503 : i32
      %parallel_loop3A_1505 = arith.constant 1440 : i32
      %parallel_loop3A_1506 = arith.addi %parallel_loop3A_1505, %parallel_loop3A_1504 : i32
      %parallel_loop3A_1507 = arith.index_cast %parallel_loop3A_1506 : i32 to index
      %parallel_loop3A_1508 = tpu.vector_load %arg11[%parallel_loop3A_1507] {strides = array<i32>} : memref<2560xf32, #tpu.memory_space<vmem>>, vector<16xf32>,
      %parallel_loop3A_1509 = arith.addf %parallel_loop3A_1502, %parallel_loop3A_1508 : vector<16xf32>
      %parallel_loop3A_1510 = arith.constant 16 : i32
      %parallel_loop3A_1511 = arith.muli %parallel_loop3A_1442, %parallel_loop3A_1510 : i32
      %parallel_loop3A_1512 = arith.constant 1600 : i32
      %parallel_loop3A_1513 = arith.addi %parallel_loop3A_1512, %parallel_loop3A_1511 : i32
      %parallel_loop3A_1514 = arith.index_cast %parallel_loop3A_1513 : i32 to index
      %parallel_loop3A_1515 = tpu.vector_load %arg11[%parallel_loop3A_1514] {strides = array<i32>} : memref<2560xf32, #tpu.memory_space<vmem>>, vector<16xf32>,
      %parallel_loop3A_1516 = arith.addf %parallel_loop3A_1509, %parallel_loop3A_1515 : vector<16xf32>
      %parallel_loop3A_1517 = arith.constant 16 : i32
      %parallel_loop3A_1518 = arith.muli %parallel_loop3A_1442, %parallel_loop3A_1517 : i32
      %parallel_loop3A_1519 = arith.constant 1760 : i32
      %parallel_loop3A_1520 = arith.addi %parallel_loop3A_1519, %parallel_loop3A_1518 : i32
      %parallel_loop3A_1521 = arith.index_cast %parallel_loop3A_1520 : i32 to index
      %parallel_loop3A_1522 = tpu.vector_load %arg11[%parallel_loop3A_1521] {strides = array<i32>} : memref<2560xf32, #tpu.memory_space<vmem>>, vector<16xf32>,
      %parallel_loop3A_1523 = arith.addf %parallel_loop3A_1516, %parallel_loop3A_1522 : vector<16xf32>
      %parallel_loop3A_1524 = arith.constant 16 : i32
      %parallel_loop3A_1525 = arith.muli %parallel_loop3A_1442, %parallel_loop3A_1524 : i32
      %parallel_loop3A_1526 = arith.constant 1920 : i32
      %parallel_loop3A_1527 = arith.addi %parallel_loop3A_1526, %parallel_loop3A_1525 : i32
      %parallel_loop3A_1528 = arith.index_cast %parallel_loop3A_1527 : i32 to index
      %parallel_loop3A_1529 = tpu.vector_load %arg11[%parallel_loop3A_1528] {strides = array<i32>} : memref<2560xf32, #tpu.memory_space<vmem>>, vector<16xf32>,
      %parallel_loop3A_1530 = arith.addf %parallel_loop3A_1523, %parallel_loop3A_1529 : vector<16xf32>
      %parallel_loop3A_1531 = arith.constant 16 : i32
      %parallel_loop3A_1532 = arith.muli %parallel_loop3A_1442, %parallel_loop3A_1531 : i32
      %parallel_loop3A_1533 = arith.constant 2080 : i32
      %parallel_loop3A_1534 = arith.addi %parallel_loop3A_1533, %parallel_loop3A_1532 : i32
      %parallel_loop3A_1535 = arith.index_cast %parallel_loop3A_1534 : i32 to index
      %parallel_loop3A_1536 = tpu.vector_load %arg11[%parallel_loop3A_1535] {strides = array<i32>} : memref<2560xf32, #tpu.memory_space<vmem>>, vector<16xf32>,
      %parallel_loop3A_1537 = arith.addf %parallel_loop3A_1530, %parallel_loop3A_1536 : vector<16xf32>
      %parallel_loop3A_1538 = arith.constant 16 : i32
      %parallel_loop3A_1539 = arith.muli %parallel_loop3A_1442, %parallel_loop3A_1538 : i32
      %parallel_loop3A_1540 = arith.constant 2240 : i32
      %parallel_loop3A_1541 = arith.addi %parallel_loop3A_1540, %parallel_loop3A_1539 : i32
      %parallel_loop3A_1542 = arith.index_cast %parallel_loop3A_1541 : i32 to index
      %parallel_loop3A_1543 = tpu.vector_load %arg11[%parallel_loop3A_1542] {strides = array<i32>} : memref<2560xf32, #tpu.memory_space<vmem>>, vector<16xf32>,
      %parallel_loop3A_1544 = arith.addf %parallel_loop3A_1537, %parallel_loop3A_1543 : vector<16xf32>
      %parallel_loop3A_1545 = arith.constant 16 : i32
      %parallel_loop3A_1546 = arith.muli %parallel_loop3A_1442, %parallel_loop3A_1545 : i32
      %parallel_loop3A_1547 = arith.constant 2400 : i32
      %parallel_loop3A_1548 = arith.addi %parallel_loop3A_1547, %parallel_loop3A_1546 : i32
      %parallel_loop3A_1549 = arith.index_cast %parallel_loop3A_1548 : i32 to index
      %parallel_loop3A_1550 = tpu.vector_load %arg11[%parallel_loop3A_1549] {strides = array<i32>} : memref<2560xf32, #tpu.memory_space<vmem>>, vector<16xf32>,
      %parallel_loop3A_1551 = arith.addf %parallel_loop3A_1544, %parallel_loop3A_1550 : vector<16xf32>
      %parallel_loop3A_1552 = arith.constant 16 : i32
      %parallel_loop3A_1553 = arith.muli %parallel_loop3A_1442, %parallel_loop3A_1552 : i32
      %parallel_loop3A_1554 = arith.index_cast %parallel_loop3A_1553 : i32 to index
      %parallel_loop3A_1555 = tpu.vector_load %arg8[%parallel_loop3A_1554] {strides = array<i32>} : memref<2000xf32, #tpu.memory_space<vmem>>, vector<16xf32>,
      tpu.vector_store %arg8[%parallel_loop3A_1554], %parallel_loop3A_1551 {strides = array<i32>} : memref<2000xf32, #tpu.memory_space<vmem>>, vector<16xf32>,
    } {sc.loop_unroll_factor = 2 : i64, sc.parallel_access}
    %mul3A_624 = arith.constant 10240 : i32
    %mul3A_625 = arith.muli %arg0, %mul3A_624 : i32
    %add3A_626 = arith.constant 0 : i32
    %add3A_627 = arith.addi %mul3A_625, %add3A_626 : i32
    %mul3A_628 = arith.constant 160 : i32
    %mul3A_629 = arith.muli %arg1, %mul3A_628 : i32
    %add3A_630 = arith.addi %add3A_627, %mul3A_629 : i32
    "tpu.region"() ({
      %run_scoped3A = tpu.sem_alloc : memref<!tpu.dma_semaphore, #tpu.memory_space<semaphore_mem>>
      %dma_start3A_1442 = arith.constant 0 : i32
      %dma_start3A_1443 = tpu.memref_slice %arg8[%dma_start3A_1442] : memref<2000xf32, #tpu.memory_space<vmem>> -> memref<160xf32, #tpu.memory_space<vmem>>
      %dma_start3A_1444 = tpu.memref_slice %arg6[%add3A_630] : memref<20480xf32, #tpu.memory_space<hbm>> -> memref<160xf32, #tpu.memory_space<hbm>>
      %dma_start3A_1445 = tpu.memref_slice %arg6[%add3A_630] : memref<20480xf32, #tpu.memory_space<hbm>> -> memref<160xf32, #tpu.memory_space<hbm>>
      %dma_start3A_1446 = arith.constant 0 : i32
      %dma_start3A_1447 = tpu.memref_slice %arg8[%dma_start3A_1446] : memref<2000xf32, #tpu.memory_space<vmem>> -> memref<160xf32, #tpu.memory_space<vmem>>
      tpu.enqueue_dma source(%dma_start3A_1447 : memref<160xf32, #tpu.memory_space<vmem>>) target(%dma_start3A_1445 : memref<160xf32, #tpu.memory_space<hbm>>) target_semaphore(%run_scoped3A : memref<!tpu.dma_semaphore, #tpu.memory_space<semaphore_mem>>)
      %dma_wait3A_1448 = arith.constant 0 : i32
      %dma_wait3A_1449 = tpu.memref_slice %arg8[%dma_wait3A_1448] : memref<2000xf32, #tpu.memory_space<vmem>> -> memref<160xf32, #tpu.memory_space<vmem>>
      %dma_wait3A_1450 = tpu.memref_slice %arg6[%add3A_630] : memref<20480xf32, #tpu.memory_space<hbm>> -> memref<160xf32, #tpu.memory_space<hbm>>
      %dma_wait3A_1451 = tpu.memref_slice %arg6[%add3A_630] : memref<20480xf32, #tpu.memory_space<hbm>> -> memref<160xf32, #tpu.memory_space<hbm>>
      %dma_wait3A_1452 = arith.constant 0 : i32
      %dma_wait3A_1453 = tpu.memref_slice %arg8[%dma_wait3A_1452] : memref<2000xf32, #tpu.memory_space<vmem>> -> memref<160xf32, #tpu.memory_space<vmem>>
      tpu.wait_dma2 semaphore(%run_scoped3A : memref<!tpu.dma_semaphore, #tpu.memory_space<semaphore_mem>>) src(%dma_wait3A_1453 : memref<160xf32, #tpu.memory_space<vmem>>) dst(%dma_wait3A_1451 : memref<160xf32, #tpu.memory_space<hbm>>)
      tpu.yield
    }) : () -> ()
    %barrier3A_631 = arith.constant 0 : index
    tpu.barrier barrier_id(%barrier3A_631)
    %mul3A_632 = arith.constant 2560 : i32
    %mul3A_633 = arith.muli %arg1, %mul3A_632 : i32
    "tpu.region"() ({
      %run_scoped3A = tpu.sem_alloc : memref<!tpu.dma_semaphore, #tpu.memory_space<semaphore_mem>>
      %dma_start3A_1442 = arith.constant 2560 : i32
      %dma_start3A_1443 = tpu.memref_slice %arg10[%dma_start3A_1442] : memref<10240xf32, #tpu.memory_space<vmem>> -> memref<2560xf32, #tpu.memory_space<vmem>>
      %dma_start3A_1444 = tpu.memref_slice %arg13[%mul3A_633] : memref<40960xf32, #tpu.memory_space<vmem_shared>> -> memref<2560xf32, #tpu.memory_space<vmem_shared>>
      %dma_start3A_1445 = tpu.memref_slice %arg13[%mul3A_633] : memref<40960xf32, #tpu.memory_space<vmem_shared>> -> memref<2560xf32, #tpu.memory_space<vmem_shared>>
      %dma_start3A_1446 = arith.constant 2560 : i32
      %dma_start3A_1447 = tpu.memref_slice %arg10[%dma_start3A_1446] : memref<10240xf32, #tpu.memory_space<vmem>> -> memref<2560xf32, #tpu.memory_space<vmem>>
      tpu.enqueue_dma source(%dma_start3A_1447 : memref<2560xf32, #tpu.memory_space<vmem>>) target(%dma_start3A_1445 : memref<2560xf32, #tpu.memory_space<vmem_shared>>) target_semaphore(%run_scoped3A : memref<!tpu.dma_semaphore, #tpu.memory_space<semaphore_mem>>)
      %dma_wait3A_1448 = arith.constant 2560 : i32
      %dma_wait3A_1449 = tpu.memref_slice %arg10[%dma_wait3A_1448] : memref<10240xf32, #tpu.memory_space<vmem>> -> memref<2560xf32, #tpu.memory_space<vmem>>
      %dma_wait3A_1450 = tpu.memref_slice %arg13[%mul3A_633] : memref<40960xf32, #tpu.memory_space<vmem_shared>> -> memref<2560xf32, #tpu.memory_space<vmem_shared>>
      %dma_wait3A_1451 = tpu.memref_slice %arg13[%mul3A_633] : memref<40960xf32, #tpu.memory_space<vmem_shared>> -> memref<2560xf32, #tpu.memory_space<vmem_shared>>
      %dma_wait3A_1452 = arith.constant 2560 : i32
      %dma_wait3A_1453 = tpu.memref_slice %arg10[%dma_wait3A_1452] : memref<10240xf32, #tpu.memory_space<vmem>> -> memref<2560xf32, #tpu.memory_space<vmem>>
      tpu.wait_dma2 semaphore(%run_scoped3A : memref<!tpu.dma_semaphore, #tpu.memory_space<semaphore_mem>>) src(%dma_wait3A_1453 : memref<2560xf32, #tpu.memory_space<vmem>>) dst(%dma_wait3A_1451 : memref<2560xf32, #tpu.memory_space<vmem_shared>>)
      tpu.yield
    }) : () -> ()
    %barrier3A_634 = arith.constant 0 : index
    tpu.barrier barrier_id(%barrier3A_634)
    %mul3A_635 = arith.constant 160 : i32
    %mul3A_636 = arith.muli %arg1, %mul3A_635 : i32
    %add3A_637 = arith.constant 0 : i32
    %add3A_638 = arith.addi %add3A_637, %mul3A_636 : i32
    %dma_start3A_639 = arith.constant 0 : i32
    %dma_start3A_640 = tpu.memref_slice %arg11[%dma_start3A_639] : memref<2560xf32, #tpu.memory_space<vmem>> -> memref<160xf32, #tpu.memory_space<vmem>>
    %dma_start3A_641 = tpu.memref_slice %arg13[%add3A_638] : memref<40960xf32, #tpu.memory_space<vmem_shared>> -> memref<160xf32, #tpu.memory_space<vmem_shared>>
    %dma_start3A_642 = arith.constant 0 : i32
    %dma_start3A_643 = tpu.memref_slice %arg11[%dma_start3A_642] : memref<2560xf32, #tpu.memory_space<vmem>> -> memref<160xf32, #tpu.memory_space<vmem>>
    %dma_start3A_644 = tpu.memref_slice %arg13[%add3A_638] : memref<40960xf32, #tpu.memory_space<vmem_shared>> -> memref<160xf32, #tpu.memory_space<vmem_shared>>
    tpu.enqueue_dma source(%dma_start3A_644 : memref<160xf32, #tpu.memory_space<vmem_shared>>) target(%dma_start3A_643 : memref<160xf32, #tpu.memory_space<vmem>>) target_semaphore(%arg12 : memref<!tpu.dma_semaphore, #tpu.memory_space<semaphore_mem>>)
    %mul3A_645 = arith.constant 160 : i32
    %mul3A_646 = arith.muli %arg1, %mul3A_645 : i32
    %add3A_647 = arith.constant 2560 : i32
    %add3A_648 = arith.addi %add3A_647, %mul3A_646 : i32
    %dma_start3A_649 = arith.constant 160 : i32
    %dma_start3A_650 = tpu.memref_slice %arg11[%dma_start3A_649] : memref<2560xf32, #tpu.memory_space<vmem>> -> memref<160xf32, #tpu.memory_space<vmem>>
    %dma_start3A_651 = tpu.memref_slice %arg13[%add3A_648] : memref<40960xf32, #tpu.memory_space<vmem_shared>> -> memref<160xf32, #tpu.memory_space<vmem_shared>>
    %dma_start3A_652 = arith.constant 160 : i32
    %dma_start3A_653 = tpu.memref_slice %arg11[%dma_start3A_652] : memref<2560xf32, #tpu.memory_space<vmem>> -> memref<160xf32, #tpu.memory_space<vmem>>
    %dma_start3A_654 = tpu.memref_slice %arg13[%add3A_648] : memref<40960xf32, #tpu.memory_space<vmem_shared>> -> memref<160xf32, #tpu.memory_space<vmem_shared>>
    tpu.enqueue_dma source(%dma_start3A_654 : memref<160xf32, #tpu.memory_space<vmem_shared>>) target(%dma_start3A_653 : memref<160xf32, #tpu.memory_space<vmem>>) target_semaphore(%arg12 : memref<!tpu.dma_semaphore, #tpu.memory_space<semaphore_mem>>)
    %mul3A_655 = arith.constant 160 : i32
    %mul3A_656 = arith.muli %arg1, %mul3A_655 : i32
    %add3A_657 = arith.constant 5120 : i32
    %add3A_658 = arith.addi %add3A_657, %mul3A_656 : i32
    %dma_start3A_659 = arith.constant 320 : i32
    %dma_start3A_660 = tpu.memref_slice %arg11[%dma_start3A_659] : memref<2560xf32, #tpu.memory_space<vmem>> -> memref<160xf32, #tpu.memory_space<vmem>>
    %dma_start3A_661 = tpu.memref_slice %arg13[%add3A_658] : memref<40960xf32, #tpu.memory_space<vmem_shared>> -> memref<160xf32, #tpu.memory_space<vmem_shared>>
    %dma_start3A_662 = arith.constant 320 : i32
    %dma_start3A_663 = tpu.memref_slice %arg11[%dma_start3A_662] : memref<2560xf32, #tpu.memory_space<vmem>> -> memref<160xf32, #tpu.memory_space<vmem>>
    %dma_start3A_664 = tpu.memref_slice %arg13[%add3A_658] : memref<40960xf32, #tpu.memory_space<vmem_shared>> -> memref<160xf32, #tpu.memory_space<vmem_shared>>
    tpu.enqueue_dma source(%dma_start3A_664 : memref<160xf32, #tpu.memory_space<vmem_shared>>) target(%dma_start3A_663 : memref<160xf32, #tpu.memory_space<vmem>>) target_semaphore(%arg12 : memref<!tpu.dma_semaphore, #tpu.memory_space<semaphore_mem>>)
    %mul3A_665 = arith.constant 160 : i32
    %mul3A_666 = arith.muli %arg1, %mul3A_665 : i32
    %add3A_667 = arith.constant 7680 : i32
    %add3A_668 = arith.addi %add3A_667, %mul3A_666 : i32
    %dma_start3A_669 = arith.constant 480 : i32
    %dma_start3A_670 = tpu.memref_slice %arg11[%dma_start3A_669] : memref<2560xf32, #tpu.memory_space<vmem>> -> memref<160xf32, #tpu.memory_space<vmem>>
    %dma_start3A_671 = tpu.memref_slice %arg13[%add3A_668] : memref<40960xf32, #tpu.memory_space<vmem_shared>> -> memref<160xf32, #tpu.memory_space<vmem_shared>>
    %dma_start3A_672 = arith.constant 480 : i32
    %dma_start3A_673 = tpu.memref_slice %arg11[%dma_start3A_672] : memref<2560xf32, #tpu.memory_space<vmem>> -> memref<160xf32, #tpu.memory_space<vmem>>
    %dma_start3A_674 = tpu.memref_slice %arg13[%add3A_668] : memref<40960xf32, #tpu.memory_space<vmem_shared>> -> memref<160xf32, #tpu.memory_space<vmem_shared>>
    tpu.enqueue_dma source(%dma_start3A_674 : memref<160xf32, #tpu.memory_space<vmem_shared>>) target(%dma_start3A_673 : memref<160xf32, #tpu.memory_space<vmem>>) target_semaphore(%arg12 : memref<!tpu.dma_semaphore, #tpu.memory_space<semaphore_mem>>)
    %mul3A_675 = arith.constant 160 : i32
    %mul3A_676 = arith.muli %arg1, %mul3A_675 : i32
    %add3A_677 = arith.constant 10240 : i32
    %add3A_678 = arith.addi %add3A_677, %mul3A_676 : i32
    %dma_start3A_679 = arith.constant 640 : i32
    %dma_start3A_680 = tpu.memref_slice %arg11[%dma_start3A_679] : memref<2560xf32, #tpu.memory_space<vmem>> -> memref<160xf32, #tpu.memory_space<vmem>>
    %dma_start3A_681 = tpu.memref_slice %arg13[%add3A_678] : memref<40960xf32, #tpu.memory_space<vmem_shared>> -> memref<160xf32, #tpu.memory_space<vmem_shared>>
    %dma_start3A_682 = arith.constant 640 : i32
    %dma_start3A_683 = tpu.memref_slice %arg11[%dma_start3A_682] : memref<2560xf32, #tpu.memory_space<vmem>> -> memref<160xf32, #tpu.memory_space<vmem>>
    %dma_start3A_684 = tpu.memref_slice %arg13[%add3A_678] : memref<40960xf32, #tpu.memory_space<vmem_shared>> -> memref<160xf32, #tpu.memory_space<vmem_shared>>
    tpu.enqueue_dma source(%dma_start3A_684 : memref<160xf32, #tpu.memory_space<vmem_shared>>) target(%dma_start3A_683 : memref<160xf32, #tpu.memory_space<vmem>>) target_semaphore(%arg12 : memref<!tpu.dma_semaphore, #tpu.memory_space<semaphore_mem>>)
    %mul3A_685 = arith.constant 160 : i32
    %mul3A_686 = arith.muli %arg1, %mul3A_685 : i32
    %add3A_687 = arith.constant 12800 : i32
    %add3A_688 = arith.addi %add3A_687, %mul3A_686 : i32
    %dma_start3A_689 = arith.constant 800 : i32
    %dma_start3A_690 = tpu.memref_slice %arg11[%dma_start3A_689] : memref<2560xf32, #tpu.memory_space<vmem>> -> memref<160xf32, #tpu.memory_space<vmem>>
    %dma_start3A_691 = tpu.memref_slice %arg13[%add3A_688] : memref<40960xf32, #tpu.memory_space<vmem_shared>> -> memref<160xf32, #tpu.memory_space<vmem_shared>>
    %dma_start3A_692 = arith.constant 800 : i32
    %dma_start3A_693 = tpu.memref_slice %arg11[%dma_start3A_692] : memref<2560xf32, #tpu.memory_space<vmem>> -> memref<160xf32, #tpu.memory_space<vmem>>
    %dma_start3A_694 = tpu.memref_slice %arg13[%add3A_688] : memref<40960xf32, #tpu.memory_space<vmem_shared>> -> memref<160xf32, #tpu.memory_space<vmem_shared>>
    tpu.enqueue_dma source(%dma_start3A_694 : memref<160xf32, #tpu.memory_space<vmem_shared>>) target(%dma_start3A_693 : memref<160xf32, #tpu.memory_space<vmem>>) target_semaphore(%arg12 : memref<!tpu.dma_semaphore, #tpu.memory_space<semaphore_mem>>)
    %mul3A_695 = arith.constant 160 : i32
    %mul3A_696 = arith.muli %arg1, %mul3A_695 : i32
    %add3A_697 = arith.constant 15360 : i32
    %add3A_698 = arith.addi %add3A_697, %mul3A_696 : i32
    %dma_start3A_699 = arith.constant 960 : i32
    %dma_start3A_700 = tpu.memref_slice %arg11[%dma_start3A_699] : memref<2560xf32, #tpu.memory_space<vmem>> -> memref<160xf32, #tpu.memory_space<vmem>>
    %dma_start3A_701 = tpu.memref_slice %arg13[%add3A_698] : memref<40960xf32, #tpu.memory_space<vmem_shared>> -> memref<160xf32, #tpu.memory_space<vmem_shared>>
    %dma_start3A_702 = arith.constant 960 : i32
    %dma_start3A_703 = tpu.memref_slice %arg11[%dma_start3A_702] : memref<2560xf32, #tpu.memory_space<vmem>> -> memref<160xf32, #tpu.memory_space<vmem>>
    %dma_start3A_704 = tpu.memref_slice %arg13[%add3A_698] : memref<40960xf32, #tpu.memory_space<vmem_shared>> -> memref<160xf32, #tpu.memory_space<vmem_shared>>
    tpu.enqueue_dma source(%dma_start3A_704 : memref<160xf32, #tpu.memory_space<vmem_shared>>) target(%dma_start3A_703 : memref<160xf32, #tpu.memory_space<vmem>>) target_semaphore(%arg12 : memref<!tpu.dma_semaphore, #tpu.memory_space<semaphore_mem>>)
    %mul3A_705 = arith.constant 160 : i32
    %mul3A_706 = arith.muli %arg1, %mul3A_705 : i32
    %add3A_707 = arith.constant 17920 : i32
    %add3A_708 = arith.addi %add3A_707, %mul3A_706 : i32
    %dma_start3A_709 = arith.constant 1120 : i32
    %dma_start3A_710 = tpu.memref_slice %arg11[%dma_start3A_709] : memref<2560xf32, #tpu.memory_space<vmem>> -> memref<160xf32, #tpu.memory_space<vmem>>
    %dma_start3A_711 = tpu.memref_slice %arg13[%add3A_708] : memref<40960xf32, #tpu.memory_space<vmem_shared>> -> memref<160xf32, #tpu.memory_space<vmem_shared>>
    %dma_start3A_712 = arith.constant 1120 : i32
    %dma_start3A_713 = tpu.memref_slice %arg11[%dma_start3A_712] : memref<2560xf32, #tpu.memory_space<vmem>> -> memref<160xf32, #tpu.memory_space<vmem>>
    %dma_start3A_714 = tpu.memref_slice %arg13[%add3A_708] : memref<40960xf32, #tpu.memory_space<vmem_shared>> -> memref<160xf32, #tpu.memory_space<vmem_shared>>
    tpu.enqueue_dma source(%dma_start3A_714 : memref<160xf32, #tpu.memory_space<vmem_shared>>) target(%dma_start3A_713 : memref<160xf32, #tpu.memory_space<vmem>>) target_semaphore(%arg12 : memref<!tpu.dma_semaphore, #tpu.memory_space<semaphore_mem>>)
    %mul3A_715 = arith.constant 160 : i32
    %mul3A_716 = arith.muli %arg1, %mul3A_715 : i32
    %add3A_717 = arith.constant 20480 : i32
    %add3A_718 = arith.addi %add3A_717, %mul3A_716 : i32
    %dma_start3A_719 = arith.constant 1280 : i32
    %dma_start3A_720 = tpu.memref_slice %arg11[%dma_start3A_719] : memref<2560xf32, #tpu.memory_space<vmem>> -> memref<160xf32, #tpu.memory_space<vmem>>
    %dma_start3A_721 = tpu.memref_slice %arg13[%add3A_718] : memref<40960xf32, #tpu.memory_space<vmem_shared>> -> memref<160xf32, #tpu.memory_space<vmem_shared>>
    %dma_start3A_722 = arith.constant 1280 : i32
    %dma_start3A_723 = tpu.memref_slice %arg11[%dma_start3A_722] : memref<2560xf32, #tpu.memory_space<vmem>> -> memref<160xf32, #tpu.memory_space<vmem>>
    %dma_start3A_724 = tpu.memref_slice %arg13[%add3A_718] : memref<40960xf32, #tpu.memory_space<vmem_shared>> -> memref<160xf32, #tpu.memory_space<vmem_shared>>
    tpu.enqueue_dma source(%dma_start3A_724 : memref<160xf32, #tpu.memory_space<vmem_shared>>) target(%dma_start3A_723 : memref<160xf32, #tpu.memory_space<vmem>>) target_semaphore(%arg12 : memref<!tpu.dma_semaphore, #tpu.memory_space<semaphore_mem>>)
    %mul3A_725 = arith.constant 160 : i32
    %mul3A_726 = arith.muli %arg1, %mul3A_725 : i32
    %add3A_727 = arith.constant 23040 : i32
    %add3A_728 = arith.addi %add3A_727, %mul3A_726 : i32
    %dma_start3A_729 = arith.constant 1440 : i32
    %dma_start3A_730 = tpu.memref_slice %arg11[%dma_start3A_729] : memref<2560xf32, #tpu.memory_space<vmem>> -> memref<160xf32, #tpu.memory_space<vmem>>
    %dma_start3A_731 = tpu.memref_slice %arg13[%add3A_728] : memref<40960xf32, #tpu.memory_space<vmem_shared>> -> memref<160xf32, #tpu.memory_space<vmem_shared>>
    %dma_start3A_732 = arith.constant 1440 : i32
    %dma_start3A_733 = tpu.memref_slice %arg11[%dma_start3A_732] : memref<2560xf32, #tpu.memory_space<vmem>> -> memref<160xf32, #tpu.memory_space<vmem>>
    %dma_start3A_734 = tpu.memref_slice %arg13[%add3A_728] : memref<40960xf32, #tpu.memory_space<vmem_shared>> -> memref<160xf32, #tpu.memory_space<vmem_shared>>
    tpu.enqueue_dma source(%dma_start3A_734 : memref<160xf32, #tpu.memory_space<vmem_shared>>) target(%dma_start3A_733 : memref<160xf32, #tpu.memory_space<vmem>>) target_semaphore(%arg12 : memref<!tpu.dma_semaphore, #tpu.memory_space<semaphore_mem>>)
    %mul3A_735 = arith.constant 160 : i32
    %mul3A_736 = arith.muli %arg1, %mul3A_735 : i32
    %add3A_737 = arith.constant 25600 : i32
    %add3A_738 = arith.addi %add3A_737, %mul3A_736 : i32
    %dma_start3A_739 = arith.constant 1600 : i32
    %dma_start3A_740 = tpu.memref_slice %arg11[%dma_start3A_739] : memref<2560xf32, #tpu.memory_space<vmem>> -> memref<160xf32, #tpu.memory_space<vmem>>
    %dma_start3A_741 = tpu.memref_slice %arg13[%add3A_738] : memref<40960xf32, #tpu.memory_space<vmem_shared>> -> memref<160xf32, #tpu.memory_space<vmem_shared>>
    %dma_start3A_742 = arith.constant 1600 : i32
    %dma_start3A_743 = tpu.memref_slice %arg11[%dma_start3A_742] : memref<2560xf32, #tpu.memory_space<vmem>> -> memref<160xf32, #tpu.memory_space<vmem>>
    %dma_start3A_744 = tpu.memref_slice %arg13[%add3A_738] : memref<40960xf32, #tpu.memory_space<vmem_shared>> -> memref<160xf32, #tpu.memory_space<vmem_shared>>
    tpu.enqueue_dma source(%dma_start3A_744 : memref<160xf32, #tpu.memory_space<vmem_shared>>) target(%dma_start3A_743 : memref<160xf32, #tpu.memory_space<vmem>>) target_semaphore(%arg12 : memref<!tpu.dma_semaphore, #tpu.memory_space<semaphore_mem>>)
    %mul3A_745 = arith.constant 160 : i32
    %mul3A_746 = arith.muli %arg1, %mul3A_745 : i32
    %add3A_747 = arith.constant 28160 : i32
    %add3A_748 = arith.addi %add3A_747, %mul3A_746 : i32
    %dma_start3A_749 = arith.constant 1760 : i32
    %dma_start3A_750 = tpu.memref_slice %arg11[%dma_start3A_749] : memref<2560xf32, #tpu.memory_space<vmem>> -> memref<160xf32, #tpu.memory_space<vmem>>
    %dma_start3A_751 = tpu.memref_slice %arg13[%add3A_748] : memref<40960xf32, #tpu.memory_space<vmem_shared>> -> memref<160xf32, #tpu.memory_space<vmem_shared>>
    %dma_start3A_752 = arith.constant 1760 : i32
    %dma_start3A_753 = tpu.memref_slice %arg11[%dma_start3A_752] : memref<2560xf32, #tpu.memory_space<vmem>> -> memref<160xf32, #tpu.memory_space<vmem>>
    %dma_start3A_754 = tpu.memref_slice %arg13[%add3A_748] : memref<40960xf32, #tpu.memory_space<vmem_shared>> -> memref<160xf32, #tpu.memory_space<vmem_shared>>
    tpu.enqueue_dma source(%dma_start3A_754 : memref<160xf32, #tpu.memory_space<vmem_shared>>) target(%dma_start3A_753 : memref<160xf32, #tpu.memory_space<vmem>>) target_semaphore(%arg12 : memref<!tpu.dma_semaphore, #tpu.memory_space<semaphore_mem>>)
    %mul3A_755 = arith.constant 160 : i32
    %mul3A_756 = arith.muli %arg1, %mul3A_755 : i32
    %add3A_757 = arith.constant 30720 : i32
    %add3A_758 = arith.addi %add3A_757, %mul3A_756 : i32
    %dma_start3A_759 = arith.constant 1920 : i32
    %dma_start3A_760 = tpu.memref_slice %arg11[%dma_start3A_759] : memref<2560xf32, #tpu.memory_space<vmem>> -> memref<160xf32, #tpu.memory_space<vmem>>
    %dma_start3A_761 = tpu.memref_slice %arg13[%add3A_758] : memref<40960xf32, #tpu.memory_space<vmem_shared>> -> memref<160xf32, #tpu.memory_space<vmem_shared>>
    %dma_start3A_762 = arith.constant 1920 : i32
    %dma_start3A_763 = tpu.memref_slice %arg11[%dma_start3A_762] : memref<2560xf32, #tpu.memory_space<vmem>> -> memref<160xf32, #tpu.memory_space<vmem>>
    %dma_start3A_764 = tpu.memref_slice %arg13[%add3A_758] : memref<40960xf32, #tpu.memory_space<vmem_shared>> -> memref<160xf32, #tpu.memory_space<vmem_shared>>
    tpu.enqueue_dma source(%dma_start3A_764 : memref<160xf32, #tpu.memory_space<vmem_shared>>) target(%dma_start3A_763 : memref<160xf32, #tpu.memory_space<vmem>>) target_semaphore(%arg12 : memref<!tpu.dma_semaphore, #tpu.memory_space<semaphore_mem>>)
    %mul3A_765 = arith.constant 160 : i32
    %mul3A_766 = arith.muli %arg1, %mul3A_765 : i32
    %add3A_767 = arith.constant 33280 : i32
    %add3A_768 = arith.addi %add3A_767, %mul3A_766 : i32
    %dma_start3A_769 = arith.constant 2080 : i32
    %dma_start3A_770 = tpu.memref_slice %arg11[%dma_start3A_769] : memref<2560xf32, #tpu.memory_space<vmem>> -> memref<160xf32, #tpu.memory_space<vmem>>
    %dma_start3A_771 = tpu.memref_slice %arg13[%add3A_768] : memref<40960xf32, #tpu.memory_space<vmem_shared>> -> memref<160xf32, #tpu.memory_space<vmem_shared>>
    %dma_start3A_772 = arith.constant 2080 : i32
    %dma_start3A_773 = tpu.memref_slice %arg11[%dma_start3A_772] : memref<2560xf32, #tpu.memory_space<vmem>> -> memref<160xf32, #tpu.memory_space<vmem>>
    %dma_start3A_774 = tpu.memref_slice %arg13[%add3A_768] : memref<40960xf32, #tpu.memory_space<vmem_shared>> -> memref<160xf32, #tpu.memory_space<vmem_shared>>
    tpu.enqueue_dma source(%dma_start3A_774 : memref<160xf32, #tpu.memory_space<vmem_shared>>) target(%dma_start3A_773 : memref<160xf32, #tpu.memory_space<vmem>>) target_semaphore(%arg12 : memref<!tpu.dma_semaphore, #tpu.memory_space<semaphore_mem>>)
    %mul3A_775 = arith.constant 160 : i32
    %mul3A_776 = arith.muli %arg1, %mul3A_775 : i32
    %add3A_777 = arith.constant 35840 : i32
    %add3A_778 = arith.addi %add3A_777, %mul3A_776 : i32
    %dma_start3A_779 = arith.constant 2240 : i32
    %dma_start3A_780 = tpu.memref_slice %arg11[%dma_start3A_779] : memref<2560xf32, #tpu.memory_space<vmem>> -> memref<160xf32, #tpu.memory_space<vmem>>
    %dma_start3A_781 = tpu.memref_slice %arg13[%add3A_778] : memref<40960xf32, #tpu.memory_space<vmem_shared>> -> memref<160xf32, #tpu.memory_space<vmem_shared>>
    %dma_start3A_782 = arith.constant 2240 : i32
    %dma_start3A_783 = tpu.memref_slice %arg11[%dma_start3A_782] : memref<2560xf32, #tpu.memory_space<vmem>> -> memref<160xf32, #tpu.memory_space<vmem>>
    %dma_start3A_784 = tpu.memref_slice %arg13[%add3A_778] : memref<40960xf32, #tpu.memory_space<vmem_shared>> -> memref<160xf32, #tpu.memory_space<vmem_shared>>
    tpu.enqueue_dma source(%dma_start3A_784 : memref<160xf32, #tpu.memory_space<vmem_shared>>) target(%dma_start3A_783 : memref<160xf32, #tpu.memory_space<vmem>>) target_semaphore(%arg12 : memref<!tpu.dma_semaphore, #tpu.memory_space<semaphore_mem>>)
    %mul3A_785 = arith.constant 160 : i32
    %mul3A_786 = arith.muli %arg1, %mul3A_785 : i32
    %add3A_787 = arith.constant 38400 : i32
    %add3A_788 = arith.addi %add3A_787, %mul3A_786 : i32
    %dma_start3A_789 = arith.constant 2400 : i32
    %dma_start3A_790 = tpu.memref_slice %arg11[%dma_start3A_789] : memref<2560xf32, #tpu.memory_space<vmem>> -> memref<160xf32, #tpu.memory_space<vmem>>
    %dma_start3A_791 = tpu.memref_slice %arg13[%add3A_788] : memref<40960xf32, #tpu.memory_space<vmem_shared>> -> memref<160xf32, #tpu.memory_space<vmem_shared>>
    %dma_start3A_792 = arith.constant 2400 : i32
    %dma_start3A_793 = tpu.memref_slice %arg11[%dma_start3A_792] : memref<2560xf32, #tpu.memory_space<vmem>> -> memref<160xf32, #tpu.memory_space<vmem>>
    %dma_start3A_794 = tpu.memref_slice %arg13[%add3A_788] : memref<40960xf32, #tpu.memory_space<vmem_shared>> -> memref<160xf32, #tpu.memory_space<vmem_shared>>
    tpu.enqueue_dma source(%dma_start3A_794 : memref<160xf32, #tpu.memory_space<vmem_shared>>) target(%dma_start3A_793 : memref<160xf32, #tpu.memory_space<vmem>>) target_semaphore(%arg12 : memref<!tpu.dma_semaphore, #tpu.memory_space<semaphore_mem>>)
    %dma_wait3A_795 = arith.constant 0 : i32
    %dma_wait3A_796 = tpu.memref_slice %arg11[%dma_wait3A_795] : memref<2560xf32, #tpu.memory_space<vmem>> -> memref<160xf32, #tpu.memory_space<vmem>>
    %dma_wait3A_797 = tpu.memref_slice %arg13[%add3A_638] : memref<40960xf32, #tpu.memory_space<vmem_shared>> -> memref<160xf32, #tpu.memory_space<vmem_shared>>
    %dma_wait3A_798 = arith.constant 0 : i32
    %dma_wait3A_799 = tpu.memref_slice %arg11[%dma_wait3A_798] : memref<2560xf32, #tpu.memory_space<vmem>> -> memref<160xf32, #tpu.memory_space<vmem>>
    %dma_wait3A_800 = tpu.memref_slice %arg13[%add3A_638] : memref<40960xf32, #tpu.memory_space<vmem_shared>> -> memref<160xf32, #tpu.memory_space<vmem_shared>>
    tpu.wait_dma2 semaphore(%arg12 : memref<!tpu.dma_semaphore, #tpu.memory_space<semaphore_mem>>) src(%dma_wait3A_800 : memref<160xf32, #tpu.memory_space<vmem_shared>>) dst(%dma_wait3A_799 : memref<160xf32, #tpu.memory_space<vmem>>)
    %dma_wait3A_801 = arith.constant 160 : i32
    %dma_wait3A_802 = tpu.memref_slice %arg11[%dma_wait3A_801] : memref<2560xf32, #tpu.memory_space<vmem>> -> memref<160xf32, #tpu.memory_space<vmem>>
    %dma_wait3A_803 = tpu.memref_slice %arg13[%add3A_648] : memref<40960xf32, #tpu.memory_space<vmem_shared>> -> memref<160xf32, #tpu.memory_space<vmem_shared>>
    %dma_wait3A_804 = arith.constant 160 : i32
    %dma_wait3A_805 = tpu.memref_slice %arg11[%dma_wait3A_804] : memref<2560xf32, #tpu.memory_space<vmem>> -> memref<160xf32, #tpu.memory_space<vmem>>
    %dma_wait3A_806 = tpu.memref_slice %arg13[%add3A_648] : memref<40960xf32, #tpu.memory_space<vmem_shared>> -> memref<160xf32, #tpu.memory_space<vmem_shared>>
    tpu.wait_dma2 semaphore(%arg12 : memref<!tpu.dma_semaphore, #tpu.memory_space<semaphore_mem>>) src(%dma_wait3A_806 : memref<160xf32, #tpu.memory_space<vmem_shared>>) dst(%dma_wait3A_805 : memref<160xf32, #tpu.memory_space<vmem>>)
    %dma_wait3A_807 = arith.constant 320 : i32
    %dma_wait3A_808 = tpu.memref_slice %arg11[%dma_wait3A_807] : memref<2560xf32, #tpu.memory_space<vmem>> -> memref<160xf32, #tpu.memory_space<vmem>>
    %dma_wait3A_809 = tpu.memref_slice %arg13[%add3A_658] : memref<40960xf32, #tpu.memory_space<vmem_shared>> -> memref<160xf32, #tpu.memory_space<vmem_shared>>
    %dma_wait3A_810 = arith.constant 320 : i32
    %dma_wait3A_811 = tpu.memref_slice %arg11[%dma_wait3A_810] : memref<2560xf32, #tpu.memory_space<vmem>> -> memref<160xf32, #tpu.memory_space<vmem>>
    %dma_wait3A_812 = tpu.memref_slice %arg13[%add3A_658] : memref<40960xf32, #tpu.memory_space<vmem_shared>> -> memref<160xf32, #tpu.memory_space<vmem_shared>>
    tpu.wait_dma2 semaphore(%arg12 : memref<!tpu.dma_semaphore, #tpu.memory_space<semaphore_mem>>) src(%dma_wait3A_812 : memref<160xf32, #tpu.memory_space<vmem_shared>>) dst(%dma_wait3A_811 : memref<160xf32, #tpu.memory_space<vmem>>)
    %dma_wait3A_813 = arith.constant 480 : i32
    %dma_wait3A_814 = tpu.memref_slice %arg11[%dma_wait3A_813] : memref<2560xf32, #tpu.memory_space<vmem>> -> memref<160xf32, #tpu.memory_space<vmem>>
    %dma_wait3A_815 = tpu.memref_slice %arg13[%add3A_668] : memref<40960xf32, #tpu.memory_space<vmem_shared>> -> memref<160xf32, #tpu.memory_space<vmem_shared>>
    %dma_wait3A_816 = arith.constant 480 : i32
    %dma_wait3A_817 = tpu.memref_slice %arg11[%dma_wait3A_816] : memref<2560xf32, #tpu.memory_space<vmem>> -> memref<160xf32, #tpu.memory_space<vmem>>
    %dma_wait3A_818 = tpu.memref_slice %arg13[%add3A_668] : memref<40960xf32, #tpu.memory_space<vmem_shared>> -> memref<160xf32, #tpu.memory_space<vmem_shared>>
    tpu.wait_dma2 semaphore(%arg12 : memref<!tpu.dma_semaphore, #tpu.memory_space<semaphore_mem>>) src(%dma_wait3A_818 : memref<160xf32, #tpu.memory_space<vmem_shared>>) dst(%dma_wait3A_817 : memref<160xf32, #tpu.memory_space<vmem>>)
    %dma_wait3A_819 = arith.constant 640 : i32
    %dma_wait3A_820 = tpu.memref_slice %arg11[%dma_wait3A_819] : memref<2560xf32, #tpu.memory_space<vmem>> -> memref<160xf32, #tpu.memory_space<vmem>>
    %dma_wait3A_821 = tpu.memref_slice %arg13[%add3A_678] : memref<40960xf32, #tpu.memory_space<vmem_shared>> -> memref<160xf32, #tpu.memory_space<vmem_shared>>
    %dma_wait3A_822 = arith.constant 640 : i32
    %dma_wait3A_823 = tpu.memref_slice %arg11[%dma_wait3A_822] : memref<2560xf32, #tpu.memory_space<vmem>> -> memref<160xf32, #tpu.memory_space<vmem>>
    %dma_wait3A_824 = tpu.memref_slice %arg13[%add3A_678] : memref<40960xf32, #tpu.memory_space<vmem_shared>> -> memref<160xf32, #tpu.memory_space<vmem_shared>>
    tpu.wait_dma2 semaphore(%arg12 : memref<!tpu.dma_semaphore, #tpu.memory_space<semaphore_mem>>) src(%dma_wait3A_824 : memref<160xf32, #tpu.memory_space<vmem_shared>>) dst(%dma_wait3A_823 : memref<160xf32, #tpu.memory_space<vmem>>)
    %dma_wait3A_825 = arith.constant 800 : i32
    %dma_wait3A_826 = tpu.memref_slice %arg11[%dma_wait3A_825] : memref<2560xf32, #tpu.memory_space<vmem>> -> memref<160xf32, #tpu.memory_space<vmem>>
    %dma_wait3A_827 = tpu.memref_slice %arg13[%add3A_688] : memref<40960xf32, #tpu.memory_space<vmem_shared>> -> memref<160xf32, #tpu.memory_space<vmem_shared>>
    %dma_wait3A_828 = arith.constant 800 : i32
    %dma_wait3A_829 = tpu.memref_slice %arg11[%dma_wait3A_828] : memref<2560xf32, #tpu.memory_space<vmem>> -> memref<160xf32, #tpu.memory_space<vmem>>
    %dma_wait3A_830 = tpu.memref_slice %arg13[%add3A_688] : memref<40960xf32, #tpu.memory_space<vmem_shared>> -> memref<160xf32, #tpu.memory_space<vmem_shared>>
    tpu.wait_dma2 semaphore(%arg12 : memref<!tpu.dma_semaphore, #tpu.memory_space<semaphore_mem>>) src(%dma_wait3A_830 : memref<160xf32, #tpu.memory_space<vmem_shared>>) dst(%dma_wait3A_829 : memref<160xf32, #tpu.memory_space<vmem>>)
    %dma_wait3A_831 = arith.constant 960 : i32
    %dma_wait3A_832 = tpu.memref_slice %arg11[%dma_wait3A_831] : memref<2560xf32, #tpu.memory_space<vmem>> -> memref<160xf32, #tpu.memory_space<vmem>>
    %dma_wait3A_833 = tpu.memref_slice %arg13[%add3A_698] : memref<40960xf32, #tpu.memory_space<vmem_shared>> -> memref<160xf32, #tpu.memory_space<vmem_shared>>
    %dma_wait3A_834 = arith.constant 960 : i32
    %dma_wait3A_835 = tpu.memref_slice %arg11[%dma_wait3A_834] : memref<2560xf32, #tpu.memory_space<vmem>> -> memref<160xf32, #tpu.memory_space<vmem>>
    %dma_wait3A_836 = tpu.memref_slice %arg13[%add3A_698] : memref<40960xf32, #tpu.memory_space<vmem_shared>> -> memref<160xf32, #tpu.memory_space<vmem_shared>>
    tpu.wait_dma2 semaphore(%arg12 : memref<!tpu.dma_semaphore, #tpu.memory_space<semaphore_mem>>) src(%dma_wait3A_836 : memref<160xf32, #tpu.memory_space<vmem_shared>>) dst(%dma_wait3A_835 : memref<160xf32, #tpu.memory_space<vmem>>)
    %dma_wait3A_837 = arith.constant 1120 : i32
    %dma_wait3A_838 = tpu.memref_slice %arg11[%dma_wait3A_837] : memref<2560xf32, #tpu.memory_space<vmem>> -> memref<160xf32, #tpu.memory_space<vmem>>
    %dma_wait3A_839 = tpu.memref_slice %arg13[%add3A_708] : memref<40960xf32, #tpu.memory_space<vmem_shared>> -> memref<160xf32, #tpu.memory_space<vmem_shared>>
    %dma_wait3A_840 = arith.constant 1120 : i32
    %dma_wait3A_841 = tpu.memref_slice %arg11[%dma_wait3A_840] : memref<2560xf32, #tpu.memory_space<vmem>> -> memref<160xf32, #tpu.memory_space<vmem>>
    %dma_wait3A_842 = tpu.memref_slice %arg13[%add3A_708] : memref<40960xf32, #tpu.memory_space<vmem_shared>> -> memref<160xf32, #tpu.memory_space<vmem_shared>>
    tpu.wait_dma2 semaphore(%arg12 : memref<!tpu.dma_semaphore, #tpu.memory_space<semaphore_mem>>) src(%dma_wait3A_842 : memref<160xf32, #tpu.memory_space<vmem_shared>>) dst(%dma_wait3A_841 : memref<160xf32, #tpu.memory_space<vmem>>)
    %dma_wait3A_843 = arith.constant 1280 : i32
    %dma_wait3A_844 = tpu.memref_slice %arg11[%dma_wait3A_843] : memref<2560xf32, #tpu.memory_space<vmem>> -> memref<160xf32, #tpu.memory_space<vmem>>
    %dma_wait3A_845 = tpu.memref_slice %arg13[%add3A_718] : memref<40960xf32, #tpu.memory_space<vmem_shared>> -> memref<160xf32, #tpu.memory_space<vmem_shared>>
    %dma_wait3A_846 = arith.constant 1280 : i32
    %dma_wait3A_847 = tpu.memref_slice %arg11[%dma_wait3A_846] : memref<2560xf32, #tpu.memory_space<vmem>> -> memref<160xf32, #tpu.memory_space<vmem>>
    %dma_wait3A_848 = tpu.memref_slice %arg13[%add3A_718] : memref<40960xf32, #tpu.memory_space<vmem_shared>> -> memref<160xf32, #tpu.memory_space<vmem_shared>>
    tpu.wait_dma2 semaphore(%arg12 : memref<!tpu.dma_semaphore, #tpu.memory_space<semaphore_mem>>) src(%dma_wait3A_848 : memref<160xf32, #tpu.memory_space<vmem_shared>>) dst(%dma_wait3A_847 : memref<160xf32, #tpu.memory_space<vmem>>)
    %dma_wait3A_849 = arith.constant 1440 : i32
    %dma_wait3A_850 = tpu.memref_slice %arg11[%dma_wait3A_849] : memref<2560xf32, #tpu.memory_space<vmem>> -> memref<160xf32, #tpu.memory_space<vmem>>
    %dma_wait3A_851 = tpu.memref_slice %arg13[%add3A_728] : memref<40960xf32, #tpu.memory_space<vmem_shared>> -> memref<160xf32, #tpu.memory_space<vmem_shared>>
    %dma_wait3A_852 = arith.constant 1440 : i32
    %dma_wait3A_853 = tpu.memref_slice %arg11[%dma_wait3A_852] : memref<2560xf32, #tpu.memory_space<vmem>> -> memref<160xf32, #tpu.memory_space<vmem>>
    %dma_wait3A_854 = tpu.memref_slice %arg13[%add3A_728] : memref<40960xf32, #tpu.memory_space<vmem_shared>> -> memref<160xf32, #tpu.memory_space<vmem_shared>>
    tpu.wait_dma2 semaphore(%arg12 : memref<!tpu.dma_semaphore, #tpu.memory_space<semaphore_mem>>) src(%dma_wait3A_854 : memref<160xf32, #tpu.memory_space<vmem_shared>>) dst(%dma_wait3A_853 : memref<160xf32, #tpu.memory_space<vmem>>)
    %dma_wait3A_855 = arith.constant 1600 : i32
    %dma_wait3A_856 = tpu.memref_slice %arg11[%dma_wait3A_855] : memref<2560xf32, #tpu.memory_space<vmem>> -> memref<160xf32, #tpu.memory_space<vmem>>
    %dma_wait3A_857 = tpu.memref_slice %arg13[%add3A_738] : memref<40960xf32, #tpu.memory_space<vmem_shared>> -> memref<160xf32, #tpu.memory_space<vmem_shared>>
    %dma_wait3A_858 = arith.constant 1600 : i32
    %dma_wait3A_859 = tpu.memref_slice %arg11[%dma_wait3A_858] : memref<2560xf32, #tpu.memory_space<vmem>> -> memref<160xf32, #tpu.memory_space<vmem>>
    %dma_wait3A_860 = tpu.memref_slice %arg13[%add3A_738] : memref<40960xf32, #tpu.memory_space<vmem_shared>> -> memref<160xf32, #tpu.memory_space<vmem_shared>>
    tpu.wait_dma2 semaphore(%arg12 : memref<!tpu.dma_semaphore, #tpu.memory_space<semaphore_mem>>) src(%dma_wait3A_860 : memref<160xf32, #tpu.memory_space<vmem_shared>>) dst(%dma_wait3A_859 : memref<160xf32, #tpu.memory_space<vmem>>)
    %dma_wait3A_861 = arith.constant 1760 : i32
    %dma_wait3A_862 = tpu.memref_slice %arg11[%dma_wait3A_861] : memref<2560xf32, #tpu.memory_space<vmem>> -> memref<160xf32, #tpu.memory_space<vmem>>
    %dma_wait3A_863 = tpu.memref_slice %arg13[%add3A_748] : memref<40960xf32, #tpu.memory_space<vmem_shared>> -> memref<160xf32, #tpu.memory_space<vmem_shared>>
    %dma_wait3A_864 = arith.constant 1760 : i32
    %dma_wait3A_865 = tpu.memref_slice %arg11[%dma_wait3A_864] : memref<2560xf32, #tpu.memory_space<vmem>> -> memref<160xf32, #tpu.memory_space<vmem>>
    %dma_wait3A_866 = tpu.memref_slice %arg13[%add3A_748] : memref<40960xf32, #tpu.memory_space<vmem_shared>> -> memref<160xf32, #tpu.memory_space<vmem_shared>>
    tpu.wait_dma2 semaphore(%arg12 : memref<!tpu.dma_semaphore, #tpu.memory_space<semaphore_mem>>) src(%dma_wait3A_866 : memref<160xf32, #tpu.memory_space<vmem_shared>>) dst(%dma_wait3A_865 : memref<160xf32, #tpu.memory_space<vmem>>)
    %dma_wait3A_867 = arith.constant 1920 : i32
    %dma_wait3A_868 = tpu.memref_slice %arg11[%dma_wait3A_867] : memref<2560xf32, #tpu.memory_space<vmem>> -> memref<160xf32, #tpu.memory_space<vmem>>
    %dma_wait3A_869 = tpu.memref_slice %arg13[%add3A_758] : memref<40960xf32, #tpu.memory_space<vmem_shared>> -> memref<160xf32, #tpu.memory_space<vmem_shared>>
    %dma_wait3A_870 = arith.constant 1920 : i32
    %dma_wait3A_871 = tpu.memref_slice %arg11[%dma_wait3A_870] : memref<2560xf32, #tpu.memory_space<vmem>> -> memref<160xf32, #tpu.memory_space<vmem>>
    %dma_wait3A_872 = tpu.memref_slice %arg13[%add3A_758] : memref<40960xf32, #tpu.memory_space<vmem_shared>> -> memref<160xf32, #tpu.memory_space<vmem_shared>>
    tpu.wait_dma2 semaphore(%arg12 : memref<!tpu.dma_semaphore, #tpu.memory_space<semaphore_mem>>) src(%dma_wait3A_872 : memref<160xf32, #tpu.memory_space<vmem_shared>>) dst(%dma_wait3A_871 : memref<160xf32, #tpu.memory_space<vmem>>)
    %dma_wait3A_873 = arith.constant 2080 : i32
    %dma_wait3A_874 = tpu.memref_slice %arg11[%dma_wait3A_873] : memref<2560xf32, #tpu.memory_space<vmem>> -> memref<160xf32, #tpu.memory_space<vmem>>
    %dma_wait3A_875 = tpu.memref_slice %arg13[%add3A_768] : memref<40960xf32, #tpu.memory_space<vmem_shared>> -> memref<160xf32, #tpu.memory_space<vmem_shared>>
    %dma_wait3A_876 = arith.constant 2080 : i32
    %dma_wait3A_877 = tpu.memref_slice %arg11[%dma_wait3A_876] : memref<2560xf32, #tpu.memory_space<vmem>> -> memref<160xf32, #tpu.memory_space<vmem>>
    %dma_wait3A_878 = tpu.memref_slice %arg13[%add3A_768] : memref<40960xf32, #tpu.memory_space<vmem_shared>> -> memref<160xf32, #tpu.memory_space<vmem_shared>>
    tpu.wait_dma2 semaphore(%arg12 : memref<!tpu.dma_semaphore, #tpu.memory_space<semaphore_mem>>) src(%dma_wait3A_878 : memref<160xf32, #tpu.memory_space<vmem_shared>>) dst(%dma_wait3A_877 : memref<160xf32, #tpu.memory_space<vmem>>)
    %dma_wait3A_879 = arith.constant 2240 : i32
    %dma_wait3A_880 = tpu.memref_slice %arg11[%dma_wait3A_879] : memref<2560xf32, #tpu.memory_space<vmem>> -> memref<160xf32, #tpu.memory_space<vmem>>
    %dma_wait3A_881 = tpu.memref_slice %arg13[%add3A_778] : memref<40960xf32, #tpu.memory_space<vmem_shared>> -> memref<160xf32, #tpu.memory_space<vmem_shared>>
    %dma_wait3A_882 = arith.constant 2240 : i32
    %dma_wait3A_883 = tpu.memref_slice %arg11[%dma_wait3A_882] : memref<2560xf32, #tpu.memory_space<vmem>> -> memref<160xf32, #tpu.memory_space<vmem>>
    %dma_wait3A_884 = tpu.memref_slice %arg13[%add3A_778] : memref<40960xf32, #tpu.memory_space<vmem_shared>> -> memref<160xf32, #tpu.memory_space<vmem_shared>>
    tpu.wait_dma2 semaphore(%arg12 : memref<!tpu.dma_semaphore, #tpu.memory_space<semaphore_mem>>) src(%dma_wait3A_884 : memref<160xf32, #tpu.memory_space<vmem_shared>>) dst(%dma_wait3A_883 : memref<160xf32, #tpu.memory_space<vmem>>)
    %dma_wait3A_885 = arith.constant 2400 : i32
    %dma_wait3A_886 = tpu.memref_slice %arg11[%dma_wait3A_885] : memref<2560xf32, #tpu.memory_space<vmem>> -> memref<160xf32, #tpu.memory_space<vmem>>
    %dma_wait3A_887 = tpu.memref_slice %arg13[%add3A_788] : memref<40960xf32, #tpu.memory_space<vmem_shared>> -> memref<160xf32, #tpu.memory_space<vmem_shared>>
    %dma_wait3A_888 = arith.constant 2400 : i32
    %dma_wait3A_889 = tpu.memref_slice %arg11[%dma_wait3A_888] : memref<2560xf32, #tpu.memory_space<vmem>> -> memref<160xf32, #tpu.memory_space<vmem>>
    %dma_wait3A_890 = tpu.memref_slice %arg13[%add3A_788] : memref<40960xf32, #tpu.memory_space<vmem_shared>> -> memref<160xf32, #tpu.memory_space<vmem_shared>>
    tpu.wait_dma2 semaphore(%arg12 : memref<!tpu.dma_semaphore, #tpu.memory_space<semaphore_mem>>) src(%dma_wait3A_890 : memref<160xf32, #tpu.memory_space<vmem_shared>>) dst(%dma_wait3A_889 : memref<160xf32, #tpu.memory_space<vmem>>)
    %parallel_loop3A_891 = arith.constant 0 : i32
    %parallel_loop3A_892 = arith.constant 10 : i32
    %parallel_loop3A_893 = arith.constant 1 : i32
    scf.for %parallel_loop3A_1442 = %parallel_loop3A_891 to %parallel_loop3A_892 step %parallel_loop3A_893  : i32 {
      %parallel_loop3A_1443 = arith.constant 16 : i32
      %parallel_loop3A_1444 = arith.muli %parallel_loop3A_1442, %parallel_loop3A_1443 : i32
      %parallel_loop3A_1445 = arith.index_cast %parallel_loop3A_1444 : i32 to index
      %parallel_loop3A_1446 = tpu.vector_load %arg11[%parallel_loop3A_1445] {strides = array<i32>} : memref<2560xf32, #tpu.memory_space<vmem>>, vector<16xf32>,
      %parallel_loop3A_1447 = arith.constant 16 : i32
      %parallel_loop3A_1448 = arith.muli %parallel_loop3A_1442, %parallel_loop3A_1447 : i32
      %parallel_loop3A_1449 = arith.constant 160 : i32
      %parallel_loop3A_1450 = arith.addi %parallel_loop3A_1449, %parallel_loop3A_1448 : i32
      %parallel_loop3A_1451 = arith.index_cast %parallel_loop3A_1450 : i32 to index
      %parallel_loop3A_1452 = tpu.vector_load %arg11[%parallel_loop3A_1451] {strides = array<i32>} : memref<2560xf32, #tpu.memory_space<vmem>>, vector<16xf32>,
      %parallel_loop3A_1453 = arith.addf %parallel_loop3A_1446, %parallel_loop3A_1452 : vector<16xf32>
      %parallel_loop3A_1454 = arith.constant 16 : i32
      %parallel_loop3A_1455 = arith.muli %parallel_loop3A_1442, %parallel_loop3A_1454 : i32
      %parallel_loop3A_1456 = arith.constant 320 : i32
      %parallel_loop3A_1457 = arith.addi %parallel_loop3A_1456, %parallel_loop3A_1455 : i32
      %parallel_loop3A_1458 = arith.index_cast %parallel_loop3A_1457 : i32 to index
      %parallel_loop3A_1459 = tpu.vector_load %arg11[%parallel_loop3A_1458] {strides = array<i32>} : memref<2560xf32, #tpu.memory_space<vmem>>, vector<16xf32>,
      %parallel_loop3A_1460 = arith.addf %parallel_loop3A_1453, %parallel_loop3A_1459 : vector<16xf32>
      %parallel_loop3A_1461 = arith.constant 16 : i32
      %parallel_loop3A_1462 = arith.muli %parallel_loop3A_1442, %parallel_loop3A_1461 : i32
      %parallel_loop3A_1463 = arith.constant 480 : i32
      %parallel_loop3A_1464 = arith.addi %parallel_loop3A_1463, %parallel_loop3A_1462 : i32
      %parallel_loop3A_1465 = arith.index_cast %parallel_loop3A_1464 : i32 to index
      %parallel_loop3A_1466 = tpu.vector_load %arg11[%parallel_loop3A_1465] {strides = array<i32>} : memref<2560xf32, #tpu.memory_space<vmem>>, vector<16xf32>,
      %parallel_loop3A_1467 = arith.addf %parallel_loop3A_1460, %parallel_loop3A_1466 : vector<16xf32>
      %parallel_loop3A_1468 = arith.constant 16 : i32
      %parallel_loop3A_1469 = arith.muli %parallel_loop3A_1442, %parallel_loop3A_1468 : i32
      %parallel_loop3A_1470 = arith.constant 640 : i32
      %parallel_loop3A_1471 = arith.addi %parallel_loop3A_1470, %parallel_loop3A_1469 : i32
      %parallel_loop3A_1472 = arith.index_cast %parallel_loop3A_1471 : i32 to index
      %parallel_loop3A_1473 = tpu.vector_load %arg11[%parallel_loop3A_1472] {strides = array<i32>} : memref<2560xf32, #tpu.memory_space<vmem>>, vector<16xf32>,
      %parallel_loop3A_1474 = arith.addf %parallel_loop3A_1467, %parallel_loop3A_1473 : vector<16xf32>
      %parallel_loop3A_1475 = arith.constant 16 : i32
      %parallel_loop3A_1476 = arith.muli %parallel_loop3A_1442, %parallel_loop3A_1475 : i32
      %parallel_loop3A_1477 = arith.constant 800 : i32
      %parallel_loop3A_1478 = arith.addi %parallel_loop3A_1477, %parallel_loop3A_1476 : i32
      %parallel_loop3A_1479 = arith.index_cast %parallel_loop3A_1478 : i32 to index
      %parallel_loop3A_1480 = tpu.vector_load %arg11[%parallel_loop3A_1479] {strides = array<i32>} : memref<2560xf32, #tpu.memory_space<vmem>>, vector<16xf32>,
      %parallel_loop3A_1481 = arith.addf %parallel_loop3A_1474, %parallel_loop3A_1480 : vector<16xf32>
      %parallel_loop3A_1482 = arith.constant 16 : i32
      %parallel_loop3A_1483 = arith.muli %parallel_loop3A_1442, %parallel_loop3A_1482 : i32
      %parallel_loop3A_1484 = arith.constant 960 : i32
      %parallel_loop3A_1485 = arith.addi %parallel_loop3A_1484, %parallel_loop3A_1483 : i32
      %parallel_loop3A_1486 = arith.index_cast %parallel_loop3A_1485 : i32 to index
      %parallel_loop3A_1487 = tpu.vector_load %arg11[%parallel_loop3A_1486] {strides = array<i32>} : memref<2560xf32, #tpu.memory_space<vmem>>, vector<16xf32>,
      %parallel_loop3A_1488 = arith.addf %parallel_loop3A_1481, %parallel_loop3A_1487 : vector<16xf32>
      %parallel_loop3A_1489 = arith.constant 16 : i32
      %parallel_loop3A_1490 = arith.muli %parallel_loop3A_1442, %parallel_loop3A_1489 : i32
      %parallel_loop3A_1491 = arith.constant 1120 : i32
      %parallel_loop3A_1492 = arith.addi %parallel_loop3A_1491, %parallel_loop3A_1490 : i32
      %parallel_loop3A_1493 = arith.index_cast %parallel_loop3A_1492 : i32 to index
      %parallel_loop3A_1494 = tpu.vector_load %arg11[%parallel_loop3A_1493] {strides = array<i32>} : memref<2560xf32, #tpu.memory_space<vmem>>, vector<16xf32>,
      %parallel_loop3A_1495 = arith.addf %parallel_loop3A_1488, %parallel_loop3A_1494 : vector<16xf32>
      %parallel_loop3A_1496 = arith.constant 16 : i32
      %parallel_loop3A_1497 = arith.muli %parallel_loop3A_1442, %parallel_loop3A_1496 : i32
      %parallel_loop3A_1498 = arith.constant 1280 : i32
      %parallel_loop3A_1499 = arith.addi %parallel_loop3A_1498, %parallel_loop3A_1497 : i32
      %parallel_loop3A_1500 = arith.index_cast %parallel_loop3A_1499 : i32 to index
      %parallel_loop3A_1501 = tpu.vector_load %arg11[%parallel_loop3A_1500] {strides = array<i32>} : memref<2560xf32, #tpu.memory_space<vmem>>, vector<16xf32>,
      %parallel_loop3A_1502 = arith.addf %parallel_loop3A_1495, %parallel_loop3A_1501 : vector<16xf32>
      %parallel_loop3A_1503 = arith.constant 16 : i32
      %parallel_loop3A_1504 = arith.muli %parallel_loop3A_1442, %parallel_loop3A_1503 : i32
      %parallel_loop3A_1505 = arith.constant 1440 : i32
      %parallel_loop3A_1506 = arith.addi %parallel_loop3A_1505, %parallel_loop3A_1504 : i32
      %parallel_loop3A_1507 = arith.index_cast %parallel_loop3A_1506 : i32 to index
      %parallel_loop3A_1508 = tpu.vector_load %arg11[%parallel_loop3A_1507] {strides = array<i32>} : memref<2560xf32, #tpu.memory_space<vmem>>, vector<16xf32>,
      %parallel_loop3A_1509 = arith.addf %parallel_loop3A_1502, %parallel_loop3A_1508 : vector<16xf32>
      %parallel_loop3A_1510 = arith.constant 16 : i32
      %parallel_loop3A_1511 = arith.muli %parallel_loop3A_1442, %parallel_loop3A_1510 : i32
      %parallel_loop3A_1512 = arith.constant 1600 : i32
      %parallel_loop3A_1513 = arith.addi %parallel_loop3A_1512, %parallel_loop3A_1511 : i32
      %parallel_loop3A_1514 = arith.index_cast %parallel_loop3A_1513 : i32 to index
      %parallel_loop3A_1515 = tpu.vector_load %arg11[%parallel_loop3A_1514] {strides = array<i32>} : memref<2560xf32, #tpu.memory_space<vmem>>, vector<16xf32>,
      %parallel_loop3A_1516 = arith.addf %parallel_loop3A_1509, %parallel_loop3A_1515 : vector<16xf32>
      %parallel_loop3A_1517 = arith.constant 16 : i32
      %parallel_loop3A_1518 = arith.muli %parallel_loop3A_1442, %parallel_loop3A_1517 : i32
      %parallel_loop3A_1519 = arith.constant 1760 : i32
      %parallel_loop3A_1520 = arith.addi %parallel_loop3A_1519, %parallel_loop3A_1518 : i32
      %parallel_loop3A_1521 = arith.index_cast %parallel_loop3A_1520 : i32 to index
      %parallel_loop3A_1522 = tpu.vector_load %arg11[%parallel_loop3A_1521] {strides = array<i32>} : memref<2560xf32, #tpu.memory_space<vmem>>, vector<16xf32>,
      %parallel_loop3A_1523 = arith.addf %parallel_loop3A_1516, %parallel_loop3A_1522 : vector<16xf32>
      %parallel_loop3A_1524 = arith.constant 16 : i32
      %parallel_loop3A_1525 = arith.muli %parallel_loop3A_1442, %parallel_loop3A_1524 : i32
      %parallel_loop3A_1526 = arith.constant 1920 : i32
      %parallel_loop3A_1527 = arith.addi %parallel_loop3A_1526, %parallel_loop3A_1525 : i32
      %parallel_loop3A_1528 = arith.index_cast %parallel_loop3A_1527 : i32 to index
      %parallel_loop3A_1529 = tpu.vector_load %arg11[%parallel_loop3A_1528] {strides = array<i32>} : memref<2560xf32, #tpu.memory_space<vmem>>, vector<16xf32>,
      %parallel_loop3A_1530 = arith.addf %parallel_loop3A_1523, %parallel_loop3A_1529 : vector<16xf32>
      %parallel_loop3A_1531 = arith.constant 16 : i32
      %parallel_loop3A_1532 = arith.muli %parallel_loop3A_1442, %parallel_loop3A_1531 : i32
      %parallel_loop3A_1533 = arith.constant 2080 : i32
      %parallel_loop3A_1534 = arith.addi %parallel_loop3A_1533, %parallel_loop3A_1532 : i32
      %parallel_loop3A_1535 = arith.index_cast %parallel_loop3A_1534 : i32 to index
      %parallel_loop3A_1536 = tpu.vector_load %arg11[%parallel_loop3A_1535] {strides = array<i32>} : memref<2560xf32, #tpu.memory_space<vmem>>, vector<16xf32>,
      %parallel_loop3A_1537 = arith.addf %parallel_loop3A_1530, %parallel_loop3A_1536 : vector<16xf32>
      %parallel_loop3A_1538 = arith.constant 16 : i32
      %parallel_loop3A_1539 = arith.muli %parallel_loop3A_1442, %parallel_loop3A_1538 : i32
      %parallel_loop3A_1540 = arith.constant 2240 : i32
      %parallel_loop3A_1541 = arith.addi %parallel_loop3A_1540, %parallel_loop3A_1539 : i32
      %parallel_loop3A_1542 = arith.index_cast %parallel_loop3A_1541 : i32 to index
      %parallel_loop3A_1543 = tpu.vector_load %arg11[%parallel_loop3A_1542] {strides = array<i32>} : memref<2560xf32, #tpu.memory_space<vmem>>, vector<16xf32>,
      %parallel_loop3A_1544 = arith.addf %parallel_loop3A_1537, %parallel_loop3A_1543 : vector<16xf32>
      %parallel_loop3A_1545 = arith.constant 16 : i32
      %parallel_loop3A_1546 = arith.muli %parallel_loop3A_1442, %parallel_loop3A_1545 : i32
      %parallel_loop3A_1547 = arith.constant 2400 : i32
      %parallel_loop3A_1548 = arith.addi %parallel_loop3A_1547, %parallel_loop3A_1546 : i32
      %parallel_loop3A_1549 = arith.index_cast %parallel_loop3A_1548 : i32 to index
      %parallel_loop3A_1550 = tpu.vector_load %arg11[%parallel_loop3A_1549] {strides = array<i32>} : memref<2560xf32, #tpu.memory_space<vmem>>, vector<16xf32>,
      %parallel_loop3A_1551 = arith.addf %parallel_loop3A_1544, %parallel_loop3A_1550 : vector<16xf32>
      %parallel_loop3A_1552 = arith.constant 16 : i32
      %parallel_loop3A_1553 = arith.muli %parallel_loop3A_1442, %parallel_loop3A_1552 : i32
      %parallel_loop3A_1554 = arith.index_cast %parallel_loop3A_1553 : i32 to index
      %parallel_loop3A_1555 = tpu.vector_load %arg8[%parallel_loop3A_1554] {strides = array<i32>} : memref<2000xf32, #tpu.memory_space<vmem>>, vector<16xf32>,
      tpu.vector_store %arg8[%parallel_loop3A_1554], %parallel_loop3A_1551 {strides = array<i32>} : memref<2000xf32, #tpu.memory_space<vmem>>, vector<16xf32>,
    } {sc.loop_unroll_factor = 2 : i64, sc.parallel_access}
    %mul3A_894 = arith.constant 10240 : i32
    %mul3A_895 = arith.muli %arg0, %mul3A_894 : i32
    %add3A_896 = arith.constant 2560 : i32
    %add3A_897 = arith.addi %mul3A_895, %add3A_896 : i32
    %mul3A_898 = arith.constant 160 : i32
    %mul3A_899 = arith.muli %arg1, %mul3A_898 : i32
    %add3A_900 = arith.addi %add3A_897, %mul3A_899 : i32
    "tpu.region"() ({
      %run_scoped3A = tpu.sem_alloc : memref<!tpu.dma_semaphore, #tpu.memory_space<semaphore_mem>>
      %dma_start3A_1442 = arith.constant 0 : i32
      %dma_start3A_1443 = tpu.memref_slice %arg8[%dma_start3A_1442] : memref<2000xf32, #tpu.memory_space<vmem>> -> memref<160xf32, #tpu.memory_space<vmem>>
      %dma_start3A_1444 = tpu.memref_slice %arg6[%add3A_900] : memref<20480xf32, #tpu.memory_space<hbm>> -> memref<160xf32, #tpu.memory_space<hbm>>
      %dma_start3A_1445 = tpu.memref_slice %arg6[%add3A_900] : memref<20480xf32, #tpu.memory_space<hbm>> -> memref<160xf32, #tpu.memory_space<hbm>>
      %dma_start3A_1446 = arith.constant 0 : i32
      %dma_start3A_1447 = tpu.memref_slice %arg8[%dma_start3A_1446] : memref<2000xf32, #tpu.memory_space<vmem>> -> memref<160xf32, #tpu.memory_space<vmem>>
      tpu.enqueue_dma source(%dma_start3A_1447 : memref<160xf32, #tpu.memory_space<vmem>>) target(%dma_start3A_1445 : memref<160xf32, #tpu.memory_space<hbm>>) target_semaphore(%run_scoped3A : memref<!tpu.dma_semaphore, #tpu.memory_space<semaphore_mem>>)
      %dma_wait3A_1448 = arith.constant 0 : i32
      %dma_wait3A_1449 = tpu.memref_slice %arg8[%dma_wait3A_1448] : memref<2000xf32, #tpu.memory_space<vmem>> -> memref<160xf32, #tpu.memory_space<vmem>>
      %dma_wait3A_1450 = tpu.memref_slice %arg6[%add3A_900] : memref<20480xf32, #tpu.memory_space<hbm>> -> memref<160xf32, #tpu.memory_space<hbm>>
      %dma_wait3A_1451 = tpu.memref_slice %arg6[%add3A_900] : memref<20480xf32, #tpu.memory_space<hbm>> -> memref<160xf32, #tpu.memory_space<hbm>>
      %dma_wait3A_1452 = arith.constant 0 : i32
      %dma_wait3A_1453 = tpu.memref_slice %arg8[%dma_wait3A_1452] : memref<2000xf32, #tpu.memory_space<vmem>> -> memref<160xf32, #tpu.memory_space<vmem>>
      tpu.wait_dma2 semaphore(%run_scoped3A : memref<!tpu.dma_semaphore, #tpu.memory_space<semaphore_mem>>) src(%dma_wait3A_1453 : memref<160xf32, #tpu.memory_space<vmem>>) dst(%dma_wait3A_1451 : memref<160xf32, #tpu.memory_space<hbm>>)
      tpu.yield
    }) : () -> ()
    %barrier3A_901 = arith.constant 0 : index
    tpu.barrier barrier_id(%barrier3A_901)
    %mul3A_902 = arith.constant 2560 : i32
    %mul3A_903 = arith.muli %arg1, %mul3A_902 : i32
    "tpu.region"() ({
      %run_scoped3A = tpu.sem_alloc : memref<!tpu.dma_semaphore, #tpu.memory_space<semaphore_mem>>
      %dma_start3A_1442 = arith.constant 5120 : i32
      %dma_start3A_1443 = tpu.memref_slice %arg10[%dma_start3A_1442] : memref<10240xf32, #tpu.memory_space<vmem>> -> memref<2560xf32, #tpu.memory_space<vmem>>
      %dma_start3A_1444 = tpu.memref_slice %arg13[%mul3A_903] : memref<40960xf32, #tpu.memory_space<vmem_shared>> -> memref<2560xf32, #tpu.memory_space<vmem_shared>>
      %dma_start3A_1445 = tpu.memref_slice %arg13[%mul3A_903] : memref<40960xf32, #tpu.memory_space<vmem_shared>> -> memref<2560xf32, #tpu.memory_space<vmem_shared>>
      %dma_start3A_1446 = arith.constant 5120 : i32
      %dma_start3A_1447 = tpu.memref_slice %arg10[%dma_start3A_1446] : memref<10240xf32, #tpu.memory_space<vmem>> -> memref<2560xf32, #tpu.memory_space<vmem>>
      tpu.enqueue_dma source(%dma_start3A_1447 : memref<2560xf32, #tpu.memory_space<vmem>>) target(%dma_start3A_1445 : memref<2560xf32, #tpu.memory_space<vmem_shared>>) target_semaphore(%run_scoped3A : memref<!tpu.dma_semaphore, #tpu.memory_space<semaphore_mem>>)
      %dma_wait3A_1448 = arith.constant 5120 : i32
      %dma_wait3A_1449 = tpu.memref_slice %arg10[%dma_wait3A_1448] : memref<10240xf32, #tpu.memory_space<vmem>> -> memref<2560xf32, #tpu.memory_space<vmem>>
      %dma_wait3A_1450 = tpu.memref_slice %arg13[%mul3A_903] : memref<40960xf32, #tpu.memory_space<vmem_shared>> -> memref<2560xf32, #tpu.memory_space<vmem_shared>>
      %dma_wait3A_1451 = tpu.memref_slice %arg13[%mul3A_903] : memref<40960xf32, #tpu.memory_space<vmem_shared>> -> memref<2560xf32, #tpu.memory_space<vmem_shared>>
      %dma_wait3A_1452 = arith.constant 5120 : i32
      %dma_wait3A_1453 = tpu.memref_slice %arg10[%dma_wait3A_1452] : memref<10240xf32, #tpu.memory_space<vmem>> -> memref<2560xf32, #tpu.memory_space<vmem>>
      tpu.wait_dma2 semaphore(%run_scoped3A : memref<!tpu.dma_semaphore, #tpu.memory_space<semaphore_mem>>) src(%dma_wait3A_1453 : memref<2560xf32, #tpu.memory_space<vmem>>) dst(%dma_wait3A_1451 : memref<2560xf32, #tpu.memory_space<vmem_shared>>)
      tpu.yield
    }) : () -> ()
    %barrier3A_904 = arith.constant 0 : index
    tpu.barrier barrier_id(%barrier3A_904)
    %mul3A_905 = arith.constant 160 : i32
    %mul3A_906 = arith.muli %arg1, %mul3A_905 : i32
    %add3A_907 = arith.constant 0 : i32
    %add3A_908 = arith.addi %add3A_907, %mul3A_906 : i32
    %dma_start3A_909 = arith.constant 0 : i32
    %dma_start3A_910 = tpu.memref_slice %arg11[%dma_start3A_909] : memref<2560xf32, #tpu.memory_space<vmem>> -> memref<160xf32, #tpu.memory_space<vmem>>
    %dma_start3A_911 = tpu.memref_slice %arg13[%add3A_908] : memref<40960xf32, #tpu.memory_space<vmem_shared>> -> memref<160xf32, #tpu.memory_space<vmem_shared>>
    %dma_start3A_912 = arith.constant 0 : i32
    %dma_start3A_913 = tpu.memref_slice %arg11[%dma_start3A_912] : memref<2560xf32, #tpu.memory_space<vmem>> -> memref<160xf32, #tpu.memory_space<vmem>>
    %dma_start3A_914 = tpu.memref_slice %arg13[%add3A_908] : memref<40960xf32, #tpu.memory_space<vmem_shared>> -> memref<160xf32, #tpu.memory_space<vmem_shared>>
    tpu.enqueue_dma source(%dma_start3A_914 : memref<160xf32, #tpu.memory_space<vmem_shared>>) target(%dma_start3A_913 : memref<160xf32, #tpu.memory_space<vmem>>) target_semaphore(%arg12 : memref<!tpu.dma_semaphore, #tpu.memory_space<semaphore_mem>>)
    %mul3A_915 = arith.constant 160 : i32
    %mul3A_916 = arith.muli %arg1, %mul3A_915 : i32
    %add3A_917 = arith.constant 2560 : i32
    %add3A_918 = arith.addi %add3A_917, %mul3A_916 : i32
    %dma_start3A_919 = arith.constant 160 : i32
    %dma_start3A_920 = tpu.memref_slice %arg11[%dma_start3A_919] : memref<2560xf32, #tpu.memory_space<vmem>> -> memref<160xf32, #tpu.memory_space<vmem>>
    %dma_start3A_921 = tpu.memref_slice %arg13[%add3A_918] : memref<40960xf32, #tpu.memory_space<vmem_shared>> -> memref<160xf32, #tpu.memory_space<vmem_shared>>
    %dma_start3A_922 = arith.constant 160 : i32
    %dma_start3A_923 = tpu.memref_slice %arg11[%dma_start3A_922] : memref<2560xf32, #tpu.memory_space<vmem>> -> memref<160xf32, #tpu.memory_space<vmem>>
    %dma_start3A_924 = tpu.memref_slice %arg13[%add3A_918] : memref<40960xf32, #tpu.memory_space<vmem_shared>> -> memref<160xf32, #tpu.memory_space<vmem_shared>>
    tpu.enqueue_dma source(%dma_start3A_924 : memref<160xf32, #tpu.memory_space<vmem_shared>>) target(%dma_start3A_923 : memref<160xf32, #tpu.memory_space<vmem>>) target_semaphore(%arg12 : memref<!tpu.dma_semaphore, #tpu.memory_space<semaphore_mem>>)
    %mul3A_925 = arith.constant 160 : i32
    %mul3A_926 = arith.muli %arg1, %mul3A_925 : i32
    %add3A_927 = arith.constant 5120 : i32
    %add3A_928 = arith.addi %add3A_927, %mul3A_926 : i32
    %dma_start3A_929 = arith.constant 320 : i32
    %dma_start3A_930 = tpu.memref_slice %arg11[%dma_start3A_929] : memref<2560xf32, #tpu.memory_space<vmem>> -> memref<160xf32, #tpu.memory_space<vmem>>
    %dma_start3A_931 = tpu.memref_slice %arg13[%add3A_928] : memref<40960xf32, #tpu.memory_space<vmem_shared>> -> memref<160xf32, #tpu.memory_space<vmem_shared>>
    %dma_start3A_932 = arith.constant 320 : i32
    %dma_start3A_933 = tpu.memref_slice %arg11[%dma_start3A_932] : memref<2560xf32, #tpu.memory_space<vmem>> -> memref<160xf32, #tpu.memory_space<vmem>>
    %dma_start3A_934 = tpu.memref_slice %arg13[%add3A_928] : memref<40960xf32, #tpu.memory_space<vmem_shared>> -> memref<160xf32, #tpu.memory_space<vmem_shared>>
    tpu.enqueue_dma source(%dma_start3A_934 : memref<160xf32, #tpu.memory_space<vmem_shared>>) target(%dma_start3A_933 : memref<160xf32, #tpu.memory_space<vmem>>) target_semaphore(%arg12 : memref<!tpu.dma_semaphore, #tpu.memory_space<semaphore_mem>>)
    %mul3A_935 = arith.constant 160 : i32
    %mul3A_936 = arith.muli %arg1, %mul3A_935 : i32
    %add3A_937 = arith.constant 7680 : i32
    %add3A_938 = arith.addi %add3A_937, %mul3A_936 : i32
    %dma_start3A_939 = arith.constant 480 : i32
    %dma_start3A_940 = tpu.memref_slice %arg11[%dma_start3A_939] : memref<2560xf32, #tpu.memory_space<vmem>> -> memref<160xf32, #tpu.memory_space<vmem>>
    %dma_start3A_941 = tpu.memref_slice %arg13[%add3A_938] : memref<40960xf32, #tpu.memory_space<vmem_shared>> -> memref<160xf32, #tpu.memory_space<vmem_shared>>
    %dma_start3A_942 = arith.constant 480 : i32
    %dma_start3A_943 = tpu.memref_slice %arg11[%dma_start3A_942] : memref<2560xf32, #tpu.memory_space<vmem>> -> memref<160xf32, #tpu.memory_space<vmem>>
    %dma_start3A_944 = tpu.memref_slice %arg13[%add3A_938] : memref<40960xf32, #tpu.memory_space<vmem_shared>> -> memref<160xf32, #tpu.memory_space<vmem_shared>>
    tpu.enqueue_dma source(%dma_start3A_944 : memref<160xf32, #tpu.memory_space<vmem_shared>>) target(%dma_start3A_943 : memref<160xf32, #tpu.memory_space<vmem>>) target_semaphore(%arg12 : memref<!tpu.dma_semaphore, #tpu.memory_space<semaphore_mem>>)
    %mul3A_945 = arith.constant 160 : i32
    %mul3A_946 = arith.muli %arg1, %mul3A_945 : i32
    %add3A_947 = arith.constant 10240 : i32
    %add3A_948 = arith.addi %add3A_947, %mul3A_946 : i32
    %dma_start3A_949 = arith.constant 640 : i32
    %dma_start3A_950 = tpu.memref_slice %arg11[%dma_start3A_949] : memref<2560xf32, #tpu.memory_space<vmem>> -> memref<160xf32, #tpu.memory_space<vmem>>
    %dma_start3A_951 = tpu.memref_slice %arg13[%add3A_948] : memref<40960xf32, #tpu.memory_space<vmem_shared>> -> memref<160xf32, #tpu.memory_space<vmem_shared>>
    %dma_start3A_952 = arith.constant 640 : i32
    %dma_start3A_953 = tpu.memref_slice %arg11[%dma_start3A_952] : memref<2560xf32, #tpu.memory_space<vmem>> -> memref<160xf32, #tpu.memory_space<vmem>>
    %dma_start3A_954 = tpu.memref_slice %arg13[%add3A_948] : memref<40960xf32, #tpu.memory_space<vmem_shared>> -> memref<160xf32, #tpu.memory_space<vmem_shared>>
    tpu.enqueue_dma source(%dma_start3A_954 : memref<160xf32, #tpu.memory_space<vmem_shared>>) target(%dma_start3A_953 : memref<160xf32, #tpu.memory_space<vmem>>) target_semaphore(%arg12 : memref<!tpu.dma_semaphore, #tpu.memory_space<semaphore_mem>>)
    %mul3A_955 = arith.constant 160 : i32
    %mul3A_956 = arith.muli %arg1, %mul3A_955 : i32
    %add3A_957 = arith.constant 12800 : i32
    %add3A_958 = arith.addi %add3A_957, %mul3A_956 : i32
    %dma_start3A_959 = arith.constant 800 : i32
    %dma_start3A_960 = tpu.memref_slice %arg11[%dma_start3A_959] : memref<2560xf32, #tpu.memory_space<vmem>> -> memref<160xf32, #tpu.memory_space<vmem>>
    %dma_start3A_961 = tpu.memref_slice %arg13[%add3A_958] : memref<40960xf32, #tpu.memory_space<vmem_shared>> -> memref<160xf32, #tpu.memory_space<vmem_shared>>
    %dma_start3A_962 = arith.constant 800 : i32
    %dma_start3A_963 = tpu.memref_slice %arg11[%dma_start3A_962] : memref<2560xf32, #tpu.memory_space<vmem>> -> memref<160xf32, #tpu.memory_space<vmem>>
    %dma_start3A_964 = tpu.memref_slice %arg13[%add3A_958] : memref<40960xf32, #tpu.memory_space<vmem_shared>> -> memref<160xf32, #tpu.memory_space<vmem_shared>>
    tpu.enqueue_dma source(%dma_start3A_964 : memref<160xf32, #tpu.memory_space<vmem_shared>>) target(%dma_start3A_963 : memref<160xf32, #tpu.memory_space<vmem>>) target_semaphore(%arg12 : memref<!tpu.dma_semaphore, #tpu.memory_space<semaphore_mem>>)
    %mul3A_965 = arith.constant 160 : i32
    %mul3A_966 = arith.muli %arg1, %mul3A_965 : i32
    %add3A_967 = arith.constant 15360 : i32
    %add3A_968 = arith.addi %add3A_967, %mul3A_966 : i32
    %dma_start3A_969 = arith.constant 960 : i32
    %dma_start3A_970 = tpu.memref_slice %arg11[%dma_start3A_969] : memref<2560xf32, #tpu.memory_space<vmem>> -> memref<160xf32, #tpu.memory_space<vmem>>
    %dma_start3A_971 = tpu.memref_slice %arg13[%add3A_968] : memref<40960xf32, #tpu.memory_space<vmem_shared>> -> memref<160xf32, #tpu.memory_space<vmem_shared>>
    %dma_start3A_972 = arith.constant 960 : i32
    %dma_start3A_973 = tpu.memref_slice %arg11[%dma_start3A_972] : memref<2560xf32, #tpu.memory_space<vmem>> -> memref<160xf32, #tpu.memory_space<vmem>>
    %dma_start3A_974 = tpu.memref_slice %arg13[%add3A_968] : memref<40960xf32, #tpu.memory_space<vmem_shared>> -> memref<160xf32, #tpu.memory_space<vmem_shared>>
    tpu.enqueue_dma source(%dma_start3A_974 : memref<160xf32, #tpu.memory_space<vmem_shared>>) target(%dma_start3A_973 : memref<160xf32, #tpu.memory_space<vmem>>) target_semaphore(%arg12 : memref<!tpu.dma_semaphore, #tpu.memory_space<semaphore_mem>>)
    %mul3A_975 = arith.constant 160 : i32
    %mul3A_976 = arith.muli %arg1, %mul3A_975 : i32
    %add3A_977 = arith.constant 17920 : i32
    %add3A_978 = arith.addi %add3A_977, %mul3A_976 : i32
    %dma_start3A_979 = arith.constant 1120 : i32
    %dma_start3A_980 = tpu.memref_slice %arg11[%dma_start3A_979] : memref<2560xf32, #tpu.memory_space<vmem>> -> memref<160xf32, #tpu.memory_space<vmem>>
    %dma_start3A_981 = tpu.memref_slice %arg13[%add3A_978] : memref<40960xf32, #tpu.memory_space<vmem_shared>> -> memref<160xf32, #tpu.memory_space<vmem_shared>>
    %dma_start3A_982 = arith.constant 1120 : i32
    %dma_start3A_983 = tpu.memref_slice %arg11[%dma_start3A_982] : memref<2560xf32, #tpu.memory_space<vmem>> -> memref<160xf32, #tpu.memory_space<vmem>>
    %dma_start3A_984 = tpu.memref_slice %arg13[%add3A_978] : memref<40960xf32, #tpu.memory_space<vmem_shared>> -> memref<160xf32, #tpu.memory_space<vmem_shared>>
    tpu.enqueue_dma source(%dma_start3A_984 : memref<160xf32, #tpu.memory_space<vmem_shared>>) target(%dma_start3A_983 : memref<160xf32, #tpu.memory_space<vmem>>) target_semaphore(%arg12 : memref<!tpu.dma_semaphore, #tpu.memory_space<semaphore_mem>>)
    %mul3A_985 = arith.constant 160 : i32
    %mul3A_986 = arith.muli %arg1, %mul3A_985 : i32
    %add3A_987 = arith.constant 20480 : i32
    %add3A_988 = arith.addi %add3A_987, %mul3A_986 : i32
    %dma_start3A_989 = arith.constant 1280 : i32
    %dma_start3A_990 = tpu.memref_slice %arg11[%dma_start3A_989] : memref<2560xf32, #tpu.memory_space<vmem>> -> memref<160xf32, #tpu.memory_space<vmem>>
    %dma_start3A_991 = tpu.memref_slice %arg13[%add3A_988] : memref<40960xf32, #tpu.memory_space<vmem_shared>> -> memref<160xf32, #tpu.memory_space<vmem_shared>>
    %dma_start3A_992 = arith.constant 1280 : i32
    %dma_start3A_993 = tpu.memref_slice %arg11[%dma_start3A_992] : memref<2560xf32, #tpu.memory_space<vmem>> -> memref<160xf32, #tpu.memory_space<vmem>>
    %dma_start3A_994 = tpu.memref_slice %arg13[%add3A_988] : memref<40960xf32, #tpu.memory_space<vmem_shared>> -> memref<160xf32, #tpu.memory_space<vmem_shared>>
    tpu.enqueue_dma source(%dma_start3A_994 : memref<160xf32, #tpu.memory_space<vmem_shared>>) target(%dma_start3A_993 : memref<160xf32, #tpu.memory_space<vmem>>) target_semaphore(%arg12 : memref<!tpu.dma_semaphore, #tpu.memory_space<semaphore_mem>>)
    %mul3A_995 = arith.constant 160 : i32
    %mul3A_996 = arith.muli %arg1, %mul3A_995 : i32
    %add3A_997 = arith.constant 23040 : i32
    %add3A_998 = arith.addi %add3A_997, %mul3A_996 : i32
    %dma_start3A_999 = arith.constant 1440 : i32
    %dma_start3A_1000 = tpu.memref_slice %arg11[%dma_start3A_999] : memref<2560xf32, #tpu.memory_space<vmem>> -> memref<160xf32, #tpu.memory_space<vmem>>
    %dma_start3A_1001 = tpu.memref_slice %arg13[%add3A_998] : memref<40960xf32, #tpu.memory_space<vmem_shared>> -> memref<160xf32, #tpu.memory_space<vmem_shared>>
    %dma_start3A_1002 = arith.constant 1440 : i32
    %dma_start3A_1003 = tpu.memref_slice %arg11[%dma_start3A_1002] : memref<2560xf32, #tpu.memory_space<vmem>> -> memref<160xf32, #tpu.memory_space<vmem>>
    %dma_start3A_1004 = tpu.memref_slice %arg13[%add3A_998] : memref<40960xf32, #tpu.memory_space<vmem_shared>> -> memref<160xf32, #tpu.memory_space<vmem_shared>>
    tpu.enqueue_dma source(%dma_start3A_1004 : memref<160xf32, #tpu.memory_space<vmem_shared>>) target(%dma_start3A_1003 : memref<160xf32, #tpu.memory_space<vmem>>) target_semaphore(%arg12 : memref<!tpu.dma_semaphore, #tpu.memory_space<semaphore_mem>>)
    %mul3A_1005 = arith.constant 160 : i32
    %mul3A_1006 = arith.muli %arg1, %mul3A_1005 : i32
    %add3A_1007 = arith.constant 25600 : i32
    %add3A_1008 = arith.addi %add3A_1007, %mul3A_1006 : i32
    %dma_start3A_1009 = arith.constant 1600 : i32
    %dma_start3A_1010 = tpu.memref_slice %arg11[%dma_start3A_1009] : memref<2560xf32, #tpu.memory_space<vmem>> -> memref<160xf32, #tpu.memory_space<vmem>>
    %dma_start3A_1011 = tpu.memref_slice %arg13[%add3A_1008] : memref<40960xf32, #tpu.memory_space<vmem_shared>> -> memref<160xf32, #tpu.memory_space<vmem_shared>>
    %dma_start3A_1012 = arith.constant 1600 : i32
    %dma_start3A_1013 = tpu.memref_slice %arg11[%dma_start3A_1012] : memref<2560xf32, #tpu.memory_space<vmem>> -> memref<160xf32, #tpu.memory_space<vmem>>
    %dma_start3A_1014 = tpu.memref_slice %arg13[%add3A_1008] : memref<40960xf32, #tpu.memory_space<vmem_shared>> -> memref<160xf32, #tpu.memory_space<vmem_shared>>
    tpu.enqueue_dma source(%dma_start3A_1014 : memref<160xf32, #tpu.memory_space<vmem_shared>>) target(%dma_start3A_1013 : memref<160xf32, #tpu.memory_space<vmem>>) target_semaphore(%arg12 : memref<!tpu.dma_semaphore, #tpu.memory_space<semaphore_mem>>)
    %mul3A_1015 = arith.constant 160 : i32
    %mul3A_1016 = arith.muli %arg1, %mul3A_1015 : i32
    %add3A_1017 = arith.constant 28160 : i32
    %add3A_1018 = arith.addi %add3A_1017, %mul3A_1016 : i32
    %dma_start3A_1019 = arith.constant 1760 : i32
    %dma_start3A_1020 = tpu.memref_slice %arg11[%dma_start3A_1019] : memref<2560xf32, #tpu.memory_space<vmem>> -> memref<160xf32, #tpu.memory_space<vmem>>
    %dma_start3A_1021 = tpu.memref_slice %arg13[%add3A_1018] : memref<40960xf32, #tpu.memory_space<vmem_shared>> -> memref<160xf32, #tpu.memory_space<vmem_shared>>
    %dma_start3A_1022 = arith.constant 1760 : i32
    %dma_start3A_1023 = tpu.memref_slice %arg11[%dma_start3A_1022] : memref<2560xf32, #tpu.memory_space<vmem>> -> memref<160xf32, #tpu.memory_space<vmem>>
    %dma_start3A_1024 = tpu.memref_slice %arg13[%add3A_1018] : memref<40960xf32, #tpu.memory_space<vmem_shared>> -> memref<160xf32, #tpu.memory_space<vmem_shared>>
    tpu.enqueue_dma source(%dma_start3A_1024 : memref<160xf32, #tpu.memory_space<vmem_shared>>) target(%dma_start3A_1023 : memref<160xf32, #tpu.memory_space<vmem>>) target_semaphore(%arg12 : memref<!tpu.dma_semaphore, #tpu.memory_space<semaphore_mem>>)
    %mul3A_1025 = arith.constant 160 : i32
    %mul3A_1026 = arith.muli %arg1, %mul3A_1025 : i32
    %add3A_1027 = arith.constant 30720 : i32
    %add3A_1028 = arith.addi %add3A_1027, %mul3A_1026 : i32
    %dma_start3A_1029 = arith.constant 1920 : i32
    %dma_start3A_1030 = tpu.memref_slice %arg11[%dma_start3A_1029] : memref<2560xf32, #tpu.memory_space<vmem>> -> memref<160xf32, #tpu.memory_space<vmem>>
    %dma_start3A_1031 = tpu.memref_slice %arg13[%add3A_1028] : memref<40960xf32, #tpu.memory_space<vmem_shared>> -> memref<160xf32, #tpu.memory_space<vmem_shared>>
    %dma_start3A_1032 = arith.constant 1920 : i32
    %dma_start3A_1033 = tpu.memref_slice %arg11[%dma_start3A_1032] : memref<2560xf32, #tpu.memory_space<vmem>> -> memref<160xf32, #tpu.memory_space<vmem>>
    %dma_start3A_1034 = tpu.memref_slice %arg13[%add3A_1028] : memref<40960xf32, #tpu.memory_space<vmem_shared>> -> memref<160xf32, #tpu.memory_space<vmem_shared>>
    tpu.enqueue_dma source(%dma_start3A_1034 : memref<160xf32, #tpu.memory_space<vmem_shared>>) target(%dma_start3A_1033 : memref<160xf32, #tpu.memory_space<vmem>>) target_semaphore(%arg12 : memref<!tpu.dma_semaphore, #tpu.memory_space<semaphore_mem>>)
    %mul3A_1035 = arith.constant 160 : i32
    %mul3A_1036 = arith.muli %arg1, %mul3A_1035 : i32
    %add3A_1037 = arith.constant 33280 : i32
    %add3A_1038 = arith.addi %add3A_1037, %mul3A_1036 : i32
    %dma_start3A_1039 = arith.constant 2080 : i32
    %dma_start3A_1040 = tpu.memref_slice %arg11[%dma_start3A_1039] : memref<2560xf32, #tpu.memory_space<vmem>> -> memref<160xf32, #tpu.memory_space<vmem>>
    %dma_start3A_1041 = tpu.memref_slice %arg13[%add3A_1038] : memref<40960xf32, #tpu.memory_space<vmem_shared>> -> memref<160xf32, #tpu.memory_space<vmem_shared>>
    %dma_start3A_1042 = arith.constant 2080 : i32
    %dma_start3A_1043 = tpu.memref_slice %arg11[%dma_start3A_1042] : memref<2560xf32, #tpu.memory_space<vmem>> -> memref<160xf32, #tpu.memory_space<vmem>>
    %dma_start3A_1044 = tpu.memref_slice %arg13[%add3A_1038] : memref<40960xf32, #tpu.memory_space<vmem_shared>> -> memref<160xf32, #tpu.memory_space<vmem_shared>>
    tpu.enqueue_dma source(%dma_start3A_1044 : memref<160xf32, #tpu.memory_space<vmem_shared>>) target(%dma_start3A_1043 : memref<160xf32, #tpu.memory_space<vmem>>) target_semaphore(%arg12 : memref<!tpu.dma_semaphore, #tpu.memory_space<semaphore_mem>>)
    %mul3A_1045 = arith.constant 160 : i32
    %mul3A_1046 = arith.muli %arg1, %mul3A_1045 : i32
    %add3A_1047 = arith.constant 35840 : i32
    %add3A_1048 = arith.addi %add3A_1047, %mul3A_1046 : i32
    %dma_start3A_1049 = arith.constant 2240 : i32
    %dma_start3A_1050 = tpu.memref_slice %arg11[%dma_start3A_1049] : memref<2560xf32, #tpu.memory_space<vmem>> -> memref<160xf32, #tpu.memory_space<vmem>>
    %dma_start3A_1051 = tpu.memref_slice %arg13[%add3A_1048] : memref<40960xf32, #tpu.memory_space<vmem_shared>> -> memref<160xf32, #tpu.memory_space<vmem_shared>>
    %dma_start3A_1052 = arith.constant 2240 : i32
    %dma_start3A_1053 = tpu.memref_slice %arg11[%dma_start3A_1052] : memref<2560xf32, #tpu.memory_space<vmem>> -> memref<160xf32, #tpu.memory_space<vmem>>
    %dma_start3A_1054 = tpu.memref_slice %arg13[%add3A_1048] : memref<40960xf32, #tpu.memory_space<vmem_shared>> -> memref<160xf32, #tpu.memory_space<vmem_shared>>
    tpu.enqueue_dma source(%dma_start3A_1054 : memref<160xf32, #tpu.memory_space<vmem_shared>>) target(%dma_start3A_1053 : memref<160xf32, #tpu.memory_space<vmem>>) target_semaphore(%arg12 : memref<!tpu.dma_semaphore, #tpu.memory_space<semaphore_mem>>)
    %mul3A_1055 = arith.constant 160 : i32
    %mul3A_1056 = arith.muli %arg1, %mul3A_1055 : i32
    %add3A_1057 = arith.constant 38400 : i32
    %add3A_1058 = arith.addi %add3A_1057, %mul3A_1056 : i32
    %dma_start3A_1059 = arith.constant 2400 : i32
    %dma_start3A_1060 = tpu.memref_slice %arg11[%dma_start3A_1059] : memref<2560xf32, #tpu.memory_space<vmem>> -> memref<160xf32, #tpu.memory_space<vmem>>
    %dma_start3A_1061 = tpu.memref_slice %arg13[%add3A_1058] : memref<40960xf32, #tpu.memory_space<vmem_shared>> -> memref<160xf32, #tpu.memory_space<vmem_shared>>
    %dma_start3A_1062 = arith.constant 2400 : i32
    %dma_start3A_1063 = tpu.memref_slice %arg11[%dma_start3A_1062] : memref<2560xf32, #tpu.memory_space<vmem>> -> memref<160xf32, #tpu.memory_space<vmem>>
    %dma_start3A_1064 = tpu.memref_slice %arg13[%add3A_1058] : memref<40960xf32, #tpu.memory_space<vmem_shared>> -> memref<160xf32, #tpu.memory_space<vmem_shared>>
    tpu.enqueue_dma source(%dma_start3A_1064 : memref<160xf32, #tpu.memory_space<vmem_shared>>) target(%dma_start3A_1063 : memref<160xf32, #tpu.memory_space<vmem>>) target_semaphore(%arg12 : memref<!tpu.dma_semaphore, #tpu.memory_space<semaphore_mem>>)
    %dma_wait3A_1065 = arith.constant 0 : i32
    %dma_wait3A_1066 = tpu.memref_slice %arg11[%dma_wait3A_1065] : memref<2560xf32, #tpu.memory_space<vmem>> -> memref<160xf32, #tpu.memory_space<vmem>>
    %dma_wait3A_1067 = tpu.memref_slice %arg13[%add3A_908] : memref<40960xf32, #tpu.memory_space<vmem_shared>> -> memref<160xf32, #tpu.memory_space<vmem_shared>>
    %dma_wait3A_1068 = arith.constant 0 : i32
    %dma_wait3A_1069 = tpu.memref_slice %arg11[%dma_wait3A_1068] : memref<2560xf32, #tpu.memory_space<vmem>> -> memref<160xf32, #tpu.memory_space<vmem>>
    %dma_wait3A_1070 = tpu.memref_slice %arg13[%add3A_908] : memref<40960xf32, #tpu.memory_space<vmem_shared>> -> memref<160xf32, #tpu.memory_space<vmem_shared>>
    tpu.wait_dma2 semaphore(%arg12 : memref<!tpu.dma_semaphore, #tpu.memory_space<semaphore_mem>>) src(%dma_wait3A_1070 : memref<160xf32, #tpu.memory_space<vmem_shared>>) dst(%dma_wait3A_1069 : memref<160xf32, #tpu.memory_space<vmem>>)
    %dma_wait3A_1071 = arith.constant 160 : i32
    %dma_wait3A_1072 = tpu.memref_slice %arg11[%dma_wait3A_1071] : memref<2560xf32, #tpu.memory_space<vmem>> -> memref<160xf32, #tpu.memory_space<vmem>>
    %dma_wait3A_1073 = tpu.memref_slice %arg13[%add3A_918] : memref<40960xf32, #tpu.memory_space<vmem_shared>> -> memref<160xf32, #tpu.memory_space<vmem_shared>>
    %dma_wait3A_1074 = arith.constant 160 : i32
    %dma_wait3A_1075 = tpu.memref_slice %arg11[%dma_wait3A_1074] : memref<2560xf32, #tpu.memory_space<vmem>> -> memref<160xf32, #tpu.memory_space<vmem>>
    %dma_wait3A_1076 = tpu.memref_slice %arg13[%add3A_918] : memref<40960xf32, #tpu.memory_space<vmem_shared>> -> memref<160xf32, #tpu.memory_space<vmem_shared>>
    tpu.wait_dma2 semaphore(%arg12 : memref<!tpu.dma_semaphore, #tpu.memory_space<semaphore_mem>>) src(%dma_wait3A_1076 : memref<160xf32, #tpu.memory_space<vmem_shared>>) dst(%dma_wait3A_1075 : memref<160xf32, #tpu.memory_space<vmem>>)
    %dma_wait3A_1077 = arith.constant 320 : i32
    %dma_wait3A_1078 = tpu.memref_slice %arg11[%dma_wait3A_1077] : memref<2560xf32, #tpu.memory_space<vmem>> -> memref<160xf32, #tpu.memory_space<vmem>>
    %dma_wait3A_1079 = tpu.memref_slice %arg13[%add3A_928] : memref<40960xf32, #tpu.memory_space<vmem_shared>> -> memref<160xf32, #tpu.memory_space<vmem_shared>>
    %dma_wait3A_1080 = arith.constant 320 : i32
    %dma_wait3A_1081 = tpu.memref_slice %arg11[%dma_wait3A_1080] : memref<2560xf32, #tpu.memory_space<vmem>> -> memref<160xf32, #tpu.memory_space<vmem>>
    %dma_wait3A_1082 = tpu.memref_slice %arg13[%add3A_928] : memref<40960xf32, #tpu.memory_space<vmem_shared>> -> memref<160xf32, #tpu.memory_space<vmem_shared>>
    tpu.wait_dma2 semaphore(%arg12 : memref<!tpu.dma_semaphore, #tpu.memory_space<semaphore_mem>>) src(%dma_wait3A_1082 : memref<160xf32, #tpu.memory_space<vmem_shared>>) dst(%dma_wait3A_1081 : memref<160xf32, #tpu.memory_space<vmem>>)
    %dma_wait3A_1083 = arith.constant 480 : i32
    %dma_wait3A_1084 = tpu.memref_slice %arg11[%dma_wait3A_1083] : memref<2560xf32, #tpu.memory_space<vmem>> -> memref<160xf32, #tpu.memory_space<vmem>>
    %dma_wait3A_1085 = tpu.memref_slice %arg13[%add3A_938] : memref<40960xf32, #tpu.memory_space<vmem_shared>> -> memref<160xf32, #tpu.memory_space<vmem_shared>>
    %dma_wait3A_1086 = arith.constant 480 : i32
    %dma_wait3A_1087 = tpu.memref_slice %arg11[%dma_wait3A_1086] : memref<2560xf32, #tpu.memory_space<vmem>> -> memref<160xf32, #tpu.memory_space<vmem>>
    %dma_wait3A_1088 = tpu.memref_slice %arg13[%add3A_938] : memref<40960xf32, #tpu.memory_space<vmem_shared>> -> memref<160xf32, #tpu.memory_space<vmem_shared>>
    tpu.wait_dma2 semaphore(%arg12 : memref<!tpu.dma_semaphore, #tpu.memory_space<semaphore_mem>>) src(%dma_wait3A_1088 : memref<160xf32, #tpu.memory_space<vmem_shared>>) dst(%dma_wait3A_1087 : memref<160xf32, #tpu.memory_space<vmem>>)
    %dma_wait3A_1089 = arith.constant 640 : i32
    %dma_wait3A_1090 = tpu.memref_slice %arg11[%dma_wait3A_1089] : memref<2560xf32, #tpu.memory_space<vmem>> -> memref<160xf32, #tpu.memory_space<vmem>>
    %dma_wait3A_1091 = tpu.memref_slice %arg13[%add3A_948] : memref<40960xf32, #tpu.memory_space<vmem_shared>> -> memref<160xf32, #tpu.memory_space<vmem_shared>>
    %dma_wait3A_1092 = arith.constant 640 : i32
    %dma_wait3A_1093 = tpu.memref_slice %arg11[%dma_wait3A_1092] : memref<2560xf32, #tpu.memory_space<vmem>> -> memref<160xf32, #tpu.memory_space<vmem>>
    %dma_wait3A_1094 = tpu.memref_slice %arg13[%add3A_948] : memref<40960xf32, #tpu.memory_space<vmem_shared>> -> memref<160xf32, #tpu.memory_space<vmem_shared>>
    tpu.wait_dma2 semaphore(%arg12 : memref<!tpu.dma_semaphore, #tpu.memory_space<semaphore_mem>>) src(%dma_wait3A_1094 : memref<160xf32, #tpu.memory_space<vmem_shared>>) dst(%dma_wait3A_1093 : memref<160xf32, #tpu.memory_space<vmem>>)
    %dma_wait3A_1095 = arith.constant 800 : i32
    %dma_wait3A_1096 = tpu.memref_slice %arg11[%dma_wait3A_1095] : memref<2560xf32, #tpu.memory_space<vmem>> -> memref<160xf32, #tpu.memory_space<vmem>>
    %dma_wait3A_1097 = tpu.memref_slice %arg13[%add3A_958] : memref<40960xf32, #tpu.memory_space<vmem_shared>> -> memref<160xf32, #tpu.memory_space<vmem_shared>>
    %dma_wait3A_1098 = arith.constant 800 : i32
    %dma_wait3A_1099 = tpu.memref_slice %arg11[%dma_wait3A_1098] : memref<2560xf32, #tpu.memory_space<vmem>> -> memref<160xf32, #tpu.memory_space<vmem>>
    %dma_wait3A_1100 = tpu.memref_slice %arg13[%add3A_958] : memref<40960xf32, #tpu.memory_space<vmem_shared>> -> memref<160xf32, #tpu.memory_space<vmem_shared>>
    tpu.wait_dma2 semaphore(%arg12 : memref<!tpu.dma_semaphore, #tpu.memory_space<semaphore_mem>>) src(%dma_wait3A_1100 : memref<160xf32, #tpu.memory_space<vmem_shared>>) dst(%dma_wait3A_1099 : memref<160xf32, #tpu.memory_space<vmem>>)
    %dma_wait3A_1101 = arith.constant 960 : i32
    %dma_wait3A_1102 = tpu.memref_slice %arg11[%dma_wait3A_1101] : memref<2560xf32, #tpu.memory_space<vmem>> -> memref<160xf32, #tpu.memory_space<vmem>>
    %dma_wait3A_1103 = tpu.memref_slice %arg13[%add3A_968] : memref<40960xf32, #tpu.memory_space<vmem_shared>> -> memref<160xf32, #tpu.memory_space<vmem_shared>>
    %dma_wait3A_1104 = arith.constant 960 : i32
    %dma_wait3A_1105 = tpu.memref_slice %arg11[%dma_wait3A_1104] : memref<2560xf32, #tpu.memory_space<vmem>> -> memref<160xf32, #tpu.memory_space<vmem>>
    %dma_wait3A_1106 = tpu.memref_slice %arg13[%add3A_968] : memref<40960xf32, #tpu.memory_space<vmem_shared>> -> memref<160xf32, #tpu.memory_space<vmem_shared>>
    tpu.wait_dma2 semaphore(%arg12 : memref<!tpu.dma_semaphore, #tpu.memory_space<semaphore_mem>>) src(%dma_wait3A_1106 : memref<160xf32, #tpu.memory_space<vmem_shared>>) dst(%dma_wait3A_1105 : memref<160xf32, #tpu.memory_space<vmem>>)
    %dma_wait3A_1107 = arith.constant 1120 : i32
    %dma_wait3A_1108 = tpu.memref_slice %arg11[%dma_wait3A_1107] : memref<2560xf32, #tpu.memory_space<vmem>> -> memref<160xf32, #tpu.memory_space<vmem>>
    %dma_wait3A_1109 = tpu.memref_slice %arg13[%add3A_978] : memref<40960xf32, #tpu.memory_space<vmem_shared>> -> memref<160xf32, #tpu.memory_space<vmem_shared>>
    %dma_wait3A_1110 = arith.constant 1120 : i32
    %dma_wait3A_1111 = tpu.memref_slice %arg11[%dma_wait3A_1110] : memref<2560xf32, #tpu.memory_space<vmem>> -> memref<160xf32, #tpu.memory_space<vmem>>
    %dma_wait3A_1112 = tpu.memref_slice %arg13[%add3A_978] : memref<40960xf32, #tpu.memory_space<vmem_shared>> -> memref<160xf32, #tpu.memory_space<vmem_shared>>
    tpu.wait_dma2 semaphore(%arg12 : memref<!tpu.dma_semaphore, #tpu.memory_space<semaphore_mem>>) src(%dma_wait3A_1112 : memref<160xf32, #tpu.memory_space<vmem_shared>>) dst(%dma_wait3A_1111 : memref<160xf32, #tpu.memory_space<vmem>>)
    %dma_wait3A_1113 = arith.constant 1280 : i32
    %dma_wait3A_1114 = tpu.memref_slice %arg11[%dma_wait3A_1113] : memref<2560xf32, #tpu.memory_space<vmem>> -> memref<160xf32, #tpu.memory_space<vmem>>
    %dma_wait3A_1115 = tpu.memref_slice %arg13[%add3A_988] : memref<40960xf32, #tpu.memory_space<vmem_shared>> -> memref<160xf32, #tpu.memory_space<vmem_shared>>
    %dma_wait3A_1116 = arith.constant 1280 : i32
    %dma_wait3A_1117 = tpu.memref_slice %arg11[%dma_wait3A_1116] : memref<2560xf32, #tpu.memory_space<vmem>> -> memref<160xf32, #tpu.memory_space<vmem>>
    %dma_wait3A_1118 = tpu.memref_slice %arg13[%add3A_988] : memref<40960xf32, #tpu.memory_space<vmem_shared>> -> memref<160xf32, #tpu.memory_space<vmem_shared>>
    tpu.wait_dma2 semaphore(%arg12 : memref<!tpu.dma_semaphore, #tpu.memory_space<semaphore_mem>>) src(%dma_wait3A_1118 : memref<160xf32, #tpu.memory_space<vmem_shared>>) dst(%dma_wait3A_1117 : memref<160xf32, #tpu.memory_space<vmem>>)
    %dma_wait3A_1119 = arith.constant 1440 : i32
    %dma_wait3A_1120 = tpu.memref_slice %arg11[%dma_wait3A_1119] : memref<2560xf32, #tpu.memory_space<vmem>> -> memref<160xf32, #tpu.memory_space<vmem>>
    %dma_wait3A_1121 = tpu.memref_slice %arg13[%add3A_998] : memref<40960xf32, #tpu.memory_space<vmem_shared>> -> memref<160xf32, #tpu.memory_space<vmem_shared>>
    %dma_wait3A_1122 = arith.constant 1440 : i32
    %dma_wait3A_1123 = tpu.memref_slice %arg11[%dma_wait3A_1122] : memref<2560xf32, #tpu.memory_space<vmem>> -> memref<160xf32, #tpu.memory_space<vmem>>
    %dma_wait3A_1124 = tpu.memref_slice %arg13[%add3A_998] : memref<40960xf32, #tpu.memory_space<vmem_shared>> -> memref<160xf32, #tpu.memory_space<vmem_shared>>
    tpu.wait_dma2 semaphore(%arg12 : memref<!tpu.dma_semaphore, #tpu.memory_space<semaphore_mem>>) src(%dma_wait3A_1124 : memref<160xf32, #tpu.memory_space<vmem_shared>>) dst(%dma_wait3A_1123 : memref<160xf32, #tpu.memory_space<vmem>>)
    %dma_wait3A_1125 = arith.constant 1600 : i32
    %dma_wait3A_1126 = tpu.memref_slice %arg11[%dma_wait3A_1125] : memref<2560xf32, #tpu.memory_space<vmem>> -> memref<160xf32, #tpu.memory_space<vmem>>
    %dma_wait3A_1127 = tpu.memref_slice %arg13[%add3A_1008] : memref<40960xf32, #tpu.memory_space<vmem_shared>> -> memref<160xf32, #tpu.memory_space<vmem_shared>>
    %dma_wait3A_1128 = arith.constant 1600 : i32
    %dma_wait3A_1129 = tpu.memref_slice %arg11[%dma_wait3A_1128] : memref<2560xf32, #tpu.memory_space<vmem>> -> memref<160xf32, #tpu.memory_space<vmem>>
    %dma_wait3A_1130 = tpu.memref_slice %arg13[%add3A_1008] : memref<40960xf32, #tpu.memory_space<vmem_shared>> -> memref<160xf32, #tpu.memory_space<vmem_shared>>
    tpu.wait_dma2 semaphore(%arg12 : memref<!tpu.dma_semaphore, #tpu.memory_space<semaphore_mem>>) src(%dma_wait3A_1130 : memref<160xf32, #tpu.memory_space<vmem_shared>>) dst(%dma_wait3A_1129 : memref<160xf32, #tpu.memory_space<vmem>>)
    %dma_wait3A_1131 = arith.constant 1760 : i32
    %dma_wait3A_1132 = tpu.memref_slice %arg11[%dma_wait3A_1131] : memref<2560xf32, #tpu.memory_space<vmem>> -> memref<160xf32, #tpu.memory_space<vmem>>
    %dma_wait3A_1133 = tpu.memref_slice %arg13[%add3A_1018] : memref<40960xf32, #tpu.memory_space<vmem_shared>> -> memref<160xf32, #tpu.memory_space<vmem_shared>>
    %dma_wait3A_1134 = arith.constant 1760 : i32
    %dma_wait3A_1135 = tpu.memref_slice %arg11[%dma_wait3A_1134] : memref<2560xf32, #tpu.memory_space<vmem>> -> memref<160xf32, #tpu.memory_space<vmem>>
    %dma_wait3A_1136 = tpu.memref_slice %arg13[%add3A_1018] : memref<40960xf32, #tpu.memory_space<vmem_shared>> -> memref<160xf32, #tpu.memory_space<vmem_shared>>
    tpu.wait_dma2 semaphore(%arg12 : memref<!tpu.dma_semaphore, #tpu.memory_space<semaphore_mem>>) src(%dma_wait3A_1136 : memref<160xf32, #tpu.memory_space<vmem_shared>>) dst(%dma_wait3A_1135 : memref<160xf32, #tpu.memory_space<vmem>>)
    %dma_wait3A_1137 = arith.constant 1920 : i32
    %dma_wait3A_1138 = tpu.memref_slice %arg11[%dma_wait3A_1137] : memref<2560xf32, #tpu.memory_space<vmem>> -> memref<160xf32, #tpu.memory_space<vmem>>
    %dma_wait3A_1139 = tpu.memref_slice %arg13[%add3A_1028] : memref<40960xf32, #tpu.memory_space<vmem_shared>> -> memref<160xf32, #tpu.memory_space<vmem_shared>>
    %dma_wait3A_1140 = arith.constant 1920 : i32
    %dma_wait3A_1141 = tpu.memref_slice %arg11[%dma_wait3A_1140] : memref<2560xf32, #tpu.memory_space<vmem>> -> memref<160xf32, #tpu.memory_space<vmem>>
    %dma_wait3A_1142 = tpu.memref_slice %arg13[%add3A_1028] : memref<40960xf32, #tpu.memory_space<vmem_shared>> -> memref<160xf32, #tpu.memory_space<vmem_shared>>
    tpu.wait_dma2 semaphore(%arg12 : memref<!tpu.dma_semaphore, #tpu.memory_space<semaphore_mem>>) src(%dma_wait3A_1142 : memref<160xf32, #tpu.memory_space<vmem_shared>>) dst(%dma_wait3A_1141 : memref<160xf32, #tpu.memory_space<vmem>>)
    %dma_wait3A_1143 = arith.constant 2080 : i32
    %dma_wait3A_1144 = tpu.memref_slice %arg11[%dma_wait3A_1143] : memref<2560xf32, #tpu.memory_space<vmem>> -> memref<160xf32, #tpu.memory_space<vmem>>
    %dma_wait3A_1145 = tpu.memref_slice %arg13[%add3A_1038] : memref<40960xf32, #tpu.memory_space<vmem_shared>> -> memref<160xf32, #tpu.memory_space<vmem_shared>>
    %dma_wait3A_1146 = arith.constant 2080 : i32
    %dma_wait3A_1147 = tpu.memref_slice %arg11[%dma_wait3A_1146] : memref<2560xf32, #tpu.memory_space<vmem>> -> memref<160xf32, #tpu.memory_space<vmem>>
    %dma_wait3A_1148 = tpu.memref_slice %arg13[%add3A_1038] : memref<40960xf32, #tpu.memory_space<vmem_shared>> -> memref<160xf32, #tpu.memory_space<vmem_shared>>
    tpu.wait_dma2 semaphore(%arg12 : memref<!tpu.dma_semaphore, #tpu.memory_space<semaphore_mem>>) src(%dma_wait3A_1148 : memref<160xf32, #tpu.memory_space<vmem_shared>>) dst(%dma_wait3A_1147 : memref<160xf32, #tpu.memory_space<vmem>>)
    %dma_wait3A_1149 = arith.constant 2240 : i32
    %dma_wait3A_1150 = tpu.memref_slice %arg11[%dma_wait3A_1149] : memref<2560xf32, #tpu.memory_space<vmem>> -> memref<160xf32, #tpu.memory_space<vmem>>
    %dma_wait3A_1151 = tpu.memref_slice %arg13[%add3A_1048] : memref<40960xf32, #tpu.memory_space<vmem_shared>> -> memref<160xf32, #tpu.memory_space<vmem_shared>>
    %dma_wait3A_1152 = arith.constant 2240 : i32
    %dma_wait3A_1153 = tpu.memref_slice %arg11[%dma_wait3A_1152] : memref<2560xf32, #tpu.memory_space<vmem>> -> memref<160xf32, #tpu.memory_space<vmem>>
    %dma_wait3A_1154 = tpu.memref_slice %arg13[%add3A_1048] : memref<40960xf32, #tpu.memory_space<vmem_shared>> -> memref<160xf32, #tpu.memory_space<vmem_shared>>
    tpu.wait_dma2 semaphore(%arg12 : memref<!tpu.dma_semaphore, #tpu.memory_space<semaphore_mem>>) src(%dma_wait3A_1154 : memref<160xf32, #tpu.memory_space<vmem_shared>>) dst(%dma_wait3A_1153 : memref<160xf32, #tpu.memory_space<vmem>>)
    %dma_wait3A_1155 = arith.constant 2400 : i32
    %dma_wait3A_1156 = tpu.memref_slice %arg11[%dma_wait3A_1155] : memref<2560xf32, #tpu.memory_space<vmem>> -> memref<160xf32, #tpu.memory_space<vmem>>
    %dma_wait3A_1157 = tpu.memref_slice %arg13[%add3A_1058] : memref<40960xf32, #tpu.memory_space<vmem_shared>> -> memref<160xf32, #tpu.memory_space<vmem_shared>>
    %dma_wait3A_1158 = arith.constant 2400 : i32
    %dma_wait3A_1159 = tpu.memref_slice %arg11[%dma_wait3A_1158] : memref<2560xf32, #tpu.memory_space<vmem>> -> memref<160xf32, #tpu.memory_space<vmem>>
    %dma_wait3A_1160 = tpu.memref_slice %arg13[%add3A_1058] : memref<40960xf32, #tpu.memory_space<vmem_shared>> -> memref<160xf32, #tpu.memory_space<vmem_shared>>
    tpu.wait_dma2 semaphore(%arg12 : memref<!tpu.dma_semaphore, #tpu.memory_space<semaphore_mem>>) src(%dma_wait3A_1160 : memref<160xf32, #tpu.memory_space<vmem_shared>>) dst(%dma_wait3A_1159 : memref<160xf32, #tpu.memory_space<vmem>>)
    %parallel_loop3A_1161 = arith.constant 0 : i32
    %parallel_loop3A_1162 = arith.constant 10 : i32
    %parallel_loop3A_1163 = arith.constant 1 : i32
    scf.for %parallel_loop3A_1442 = %parallel_loop3A_1161 to %parallel_loop3A_1162 step %parallel_loop3A_1163  : i32 {
      %parallel_loop3A_1443 = arith.constant 16 : i32
      %parallel_loop3A_1444 = arith.muli %parallel_loop3A_1442, %parallel_loop3A_1443 : i32
      %parallel_loop3A_1445 = arith.index_cast %parallel_loop3A_1444 : i32 to index
      %parallel_loop3A_1446 = tpu.vector_load %arg11[%parallel_loop3A_1445] {strides = array<i32>} : memref<2560xf32, #tpu.memory_space<vmem>>, vector<16xf32>,
      %parallel_loop3A_1447 = arith.constant 16 : i32
      %parallel_loop3A_1448 = arith.muli %parallel_loop3A_1442, %parallel_loop3A_1447 : i32
      %parallel_loop3A_1449 = arith.constant 160 : i32
      %parallel_loop3A_1450 = arith.addi %parallel_loop3A_1449, %parallel_loop3A_1448 : i32
      %parallel_loop3A_1451 = arith.index_cast %parallel_loop3A_1450 : i32 to index
      %parallel_loop3A_1452 = tpu.vector_load %arg11[%parallel_loop3A_1451] {strides = array<i32>} : memref<2560xf32, #tpu.memory_space<vmem>>, vector<16xf32>,
      %parallel_loop3A_1453 = arith.addf %parallel_loop3A_1446, %parallel_loop3A_1452 : vector<16xf32>
      %parallel_loop3A_1454 = arith.constant 16 : i32
      %parallel_loop3A_1455 = arith.muli %parallel_loop3A_1442, %parallel_loop3A_1454 : i32
      %parallel_loop3A_1456 = arith.constant 320 : i32
      %parallel_loop3A_1457 = arith.addi %parallel_loop3A_1456, %parallel_loop3A_1455 : i32
      %parallel_loop3A_1458 = arith.index_cast %parallel_loop3A_1457 : i32 to index
      %parallel_loop3A_1459 = tpu.vector_load %arg11[%parallel_loop3A_1458] {strides = array<i32>} : memref<2560xf32, #tpu.memory_space<vmem>>, vector<16xf32>,
      %parallel_loop3A_1460 = arith.addf %parallel_loop3A_1453, %parallel_loop3A_1459 : vector<16xf32>
      %parallel_loop3A_1461 = arith.constant 16 : i32
      %parallel_loop3A_1462 = arith.muli %parallel_loop3A_1442, %parallel_loop3A_1461 : i32
      %parallel_loop3A_1463 = arith.constant 480 : i32
      %parallel_loop3A_1464 = arith.addi %parallel_loop3A_1463, %parallel_loop3A_1462 : i32
      %parallel_loop3A_1465 = arith.index_cast %parallel_loop3A_1464 : i32 to index
      %parallel_loop3A_1466 = tpu.vector_load %arg11[%parallel_loop3A_1465] {strides = array<i32>} : memref<2560xf32, #tpu.memory_space<vmem>>, vector<16xf32>,
      %parallel_loop3A_1467 = arith.addf %parallel_loop3A_1460, %parallel_loop3A_1466 : vector<16xf32>
      %parallel_loop3A_1468 = arith.constant 16 : i32
      %parallel_loop3A_1469 = arith.muli %parallel_loop3A_1442, %parallel_loop3A_1468 : i32
      %parallel_loop3A_1470 = arith.constant 640 : i32
      %parallel_loop3A_1471 = arith.addi %parallel_loop3A_1470, %parallel_loop3A_1469 : i32
      %parallel_loop3A_1472 = arith.index_cast %parallel_loop3A_1471 : i32 to index
      %parallel_loop3A_1473 = tpu.vector_load %arg11[%parallel_loop3A_1472] {strides = array<i32>} : memref<2560xf32, #tpu.memory_space<vmem>>, vector<16xf32>,
      %parallel_loop3A_1474 = arith.addf %parallel_loop3A_1467, %parallel_loop3A_1473 : vector<16xf32>
      %parallel_loop3A_1475 = arith.constant 16 : i32
      %parallel_loop3A_1476 = arith.muli %parallel_loop3A_1442, %parallel_loop3A_1475 : i32
      %parallel_loop3A_1477 = arith.constant 800 : i32
      %parallel_loop3A_1478 = arith.addi %parallel_loop3A_1477, %parallel_loop3A_1476 : i32
      %parallel_loop3A_1479 = arith.index_cast %parallel_loop3A_1478 : i32 to index
      %parallel_loop3A_1480 = tpu.vector_load %arg11[%parallel_loop3A_1479] {strides = array<i32>} : memref<2560xf32, #tpu.memory_space<vmem>>, vector<16xf32>,
      %parallel_loop3A_1481 = arith.addf %parallel_loop3A_1474, %parallel_loop3A_1480 : vector<16xf32>
      %parallel_loop3A_1482 = arith.constant 16 : i32
      %parallel_loop3A_1483 = arith.muli %parallel_loop3A_1442, %parallel_loop3A_1482 : i32
      %parallel_loop3A_1484 = arith.constant 960 : i32
      %parallel_loop3A_1485 = arith.addi %parallel_loop3A_1484, %parallel_loop3A_1483 : i32
      %parallel_loop3A_1486 = arith.index_cast %parallel_loop3A_1485 : i32 to index
      %parallel_loop3A_1487 = tpu.vector_load %arg11[%parallel_loop3A_1486] {strides = array<i32>} : memref<2560xf32, #tpu.memory_space<vmem>>, vector<16xf32>,
      %parallel_loop3A_1488 = arith.addf %parallel_loop3A_1481, %parallel_loop3A_1487 : vector<16xf32>
      %parallel_loop3A_1489 = arith.constant 16 : i32
      %parallel_loop3A_1490 = arith.muli %parallel_loop3A_1442, %parallel_loop3A_1489 : i32
      %parallel_loop3A_1491 = arith.constant 1120 : i32
      %parallel_loop3A_1492 = arith.addi %parallel_loop3A_1491, %parallel_loop3A_1490 : i32
      %parallel_loop3A_1493 = arith.index_cast %parallel_loop3A_1492 : i32 to index
      %parallel_loop3A_1494 = tpu.vector_load %arg11[%parallel_loop3A_1493] {strides = array<i32>} : memref<2560xf32, #tpu.memory_space<vmem>>, vector<16xf32>,
      %parallel_loop3A_1495 = arith.addf %parallel_loop3A_1488, %parallel_loop3A_1494 : vector<16xf32>
      %parallel_loop3A_1496 = arith.constant 16 : i32
      %parallel_loop3A_1497 = arith.muli %parallel_loop3A_1442, %parallel_loop3A_1496 : i32
      %parallel_loop3A_1498 = arith.constant 1280 : i32
      %parallel_loop3A_1499 = arith.addi %parallel_loop3A_1498, %parallel_loop3A_1497 : i32
      %parallel_loop3A_1500 = arith.index_cast %parallel_loop3A_1499 : i32 to index
      %parallel_loop3A_1501 = tpu.vector_load %arg11[%parallel_loop3A_1500] {strides = array<i32>} : memref<2560xf32, #tpu.memory_space<vmem>>, vector<16xf32>,
      %parallel_loop3A_1502 = arith.addf %parallel_loop3A_1495, %parallel_loop3A_1501 : vector<16xf32>
      %parallel_loop3A_1503 = arith.constant 16 : i32
      %parallel_loop3A_1504 = arith.muli %parallel_loop3A_1442, %parallel_loop3A_1503 : i32
      %parallel_loop3A_1505 = arith.constant 1440 : i32
      %parallel_loop3A_1506 = arith.addi %parallel_loop3A_1505, %parallel_loop3A_1504 : i32
      %parallel_loop3A_1507 = arith.index_cast %parallel_loop3A_1506 : i32 to index
      %parallel_loop3A_1508 = tpu.vector_load %arg11[%parallel_loop3A_1507] {strides = array<i32>} : memref<2560xf32, #tpu.memory_space<vmem>>, vector<16xf32>,
      %parallel_loop3A_1509 = arith.addf %parallel_loop3A_1502, %parallel_loop3A_1508 : vector<16xf32>
      %parallel_loop3A_1510 = arith.constant 16 : i32
      %parallel_loop3A_1511 = arith.muli %parallel_loop3A_1442, %parallel_loop3A_1510 : i32
      %parallel_loop3A_1512 = arith.constant 1600 : i32
      %parallel_loop3A_1513 = arith.addi %parallel_loop3A_1512, %parallel_loop3A_1511 : i32
      %parallel_loop3A_1514 = arith.index_cast %parallel_loop3A_1513 : i32 to index
      %parallel_loop3A_1515 = tpu.vector_load %arg11[%parallel_loop3A_1514] {strides = array<i32>} : memref<2560xf32, #tpu.memory_space<vmem>>, vector<16xf32>,
      %parallel_loop3A_1516 = arith.addf %parallel_loop3A_1509, %parallel_loop3A_1515 : vector<16xf32>
      %parallel_loop3A_1517 = arith.constant 16 : i32
      %parallel_loop3A_1518 = arith.muli %parallel_loop3A_1442, %parallel_loop3A_1517 : i32
      %parallel_loop3A_1519 = arith.constant 1760 : i32
      %parallel_loop3A_1520 = arith.addi %parallel_loop3A_1519, %parallel_loop3A_1518 : i32
      %parallel_loop3A_1521 = arith.index_cast %parallel_loop3A_1520 : i32 to index
      %parallel_loop3A_1522 = tpu.vector_load %arg11[%parallel_loop3A_1521] {strides = array<i32>} : memref<2560xf32, #tpu.memory_space<vmem>>, vector<16xf32>,
      %parallel_loop3A_1523 = arith.addf %parallel_loop3A_1516, %parallel_loop3A_1522 : vector<16xf32>
      %parallel_loop3A_1524 = arith.constant 16 : i32
      %parallel_loop3A_1525 = arith.muli %parallel_loop3A_1442, %parallel_loop3A_1524 : i32
      %parallel_loop3A_1526 = arith.constant 1920 : i32
      %parallel_loop3A_1527 = arith.addi %parallel_loop3A_1526, %parallel_loop3A_1525 : i32
      %parallel_loop3A_1528 = arith.index_cast %parallel_loop3A_1527 : i32 to index
      %parallel_loop3A_1529 = tpu.vector_load %arg11[%parallel_loop3A_1528] {strides = array<i32>} : memref<2560xf32, #tpu.memory_space<vmem>>, vector<16xf32>,
      %parallel_loop3A_1530 = arith.addf %parallel_loop3A_1523, %parallel_loop3A_1529 : vector<16xf32>
      %parallel_loop3A_1531 = arith.constant 16 : i32
      %parallel_loop3A_1532 = arith.muli %parallel_loop3A_1442, %parallel_loop3A_1531 : i32
      %parallel_loop3A_1533 = arith.constant 2080 : i32
      %parallel_loop3A_1534 = arith.addi %parallel_loop3A_1533, %parallel_loop3A_1532 : i32
      %parallel_loop3A_1535 = arith.index_cast %parallel_loop3A_1534 : i32 to index
      %parallel_loop3A_1536 = tpu.vector_load %arg11[%parallel_loop3A_1535] {strides = array<i32>} : memref<2560xf32, #tpu.memory_space<vmem>>, vector<16xf32>,
      %parallel_loop3A_1537 = arith.addf %parallel_loop3A_1530, %parallel_loop3A_1536 : vector<16xf32>
      %parallel_loop3A_1538 = arith.constant 16 : i32
      %parallel_loop3A_1539 = arith.muli %parallel_loop3A_1442, %parallel_loop3A_1538 : i32
      %parallel_loop3A_1540 = arith.constant 2240 : i32
      %parallel_loop3A_1541 = arith.addi %parallel_loop3A_1540, %parallel_loop3A_1539 : i32
      %parallel_loop3A_1542 = arith.index_cast %parallel_loop3A_1541 : i32 to index
      %parallel_loop3A_1543 = tpu.vector_load %arg11[%parallel_loop3A_1542] {strides = array<i32>} : memref<2560xf32, #tpu.memory_space<vmem>>, vector<16xf32>,
      %parallel_loop3A_1544 = arith.addf %parallel_loop3A_1537, %parallel_loop3A_1543 : vector<16xf32>
      %parallel_loop3A_1545 = arith.constant 16 : i32
      %parallel_loop3A_1546 = arith.muli %parallel_loop3A_1442, %parallel_loop3A_1545 : i32
      %parallel_loop3A_1547 = arith.constant 2400 : i32
      %parallel_loop3A_1548 = arith.addi %parallel_loop3A_1547, %parallel_loop3A_1546 : i32
      %parallel_loop3A_1549 = arith.index_cast %parallel_loop3A_1548 : i32 to index
      %parallel_loop3A_1550 = tpu.vector_load %arg11[%parallel_loop3A_1549] {strides = array<i32>} : memref<2560xf32, #tpu.memory_space<vmem>>, vector<16xf32>,
      %parallel_loop3A_1551 = arith.addf %parallel_loop3A_1544, %parallel_loop3A_1550 : vector<16xf32>
      %parallel_loop3A_1552 = arith.constant 16 : i32
      %parallel_loop3A_1553 = arith.muli %parallel_loop3A_1442, %parallel_loop3A_1552 : i32
      %parallel_loop3A_1554 = arith.index_cast %parallel_loop3A_1553 : i32 to index
      %parallel_loop3A_1555 = tpu.vector_load %arg8[%parallel_loop3A_1554] {strides = array<i32>} : memref<2000xf32, #tpu.memory_space<vmem>>, vector<16xf32>,
      tpu.vector_store %arg8[%parallel_loop3A_1554], %parallel_loop3A_1551 {strides = array<i32>} : memref<2000xf32, #tpu.memory_space<vmem>>, vector<16xf32>,
    } {sc.loop_unroll_factor = 2 : i64, sc.parallel_access}
    %mul3A_1164 = arith.constant 10240 : i32
    %mul3A_1165 = arith.muli %arg0, %mul3A_1164 : i32
    %add3A_1166 = arith.constant 5120 : i32
    %add3A_1167 = arith.addi %mul3A_1165, %add3A_1166 : i32
    %mul3A_1168 = arith.constant 160 : i32
    %mul3A_1169 = arith.muli %arg1, %mul3A_1168 : i32
    %add3A_1170 = arith.addi %add3A_1167, %mul3A_1169 : i32
    "tpu.region"() ({
      %run_scoped3A = tpu.sem_alloc : memref<!tpu.dma_semaphore, #tpu.memory_space<semaphore_mem>>
      %dma_start3A_1442 = arith.constant 0 : i32
      %dma_start3A_1443 = tpu.memref_slice %arg8[%dma_start3A_1442] : memref<2000xf32, #tpu.memory_space<vmem>> -> memref<160xf32, #tpu.memory_space<vmem>>
      %dma_start3A_1444 = tpu.memref_slice %arg6[%add3A_1170] : memref<20480xf32, #tpu.memory_space<hbm>> -> memref<160xf32, #tpu.memory_space<hbm>>
      %dma_start3A_1445 = tpu.memref_slice %arg6[%add3A_1170] : memref<20480xf32, #tpu.memory_space<hbm>> -> memref<160xf32, #tpu.memory_space<hbm>>
      %dma_start3A_1446 = arith.constant 0 : i32
      %dma_start3A_1447 = tpu.memref_slice %arg8[%dma_start3A_1446] : memref<2000xf32, #tpu.memory_space<vmem>> -> memref<160xf32, #tpu.memory_space<vmem>>
      tpu.enqueue_dma source(%dma_start3A_1447 : memref<160xf32, #tpu.memory_space<vmem>>) target(%dma_start3A_1445 : memref<160xf32, #tpu.memory_space<hbm>>) target_semaphore(%run_scoped3A : memref<!tpu.dma_semaphore, #tpu.memory_space<semaphore_mem>>)
      %dma_wait3A_1448 = arith.constant 0 : i32
      %dma_wait3A_1449 = tpu.memref_slice %arg8[%dma_wait3A_1448] : memref<2000xf32, #tpu.memory_space<vmem>> -> memref<160xf32, #tpu.memory_space<vmem>>
      %dma_wait3A_1450 = tpu.memref_slice %arg6[%add3A_1170] : memref<20480xf32, #tpu.memory_space<hbm>> -> memref<160xf32, #tpu.memory_space<hbm>>
      %dma_wait3A_1451 = tpu.memref_slice %arg6[%add3A_1170] : memref<20480xf32, #tpu.memory_space<hbm>> -> memref<160xf32, #tpu.memory_space<hbm>>
      %dma_wait3A_1452 = arith.constant 0 : i32
      %dma_wait3A_1453 = tpu.memref_slice %arg8[%dma_wait3A_1452] : memref<2000xf32, #tpu.memory_space<vmem>> -> memref<160xf32, #tpu.memory_space<vmem>>
      tpu.wait_dma2 semaphore(%run_scoped3A : memref<!tpu.dma_semaphore, #tpu.memory_space<semaphore_mem>>) src(%dma_wait3A_1453 : memref<160xf32, #tpu.memory_space<vmem>>) dst(%dma_wait3A_1451 : memref<160xf32, #tpu.memory_space<hbm>>)
      tpu.yield
    }) : () -> ()
    %barrier3A_1171 = arith.constant 0 : index
    tpu.barrier barrier_id(%barrier3A_1171)
    %mul3A_1172 = arith.constant 2560 : i32
    %mul3A_1173 = arith.muli %arg1, %mul3A_1172 : i32
    "tpu.region"() ({
      %run_scoped3A = tpu.sem_alloc : memref<!tpu.dma_semaphore, #tpu.memory_space<semaphore_mem>>
      %dma_start3A_1442 = arith.constant 7680 : i32
      %dma_start3A_1443 = tpu.memref_slice %arg10[%dma_start3A_1442] : memref<10240xf32, #tpu.memory_space<vmem>> -> memref<2560xf32, #tpu.memory_space<vmem>>
      %dma_start3A_1444 = tpu.memref_slice %arg13[%mul3A_1173] : memref<40960xf32, #tpu.memory_space<vmem_shared>> -> memref<2560xf32, #tpu.memory_space<vmem_shared>>
      %dma_start3A_1445 = tpu.memref_slice %arg13[%mul3A_1173] : memref<40960xf32, #tpu.memory_space<vmem_shared>> -> memref<2560xf32, #tpu.memory_space<vmem_shared>>
      %dma_start3A_1446 = arith.constant 7680 : i32
      %dma_start3A_1447 = tpu.memref_slice %arg10[%dma_start3A_1446] : memref<10240xf32, #tpu.memory_space<vmem>> -> memref<2560xf32, #tpu.memory_space<vmem>>
      tpu.enqueue_dma source(%dma_start3A_1447 : memref<2560xf32, #tpu.memory_space<vmem>>) target(%dma_start3A_1445 : memref<2560xf32, #tpu.memory_space<vmem_shared>>) target_semaphore(%run_scoped3A : memref<!tpu.dma_semaphore, #tpu.memory_space<semaphore_mem>>)
      %dma_wait3A_1448 = arith.constant 7680 : i32
      %dma_wait3A_1449 = tpu.memref_slice %arg10[%dma_wait3A_1448] : memref<10240xf32, #tpu.memory_space<vmem>> -> memref<2560xf32, #tpu.memory_space<vmem>>
      %dma_wait3A_1450 = tpu.memref_slice %arg13[%mul3A_1173] : memref<40960xf32, #tpu.memory_space<vmem_shared>> -> memref<2560xf32, #tpu.memory_space<vmem_shared>>
      %dma_wait3A_1451 = tpu.memref_slice %arg13[%mul3A_1173] : memref<40960xf32, #tpu.memory_space<vmem_shared>> -> memref<2560xf32, #tpu.memory_space<vmem_shared>>
      %dma_wait3A_1452 = arith.constant 7680 : i32
      %dma_wait3A_1453 = tpu.memref_slice %arg10[%dma_wait3A_1452] : memref<10240xf32, #tpu.memory_space<vmem>> -> memref<2560xf32, #tpu.memory_space<vmem>>
      tpu.wait_dma2 semaphore(%run_scoped3A : memref<!tpu.dma_semaphore, #tpu.memory_space<semaphore_mem>>) src(%dma_wait3A_1453 : memref<2560xf32, #tpu.memory_space<vmem>>) dst(%dma_wait3A_1451 : memref<2560xf32, #tpu.memory_space<vmem_shared>>)
      tpu.yield
    }) : () -> ()
    %barrier3A_1174 = arith.constant 0 : index
    tpu.barrier barrier_id(%barrier3A_1174)
    %mul3A_1175 = arith.constant 160 : i32
    %mul3A_1176 = arith.muli %arg1, %mul3A_1175 : i32
    %add3A_1177 = arith.constant 0 : i32
    %add3A_1178 = arith.addi %add3A_1177, %mul3A_1176 : i32
    %dma_start3A_1179 = arith.constant 0 : i32
    %dma_start3A_1180 = tpu.memref_slice %arg11[%dma_start3A_1179] : memref<2560xf32, #tpu.memory_space<vmem>> -> memref<160xf32, #tpu.memory_space<vmem>>
    %dma_start3A_1181 = tpu.memref_slice %arg13[%add3A_1178] : memref<40960xf32, #tpu.memory_space<vmem_shared>> -> memref<160xf32, #tpu.memory_space<vmem_shared>>
    %dma_start3A_1182 = arith.constant 0 : i32
    %dma_start3A_1183 = tpu.memref_slice %arg11[%dma_start3A_1182] : memref<2560xf32, #tpu.memory_space<vmem>> -> memref<160xf32, #tpu.memory_space<vmem>>
    %dma_start3A_1184 = tpu.memref_slice %arg13[%add3A_1178] : memref<40960xf32, #tpu.memory_space<vmem_shared>> -> memref<160xf32, #tpu.memory_space<vmem_shared>>
    tpu.enqueue_dma source(%dma_start3A_1184 : memref<160xf32, #tpu.memory_space<vmem_shared>>) target(%dma_start3A_1183 : memref<160xf32, #tpu.memory_space<vmem>>) target_semaphore(%arg12 : memref<!tpu.dma_semaphore, #tpu.memory_space<semaphore_mem>>)
    %mul3A_1185 = arith.constant 160 : i32
    %mul3A_1186 = arith.muli %arg1, %mul3A_1185 : i32
    %add3A_1187 = arith.constant 2560 : i32
    %add3A_1188 = arith.addi %add3A_1187, %mul3A_1186 : i32
    %dma_start3A_1189 = arith.constant 160 : i32
    %dma_start3A_1190 = tpu.memref_slice %arg11[%dma_start3A_1189] : memref<2560xf32, #tpu.memory_space<vmem>> -> memref<160xf32, #tpu.memory_space<vmem>>
    %dma_start3A_1191 = tpu.memref_slice %arg13[%add3A_1188] : memref<40960xf32, #tpu.memory_space<vmem_shared>> -> memref<160xf32, #tpu.memory_space<vmem_shared>>
    %dma_start3A_1192 = arith.constant 160 : i32
    %dma_start3A_1193 = tpu.memref_slice %arg11[%dma_start3A_1192] : memref<2560xf32, #tpu.memory_space<vmem>> -> memref<160xf32, #tpu.memory_space<vmem>>
    %dma_start3A_1194 = tpu.memref_slice %arg13[%add3A_1188] : memref<40960xf32, #tpu.memory_space<vmem_shared>> -> memref<160xf32, #tpu.memory_space<vmem_shared>>
    tpu.enqueue_dma source(%dma_start3A_1194 : memref<160xf32, #tpu.memory_space<vmem_shared>>) target(%dma_start3A_1193 : memref<160xf32, #tpu.memory_space<vmem>>) target_semaphore(%arg12 : memref<!tpu.dma_semaphore, #tpu.memory_space<semaphore_mem>>)
    %mul3A_1195 = arith.constant 160 : i32
    %mul3A_1196 = arith.muli %arg1, %mul3A_1195 : i32
    %add3A_1197 = arith.constant 5120 : i32
    %add3A_1198 = arith.addi %add3A_1197, %mul3A_1196 : i32
    %dma_start3A_1199 = arith.constant 320 : i32
    %dma_start3A_1200 = tpu.memref_slice %arg11[%dma_start3A_1199] : memref<2560xf32, #tpu.memory_space<vmem>> -> memref<160xf32, #tpu.memory_space<vmem>>
    %dma_start3A_1201 = tpu.memref_slice %arg13[%add3A_1198] : memref<40960xf32, #tpu.memory_space<vmem_shared>> -> memref<160xf32, #tpu.memory_space<vmem_shared>>
    %dma_start3A_1202 = arith.constant 320 : i32
    %dma_start3A_1203 = tpu.memref_slice %arg11[%dma_start3A_1202] : memref<2560xf32, #tpu.memory_space<vmem>> -> memref<160xf32, #tpu.memory_space<vmem>>
    %dma_start3A_1204 = tpu.memref_slice %arg13[%add3A_1198] : memref<40960xf32, #tpu.memory_space<vmem_shared>> -> memref<160xf32, #tpu.memory_space<vmem_shared>>
    tpu.enqueue_dma source(%dma_start3A_1204 : memref<160xf32, #tpu.memory_space<vmem_shared>>) target(%dma_start3A_1203 : memref<160xf32, #tpu.memory_space<vmem>>) target_semaphore(%arg12 : memref<!tpu.dma_semaphore, #tpu.memory_space<semaphore_mem>>)
    %mul3A_1205 = arith.constant 160 : i32
    %mul3A_1206 = arith.muli %arg1, %mul3A_1205 : i32
    %add3A_1207 = arith.constant 7680 : i32
    %add3A_1208 = arith.addi %add3A_1207, %mul3A_1206 : i32
    %dma_start3A_1209 = arith.constant 480 : i32
    %dma_start3A_1210 = tpu.memref_slice %arg11[%dma_start3A_1209] : memref<2560xf32, #tpu.memory_space<vmem>> -> memref<160xf32, #tpu.memory_space<vmem>>
    %dma_start3A_1211 = tpu.memref_slice %arg13[%add3A_1208] : memref<40960xf32, #tpu.memory_space<vmem_shared>> -> memref<160xf32, #tpu.memory_space<vmem_shared>>
    %dma_start3A_1212 = arith.constant 480 : i32
    %dma_start3A_1213 = tpu.memref_slice %arg11[%dma_start3A_1212] : memref<2560xf32, #tpu.memory_space<vmem>> -> memref<160xf32, #tpu.memory_space<vmem>>
    %dma_start3A_1214 = tpu.memref_slice %arg13[%add3A_1208] : memref<40960xf32, #tpu.memory_space<vmem_shared>> -> memref<160xf32, #tpu.memory_space<vmem_shared>>
    tpu.enqueue_dma source(%dma_start3A_1214 : memref<160xf32, #tpu.memory_space<vmem_shared>>) target(%dma_start3A_1213 : memref<160xf32, #tpu.memory_space<vmem>>) target_semaphore(%arg12 : memref<!tpu.dma_semaphore, #tpu.memory_space<semaphore_mem>>)
    %mul3A_1215 = arith.constant 160 : i32
    %mul3A_1216 = arith.muli %arg1, %mul3A_1215 : i32
    %add3A_1217 = arith.constant 10240 : i32
    %add3A_1218 = arith.addi %add3A_1217, %mul3A_1216 : i32
    %dma_start3A_1219 = arith.constant 640 : i32
    %dma_start3A_1220 = tpu.memref_slice %arg11[%dma_start3A_1219] : memref<2560xf32, #tpu.memory_space<vmem>> -> memref<160xf32, #tpu.memory_space<vmem>>
    %dma_start3A_1221 = tpu.memref_slice %arg13[%add3A_1218] : memref<40960xf32, #tpu.memory_space<vmem_shared>> -> memref<160xf32, #tpu.memory_space<vmem_shared>>
    %dma_start3A_1222 = arith.constant 640 : i32
    %dma_start3A_1223 = tpu.memref_slice %arg11[%dma_start3A_1222] : memref<2560xf32, #tpu.memory_space<vmem>> -> memref<160xf32, #tpu.memory_space<vmem>>
    %dma_start3A_1224 = tpu.memref_slice %arg13[%add3A_1218] : memref<40960xf32, #tpu.memory_space<vmem_shared>> -> memref<160xf32, #tpu.memory_space<vmem_shared>>
    tpu.enqueue_dma source(%dma_start3A_1224 : memref<160xf32, #tpu.memory_space<vmem_shared>>) target(%dma_start3A_1223 : memref<160xf32, #tpu.memory_space<vmem>>) target_semaphore(%arg12 : memref<!tpu.dma_semaphore, #tpu.memory_space<semaphore_mem>>)
    %mul3A_1225 = arith.constant 160 : i32
    %mul3A_1226 = arith.muli %arg1, %mul3A_1225 : i32
    %add3A_1227 = arith.constant 12800 : i32
    %add3A_1228 = arith.addi %add3A_1227, %mul3A_1226 : i32
    %dma_start3A_1229 = arith.constant 800 : i32
    %dma_start3A_1230 = tpu.memref_slice %arg11[%dma_start3A_1229] : memref<2560xf32, #tpu.memory_space<vmem>> -> memref<160xf32, #tpu.memory_space<vmem>>
    %dma_start3A_1231 = tpu.memref_slice %arg13[%add3A_1228] : memref<40960xf32, #tpu.memory_space<vmem_shared>> -> memref<160xf32, #tpu.memory_space<vmem_shared>>
    %dma_start3A_1232 = arith.constant 800 : i32
    %dma_start3A_1233 = tpu.memref_slice %arg11[%dma_start3A_1232] : memref<2560xf32, #tpu.memory_space<vmem>> -> memref<160xf32, #tpu.memory_space<vmem>>
    %dma_start3A_1234 = tpu.memref_slice %arg13[%add3A_1228] : memref<40960xf32, #tpu.memory_space<vmem_shared>> -> memref<160xf32, #tpu.memory_space<vmem_shared>>
    tpu.enqueue_dma source(%dma_start3A_1234 : memref<160xf32, #tpu.memory_space<vmem_shared>>) target(%dma_start3A_1233 : memref<160xf32, #tpu.memory_space<vmem>>) target_semaphore(%arg12 : memref<!tpu.dma_semaphore, #tpu.memory_space<semaphore_mem>>)
    %mul3A_1235 = arith.constant 160 : i32
    %mul3A_1236 = arith.muli %arg1, %mul3A_1235 : i32
    %add3A_1237 = arith.constant 15360 : i32
    %add3A_1238 = arith.addi %add3A_1237, %mul3A_1236 : i32
    %dma_start3A_1239 = arith.constant 960 : i32
    %dma_start3A_1240 = tpu.memref_slice %arg11[%dma_start3A_1239] : memref<2560xf32, #tpu.memory_space<vmem>> -> memref<160xf32, #tpu.memory_space<vmem>>
    %dma_start3A_1241 = tpu.memref_slice %arg13[%add3A_1238] : memref<40960xf32, #tpu.memory_space<vmem_shared>> -> memref<160xf32, #tpu.memory_space<vmem_shared>>
    %dma_start3A_1242 = arith.constant 960 : i32
    %dma_start3A_1243 = tpu.memref_slice %arg11[%dma_start3A_1242] : memref<2560xf32, #tpu.memory_space<vmem>> -> memref<160xf32, #tpu.memory_space<vmem>>
    %dma_start3A_1244 = tpu.memref_slice %arg13[%add3A_1238] : memref<40960xf32, #tpu.memory_space<vmem_shared>> -> memref<160xf32, #tpu.memory_space<vmem_shared>>
    tpu.enqueue_dma source(%dma_start3A_1244 : memref<160xf32, #tpu.memory_space<vmem_shared>>) target(%dma_start3A_1243 : memref<160xf32, #tpu.memory_space<vmem>>) target_semaphore(%arg12 : memref<!tpu.dma_semaphore, #tpu.memory_space<semaphore_mem>>)
    %mul3A_1245 = arith.constant 160 : i32
    %mul3A_1246 = arith.muli %arg1, %mul3A_1245 : i32
    %add3A_1247 = arith.constant 17920 : i32
    %add3A_1248 = arith.addi %add3A_1247, %mul3A_1246 : i32
    %dma_start3A_1249 = arith.constant 1120 : i32
    %dma_start3A_1250 = tpu.memref_slice %arg11[%dma_start3A_1249] : memref<2560xf32, #tpu.memory_space<vmem>> -> memref<160xf32, #tpu.memory_space<vmem>>
    %dma_start3A_1251 = tpu.memref_slice %arg13[%add3A_1248] : memref<40960xf32, #tpu.memory_space<vmem_shared>> -> memref<160xf32, #tpu.memory_space<vmem_shared>>
    %dma_start3A_1252 = arith.constant 1120 : i32
    %dma_start3A_1253 = tpu.memref_slice %arg11[%dma_start3A_1252] : memref<2560xf32, #tpu.memory_space<vmem>> -> memref<160xf32, #tpu.memory_space<vmem>>
    %dma_start3A_1254 = tpu.memref_slice %arg13[%add3A_1248] : memref<40960xf32, #tpu.memory_space<vmem_shared>> -> memref<160xf32, #tpu.memory_space<vmem_shared>>
    tpu.enqueue_dma source(%dma_start3A_1254 : memref<160xf32, #tpu.memory_space<vmem_shared>>) target(%dma_start3A_1253 : memref<160xf32, #tpu.memory_space<vmem>>) target_semaphore(%arg12 : memref<!tpu.dma_semaphore, #tpu.memory_space<semaphore_mem>>)
    %mul3A_1255 = arith.constant 160 : i32
    %mul3A_1256 = arith.muli %arg1, %mul3A_1255 : i32
    %add3A_1257 = arith.constant 20480 : i32
    %add3A_1258 = arith.addi %add3A_1257, %mul3A_1256 : i32
    %dma_start3A_1259 = arith.constant 1280 : i32
    %dma_start3A_1260 = tpu.memref_slice %arg11[%dma_start3A_1259] : memref<2560xf32, #tpu.memory_space<vmem>> -> memref<160xf32, #tpu.memory_space<vmem>>
    %dma_start3A_1261 = tpu.memref_slice %arg13[%add3A_1258] : memref<40960xf32, #tpu.memory_space<vmem_shared>> -> memref<160xf32, #tpu.memory_space<vmem_shared>>
    %dma_start3A_1262 = arith.constant 1280 : i32
    %dma_start3A_1263 = tpu.memref_slice %arg11[%dma_start3A_1262] : memref<2560xf32, #tpu.memory_space<vmem>> -> memref<160xf32, #tpu.memory_space<vmem>>
    %dma_start3A_1264 = tpu.memref_slice %arg13[%add3A_1258] : memref<40960xf32, #tpu.memory_space<vmem_shared>> -> memref<160xf32, #tpu.memory_space<vmem_shared>>
    tpu.enqueue_dma source(%dma_start3A_1264 : memref<160xf32, #tpu.memory_space<vmem_shared>>) target(%dma_start3A_1263 : memref<160xf32, #tpu.memory_space<vmem>>) target_semaphore(%arg12 : memref<!tpu.dma_semaphore, #tpu.memory_space<semaphore_mem>>)
    %mul3A_1265 = arith.constant 160 : i32
    %mul3A_1266 = arith.muli %arg1, %mul3A_1265 : i32
    %add3A_1267 = arith.constant 23040 : i32
    %add3A_1268 = arith.addi %add3A_1267, %mul3A_1266 : i32
    %dma_start3A_1269 = arith.constant 1440 : i32
    %dma_start3A_1270 = tpu.memref_slice %arg11[%dma_start3A_1269] : memref<2560xf32, #tpu.memory_space<vmem>> -> memref<160xf32, #tpu.memory_space<vmem>>
    %dma_start3A_1271 = tpu.memref_slice %arg13[%add3A_1268] : memref<40960xf32, #tpu.memory_space<vmem_shared>> -> memref<160xf32, #tpu.memory_space<vmem_shared>>
    %dma_start3A_1272 = arith.constant 1440 : i32
    %dma_start3A_1273 = tpu.memref_slice %arg11[%dma_start3A_1272] : memref<2560xf32, #tpu.memory_space<vmem>> -> memref<160xf32, #tpu.memory_space<vmem>>
    %dma_start3A_1274 = tpu.memref_slice %arg13[%add3A_1268] : memref<40960xf32, #tpu.memory_space<vmem_shared>> -> memref<160xf32, #tpu.memory_space<vmem_shared>>
    tpu.enqueue_dma source(%dma_start3A_1274 : memref<160xf32, #tpu.memory_space<vmem_shared>>) target(%dma_start3A_1273 : memref<160xf32, #tpu.memory_space<vmem>>) target_semaphore(%arg12 : memref<!tpu.dma_semaphore, #tpu.memory_space<semaphore_mem>>)
    %mul3A_1275 = arith.constant 160 : i32
    %mul3A_1276 = arith.muli %arg1, %mul3A_1275 : i32
    %add3A_1277 = arith.constant 25600 : i32
    %add3A_1278 = arith.addi %add3A_1277, %mul3A_1276 : i32
    %dma_start3A_1279 = arith.constant 1600 : i32
    %dma_start3A_1280 = tpu.memref_slice %arg11[%dma_start3A_1279] : memref<2560xf32, #tpu.memory_space<vmem>> -> memref<160xf32, #tpu.memory_space<vmem>>
    %dma_start3A_1281 = tpu.memref_slice %arg13[%add3A_1278] : memref<40960xf32, #tpu.memory_space<vmem_shared>> -> memref<160xf32, #tpu.memory_space<vmem_shared>>
    %dma_start3A_1282 = arith.constant 1600 : i32
    %dma_start3A_1283 = tpu.memref_slice %arg11[%dma_start3A_1282] : memref<2560xf32, #tpu.memory_space<vmem>> -> memref<160xf32, #tpu.memory_space<vmem>>
    %dma_start3A_1284 = tpu.memref_slice %arg13[%add3A_1278] : memref<40960xf32, #tpu.memory_space<vmem_shared>> -> memref<160xf32, #tpu.memory_space<vmem_shared>>
    tpu.enqueue_dma source(%dma_start3A_1284 : memref<160xf32, #tpu.memory_space<vmem_shared>>) target(%dma_start3A_1283 : memref<160xf32, #tpu.memory_space<vmem>>) target_semaphore(%arg12 : memref<!tpu.dma_semaphore, #tpu.memory_space<semaphore_mem>>)
    %mul3A_1285 = arith.constant 160 : i32
    %mul3A_1286 = arith.muli %arg1, %mul3A_1285 : i32
    %add3A_1287 = arith.constant 28160 : i32
    %add3A_1288 = arith.addi %add3A_1287, %mul3A_1286 : i32
    %dma_start3A_1289 = arith.constant 1760 : i32
    %dma_start3A_1290 = tpu.memref_slice %arg11[%dma_start3A_1289] : memref<2560xf32, #tpu.memory_space<vmem>> -> memref<160xf32, #tpu.memory_space<vmem>>
    %dma_start3A_1291 = tpu.memref_slice %arg13[%add3A_1288] : memref<40960xf32, #tpu.memory_space<vmem_shared>> -> memref<160xf32, #tpu.memory_space<vmem_shared>>
    %dma_start3A_1292 = arith.constant 1760 : i32
    %dma_start3A_1293 = tpu.memref_slice %arg11[%dma_start3A_1292] : memref<2560xf32, #tpu.memory_space<vmem>> -> memref<160xf32, #tpu.memory_space<vmem>>
    %dma_start3A_1294 = tpu.memref_slice %arg13[%add3A_1288] : memref<40960xf32, #tpu.memory_space<vmem_shared>> -> memref<160xf32, #tpu.memory_space<vmem_shared>>
    tpu.enqueue_dma source(%dma_start3A_1294 : memref<160xf32, #tpu.memory_space<vmem_shared>>) target(%dma_start3A_1293 : memref<160xf32, #tpu.memory_space<vmem>>) target_semaphore(%arg12 : memref<!tpu.dma_semaphore, #tpu.memory_space<semaphore_mem>>)
    %mul3A_1295 = arith.constant 160 : i32
    %mul3A_1296 = arith.muli %arg1, %mul3A_1295 : i32
    %add3A_1297 = arith.constant 30720 : i32
    %add3A_1298 = arith.addi %add3A_1297, %mul3A_1296 : i32
    %dma_start3A_1299 = arith.constant 1920 : i32
    %dma_start3A_1300 = tpu.memref_slice %arg11[%dma_start3A_1299] : memref<2560xf32, #tpu.memory_space<vmem>> -> memref<160xf32, #tpu.memory_space<vmem>>
    %dma_start3A_1301 = tpu.memref_slice %arg13[%add3A_1298] : memref<40960xf32, #tpu.memory_space<vmem_shared>> -> memref<160xf32, #tpu.memory_space<vmem_shared>>
    %dma_start3A_1302 = arith.constant 1920 : i32
    %dma_start3A_1303 = tpu.memref_slice %arg11[%dma_start3A_1302] : memref<2560xf32, #tpu.memory_space<vmem>> -> memref<160xf32, #tpu.memory_space<vmem>>
    %dma_start3A_1304 = tpu.memref_slice %arg13[%add3A_1298] : memref<40960xf32, #tpu.memory_space<vmem_shared>> -> memref<160xf32, #tpu.memory_space<vmem_shared>>
    tpu.enqueue_dma source(%dma_start3A_1304 : memref<160xf32, #tpu.memory_space<vmem_shared>>) target(%dma_start3A_1303 : memref<160xf32, #tpu.memory_space<vmem>>) target_semaphore(%arg12 : memref<!tpu.dma_semaphore, #tpu.memory_space<semaphore_mem>>)
    %mul3A_1305 = arith.constant 160 : i32
    %mul3A_1306 = arith.muli %arg1, %mul3A_1305 : i32
    %add3A_1307 = arith.constant 33280 : i32
    %add3A_1308 = arith.addi %add3A_1307, %mul3A_1306 : i32
    %dma_start3A_1309 = arith.constant 2080 : i32
    %dma_start3A_1310 = tpu.memref_slice %arg11[%dma_start3A_1309] : memref<2560xf32, #tpu.memory_space<vmem>> -> memref<160xf32, #tpu.memory_space<vmem>>
    %dma_start3A_1311 = tpu.memref_slice %arg13[%add3A_1308] : memref<40960xf32, #tpu.memory_space<vmem_shared>> -> memref<160xf32, #tpu.memory_space<vmem_shared>>
    %dma_start3A_1312 = arith.constant 2080 : i32
    %dma_start3A_1313 = tpu.memref_slice %arg11[%dma_start3A_1312] : memref<2560xf32, #tpu.memory_space<vmem>> -> memref<160xf32, #tpu.memory_space<vmem>>
    %dma_start3A_1314 = tpu.memref_slice %arg13[%add3A_1308] : memref<40960xf32, #tpu.memory_space<vmem_shared>> -> memref<160xf32, #tpu.memory_space<vmem_shared>>
    tpu.enqueue_dma source(%dma_start3A_1314 : memref<160xf32, #tpu.memory_space<vmem_shared>>) target(%dma_start3A_1313 : memref<160xf32, #tpu.memory_space<vmem>>) target_semaphore(%arg12 : memref<!tpu.dma_semaphore, #tpu.memory_space<semaphore_mem>>)
    %mul3A_1315 = arith.constant 160 : i32
    %mul3A_1316 = arith.muli %arg1, %mul3A_1315 : i32
    %add3A_1317 = arith.constant 35840 : i32
    %add3A_1318 = arith.addi %add3A_1317, %mul3A_1316 : i32
    %dma_start3A_1319 = arith.constant 2240 : i32
    %dma_start3A_1320 = tpu.memref_slice %arg11[%dma_start3A_1319] : memref<2560xf32, #tpu.memory_space<vmem>> -> memref<160xf32, #tpu.memory_space<vmem>>
    %dma_start3A_1321 = tpu.memref_slice %arg13[%add3A_1318] : memref<40960xf32, #tpu.memory_space<vmem_shared>> -> memref<160xf32, #tpu.memory_space<vmem_shared>>
    %dma_start3A_1322 = arith.constant 2240 : i32
    %dma_start3A_1323 = tpu.memref_slice %arg11[%dma_start3A_1322] : memref<2560xf32, #tpu.memory_space<vmem>> -> memref<160xf32, #tpu.memory_space<vmem>>
    %dma_start3A_1324 = tpu.memref_slice %arg13[%add3A_1318] : memref<40960xf32, #tpu.memory_space<vmem_shared>> -> memref<160xf32, #tpu.memory_space<vmem_shared>>
    tpu.enqueue_dma source(%dma_start3A_1324 : memref<160xf32, #tpu.memory_space<vmem_shared>>) target(%dma_start3A_1323 : memref<160xf32, #tpu.memory_space<vmem>>) target_semaphore(%arg12 : memref<!tpu.dma_semaphore, #tpu.memory_space<semaphore_mem>>)
    %mul3A_1325 = arith.constant 160 : i32
    %mul3A_1326 = arith.muli %arg1, %mul3A_1325 : i32
    %add3A_1327 = arith.constant 38400 : i32
    %add3A_1328 = arith.addi %add3A_1327, %mul3A_1326 : i32
    %dma_start3A_1329 = arith.constant 2400 : i32
    %dma_start3A_1330 = tpu.memref_slice %arg11[%dma_start3A_1329] : memref<2560xf32, #tpu.memory_space<vmem>> -> memref<160xf32, #tpu.memory_space<vmem>>
    %dma_start3A_1331 = tpu.memref_slice %arg13[%add3A_1328] : memref<40960xf32, #tpu.memory_space<vmem_shared>> -> memref<160xf32, #tpu.memory_space<vmem_shared>>
    %dma_start3A_1332 = arith.constant 2400 : i32
    %dma_start3A_1333 = tpu.memref_slice %arg11[%dma_start3A_1332] : memref<2560xf32, #tpu.memory_space<vmem>> -> memref<160xf32, #tpu.memory_space<vmem>>
    %dma_start3A_1334 = tpu.memref_slice %arg13[%add3A_1328] : memref<40960xf32, #tpu.memory_space<vmem_shared>> -> memref<160xf32, #tpu.memory_space<vmem_shared>>
    tpu.enqueue_dma source(%dma_start3A_1334 : memref<160xf32, #tpu.memory_space<vmem_shared>>) target(%dma_start3A_1333 : memref<160xf32, #tpu.memory_space<vmem>>) target_semaphore(%arg12 : memref<!tpu.dma_semaphore, #tpu.memory_space<semaphore_mem>>)
    %dma_wait3A_1335 = arith.constant 0 : i32
    %dma_wait3A_1336 = tpu.memref_slice %arg11[%dma_wait3A_1335] : memref<2560xf32, #tpu.memory_space<vmem>> -> memref<160xf32, #tpu.memory_space<vmem>>
    %dma_wait3A_1337 = tpu.memref_slice %arg13[%add3A_1178] : memref<40960xf32, #tpu.memory_space<vmem_shared>> -> memref<160xf32, #tpu.memory_space<vmem_shared>>
    %dma_wait3A_1338 = arith.constant 0 : i32
    %dma_wait3A_1339 = tpu.memref_slice %arg11[%dma_wait3A_1338] : memref<2560xf32, #tpu.memory_space<vmem>> -> memref<160xf32, #tpu.memory_space<vmem>>
    %dma_wait3A_1340 = tpu.memref_slice %arg13[%add3A_1178] : memref<40960xf32, #tpu.memory_space<vmem_shared>> -> memref<160xf32, #tpu.memory_space<vmem_shared>>
    tpu.wait_dma2 semaphore(%arg12 : memref<!tpu.dma_semaphore, #tpu.memory_space<semaphore_mem>>) src(%dma_wait3A_1340 : memref<160xf32, #tpu.memory_space<vmem_shared>>) dst(%dma_wait3A_1339 : memref<160xf32, #tpu.memory_space<vmem>>)
    %dma_wait3A_1341 = arith.constant 160 : i32
    %dma_wait3A_1342 = tpu.memref_slice %arg11[%dma_wait3A_1341] : memref<2560xf32, #tpu.memory_space<vmem>> -> memref<160xf32, #tpu.memory_space<vmem>>
    %dma_wait3A_1343 = tpu.memref_slice %arg13[%add3A_1188] : memref<40960xf32, #tpu.memory_space<vmem_shared>> -> memref<160xf32, #tpu.memory_space<vmem_shared>>
    %dma_wait3A_1344 = arith.constant 160 : i32
    %dma_wait3A_1345 = tpu.memref_slice %arg11[%dma_wait3A_1344] : memref<2560xf32, #tpu.memory_space<vmem>> -> memref<160xf32, #tpu.memory_space<vmem>>
    %dma_wait3A_1346 = tpu.memref_slice %arg13[%add3A_1188] : memref<40960xf32, #tpu.memory_space<vmem_shared>> -> memref<160xf32, #tpu.memory_space<vmem_shared>>
    tpu.wait_dma2 semaphore(%arg12 : memref<!tpu.dma_semaphore, #tpu.memory_space<semaphore_mem>>) src(%dma_wait3A_1346 : memref<160xf32, #tpu.memory_space<vmem_shared>>) dst(%dma_wait3A_1345 : memref<160xf32, #tpu.memory_space<vmem>>)
    %dma_wait3A_1347 = arith.constant 320 : i32
    %dma_wait3A_1348 = tpu.memref_slice %arg11[%dma_wait3A_1347] : memref<2560xf32, #tpu.memory_space<vmem>> -> memref<160xf32, #tpu.memory_space<vmem>>
    %dma_wait3A_1349 = tpu.memref_slice %arg13[%add3A_1198] : memref<40960xf32, #tpu.memory_space<vmem_shared>> -> memref<160xf32, #tpu.memory_space<vmem_shared>>
    %dma_wait3A_1350 = arith.constant 320 : i32
    %dma_wait3A_1351 = tpu.memref_slice %arg11[%dma_wait3A_1350] : memref<2560xf32, #tpu.memory_space<vmem>> -> memref<160xf32, #tpu.memory_space<vmem>>
    %dma_wait3A_1352 = tpu.memref_slice %arg13[%add3A_1198] : memref<40960xf32, #tpu.memory_space<vmem_shared>> -> memref<160xf32, #tpu.memory_space<vmem_shared>>
    tpu.wait_dma2 semaphore(%arg12 : memref<!tpu.dma_semaphore, #tpu.memory_space<semaphore_mem>>) src(%dma_wait3A_1352 : memref<160xf32, #tpu.memory_space<vmem_shared>>) dst(%dma_wait3A_1351 : memref<160xf32, #tpu.memory_space<vmem>>)
    %dma_wait3A_1353 = arith.constant 480 : i32
    %dma_wait3A_1354 = tpu.memref_slice %arg11[%dma_wait3A_1353] : memref<2560xf32, #tpu.memory_space<vmem>> -> memref<160xf32, #tpu.memory_space<vmem>>
    %dma_wait3A_1355 = tpu.memref_slice %arg13[%add3A_1208] : memref<40960xf32, #tpu.memory_space<vmem_shared>> -> memref<160xf32, #tpu.memory_space<vmem_shared>>
    %dma_wait3A_1356 = arith.constant 480 : i32
    %dma_wait3A_1357 = tpu.memref_slice %arg11[%dma_wait3A_1356] : memref<2560xf32, #tpu.memory_space<vmem>> -> memref<160xf32, #tpu.memory_space<vmem>>
    %dma_wait3A_1358 = tpu.memref_slice %arg13[%add3A_1208] : memref<40960xf32, #tpu.memory_space<vmem_shared>> -> memref<160xf32, #tpu.memory_space<vmem_shared>>
    tpu.wait_dma2 semaphore(%arg12 : memref<!tpu.dma_semaphore, #tpu.memory_space<semaphore_mem>>) src(%dma_wait3A_1358 : memref<160xf32, #tpu.memory_space<vmem_shared>>) dst(%dma_wait3A_1357 : memref<160xf32, #tpu.memory_space<vmem>>)
    %dma_wait3A_1359 = arith.constant 640 : i32
    %dma_wait3A_1360 = tpu.memref_slice %arg11[%dma_wait3A_1359] : memref<2560xf32, #tpu.memory_space<vmem>> -> memref<160xf32, #tpu.memory_space<vmem>>
    %dma_wait3A_1361 = tpu.memref_slice %arg13[%add3A_1218] : memref<40960xf32, #tpu.memory_space<vmem_shared>> -> memref<160xf32, #tpu.memory_space<vmem_shared>>
    %dma_wait3A_1362 = arith.constant 640 : i32
    %dma_wait3A_1363 = tpu.memref_slice %arg11[%dma_wait3A_1362] : memref<2560xf32, #tpu.memory_space<vmem>> -> memref<160xf32, #tpu.memory_space<vmem>>
    %dma_wait3A_1364 = tpu.memref_slice %arg13[%add3A_1218] : memref<40960xf32, #tpu.memory_space<vmem_shared>> -> memref<160xf32, #tpu.memory_space<vmem_shared>>
    tpu.wait_dma2 semaphore(%arg12 : memref<!tpu.dma_semaphore, #tpu.memory_space<semaphore_mem>>) src(%dma_wait3A_1364 : memref<160xf32, #tpu.memory_space<vmem_shared>>) dst(%dma_wait3A_1363 : memref<160xf32, #tpu.memory_space<vmem>>)
    %dma_wait3A_1365 = arith.constant 800 : i32
    %dma_wait3A_1366 = tpu.memref_slice %arg11[%dma_wait3A_1365] : memref<2560xf32, #tpu.memory_space<vmem>> -> memref<160xf32, #tpu.memory_space<vmem>>
    %dma_wait3A_1367 = tpu.memref_slice %arg13[%add3A_1228] : memref<40960xf32, #tpu.memory_space<vmem_shared>> -> memref<160xf32, #tpu.memory_space<vmem_shared>>
    %dma_wait3A_1368 = arith.constant 800 : i32
    %dma_wait3A_1369 = tpu.memref_slice %arg11[%dma_wait3A_1368] : memref<2560xf32, #tpu.memory_space<vmem>> -> memref<160xf32, #tpu.memory_space<vmem>>
    %dma_wait3A_1370 = tpu.memref_slice %arg13[%add3A_1228] : memref<40960xf32, #tpu.memory_space<vmem_shared>> -> memref<160xf32, #tpu.memory_space<vmem_shared>>
    tpu.wait_dma2 semaphore(%arg12 : memref<!tpu.dma_semaphore, #tpu.memory_space<semaphore_mem>>) src(%dma_wait3A_1370 : memref<160xf32, #tpu.memory_space<vmem_shared>>) dst(%dma_wait3A_1369 : memref<160xf32, #tpu.memory_space<vmem>>)
    %dma_wait3A_1371 = arith.constant 960 : i32
    %dma_wait3A_1372 = tpu.memref_slice %arg11[%dma_wait3A_1371] : memref<2560xf32, #tpu.memory_space<vmem>> -> memref<160xf32, #tpu.memory_space<vmem>>
    %dma_wait3A_1373 = tpu.memref_slice %arg13[%add3A_1238] : memref<40960xf32, #tpu.memory_space<vmem_shared>> -> memref<160xf32, #tpu.memory_space<vmem_shared>>
    %dma_wait3A_1374 = arith.constant 960 : i32
    %dma_wait3A_1375 = tpu.memref_slice %arg11[%dma_wait3A_1374] : memref<2560xf32, #tpu.memory_space<vmem>> -> memref<160xf32, #tpu.memory_space<vmem>>
    %dma_wait3A_1376 = tpu.memref_slice %arg13[%add3A_1238] : memref<40960xf32, #tpu.memory_space<vmem_shared>> -> memref<160xf32, #tpu.memory_space<vmem_shared>>
    tpu.wait_dma2 semaphore(%arg12 : memref<!tpu.dma_semaphore, #tpu.memory_space<semaphore_mem>>) src(%dma_wait3A_1376 : memref<160xf32, #tpu.memory_space<vmem_shared>>) dst(%dma_wait3A_1375 : memref<160xf32, #tpu.memory_space<vmem>>)
    %dma_wait3A_1377 = arith.constant 1120 : i32
    %dma_wait3A_1378 = tpu.memref_slice %arg11[%dma_wait3A_1377] : memref<2560xf32, #tpu.memory_space<vmem>> -> memref<160xf32, #tpu.memory_space<vmem>>
    %dma_wait3A_1379 = tpu.memref_slice %arg13[%add3A_1248] : memref<40960xf32, #tpu.memory_space<vmem_shared>> -> memref<160xf32, #tpu.memory_space<vmem_shared>>
    %dma_wait3A_1380 = arith.constant 1120 : i32
    %dma_wait3A_1381 = tpu.memref_slice %arg11[%dma_wait3A_1380] : memref<2560xf32, #tpu.memory_space<vmem>> -> memref<160xf32, #tpu.memory_space<vmem>>
    %dma_wait3A_1382 = tpu.memref_slice %arg13[%add3A_1248] : memref<40960xf32, #tpu.memory_space<vmem_shared>> -> memref<160xf32, #tpu.memory_space<vmem_shared>>
    tpu.wait_dma2 semaphore(%arg12 : memref<!tpu.dma_semaphore, #tpu.memory_space<semaphore_mem>>) src(%dma_wait3A_1382 : memref<160xf32, #tpu.memory_space<vmem_shared>>) dst(%dma_wait3A_1381 : memref<160xf32, #tpu.memory_space<vmem>>)
    %dma_wait3A_1383 = arith.constant 1280 : i32
    %dma_wait3A_1384 = tpu.memref_slice %arg11[%dma_wait3A_1383] : memref<2560xf32, #tpu.memory_space<vmem>> -> memref<160xf32, #tpu.memory_space<vmem>>
    %dma_wait3A_1385 = tpu.memref_slice %arg13[%add3A_1258] : memref<40960xf32, #tpu.memory_space<vmem_shared>> -> memref<160xf32, #tpu.memory_space<vmem_shared>>
    %dma_wait3A_1386 = arith.constant 1280 : i32
    %dma_wait3A_1387 = tpu.memref_slice %arg11[%dma_wait3A_1386] : memref<2560xf32, #tpu.memory_space<vmem>> -> memref<160xf32, #tpu.memory_space<vmem>>
    %dma_wait3A_1388 = tpu.memref_slice %arg13[%add3A_1258] : memref<40960xf32, #tpu.memory_space<vmem_shared>> -> memref<160xf32, #tpu.memory_space<vmem_shared>>
    tpu.wait_dma2 semaphore(%arg12 : memref<!tpu.dma_semaphore, #tpu.memory_space<semaphore_mem>>) src(%dma_wait3A_1388 : memref<160xf32, #tpu.memory_space<vmem_shared>>) dst(%dma_wait3A_1387 : memref<160xf32, #tpu.memory_space<vmem>>)
    %dma_wait3A_1389 = arith.constant 1440 : i32
    %dma_wait3A_1390 = tpu.memref_slice %arg11[%dma_wait3A_1389] : memref<2560xf32, #tpu.memory_space<vmem>> -> memref<160xf32, #tpu.memory_space<vmem>>
    %dma_wait3A_1391 = tpu.memref_slice %arg13[%add3A_1268] : memref<40960xf32, #tpu.memory_space<vmem_shared>> -> memref<160xf32, #tpu.memory_space<vmem_shared>>
    %dma_wait3A_1392 = arith.constant 1440 : i32
    %dma_wait3A_1393 = tpu.memref_slice %arg11[%dma_wait3A_1392] : memref<2560xf32, #tpu.memory_space<vmem>> -> memref<160xf32, #tpu.memory_space<vmem>>
    %dma_wait3A_1394 = tpu.memref_slice %arg13[%add3A_1268] : memref<40960xf32, #tpu.memory_space<vmem_shared>> -> memref<160xf32, #tpu.memory_space<vmem_shared>>
    tpu.wait_dma2 semaphore(%arg12 : memref<!tpu.dma_semaphore, #tpu.memory_space<semaphore_mem>>) src(%dma_wait3A_1394 : memref<160xf32, #tpu.memory_space<vmem_shared>>) dst(%dma_wait3A_1393 : memref<160xf32, #tpu.memory_space<vmem>>)
    %dma_wait3A_1395 = arith.constant 1600 : i32
    %dma_wait3A_1396 = tpu.memref_slice %arg11[%dma_wait3A_1395] : memref<2560xf32, #tpu.memory_space<vmem>> -> memref<160xf32, #tpu.memory_space<vmem>>
    %dma_wait3A_1397 = tpu.memref_slice %arg13[%add3A_1278] : memref<40960xf32, #tpu.memory_space<vmem_shared>> -> memref<160xf32, #tpu.memory_space<vmem_shared>>
    %dma_wait3A_1398 = arith.constant 1600 : i32
    %dma_wait3A_1399 = tpu.memref_slice %arg11[%dma_wait3A_1398] : memref<2560xf32, #tpu.memory_space<vmem>> -> memref<160xf32, #tpu.memory_space<vmem>>
    %dma_wait3A_1400 = tpu.memref_slice %arg13[%add3A_1278] : memref<40960xf32, #tpu.memory_space<vmem_shared>> -> memref<160xf32, #tpu.memory_space<vmem_shared>>
    tpu.wait_dma2 semaphore(%arg12 : memref<!tpu.dma_semaphore, #tpu.memory_space<semaphore_mem>>) src(%dma_wait3A_1400 : memref<160xf32, #tpu.memory_space<vmem_shared>>) dst(%dma_wait3A_1399 : memref<160xf32, #tpu.memory_space<vmem>>)
    %dma_wait3A_1401 = arith.constant 1760 : i32
    %dma_wait3A_1402 = tpu.memref_slice %arg11[%dma_wait3A_1401] : memref<2560xf32, #tpu.memory_space<vmem>> -> memref<160xf32, #tpu.memory_space<vmem>>
    %dma_wait3A_1403 = tpu.memref_slice %arg13[%add3A_1288] : memref<40960xf32, #tpu.memory_space<vmem_shared>> -> memref<160xf32, #tpu.memory_space<vmem_shared>>
    %dma_wait3A_1404 = arith.constant 1760 : i32
    %dma_wait3A_1405 = tpu.memref_slice %arg11[%dma_wait3A_1404] : memref<2560xf32, #tpu.memory_space<vmem>> -> memref<160xf32, #tpu.memory_space<vmem>>
    %dma_wait3A_1406 = tpu.memref_slice %arg13[%add3A_1288] : memref<40960xf32, #tpu.memory_space<vmem_shared>> -> memref<160xf32, #tpu.memory_space<vmem_shared>>
    tpu.wait_dma2 semaphore(%arg12 : memref<!tpu.dma_semaphore, #tpu.memory_space<semaphore_mem>>) src(%dma_wait3A_1406 : memref<160xf32, #tpu.memory_space<vmem_shared>>) dst(%dma_wait3A_1405 : memref<160xf32, #tpu.memory_space<vmem>>)
    %dma_wait3A_1407 = arith.constant 1920 : i32
    %dma_wait3A_1408 = tpu.memref_slice %arg11[%dma_wait3A_1407] : memref<2560xf32, #tpu.memory_space<vmem>> -> memref<160xf32, #tpu.memory_space<vmem>>
    %dma_wait3A_1409 = tpu.memref_slice %arg13[%add3A_1298] : memref<40960xf32, #tpu.memory_space<vmem_shared>> -> memref<160xf32, #tpu.memory_space<vmem_shared>>
    %dma_wait3A_1410 = arith.constant 1920 : i32
    %dma_wait3A_1411 = tpu.memref_slice %arg11[%dma_wait3A_1410] : memref<2560xf32, #tpu.memory_space<vmem>> -> memref<160xf32, #tpu.memory_space<vmem>>
    %dma_wait3A_1412 = tpu.memref_slice %arg13[%add3A_1298] : memref<40960xf32, #tpu.memory_space<vmem_shared>> -> memref<160xf32, #tpu.memory_space<vmem_shared>>
    tpu.wait_dma2 semaphore(%arg12 : memref<!tpu.dma_semaphore, #tpu.memory_space<semaphore_mem>>) src(%dma_wait3A_1412 : memref<160xf32, #tpu.memory_space<vmem_shared>>) dst(%dma_wait3A_1411 : memref<160xf32, #tpu.memory_space<vmem>>)
    %dma_wait3A_1413 = arith.constant 2080 : i32
    %dma_wait3A_1414 = tpu.memref_slice %arg11[%dma_wait3A_1413] : memref<2560xf32, #tpu.memory_space<vmem>> -> memref<160xf32, #tpu.memory_space<vmem>>
    %dma_wait3A_1415 = tpu.memref_slice %arg13[%add3A_1308] : memref<40960xf32, #tpu.memory_space<vmem_shared>> -> memref<160xf32, #tpu.memory_space<vmem_shared>>
    %dma_wait3A_1416 = arith.constant 2080 : i32
    %dma_wait3A_1417 = tpu.memref_slice %arg11[%dma_wait3A_1416] : memref<2560xf32, #tpu.memory_space<vmem>> -> memref<160xf32, #tpu.memory_space<vmem>>
    %dma_wait3A_1418 = tpu.memref_slice %arg13[%add3A_1308] : memref<40960xf32, #tpu.memory_space<vmem_shared>> -> memref<160xf32, #tpu.memory_space<vmem_shared>>
    tpu.wait_dma2 semaphore(%arg12 : memref<!tpu.dma_semaphore, #tpu.memory_space<semaphore_mem>>) src(%dma_wait3A_1418 : memref<160xf32, #tpu.memory_space<vmem_shared>>) dst(%dma_wait3A_1417 : memref<160xf32, #tpu.memory_space<vmem>>)
    %dma_wait3A_1419 = arith.constant 2240 : i32
    %dma_wait3A_1420 = tpu.memref_slice %arg11[%dma_wait3A_1419] : memref<2560xf32, #tpu.memory_space<vmem>> -> memref<160xf32, #tpu.memory_space<vmem>>
    %dma_wait3A_1421 = tpu.memref_slice %arg13[%add3A_1318] : memref<40960xf32, #tpu.memory_space<vmem_shared>> -> memref<160xf32, #tpu.memory_space<vmem_shared>>
    %dma_wait3A_1422 = arith.constant 2240 : i32
    %dma_wait3A_1423 = tpu.memref_slice %arg11[%dma_wait3A_1422] : memref<2560xf32, #tpu.memory_space<vmem>> -> memref<160xf32, #tpu.memory_space<vmem>>
    %dma_wait3A_1424 = tpu.memref_slice %arg13[%add3A_1318] : memref<40960xf32, #tpu.memory_space<vmem_shared>> -> memref<160xf32, #tpu.memory_space<vmem_shared>>
    tpu.wait_dma2 semaphore(%arg12 : memref<!tpu.dma_semaphore, #tpu.memory_space<semaphore_mem>>) src(%dma_wait3A_1424 : memref<160xf32, #tpu.memory_space<vmem_shared>>) dst(%dma_wait3A_1423 : memref<160xf32, #tpu.memory_space<vmem>>)
    %dma_wait3A_1425 = arith.constant 2400 : i32
    %dma_wait3A_1426 = tpu.memref_slice %arg11[%dma_wait3A_1425] : memref<2560xf32, #tpu.memory_space<vmem>> -> memref<160xf32, #tpu.memory_space<vmem>>
    %dma_wait3A_1427 = tpu.memref_slice %arg13[%add3A_1328] : memref<40960xf32, #tpu.memory_space<vmem_shared>> -> memref<160xf32, #tpu.memory_space<vmem_shared>>
    %dma_wait3A_1428 = arith.constant 2400 : i32
    %dma_wait3A_1429 = tpu.memref_slice %arg11[%dma_wait3A_1428] : memref<2560xf32, #tpu.memory_space<vmem>> -> memref<160xf32, #tpu.memory_space<vmem>>
    %dma_wait3A_1430 = tpu.memref_slice %arg13[%add3A_1328] : memref<40960xf32, #tpu.memory_space<vmem_shared>> -> memref<160xf32, #tpu.memory_space<vmem_shared>>
    tpu.wait_dma2 semaphore(%arg12 : memref<!tpu.dma_semaphore, #tpu.memory_space<semaphore_mem>>) src(%dma_wait3A_1430 : memref<160xf32, #tpu.memory_space<vmem_shared>>) dst(%dma_wait3A_1429 : memref<160xf32, #tpu.memory_space<vmem>>)
    %parallel_loop3A_1431 = arith.constant 0 : i32
    %parallel_loop3A_1432 = arith.constant 10 : i32
    %parallel_loop3A_1433 = arith.constant 1 : i32
    scf.for %parallel_loop3A_1442 = %parallel_loop3A_1431 to %parallel_loop3A_1432 step %parallel_loop3A_1433  : i32 {
      %parallel_loop3A_1443 = arith.constant 16 : i32
      %parallel_loop3A_1444 = arith.muli %parallel_loop3A_1442, %parallel_loop3A_1443 : i32
      %parallel_loop3A_1445 = arith.index_cast %parallel_loop3A_1444 : i32 to index
      %parallel_loop3A_1446 = tpu.vector_load %arg11[%parallel_loop3A_1445] {strides = array<i32>} : memref<2560xf32, #tpu.memory_space<vmem>>, vector<16xf32>,
      %parallel_loop3A_1447 = arith.constant 16 : i32
      %parallel_loop3A_1448 = arith.muli %parallel_loop3A_1442, %parallel_loop3A_1447 : i32
      %parallel_loop3A_1449 = arith.constant 160 : i32
      %parallel_loop3A_1450 = arith.addi %parallel_loop3A_1449, %parallel_loop3A_1448 : i32
      %parallel_loop3A_1451 = arith.index_cast %parallel_loop3A_1450 : i32 to index
      %parallel_loop3A_1452 = tpu.vector_load %arg11[%parallel_loop3A_1451] {strides = array<i32>} : memref<2560xf32, #tpu.memory_space<vmem>>, vector<16xf32>,
      %parallel_loop3A_1453 = arith.addf %parallel_loop3A_1446, %parallel_loop3A_1452 : vector<16xf32>
      %parallel_loop3A_1454 = arith.constant 16 : i32
      %parallel_loop3A_1455 = arith.muli %parallel_loop3A_1442, %parallel_loop3A_1454 : i32
      %parallel_loop3A_1456 = arith.constant 320 : i32
      %parallel_loop3A_1457 = arith.addi %parallel_loop3A_1456, %parallel_loop3A_1455 : i32
      %parallel_loop3A_1458 = arith.index_cast %parallel_loop3A_1457 : i32 to index
      %parallel_loop3A_1459 = tpu.vector_load %arg11[%parallel_loop3A_1458] {strides = array<i32>} : memref<2560xf32, #tpu.memory_space<vmem>>, vector<16xf32>,
      %parallel_loop3A_1460 = arith.addf %parallel_loop3A_1453, %parallel_loop3A_1459 : vector<16xf32>
      %parallel_loop3A_1461 = arith.constant 16 : i32
      %parallel_loop3A_1462 = arith.muli %parallel_loop3A_1442, %parallel_loop3A_1461 : i32
      %parallel_loop3A_1463 = arith.constant 480 : i32
      %parallel_loop3A_1464 = arith.addi %parallel_loop3A_1463, %parallel_loop3A_1462 : i32
      %parallel_loop3A_1465 = arith.index_cast %parallel_loop3A_1464 : i32 to index
      %parallel_loop3A_1466 = tpu.vector_load %arg11[%parallel_loop3A_1465] {strides = array<i32>} : memref<2560xf32, #tpu.memory_space<vmem>>, vector<16xf32>,
      %parallel_loop3A_1467 = arith.addf %parallel_loop3A_1460, %parallel_loop3A_1466 : vector<16xf32>
      %parallel_loop3A_1468 = arith.constant 16 : i32
      %parallel_loop3A_1469 = arith.muli %parallel_loop3A_1442, %parallel_loop3A_1468 : i32
      %parallel_loop3A_1470 = arith.constant 640 : i32
      %parallel_loop3A_1471 = arith.addi %parallel_loop3A_1470, %parallel_loop3A_1469 : i32
      %parallel_loop3A_1472 = arith.index_cast %parallel_loop3A_1471 : i32 to index
      %parallel_loop3A_1473 = tpu.vector_load %arg11[%parallel_loop3A_1472] {strides = array<i32>} : memref<2560xf32, #tpu.memory_space<vmem>>, vector<16xf32>,
      %parallel_loop3A_1474 = arith.addf %parallel_loop3A_1467, %parallel_loop3A_1473 : vector<16xf32>
      %parallel_loop3A_1475 = arith.constant 16 : i32
      %parallel_loop3A_1476 = arith.muli %parallel_loop3A_1442, %parallel_loop3A_1475 : i32
      %parallel_loop3A_1477 = arith.constant 800 : i32
      %parallel_loop3A_1478 = arith.addi %parallel_loop3A_1477, %parallel_loop3A_1476 : i32
      %parallel_loop3A_1479 = arith.index_cast %parallel_loop3A_1478 : i32 to index
      %parallel_loop3A_1480 = tpu.vector_load %arg11[%parallel_loop3A_1479] {strides = array<i32>} : memref<2560xf32, #tpu.memory_space<vmem>>, vector<16xf32>,
      %parallel_loop3A_1481 = arith.addf %parallel_loop3A_1474, %parallel_loop3A_1480 : vector<16xf32>
      %parallel_loop3A_1482 = arith.constant 16 : i32
      %parallel_loop3A_1483 = arith.muli %parallel_loop3A_1442, %parallel_loop3A_1482 : i32
      %parallel_loop3A_1484 = arith.constant 960 : i32
      %parallel_loop3A_1485 = arith.addi %parallel_loop3A_1484, %parallel_loop3A_1483 : i32
      %parallel_loop3A_1486 = arith.index_cast %parallel_loop3A_1485 : i32 to index
      %parallel_loop3A_1487 = tpu.vector_load %arg11[%parallel_loop3A_1486] {strides = array<i32>} : memref<2560xf32, #tpu.memory_space<vmem>>, vector<16xf32>,
      %parallel_loop3A_1488 = arith.addf %parallel_loop3A_1481, %parallel_loop3A_1487 : vector<16xf32>
      %parallel_loop3A_1489 = arith.constant 16 : i32
      %parallel_loop3A_1490 = arith.muli %parallel_loop3A_1442, %parallel_loop3A_1489 : i32
      %parallel_loop3A_1491 = arith.constant 1120 : i32
      %parallel_loop3A_1492 = arith.addi %parallel_loop3A_1491, %parallel_loop3A_1490 : i32
      %parallel_loop3A_1493 = arith.index_cast %parallel_loop3A_1492 : i32 to index
      %parallel_loop3A_1494 = tpu.vector_load %arg11[%parallel_loop3A_1493] {strides = array<i32>} : memref<2560xf32, #tpu.memory_space<vmem>>, vector<16xf32>,
      %parallel_loop3A_1495 = arith.addf %parallel_loop3A_1488, %parallel_loop3A_1494 : vector<16xf32>
      %parallel_loop3A_1496 = arith.constant 16 : i32
      %parallel_loop3A_1497 = arith.muli %parallel_loop3A_1442, %parallel_loop3A_1496 : i32
      %parallel_loop3A_1498 = arith.constant 1280 : i32
      %parallel_loop3A_1499 = arith.addi %parallel_loop3A_1498, %parallel_loop3A_1497 : i32
      %parallel_loop3A_1500 = arith.index_cast %parallel_loop3A_1499 : i32 to index
      %parallel_loop3A_1501 = tpu.vector_load %arg11[%parallel_loop3A_1500] {strides = array<i32>} : memref<2560xf32, #tpu.memory_space<vmem>>, vector<16xf32>,
      %parallel_loop3A_1502 = arith.addf %parallel_loop3A_1495, %parallel_loop3A_1501 : vector<16xf32>
      %parallel_loop3A_1503 = arith.constant 16 : i32
      %parallel_loop3A_1504 = arith.muli %parallel_loop3A_1442, %parallel_loop3A_1503 : i32
      %parallel_loop3A_1505 = arith.constant 1440 : i32
      %parallel_loop3A_1506 = arith.addi %parallel_loop3A_1505, %parallel_loop3A_1504 : i32
      %parallel_loop3A_1507 = arith.index_cast %parallel_loop3A_1506 : i32 to index
      %parallel_loop3A_1508 = tpu.vector_load %arg11[%parallel_loop3A_1507] {strides = array<i32>} : memref<2560xf32, #tpu.memory_space<vmem>>, vector<16xf32>,
      %parallel_loop3A_1509 = arith.addf %parallel_loop3A_1502, %parallel_loop3A_1508 : vector<16xf32>
      %parallel_loop3A_1510 = arith.constant 16 : i32
      %parallel_loop3A_1511 = arith.muli %parallel_loop3A_1442, %parallel_loop3A_1510 : i32
      %parallel_loop3A_1512 = arith.constant 1600 : i32
      %parallel_loop3A_1513 = arith.addi %parallel_loop3A_1512, %parallel_loop3A_1511 : i32
      %parallel_loop3A_1514 = arith.index_cast %parallel_loop3A_1513 : i32 to index
      %parallel_loop3A_1515 = tpu.vector_load %arg11[%parallel_loop3A_1514] {strides = array<i32>} : memref<2560xf32, #tpu.memory_space<vmem>>, vector<16xf32>,
      %parallel_loop3A_1516 = arith.addf %parallel_loop3A_1509, %parallel_loop3A_1515 : vector<16xf32>
      %parallel_loop3A_1517 = arith.constant 16 : i32
      %parallel_loop3A_1518 = arith.muli %parallel_loop3A_1442, %parallel_loop3A_1517 : i32
      %parallel_loop3A_1519 = arith.constant 1760 : i32
      %parallel_loop3A_1520 = arith.addi %parallel_loop3A_1519, %parallel_loop3A_1518 : i32
      %parallel_loop3A_1521 = arith.index_cast %parallel_loop3A_1520 : i32 to index
      %parallel_loop3A_1522 = tpu.vector_load %arg11[%parallel_loop3A_1521] {strides = array<i32>} : memref<2560xf32, #tpu.memory_space<vmem>>, vector<16xf32>,
      %parallel_loop3A_1523 = arith.addf %parallel_loop3A_1516, %parallel_loop3A_1522 : vector<16xf32>
      %parallel_loop3A_1524 = arith.constant 16 : i32
      %parallel_loop3A_1525 = arith.muli %parallel_loop3A_1442, %parallel_loop3A_1524 : i32
      %parallel_loop3A_1526 = arith.constant 1920 : i32
      %parallel_loop3A_1527 = arith.addi %parallel_loop3A_1526, %parallel_loop3A_1525 : i32
      %parallel_loop3A_1528 = arith.index_cast %parallel_loop3A_1527 : i32 to index
      %parallel_loop3A_1529 = tpu.vector_load %arg11[%parallel_loop3A_1528] {strides = array<i32>} : memref<2560xf32, #tpu.memory_space<vmem>>, vector<16xf32>,
      %parallel_loop3A_1530 = arith.addf %parallel_loop3A_1523, %parallel_loop3A_1529 : vector<16xf32>
      %parallel_loop3A_1531 = arith.constant 16 : i32
      %parallel_loop3A_1532 = arith.muli %parallel_loop3A_1442, %parallel_loop3A_1531 : i32
      %parallel_loop3A_1533 = arith.constant 2080 : i32
      %parallel_loop3A_1534 = arith.addi %parallel_loop3A_1533, %parallel_loop3A_1532 : i32
      %parallel_loop3A_1535 = arith.index_cast %parallel_loop3A_1534 : i32 to index
      %parallel_loop3A_1536 = tpu.vector_load %arg11[%parallel_loop3A_1535] {strides = array<i32>} : memref<2560xf32, #tpu.memory_space<vmem>>, vector<16xf32>,
      %parallel_loop3A_1537 = arith.addf %parallel_loop3A_1530, %parallel_loop3A_1536 : vector<16xf32>
      %parallel_loop3A_1538 = arith.constant 16 : i32
      %parallel_loop3A_1539 = arith.muli %parallel_loop3A_1442, %parallel_loop3A_1538 : i32
      %parallel_loop3A_1540 = arith.constant 2240 : i32
      %parallel_loop3A_1541 = arith.addi %parallel_loop3A_1540, %parallel_loop3A_1539 : i32
      %parallel_loop3A_1542 = arith.index_cast %parallel_loop3A_1541 : i32 to index
      %parallel_loop3A_1543 = tpu.vector_load %arg11[%parallel_loop3A_1542] {strides = array<i32>} : memref<2560xf32, #tpu.memory_space<vmem>>, vector<16xf32>,
      %parallel_loop3A_1544 = arith.addf %parallel_loop3A_1537, %parallel_loop3A_1543 : vector<16xf32>
      %parallel_loop3A_1545 = arith.constant 16 : i32
      %parallel_loop3A_1546 = arith.muli %parallel_loop3A_1442, %parallel_loop3A_1545 : i32
      %parallel_loop3A_1547 = arith.constant 2400 : i32
      %parallel_loop3A_1548 = arith.addi %parallel_loop3A_1547, %parallel_loop3A_1546 : i32
      %parallel_loop3A_1549 = arith.index_cast %parallel_loop3A_1548 : i32 to index
      %parallel_loop3A_1550 = tpu.vector_load %arg11[%parallel_loop3A_1549] {strides = array<i32>} : memref<2560xf32, #tpu.memory_space<vmem>>, vector<16xf32>,
      %parallel_loop3A_1551 = arith.addf %parallel_loop3A_1544, %parallel_loop3A_1550 : vector<16xf32>
      %parallel_loop3A_1552 = arith.constant 16 : i32
      %parallel_loop3A_1553 = arith.muli %parallel_loop3A_1442, %parallel_loop3A_1552 : i32
      %parallel_loop3A_1554 = arith.index_cast %parallel_loop3A_1553 : i32 to index
      %parallel_loop3A_1555 = tpu.vector_load %arg8[%parallel_loop3A_1554] {strides = array<i32>} : memref<2000xf32, #tpu.memory_space<vmem>>, vector<16xf32>,
      tpu.vector_store %arg8[%parallel_loop3A_1554], %parallel_loop3A_1551 {strides = array<i32>} : memref<2000xf32, #tpu.memory_space<vmem>>, vector<16xf32>,
    } {sc.loop_unroll_factor = 2 : i64, sc.parallel_access}
    %mul3A_1434 = arith.constant 10240 : i32
    %mul3A_1435 = arith.muli %arg0, %mul3A_1434 : i32
    %add3A_1436 = arith.constant 7680 : i32
    %add3A_1437 = arith.addi %mul3A_1435, %add3A_1436 : i32
    %mul3A_1438 = arith.constant 160 : i32
    %mul3A_1439 = arith.muli %arg1, %mul3A_1438 : i32
    %add3A_1440 = arith.addi %add3A_1437, %mul3A_1439 : i32
    "tpu.region"() ({
      %run_scoped3A = tpu.sem_alloc : memref<!tpu.dma_semaphore, #tpu.memory_space<semaphore_mem>>
      %dma_start3A_1442 = arith.constant 0 : i32
      %dma_start3A_1443 = tpu.memref_slice %arg8[%dma_start3A_1442] : memref<2000xf32, #tpu.memory_space<vmem>> -> memref<160xf32, #tpu.memory_space<vmem>>
      %dma_start3A_1444 = tpu.memref_slice %arg6[%add3A_1440] : memref<20480xf32, #tpu.memory_space<hbm>> -> memref<160xf32, #tpu.memory_space<hbm>>
      %dma_start3A_1445 = tpu.memref_slice %arg6[%add3A_1440] : memref<20480xf32, #tpu.memory_space<hbm>> -> memref<160xf32, #tpu.memory_space<hbm>>
      %dma_start3A_1446 = arith.constant 0 : i32
      %dma_start3A_1447 = tpu.memref_slice %arg8[%dma_start3A_1446] : memref<2000xf32, #tpu.memory_space<vmem>> -> memref<160xf32, #tpu.memory_space<vmem>>
      tpu.enqueue_dma source(%dma_start3A_1447 : memref<160xf32, #tpu.memory_space<vmem>>) target(%dma_start3A_1445 : memref<160xf32, #tpu.memory_space<hbm>>) target_semaphore(%run_scoped3A : memref<!tpu.dma_semaphore, #tpu.memory_space<semaphore_mem>>)
      %dma_wait3A_1448 = arith.constant 0 : i32
      %dma_wait3A_1449 = tpu.memref_slice %arg8[%dma_wait3A_1448] : memref<2000xf32, #tpu.memory_space<vmem>> -> memref<160xf32, #tpu.memory_space<vmem>>
      %dma_wait3A_1450 = tpu.memref_slice %arg6[%add3A_1440] : memref<20480xf32, #tpu.memory_space<hbm>> -> memref<160xf32, #tpu.memory_space<hbm>>
      %dma_wait3A_1451 = tpu.memref_slice %arg6[%add3A_1440] : memref<20480xf32, #tpu.memory_space<hbm>> -> memref<160xf32, #tpu.memory_space<hbm>>
      %dma_wait3A_1452 = arith.constant 0 : i32
      %dma_wait3A_1453 = tpu.memref_slice %arg8[%dma_wait3A_1452] : memref<2000xf32, #tpu.memory_space<vmem>> -> memref<160xf32, #tpu.memory_space<vmem>>
      tpu.wait_dma2 semaphore(%run_scoped3A : memref<!tpu.dma_semaphore, #tpu.memory_space<semaphore_mem>>) src(%dma_wait3A_1453 : memref<160xf32, #tpu.memory_space<vmem>>) dst(%dma_wait3A_1451 : memref<160xf32, #tpu.memory_space<hbm>>)
      tpu.yield
    }) : () -> ()
    %barrier3A_1441 = arith.constant 0 : index
    tpu.barrier barrier_id(%barrier3A_1441)
    return
  }
}

module attributes {stable_mosaic.version = 14 : i64} {
  func.func @_proj_body(%arg0: memref<10000x128xf32, #tpu.memory_space<vmem>>, %arg1: memref<256x64xf32, #tpu.memory_space<vmem>>, %arg2: memref<1x64xf32, #tpu.memory_space<vmem>>, %arg3: memref<64x10000xf32, #tpu.memory_space<vmem>>, %arg4: memref<64x10000xf32, #tpu.memory_space<vmem>>) attributes {dimension_semantics = [], scalar_prefetch = 0 : i64, scratch_operands = 0 : i64, tpu.core_type = #tpu.core_type<tc>} {
    %get3A = arith.constant 0 : index
    %get3A_0 = arith.constant 0 : index
    %get3A_1 = vector.load %arg0[%get3A, %get3A_0] : memref<10000x128xf32, #tpu.memory_space<vmem>>, vector<10000x128xf32>
    %get3A_2 = arith.constant 0 : index
    %get3A_3 = arith.constant 0 : index
    %get3A_4 = vector.load %arg1[%get3A_2, %get3A_3] : memref<256x64xf32, #tpu.memory_space<vmem>>, vector<256x64xf32>
    %slice3A = vector.extract_strided_slice %get3A_4 {offsets = [0, 0], sizes = [128, 64], strides = [1, 1]} : vector<256x64xf32> to vector<128x64xf32>
    %slice3A_5 = vector.extract_strided_slice %get3A_4 {offsets = [128, 0], sizes = [128, 64], strides = [1, 1]} : vector<256x64xf32> to vector<128x64xf32>
    %dot_general3A = arith.constant dense<0.000000e+00> : vector<64x10000xf32>
    %dot_general3A_6 = tpu.matmul %slice3A, %get3A_1, %dot_general3A {dimension_numbers = #tpu.dot_dimension_numbers<[0], [1], [1], [0], [0, 1, 1, 0], [], []>, transpose_lhs_hint = false} : vector<128x64xf32>, vector<10000x128xf32>, vector<64x10000xf32> -> vector<64x10000xf32>
    %get3A_7 = arith.constant 0 : index
    %get3A_8 = arith.constant 0 : index
    %get3A_9 = vector.load %arg2[%get3A_7, %get3A_8] : memref<1x64xf32, #tpu.memory_space<vmem>>, vector<1x64xf32>
    %transpose3A = tpu.transpose %get3A_9, [1, 0] : vector<1x64xf32> -> vector<64x1xf32>
    %add3A = vector.broadcast %transpose3A : vector<64x1xf32> to vector<64x10000xf32>
    %add3A_10 = arith.addf %dot_general3A_6, %add3A : vector<64x10000xf32>
    %swap3A = arith.constant 0 : index
    %swap3A_11 = arith.constant 0 : index
    %swap3A_12 = vector.load %arg3[%swap3A, %swap3A_11] : memref<64x10000xf32, #tpu.memory_space<vmem>>, vector<64x10000xf32>
    tpu.vector_store %arg3[%swap3A, %swap3A_11], %add3A_10 {strides = array<i32>} : memref<64x10000xf32, #tpu.memory_space<vmem>>, vector<64x10000xf32>,
    %dot_general3A_13 = arith.constant dense<0.000000e+00> : vector<64x10000xf32>
    %dot_general3A_14 = tpu.matmul %slice3A_5, %get3A_1, %dot_general3A_13 {dimension_numbers = #tpu.dot_dimension_numbers<[0], [1], [1], [0], [0, 1, 1, 0], [], []>, transpose_lhs_hint = false} : vector<128x64xf32>, vector<10000x128xf32>, vector<64x10000xf32> -> vector<64x10000xf32>
    %swap3A_15 = arith.constant 0 : index
    %swap3A_16 = arith.constant 0 : index
    %swap3A_17 = vector.load %arg4[%swap3A_15, %swap3A_16] : memref<64x10000xf32, #tpu.memory_space<vmem>>, vector<64x10000xf32>
    tpu.vector_store %arg4[%swap3A_15, %swap3A_16], %dot_general3A_14 {strides = array<i32>} : memref<64x10000xf32, #tpu.memory_space<vmem>>, vector<64x10000xf32>,
    return
  }
}

module attributes {stable_mosaic.version = 14 : i64} {
  func.func @_agg_body(%arg0: memref<2x10240xf32, #tpu.memory_space<vmem>>, %arg1: memref<10000x128xf32, #tpu.memory_space<vmem>>, %arg2: memref<1x128xf32, #tpu.memory_space<vmem>>) attributes {dimension_semantics = [], scalar_prefetch = 0 : i64, scratch_operands = 0 : i64, tpu.core_type = #tpu.core_type<tc>} {
    %get3A = arith.constant 0 : index
    %get3A_0 = arith.constant 0 : index
    %get3A_1 = vector.load %arg0[%get3A, %get3A_0] : memref<2x10240xf32, #tpu.memory_space<vmem>>, vector<2x10240xf32>
    %get3A_2 = arith.constant 0 : index
    %get3A_3 = arith.constant 0 : index
    %get3A_4 = vector.load %arg1[%get3A_2, %get3A_3] : memref<10000x128xf32, #tpu.memory_space<vmem>>, vector<10000x128xf32>
    %slice3A = vector.extract_strided_slice %get3A_1 {offsets = [0, 0], sizes = [1, 10000], strides = [1, 1]} : vector<2x10240xf32> to vector<1x10000xf32>
    %slice3A_5 = vector.extract_strided_slice %get3A_1 {offsets = [1, 0], sizes = [1, 10000], strides = [1, 1]} : vector<2x10240xf32> to vector<1x10000xf32>
    %add3A = arith.addf %slice3A, %slice3A_5 : vector<1x10000xf32>
    %dot_general3A = arith.constant dense<0.000000e+00> : vector<1x128xf32>
    %dot_general3A_6 = tpu.matmul %add3A, %get3A_4, %dot_general3A {dimension_numbers = #tpu.dot_dimension_numbers<[1], [0], [0], [1], [0, 0, 1, 1], [], []>, transpose_lhs_hint = false} : vector<1x10000xf32>, vector<10000x128xf32>, vector<1x128xf32> -> vector<1x128xf32>
    %mul3A = arith.constant 9.99999974E-5 : f32
    %mul3A_7 = vector.broadcast %mul3A : f32 to vector<1x128xf32>
    %mul3A_8 = arith.mulf %dot_general3A_6, %mul3A_7 : vector<1x128xf32>
    %swap3A = arith.constant 0 : index
    %swap3A_9 = arith.constant 0 : index
    %swap3A_10 = vector.load %arg2[%swap3A, %swap3A_9] : memref<1x128xf32, #tpu.memory_space<vmem>>, vector<1x128xf32>
    tpu.vector_store %arg2[%swap3A, %swap3A_9], %mul3A_8 {strides = array<i32>} : memref<1x128xf32, #tpu.memory_space<vmem>>, vector<1x128xf32>,
    return
  }
}

</mosaic_0001>

<sc_bundles>
// kernel: kernel.6.cloned.1.call-start
scs
__scs_entry_jumppad:
0x0: {  	(pc) =	sbr.rel $0x88, $3  }
0x1: {  	(tag) =	ssettag $0x0;
	lr =	simm.s32 $0x1  }
0x2: {  	[smem:$0x3F9A] =	sst lr;
	_ =	strace $0xD0000000  }
0x3: {  	_ = 	snop  }
0x4: {  	_ = 	snop  }
0x5: {  	_ = 	snop  }
0x6: {  	_ = 	snop  }
0x7: {  	_ = 	snop  }
__scs_overlays_trampoline_lowered:
0x8: {  	[smem:$0x3FA9] =	sst s0  }
0x9: {  	[smem:$0x3FAA] =	sst s1  }
0xa: {  	[smem:$0x3FAB] =	sst s2  }
0xb: {  	[smem:$0x3FAC] =	sst s3  }
0xc: {  	[smem:$0x3FAD] =	sst s4  }
0xd: {  	[smem:$0x3FAE] =	sst s5  }
0xe: {  	[smem:$0x3FAF] =	sst s6  }
0xf: {  	[smem:$0x3FB0] =	sst s7  }
0x10: {  	[smem:$0x3FB1] =	sst s8  }
0x11: {  	[smem:$0x3FB2] =	sst s9;
	s0 =	simm.s32 @!p0 $0x0  }
0x12: {  	s1 =	sld [smem:$0x3F98];
	s0 =	simm.s32 @p0 $0x1  }
0x13: {  	[smem:$0x3FB3] =	sst s0;
	s0 =	simm.s32 @!p1 $0x0  }
0x14: {  	s2 =	sld [smem:$0x3F97];
	s0 =	simm.s32 @p1 $0x1  }
0x15: {  	[smem:$0x3FB4] =	sst s0;
	s0 =	simm.s32 @!p2 $0x0  }
0x16: {  	s3 =	sld [smem:$0x3FDB];
	s0 =	simm.s32 @p2 $0x1  }
0x17: {  	s4 =	simm.s32 $0x1BF5;
	[smem:$0x3FB6] =	sst s0  }
0x18: {  	s0 =	sld [smem:$0x3F99];
	_ =	swait.ge [sflag:s4], $0x0  }
0x19: {  	s7 =	sld [smem:$0x3F9A]  }
0x1a: {  	s8 =	sadd.s32 $0xFFFFE003, lr  }
0x1b: {  	s9 =	sadd.s32 $0xFFFFFEF7, lr;
	s5 =	simm.s32 $0xFFFFFFFF;
	p2 =	slt.u32 s8, $0xFFFFF086  }
0x1c: {  	p1 =	slt.u32 s9, $0xF7A;
	s5 =	simm.s32 @!p2 $0x0  }
0x1d: {  	s5 =	simm.s32 @p1 $0x1;
	p0 =	seq.s32 s7, s2  }
0x1e: {  	s7 =	smul.u32 @!p0 $0xF7A, s2;
	p2 =	seq.s32 @!p0 s5, $0x0  }
0x1f: {  	s9 =	smul.u32 $0xF7A, s1;
	s8 =	simm.s32 @!p0 $0x1BF5;
	p2 =	por !p2, p0  }
0x20: {  	[sflag:s8] =	ssyncset.s32 @!p0 $0xFFFFF086;
	s6 =	sadd.s32 @!p0 s3, s7;
	s7 =	simm.s32 @!p0 $0x108  }
0x21: {  	s3 =	sadd.s32 s3, s9;
	s6 =	sadd.s32 @!p0 $0x88, s6;
	s7 =	simm.s32 @p2 $0x1082  }
0x22: {  	[simem:s7], [sflag:s8] =	dma.local @!p0 [hbm:s6], $0xF7A  }
0x23: {  	s9 =	sor.u32 $0xD0000000, s2;
	s6 =	simm.s32 $0x108;
	_ =	swait.ge @!p0 [sflag:s8], $0x0  }
0x24: {  	s3 =	sadd.s32 $0x88, s3;
	s6 =	simm.s32 @!p1 $0x1082;
	[sflag:s4] =	ssyncset.s32 $0xFFFFF086  }
0x25: {  	[simem:s6], [sflag:s4] =	dma.local [hbm:s3], $0xF7A  }
0x26: {  	[smem:$0x3F9A] =	sst s1;
	(tag) =	ssettag s2;
	_ =	strace s9  }
0x27: {  	s1 =	sld [smem:$0x3FAA]  }
0x28: {  	s2 =	sld [smem:$0x3FAB]  }
0x29: {  	s4 =	sld [smem:$0x3FAD]  }
0x2a: {  	p0 =	seq.s32 s5, $0x0;
	s5 =	sld [smem:$0x3FAE]  }
0x2b: {  	s6 =	sld [smem:$0x3FAF]  }
0x2c: {  	s7 =	sld [smem:$0x3FB0]  }
0x2d: {  	s3 =	simm.s32 $0x108;
	s8 =	sld [smem:$0x3FB1]  }
0x2e: {  	s3 =	simm.s32 @!p0 $0x1082;
	s9 =	sld [smem:$0x3FB2]  }
0x2f: {  	lr =	sadd.s32 s0, s3;
	s0 =	sld [smem:$0x3FA9]  }
0x30: {  	s3 =	sld [smem:$0x3FAC]  }
0x31: {  	[smem:$0x3FB5] =	sst s10  }
0x32: {  	s10 =	sld [smem:$0x3FB3];
	_ =	sdelay $0x3  }
0x33: {  	p0 =	seq.s32 s10, $0x1;
	s10 =	sld [smem:$0x3FB5];
	_ =	sdelay $0x3  }
0x34: {  	[smem:$0x3FB5] =	sst s10  }
0x35: {  	s10 =	sld [smem:$0x3FB4];
	_ =	sdelay $0x3  }
0x36: {  	p1 =	seq.s32 s10, $0x1;
	s10 =	sld [smem:$0x3FB5];
	_ =	sdelay $0x3  }
0x37: {  	[smem:$0x3FB5] =	sst s10  }
0x38: {  	s10 =	sld [smem:$0x3FB6]  }
0x39: {  	_ = 	snop;
	(pc) =	sbr.ind lr, $3  }
0x3a: {  	_ = 	snop  }
0x3b: {  	_ = 	snop  }
0x3c: {  	p2 =	seq.s32 s10, $0x1;
	s10 =	sld [smem:$0x3FB5]  }
0x3d: {  	_ =	shalt  }
0x3e: {  	_ =	shalt  }
0x3f: {  	_ =	shalt  }
0x40: {  	_ =	shalt  }
0x41: {  	_ =	shalt  }
0x42: {  	_ =	shalt  }
0x43: {  	_ =	shalt  }
0x44: {  	_ =	shalt  }
0x45: {  	_ =	shalt  }
0x46: {  	_ =	shalt  }
0x47: {  	_ =	shalt  }
0x48: {  	_ =	shalt  }
0x49: {  	_ =	shalt  }
0x4a: {  	_ =	shalt  }
0x4b: {  	_ =	shalt  }
0x4c: {  	_ =	shalt  }
0x4d: {  	_ =	shalt  }
0x4e: {  	_ =	shalt  }
0x4f: {  	_ =	shalt  }
0x50: {  	_ =	shalt  }
0x51: {  	_ =	shalt  }
0x52: {  	_ =	shalt  }
0x53: {  	_ =	shalt  }
0x54: {  	_ =	shalt  }
0x55: {  	_ =	shalt  }
0x56: {  	_ =	shalt  }
0x57: {  	_ =	shalt  }
0x58: {  	_ =	shalt  }
0x59: {  	_ =	shalt  }
0x5a: {  	_ =	shalt  }
0x5b: {  	_ =	shalt  }
0x5c: {  	_ =	shalt  }
0x5d: {  	_ =	shalt  }
0x5e: {  	_ =	shalt  }
0x5f: {  	_ =	shalt  }
0x60: {  	_ =	shalt  }
0x61: {  	_ =	shalt  }
0x62: {  	_ =	shalt  }
0x63: {  	_ =	shalt  }
0x64: {  	_ =	shalt  }
0x65: {  	_ =	shalt  }
0x66: {  	_ =	shalt  }
0x67: {  	_ =	shalt  }
0x68: {  	_ =	shalt  }
0x69: {  	_ =	shalt  }
0x6a: {  	_ =	shalt  }
0x6b: {  	_ =	shalt  }
0x6c: {  	_ =	shalt  }
0x6d: {  	_ =	shalt  }
0x6e: {  	_ =	shalt  }
0x6f: {  	_ =	shalt  }
0x70: {  	_ =	shalt  }
0x71: {  	_ =	shalt  }
0x72: {  	_ =	shalt  }
0x73: {  	_ =	shalt  }
0x74: {  	_ =	shalt  }
0x75: {  	_ =	shalt  }
0x76: {  	_ =	shalt  }
0x77: {  	_ =	shalt  }
0x78: {  	_ =	shalt  }
0x79: {  	_ =	shalt  }
0x7a: {  	_ =	shalt  }
0x7b: {  	_ =	shalt  }
0x7c: {  	_ =	shalt  }
0x7d: {  	_ =	shalt  }
0x7e: {  	_ =	shalt  }
0x7f: {  	_ =	shalt  }
0x80: {  	_ =	shalt  }
0x81: {  	_ =	shalt  }
0x82: {  	_ =	shalt  }
0x83: {  	_ =	shalt  }
0x84: {  	_ =	shalt  }
0x85: {  	_ =	shalt  }
0x86: {  	_ =	shalt  }
0x87: {  	_ =	shalt  }
.Lfunc_end0:
.L_simem_size_0:
called_computation_lowered:
.L_overlay_start_0:
0x88: {  	s2 =	sld [smem:$0x3FD9]  }
0x89: {  	s3 =	sld [smem:$0x3FFE];
	_ =	sdelay $0x1  }
0x8a: {  	s1 =	srdreg.scid  }
0x8b: {  	s0 =	sand.u32 $0x1, s1  }
0x8c: {  	s14 =	sshll.u32 s0, $0xA;
	s2 =	sadd.s32 s3, s2  }
0x8d: {  	s2 =	sadd.s32 s2, s14  }
0x8e: {  	[smem:$0x3FC1] =	sst s2  }
0x8f: {  	_ = 	snop  }
0x90: {  	s2 =	sld [smem:$0x3FD0];
	_ =	sdelay $0x2  }
0x91: {  	s4 =	simm.s32 $0xA;
	s5 =	simm.s32 $0x10;
	s15 =	sld [smem:$0x3FC4]  }
0x92: {  	[smem:s5], [sflag:s4] =	dma.local [hbm:s2], $0x1  }
0x93: {  	_ =	swait.eq [sflag:s4], $0x1  }
0x94: {  	[sflag:s4] =	ssyncset.done $0x0  }
0x95: {  	[sflag:s4] =	ssyncadd.s32 $0xFFFFFFFF  }
0x96: {  	s16 =	sld [smem:$0x11];
	(tm) =	ssettm $0x1  }
0x97: {  	s17 =	sld [smem:$0x3FFB];
	_ =	sdelay $0x3  }
0x98: {  	_ =	strace s17  }
0x99: {  	s4 =	sld [smem:$0x3FFC];
	_ =	sdelay $0x3  }
0x9a: {  	_ =	strace s4  }
0x9b: {  	s4 =	sld [smem:$0x3FFD];
	_ =	sdelay $0x3  }
0x9c: {  	_ =	strace s4  }
0x9d: {  	_ =	strace $0x8FFFFFFF  }
0x9e: {  	s18 =	sld [smem:$0x3FDB];
	_ =	sdelay $0x1  }
0x9f: {  	s19 =	simm.s32 $_scs_section_size  }
0xa0: {  	s6 =	simm.s32 $_size__tile_overlayer_lowered;
	s7 =	simm.s32 $_tile_overlayer_lowered  }
0xa1: {  	s22 =	simm.s32 $0x1BFF;
	s21 =	sshll.u32 s7, $0x1;
	s4 =	sadd.s32 s19, s18  }
0xa2: {  	s8 =	simm.s32 $0x0;
	s20 =	sshll.u32 s6, $0x1;
	s6 =	sadd.s32 s21, s4  }
0xa3: {  	[timem:s8], [sflag:s22] =	dma.local [hbm:s6], s20  }
0xa4: {  	_ =	swait.ge [sflag:s22], s20  }
0xa5: {  	s5 =	ssub.s32 $0x0, s20;
	[sflag:s22] =	ssyncset.done $0x0  }
0xa6: {  	[sflag:s22] =	ssyncadd.s32 s5;
	_ =	sdelay $0x1  }
0xa7: {  	s23 =	simm.s32 $0x1B8B  }
0xa8: {  	_ =	swait.ge [sflag:s23], $0x1  }
0xa9: {  	[sflag:s23] =	ssyncset.done $0x0  }
0xaa: {  	s25 =	simm.s32 $0x1B8E;
	s24 =	sld [smem:$0x3FFE];
	[sflag:s23] =	ssyncadd.s32 $0xFFFFFFFF  }
0xab: {  	s26 =	simm.s32 $execute0_lowered;
	[smem:$0x3FD2] =	sst s25  }
0xac: {  	s6 =	sshll.u32 s26, $0x1;
	_ =	strace $0x80000046;
	[dreg:$0x1] =	wrdreg $0xFFFFFFFF  }
0xad: {  	s28 =	simm.s32 $_size_execute0_lowered;
	s4 =	sadd.s32 s4, s6;
	[dreg:$0x0] =	wrdreg $0x0  }
0xae: {  	s6 =	sshll.u32 s28, $0x1;
	[dreg:$0x2] =	wrdreg s4  }
0xaf: {  	[dreg:$0x3] =	wrdreg s6  }
0xb0: {  	[dreg:$0x4] =	wrdreg $0xC0  }
0xb1: {  	_ =	task [dreg:s8], $0x5FFFF  }
0xb2: {  	[dreg:$0x1] =	wrdreg $0xFFFFFFFF  }
0xb3: {  	[dreg:$0x0] =	wrdreg $0x60  }
0xb4: {  	[dreg:$0x2] =	wrdreg s24  }
0xb5: {  	[dreg:$0x3] =	wrdreg s15  }
0xb6: {  	[dreg:$0x4] =	wrdreg s16  }
0xb7: {  	[dreg:$0x5] =	wrdreg $0x1AE800  }
0xb8: {  	[dreg:$0x6] =	wrdreg $0x9  }
0xb9: {  	_ =	task.clear_ibuf [dreg:s8], $0x7FFFF;
	_ =	strace $0x90000046  }
0xba: {  	s29 =	simm.s32 $0x9;
	_ =	strace $0x80000048  }
0xbb: {  	_ =	swait.ge [sflag:s29], $0x1  }
0xbc: {  	[sflag:s29] =	ssyncadd.s32 $0xFFFFFFFF  }
0xbd: {  	_ =	strace $0x90000048  }
0xbe: {  	_ =	sfence  }
0xbf: {  	s30 =	sld [smem:$0x0];
	_ =	sdelay $0x2  }
0xc0: {  	s31 =	sshll.u32 s1, $0xD;
	s1 =	sshrl.u32 s1, $0x2  }
0xc1: {  	s3 =	sand.u32 $0x4000, s31;
	s1 =	sadd.s32 s1, s30  }
0xc2: {  	s0 =	sor.u32 s3, s0;
	s1 =	sshll.u32 s1, $0x11  }
0xc3: {  	s0 =	sor.u32 s1, s0  }
0xc4: {  	s0 =	sadd.s32 $0x8F2B, s0  }
0xc5: {  	[sflag:s0] =	ssyncadd.remote.s32 $0x1  }
0xc6: {  	_ =	sfence.sel $0xFFFF  }
0xc7: {  	[dreg:$0x0] =	wrdreg $0xFFFFFFFF;
	(pc) =	sbr.abs _section_cstart, $3  }
0xc8: {  	[dreg:$0x1] =	wrdreg $0xFFFFFFFF  }
0xc9: {  	_ =	task.clear_ibuf [dreg:s8], $0x2FFFF;
	_ =	strace $0x9FFFFFFF  }
0xca: {  	(tm) =	ssettm $0x7FFFFFFF  }
0xcb: {  	_ =	shalt  }
tec
execute0_lowered:
.L_overlay_start_1:
0x0: {  	(tag) =	ssettag $0x1  }
0x1: {  	s0 =	rddreg [dreg:$0x0]  }
0x2: {  	s1 =	rddreg [dreg:$0x3];
	s9 =	stileid.u32  }
0x3: {  	s4 =	simm.s32 $0x0;
	s3 =	srdreg.scid;
	s2 =	smul.u32 $0x1388, s9  }
0x4: {  	[smem:$0x7FF] =	sst s4;
	s3 =	sand.u32 $0x1, s3;
	s6 =	sadd.s32 $0x28200, s0  }
0x5: {  	s16 =	sadd.s32 $0x32000, s0;
	s21 =	sadd.s32 $0x3BE00, s0;
	s20 =	smul.u32 $0x6400, s9  }
0x6: {  	s8 =	sadd.s32 $0x45C00, s0;
	s10 =	sshll.u32 s9, $0x2;
	s13 =	smul.u32 $0x190, s9  }
0x7: {  	s14 =	sshllo.u32 s9, $0x2;
	_ =	strace $0x80000047;
	[dreg:$0x5] =	wrdreg s6  }
0x8: {  	s5 =	sshll.u32 s3, $0x4;
	[dreg:$0x6] =	wrdreg s16;
	s7 =	ssub.s32 $0x2, s3  }
0x9: {  	s11 =	sor.u32 $0x1, s10;
	s12 =	sor.u32 $0x2, s10;
	s22 =	smul.u32 $0x27100, s3  }
0xa: {  	s3 =	simm.s32 $0x2;
	v0 =	vmov s10;
	s10 =	simm.s32 $0x1;
	[dreg:$0x7] =	wrdreg s21  }
0xb: {  	s2 =	sadd.s32 s2, s0;
	s5 =	sor.u32 s9, s5;
	s18 =	sshrl.u32 s7, $0x1  }
0xc: {  	s23 =	sshrl.u32 s20, $0x2;
	s15 =	smov.u32 s13;
	s13 =	sadd.s32 s13, s1  }
0xd: {  	s9 =	simm.s32 $0x9C80;
	s17 =	sshll.u32 s5, $0x1;
	s6 =	ssub.s32 s7, s18  }
0xe: {  	s19 =	sadd.s32 $0xE00, s2;
	s2 =	sadd.s32 $0x14800, s2;
	[dreg:$0xa] =	wrdreg s22  }
0xf: {  	s1 =	sadd.s32 s23, s1;
	s24 =	sadd.s32 $0x1900, s13;
	s16 =	sadd.s32 $0x3200, s13  }
0x10: {  	s18 =	smul.u32 $0x2710, s5;
	s22 =	sadd.s32 $0x6400, s13;
	[dreg:$0x8] =	wrdreg s19  }
0x11: {  	s23 =	sadd.s32 $0x7D00, s13;
	s28 =	sadd.s32 $0xE100, s13;
	[dreg:$0x9] =	wrdreg s2  }
0x12: {  	s29 =	sadd.s32 $0xFA00, s13;
	s30 =	sadd.s32 $0x11300, s13;
	[dreg:$0xb] =	wrdreg s1  }
0x13: {  	s31 =	sadd.s32 $0x12C00, s13;
	s0 =	sadd.s32 s17, s0;
	[dreg:$0xc] =	wrdreg s24  }
0x14: {  	s17 =	sadd.s32 $0x4B00, s13;
	s26 =	smax.u32 s6, $0x1;
	s24 =	sadd.s32 $0x9600, s13  }
0x15: {  	s1 =	sadd.s32 $0x15E00, s13;
	s2 =	sadd.s32 $0x17700, s13;
	s19 =	simm.s32 $0x19D00  }
0x16: {  	s6 =	simm.s32 $0x0;
	s25 =	sadd.s32 $0x4FA00, s0;
	[dreg:$0xf] =	wrdreg s26  }
0x17: {  	v2 =	vmov s11;
	v3 =	vmov s12;
	v0 =	vbroadcast v0, $0x0;
	s0 =	sadd.s32 $0x4FA40, s0;
	s26 =	sadd.s32 $0xC800, s13;
	[dreg:$0xd] =	wrdreg s25  }
0x18: {  	v1 =	vmov s14;
	v2 =	vbroadcast v2, $0x0;
	v3 =	vbroadcast v3, $0x0;
	[dreg:$0xe] =	wrdreg s0;
	s25 =	sadd.s32 $0xAF00, s13;
	s0 =	sadd.s32 $0x14500, s13  }
.LBB2_1:
0x19: {  	[dreg:$0x10] =	wrdreg s6  }
0x1a: {  	s5 =	rddreg [dreg:$0x8]  }
0x1b: {  	[tilespmem:s4], [sflag:$0x2] =	stream.linear.gather [hbm4b:s5+s4], $0x9C40, $0x38;
	[tilespmem:$0x1C780] =	vst v63  }
0x1c: {  	_ =	swait.ge [sflag:s3], $0x9C40  }
0x1d: {  	[sflag:s3] =	ssyncset.done $0x0  }
0x1e: {  	s12 =	rddreg [dreg:$0x9];
	[sflag:s3] =	ssyncadd.s32 $0xFFFF63C0  }
0x1f: {  	[tilespmem:s9], [sflag:$0x2] =	stream.linear.gather [hbm4b:s12+s4], $0x9C40, $0x38;
	[tilespmem:$0x1C780] =	vst v63  }
0x20: {  	_ =	swait.ge [sflag:s3], $0x9C40  }
0x21: {  	[sflag:s3] =	ssyncset.done $0x0  }
0x22: {  	[sflag:s3] =	ssyncadd.s32 $0xFFFF63C0  }
0x23: {  	s20 =	simm.s32 $0x1AD00;
	s14 =	rddreg [dreg:$0x1]  }
0x24: {  	[tilespmem:s20], [sflag:$0x2] =	stream.linear.gather [hbm4b:s14+s4], $0x80, $0x38;
	[tilespmem:$0x1C780] =	vst v63  }
0x25: {  	_ =	swait.ge [sflag:s3], $0x80  }
0x26: {  	[sflag:s3] =	ssyncset.done $0x0  }
0x27: {  	[sflag:s3] =	ssyncadd.s32 $0xFFFFFF80  }
0x28: {  	s7 =	simm.s32 $0x1AD80;
	s21 =	rddreg [dreg:$0x2]  }
0x29: {  	[tilespmem:s7], [sflag:$0x2] =	stream.linear.gather [hbm4b:s21+s4], $0x80, $0x38;
	[tilespmem:$0x1C780] =	vst v63  }
0x2a: {  	_ =	swait.ge [sflag:s3], $0x80  }
0x2b: {  	[sflag:s3] =	ssyncset.done $0x0  }
0x2c: {  	[sflag:s3] =	ssyncadd.s32 $0xFFFFFF80  }
0x2d: {  	v4 =	vld.idx.msk [tilespmem:v0+s20+$0x0], $0xffff  }
0x2e: {  	v5 =	vld.idx.msk [tilespmem:v2+s20+$0x0], $0xffff  }
0x2f: {  	v6 =	vld.idx.msk [tilespmem:v3+s20+$0x0], $0xffff  }
0x30: {  	s21 =	simm.s32 $0x0;
	v7 =	vld.idx.msk [tilespmem:v1+s20+$0x0], $0xffff  }
.LBB2_2:
0x31: {  	s5 =	smul.u32 $0x1900, s21  }
0x32: {  	s6 =	rddreg [dreg:$0xa]  }
0x33: {  	s20 =	sadd.s32 s6, s5  }
0x34: {  	s12 =	rddreg [dreg:$0x5];
	s5 =	sshrl.u32 s20, $0x3  }
0x35: {  	s7 =	simm.s32 $0x13900;
	s6 =	sadd.s32 s12, s5  }
0x36: {  	[tilespmem:s7], [sflag:$0x2] =	stream.linear.gather [hbm4b:s6+s4], $0x1900, $0x38;
	[tilespmem:$0x1C780] =	vst v63  }
0x37: {  	_ =	swait.ge [sflag:s3], $0x1900  }
0x38: {  	[sflag:s3] =	ssyncset.done $0x0;
	s14 =	rddreg [dreg:$0x6]  }
0x39: {  	s7 =	simm.s32 $0x15200;
	[sflag:s3] =	ssyncadd.s32 $0xFFFFE700;
	s5 =	sadd.s32 s14, s5  }
0x3a: {  	[tilespmem:s7], [sflag:$0x2] =	stream.linear.gather [hbm4b:s5+s4], $0x1900, $0x38;
	[tilespmem:$0x1C780] =	vst v63  }
0x3b: {  	_ =	swait.ge [sflag:s3], $0x1900  }
0x3c: {  	[sflag:s3] =	ssyncset.done $0x0  }
0x3d: {  	s11 =	simm.s32 $0x15220;
	[sflag:s3] =	ssyncadd.s32 $0xFFFFE700  }
0x3e: {  	s12 =	simm.s32 $0x13920;
	v8 =	vld [tilespmem:s11+$0x10]  }
0x3f: {  	v9 =	vld [tilespmem:s12+$0x10]  }
0x40: {  	v11 =	vld [tilespmem:s11+$0x0]  }
0x41: {  	v12 =	vld [tilespmem:s12+$0x0]  }
0x42: {  	v13 =	vld [tilespmem:s11+$0xFFFFFFF0]  }
0x43: {  	v17 =	vld [tilespmem:s12+$0xFFFFFFE0]  }
0x44: {  	v14 =	vld [tilespmem:s12+$0xFFFFFFF0]  }
0x45: {  	s14 =	simm.s32 $0x13960;
	v15 =	vld [tilespmem:s11+$0xFFFFFFE0]  }
0x46: {  	v40 =	vld [tilespmem:s14+$0xFFFFFFE0]  }
0x47: {  	v19 =	vld.idx.msk [tilespmem:v8+s9+$0x0], $0xffff  }
0x48: {  	v20 =	vld.idx.msk [tilespmem:v9+s4+$0x0], $0xffff  }
0x49: {  	v16 =	vadd.s32 $0x2710, v8;
	v23 =	vld.idx.msk [tilespmem:v11+s9+$0x0], $0xffff  }
0x4a: {  	v18 =	vadd.s32 $0x4E20, v11;
	v25 =	vld.idx.msk [tilespmem:v12+s4+$0x0], $0xffff  }
0x4b: {  	v21 =	vadd.s32 $0x4E20, v12;
	v29 =	vld.idx.msk [tilespmem:v17+s4+$0x0], $0xffff  }
0x4c: {  	v22 =	vadd.s32 $0x2710, v9;
	v24 =	vadd.s32 $0x2710, v11;
	v31 =	vld.idx.msk [tilespmem:v13+s9+$0x0], $0xffff  }
0x4d: {  	v26 =	vadd.s32 $0x4E20, v15;
	v36 =	vadd.s32 $0x7530, v15;
	v38 =	vadd.s32 $0x2710, v15;
	v15 =	vld.idx.msk [tilespmem:v15+s9+$0x0], $0xffff  }
0x4e: {  	v16 =	vld.idx.msk [tilespmem:v16+s9+$0x0], $0xffff  }
0x4f: {  	v28 =	vadd.s32 $0x2710, v17;
	v18 =	vld.idx.msk [tilespmem:v18+s9+$0x0], $0xffff  }
0x50: {  	v30 =	vadd.s32 $0x2710, v12;
	v21 =	vld.idx.msk [tilespmem:v21+s4+$0x0], $0xffff  }
0x51: {  	v32 =	vadd.s32 $0x2710, v13;
	v22 =	vld.idx.msk [tilespmem:v22+s4+$0x0], $0xffff  }
0x52: {  	v27 =	vadd.s32 $0x4E20, v17;
	v24 =	vld.idx.msk [tilespmem:v24+s9+$0x0], $0xffff  }
0x53: {  	v26 =	vld.idx.msk [tilespmem:v26+s9+$0x0], $0xffff  }
0x54: {  	v33 =	vadd.s32 $0x2710, v14;
	v28 =	vld.idx.msk [tilespmem:v28+s4+$0x0], $0xffff  }
0x55: {  	v10 =	vadd.s32 $0x4E20, v8;
	v53 =	vadd.s32 $0x7530, v14;
	v30 =	vld.idx.msk [tilespmem:v30+s4+$0x0], $0xffff  }
0x56: {  	v35 =	vadd.s32 $0x4E20, v9;
	v37 =	vadd.s32 $0x7530, v13;
	v17 =	vadd.s32 $0x7530, v17;
	v32 =	vld.idx.msk [tilespmem:v32+s9+$0x0], $0xffff  }
0x57: {  	v52 =	vadd.s32 $0x2710, v40;
	v12 =	vadd.s32 $0x7530, v12;
	v19 =	vadd.f32 v19, v20;
	v20 =	vld.idx.msk [tilespmem:v27+s4+$0x0], $0xffff  }
0x58: {  	v11 =	vadd.s32 $0x7530, v11;
	v13 =	vadd.s32 $0x4E20, v13;
	v9 =	vadd.s32 $0x7530, v9;
	v27 =	vld.idx.msk [tilespmem:v14+s4+$0x0], $0xffff  }
0x59: {  	v8 =	vadd.s32 $0x7530, v8;
	v33 =	vld.idx.msk [tilespmem:v33+s4+$0x0], $0xffff;
	v14 =	vadd.s32 $0x4E20, v14;
	v23 =	vadd.f32 v23, v25  }
0x5a: {  	v15 =	vadd.f32 v15, v29;
	v29 =	vld.idx.msk [tilespmem:v53+s4+$0x0], $0xffff;
	v53 =	vadd.s32 $0x4E20, v40;
	v34 =	vmul.f32 $2.000000030e-01, v19  }
0x5b: {  	v17 =	vld.idx.msk [tilespmem:v17+s4+$0x0], $0xffff;
	vm0 =	vge.f32 v19, $0.0e+00;
	v16 =	vadd.f32 v16, v22;
	v24 =	vadd.f32 v24, v30  }
0x5c: {  	s5 =	simm.s32 $0x15260;
	v30 =	vld.idx.msk [tilespmem:v37+s9+$0x0], $0xffff;
	v18 =	vadd.f32 v18, v21;
	v19 =	vsel vm0, v19, v34;
	vm0 =	vge.f32 v23, $0.0e+00  }
0x5d: {  	v37 =	vld [tilespmem:s5+$0xFFFFFFE0];
	vm3 =	vge.f32 v24, $0.0e+00;
	v19 =	vmul.f32 v19, v4;
	v25 =	vadd.f32 v31, v27  }
0x5e: {  	v55 =	vmul.f32 $2.000000030e-01, v24;
	v27 =	vld.idx.msk [tilespmem:v36+s9+$0x0], $0xffff;
	v31 =	vmul.f32 $2.000000030e-01, v23;
	v20 =	vadd.f32 v26, v20  }
0x5f: {  	v13 =	vld.idx.msk [tilespmem:v13+s9+$0x0], $0xffff;
	v26 =	vadd.f32 v32, v33;
	v19 =	vadd.f32 $0.0e+00, v19;
	v54 =	vmul.f32 $2.000000030e-01, v25  }
0x60: {  	v14 =	vld.idx.msk [tilespmem:v14+s4+$0x0], $0xffff;
	vm1 =	vge.f32 v25, $0.0e+00;
	v23 =	vsel vm0, v23, v31;
	v31 =	vmul.f32 $2.000000030e-01, v16  }
0x61: {  	v33 =	vld [tilespmem:s5+$0xFFFFFFF0];
	vm0 =	vge.f32 v16, $0.0e+00;
	v21 =	vmul.f32 $2.000000030e-01, v20;
	v39 =	vmul.f32 $2.000000030e-01, v26  }
0x62: {  	v22 =	vld.idx.msk [tilespmem:v38+s9+$0x0], $0xffff;
	vm2 =	vge.f32 v26, $0.0e+00;
	vm4 =	vge.f32 v20, $0.0e+00;
	v50 =	vadd.s32 $0x4E20, v37  }
0x63: {  	v23 =	vmul.f32 v23, v4;
	v26 =	vsel vm2, v26, v39;
	v17 =	vadd.f32 v27, v17;
	v27 =	vld.idx.msk [tilespmem:v8+s9+$0x0], $0xffff  }
0x64: {  	v8 =	vsel vm3, v24, v55;
	vm3 =	vge.f32 v18, $0.0e+00;
	v24 =	vld.idx.msk [tilespmem:v9+s4+$0x0], $0xffff;
	v9 =	vsel vm4, v20, v21  }
0x65: {  	v10 =	vld.idx.msk [tilespmem:v10+s9+$0x0], $0xffff;
	v20 =	vsel vm1, v25, v54;
	v21 =	vadd.f32 $0.0e+00, v23;
	v25 =	vmul.f32 $2.000000030e-01, v15  }
0x66: {  	v11 =	vld.idx.msk [tilespmem:v11+s9+$0x0], $0xffff;
	v13 =	vadd.f32 v13, v14;
	v14 =	vadd.f32 v30, v29;
	v60 =	vadd.s32 $0x2710, v33  }
0x67: {  	v23 =	vld.idx.msk [tilespmem:v35+s4+$0x0], $0xffff;
	v46 =	vadd.s32 $0x7530, v33;
	v35 =	vadd.s32 $0x2710, v37;
	v26 =	vmul.f32 v26, v5  }
0x68: {  	v12 =	vld.idx.msk [tilespmem:v12+s4+$0x0], $0xffff;
	v32 =	vmul.f32 v9, v6;
	v9 =	vsel vm0, v16, v31;
	vm0 =	vge.f32 v15, $0.0e+00  }
0x69: {  	v29 =	vld [tilespmem:s14+$0x10];
	v16 =	vadd.f32 v22, v28;
	v20 =	vmul.f32 v20, v4;
	v8 =	vmul.f32 v8, v5  }
0x6a: {  	v30 =	vld [tilespmem:s14+$0x0];
	v22 =	vmul.f32 $2.000000030e-01, v17;
	vm1 =	vge.f32 v17, $0.0e+00;
	v15 =	vsel vm0, v15, v25  }
0x6b: {  	v28 =	vld [tilespmem:s5+$0x10];
	vm0 =	vge.f32 v14, $0.0e+00;
	v9 =	vmul.f32 v9, v5;
	v31 =	vmul.f32 $2.000000030e-01, v14  }
0x6c: {  	v25 =	vld [tilespmem:s5+$0x0];
	v20 =	vadd.f32 $0.0e+00, v20;
	v58 =	vmul.f32 $2.000000030e-01, v16;
	v21 =	vadd.f32 v8, v21  }
0x6d: {  	vm2 =	vge.f32 v16, $0.0e+00;
	v15 =	vmul.f32 v15, v4;
	v63 =	vld.idx.msk [tilespmem:v33+s9+$0x0], $0xffff;
	v33 =	vadd.s32 $0x4E20, v33  }
0x6e: {  	v17 =	vsel vm1, v17, v22;
	v22 =	vmul.f32 $2.000000030e-01, v18;
	v14 =	vsel vm0, v14, v31;
	v31 =	vld.idx.msk [tilespmem:v37+s9+$0x0], $0xffff  }
0x6f: {  	vm1 =	vge.f32 v13, $0.0e+00;
	v19 =	vadd.f32 v9, v19;
	v17 =	vmul.f32 v17, v7;
	v39 =	vld.idx.msk [tilespmem:v60+s9+$0x0], $0xffff  }
0x70: {  	v59 =	vadd.s32 $0x2710, v29;
	v44 =	vadd.s32 $0x4E20, v30;
	v18 =	vsel vm3, v18, v22;
	v22 =	vld [tilespmem:s14+$0xFFFFFFF0]  }
0x71: {  	v9 =	vadd.s32 $0x4E20, v29;
	v43 =	vadd.s32 $0x2710, v30;
	v23 =	vadd.f32 v10, v23;
	v47 =	vld.idx.msk [tilespmem:v29+s4+$0x0], $0xffff  }
0x72: {  	v16 =	vsel vm2, v16, v58;
	v24 =	vadd.f32 v27, v24;
	v10 =	vadd.s32 $0x7530, v30;
	v27 =	vld.idx.msk [tilespmem:v30+s4+$0x0], $0xffff  }
0x73: {  	v15 =	vadd.f32 $0.0e+00, v15;
	v20 =	vadd.f32 v26, v20;
	v26 =	vadd.s32 $0x7530, v40;
	v45 =	vld.idx.msk [tilespmem:v28+s9+$0x0], $0xffff  }
0x74: {  	v58 =	vadd.s32 $0x7530, v37;
	v56 =	vadd.s32 $0x2710, v28;
	v57 =	vadd.s32 $0x4E20, v28;
	v51 =	vld.idx.msk [tilespmem:v25+s9+$0x0], $0xffff  }
0x75: {  	v41 =	vadd.s32 $0x2710, v25;
	v42 =	vadd.s32 $0x4E20, v25;
	v30 =	vmul.f32 $2.000000030e-01, v13;
	v44 =	vld.idx.msk [tilespmem:v44+s4+$0x0], $0xffff  }
0x76: {  	v55 =	vmul.f32 v18, v6;
	v18 =	vadd.f32 v11, v12;
	v11 =	vadd.s32 $0x7530, v25;
	v25 =	vld.idx.msk [tilespmem:v59+s4+$0x0], $0xffff  }
0x77: {  	v14 =	vmul.f32 v14, v7;
	v16 =	vmul.f32 v16, v5;
	v13 =	vsel vm1, v13, v30;
	v30 =	vld.idx.msk [tilespmem:v50+s9+$0x0], $0xffff  }
0x78: {  	v54 =	vmul.f32 $2.000000030e-01, v23;
	vm3 =	vge.f32 v23, $0.0e+00;
	v62 =	vmul.f32 $2.000000030e-01, v24;
	v43 =	vld.idx.msk [tilespmem:v43+s4+$0x0], $0xffff  }
0x79: {  	vm4 =	vge.f32 v24, $0.0e+00;
	v15 =	vadd.f32 v16, v15;
	v16 =	vadd.s32 $0x7530, v29;
	v26 =	vld.idx.msk [tilespmem:v26+s4+$0x0], $0xffff  }
0x7a: {  	vm2 =	vge.f32 v18, $0.0e+00;
	v23 =	vsel vm3, v23, v54;
	v24 =	vsel vm4, v24, v62;
	v8 =	vld.idx.msk [tilespmem:v57+s9+$0x0], $0xffff  }
0x7b: {  	v21 =	vadd.f32 v55, v21;
	v24 =	vmul.f32 v24, v7;
	v23 =	vmul.f32 v23, v6;
	v34 =	vld.idx.msk [tilespmem:v56+s9+$0x0], $0xffff  }
0x7c: {  	v48 =	vadd.s32 $0x2710, v22;
	v56 =	vmul.f32 v13, v6;
	v57 =	vmul.f32 $2.000000030e-01, v18;
	v38 =	vld.idx.msk [tilespmem:v41+s9+$0x0], $0xffff  }
0x7d: {  	v49 =	vadd.s32 $0x7530, v22;
	v36 =	vadd.s32 $0x4E20, v22;
	v41 =	vld.idx.msk [tilespmem:v53+s4+$0x0], $0xffff;
	v19 =	vadd.f32 v23, v19  }
0x7e: {  	v20 =	vadd.f32 v56, v20;
	v29 =	vsel vm2, v18, v57;
	v12 =	vadd.f32 v45, v47;
	v22 =	vld.idx.msk [tilespmem:v22+s4+$0x0], $0xffff  }
0x7f: {  	v13 =	vld.idx.msk [tilespmem:v52+s4+$0x0], $0xffff;
	v23 =	vadd.f32 v32, v15;
	v18 =	vadd.s32 $0x7530, v28;
	v60 =	vmul.f32 v29, v7  }
0x80: {  	v42 =	vld.idx.msk [tilespmem:v42+s9+$0x0], $0xffff;
	v27 =	vadd.f32 v51, v27;
	v62 =	vadd.f32 v14, v20;
	v61 =	vmul.f32 $2.000000030e-01, v12  }
0x81: {  	v45 =	vld.idx.msk [tilespmem:v40+s4+$0x0], $0xffff;
	vm3 =	vge.f32 v12, $0.0e+00;
	v21 =	vadd.f32 v60, v21;
	v29 =	vadd.f32 v38, v43  }
0x82: {  	v59 =	vld.idx.msk [tilespmem:v48+s4+$0x0], $0xffff;
	v32 =	vadd.f32 v30, v41;
	v12 =	vsel vm3, v12, v61;
	vm3 =	vge.f32 v27, $0.0e+00  }
0x83: {  	v28 =	vld.idx.msk [tilespmem:v58+s9+$0x0], $0xffff;
	v61 =	vadd.f32 v17, v23;
	v12 =	vmul.f32 v12, v4;
	v15 =	vadd.f32 v63, v22  }
0x84: {  	v20 =	vld.idx.msk [tilespmem:v46+s9+$0x0], $0xffff;
	v22 =	vadd.f32 v24, v19;
	v24 =	vmul.f32 $2.000000030e-01, v27;
	v19 =	vadd.f32 v34, v25  }
0x85: {  	s6 =	simm.s32 $0x16B20;
	v17 =	vld.idx.msk [tilespmem:v35+s9+$0x0], $0xffff;
	v34 =	vmul.f32 $2.000000030e-01, v29;
	v12 =	vadd.f32 $0.0e+00, v12;
	v25 =	vmul.f32 $2.000000030e-01, v15  }
0x86: {  	[tilespmem:s6+$0xFFFFFFF0] =	vst v62;
	v23 =	vld.idx.msk [tilespmem:v36+s4+$0x0], $0xffff;
	vm1 =	vge.f32 v15, $0.0e+00;
	v63 =	vsel vm3, v27, v24;
	vm0 =	vge.f32 v19, $0.0e+00  }
0x87: {  	s7 =	simm.s32 $0x16B60;
	[tilespmem:s6+$0xFFFFFFE0] =	vst v61;
	v14 =	vadd.f32 v39, v59;
	v30 =	vmul.f32 $2.000000030e-01, v19;
	v24 =	vadd.f32 v31, v45;
	v27 =	vld.idx.msk [tilespmem:v49+s4+$0x0], $0xffff  }
0x88: {  	s11 =	simm.s32 $0x4;
	s12 =	simm.s32 $0x16B60;
	s14 =	simm.s32 $0x139A0;
	[tilespmem:s6+$0x10] =	vst v22;
	vm3 =	vge.f32 v29, $0.0e+00;
	v31 =	vld.idx.msk [tilespmem:v33+s9+$0x0], $0xffff;
	v22 =	vadd.f32 v42, v44;
	v33 =	vmul.f32 v63, v4  }
.LBB2_3:
0x89: {  	s11 =	sadd.s32 $0x4, s11;
	v35 =	vmul.f32 $2.000000030e-01, v32;
	v26 =	vadd.f32 v28, v26;
	vm2 =	vge.f32 v14, $0.0e+00;
	v28 =	vld.idx.msk [tilespmem:v18+s9+$0x0], $0xffff;
	s12 =	sadd.s32 $0x40, s12;
	s5 =	sadd.s32 $0x40, s5;
	[tilespmem:s6+$0x0] =	vst v21  }
0x8a: {  	vm4 =	vge.f32 v32, $0.0e+00;
	s6 =	smov.u32 s7;
	p0 =	slt.u32 s11, $0x18C;
	v21 =	vsel vm3, v29, v34;
	vm3 =	vge.f32 v22, $0.0e+00;
	v16 =	vld.idx.msk [tilespmem:v16+s4+$0x0], $0xffff;
	s7 =	smov.u32 s12  }
0x8b: {  	v25 =	vsel vm1, v15, v25;
	v29 =	vadd.f32 $0.0e+00, v33;
	v18 =	vsel vm4, v32, v35;
	v32 =	vld.idx.msk [tilespmem:v9+s4+$0x0], $0xffff  }
0x8c: {  	v30 =	vsel vm0, v19, v30;
	v9 =	vmul.f32 $2.000000030e-01, v24;
	v15 =	vmul.f32 v18, v6;
	v11 =	vld.idx.msk [tilespmem:v11+s9+$0x0], $0xffff  }
0x8d: {  	vm0 =	vge.f32 v24, $0.0e+00;
	v13 =	vadd.f32 v17, v13;
	v17 =	vmul.f32 $2.000000030e-01, v26;
	v10 =	vld.idx.msk [tilespmem:v10+s4+$0x0], $0xffff  }
0x8e: {  	vm1 =	vge.f32 v26, $0.0e+00;
	v19 =	vadd.f32 v20, v27;
	v23 =	vadd.f32 v31, v23;
	v18 =	vld [tilespmem:s5+$0x10]  }
0x8f: {  	v24 =	vsel vm0, v24, v9;
	v9 =	vsel vm1, v26, v17;
	v26 =	vmul.f32 $2.000000030e-01, v22;
	v20 =	vld [tilespmem:s14+$0x10]  }
0x90: {  	v25 =	vmul.f32 v25, v4;
	v30 =	vmul.f32 v30, v5;
	vm0 =	vge.f32 v19, $0.0e+00;
	v27 =	vld [tilespmem:s5+$0x0]  }
0x91: {  	v17 =	vmul.f32 v9, v7;
	v33 =	vmul.f32 $2.000000030e-01, v19;
	vm1 =	vge.f32 v23, $0.0e+00;
	v31 =	vld [tilespmem:s14+$0x0]  }
0x92: {  	v25 =	vadd.f32 $0.0e+00, v25;
	v22 =	vsel vm3, v22, v26;
	v26 =	vadd.f32 v30, v12;
	v34 =	vld [tilespmem:s5+$0xFFFFFFF0]  }
0x93: {  	v36 =	vmul.f32 $2.000000030e-01, v13;
	v12 =	vld [tilespmem:s14+$0xFFFFFFF0];
	v30 =	vadd.s32 $0x2710, v18;
	v35 =	vadd.s32 $0x4E20, v18  }
0x94: {  	v39 =	vmul.f32 $2.000000030e-01, v14;
	v37 =	vld [tilespmem:s5+$0xFFFFFFE0];
	v38 =	vadd.s32 $0x2710, v20;
	v9 =	vadd.s32 $0x4E20, v20  }
0x95: {  	v21 =	vmul.f32 v21, v5;
	v40 =	vld [tilespmem:s14+$0xFFFFFFE0];
	v41 =	vadd.s32 $0x2710, v27;
	v42 =	vadd.s32 $0x4E20, v27  }
0x96: {  	v14 =	vsel vm2, v14, v39;
	v43 =	vadd.s32 $0x2710, v31;
	v44 =	vadd.s32 $0x4E20, v31;
	v45 =	vld.idx.msk [tilespmem:v18+s9+$0x0], $0xffff  }
0x97: {  	v21 =	vadd.f32 v21, v29;
	v39 =	vadd.s32 $0x2710, v34;
	v46 =	vadd.s32 $0x7530, v34;
	v47 =	vld.idx.msk [tilespmem:v20+s4+$0x0], $0xffff  }
0x98: {  	vm2 =	vge.f32 v13, $0.0e+00;
	v29 =	vadd.s32 $0x2710, v12;
	v48 =	vadd.s32 $0x7530, v12;
	v35 =	vld.idx.msk [tilespmem:v35+s9+$0x0], $0xffff  }
0x99: {  	v32 =	vadd.f32 v8, v32;
	v49 =	vadd.s32 $0x2710, v37;
	v50 =	vadd.s32 $0x4E20, v37;
	v51 =	vld.idx.msk [tilespmem:v27+s9+$0x0], $0xffff  }
0x9a: {  	v13 =	vsel vm2, v13, v36;
	v52 =	vadd.s32 $0x2710, v40;
	v53 =	vadd.s32 $0x4E20, v40;
	v30 =	vld.idx.msk [tilespmem:v30+s9+$0x0], $0xffff  }
0x9b: {  	v16 =	vadd.f32 v28, v16;
	v54 =	vmul.f32 $2.000000030e-01, v32;
	v36 =	vadd.s32 $0x4E20, v12;
	v42 =	vld.idx.msk [tilespmem:v42+s9+$0x0], $0xffff  }
0x9c: {  	v24 =	vmul.f32 v24, v4;
	v22 =	vmul.f32 v22, v6;
	v55 =	vadd.f32 v11, v10;
	v28 =	vld.idx.msk [tilespmem:v31+s4+$0x0], $0xffff  }
0x9d: {  	v10 =	vadd.s32 $0x7530, v31;
	v31 =	vadd.f32 v45, v47;
	v45 =	vmul.f32 $2.000000030e-01, v23;
	v44 =	vld.idx.msk [tilespmem:v44+s4+$0x0], $0xffff  }
0x9e: {  	vm4 =	vge.f32 v16, $0.0e+00;
	vm2 =	vge.f32 v32, $0.0e+00;
	v11 =	vadd.s32 $0x7530, v27;
	v8 =	vmovc v35;
	v27 =	vld.idx.msk [tilespmem:v38+s4+$0x0], $0xffff  }
0x9f: {  	vm3 =	vge.f32 v55, $0.0e+00;
	v32 =	vsel vm2, v32, v54;
	v38 =	vmul.f32 $2.000000030e-01, v31;
	v35 =	vld.idx.msk [tilespmem:v41+s9+$0x0], $0xffff  }
0xa0: {  	v24 =	vadd.f32 $0.0e+00, v24;
	v47 =	vmul.f32 $2.000000030e-01, v16;
	vm2 =	vge.f32 v31, $0.0e+00;
	v41 =	vld.idx.msk [tilespmem:v40+s4+$0x0], $0xffff  }
0xa1: {  	v14 =	vmul.f32 v14, v5;
	v23 =	vsel vm1, v23, v45;
	v31 =	vsel vm2, v31, v38;
	v54 =	vld.idx.msk [tilespmem:v34+s9+$0x0], $0xffff  }
0xa2: {  	v45 =	vadd.f32 v51, v28;
	v28 =	vmul.f32 v31, v4;
	v31 =	vmul.f32 v13, v5;
	v38 =	vld.idx.msk [tilespmem:v50+s9+$0x0], $0xffff  }
0xa3: {  	v16 =	vsel vm4, v16, v47;
	v23 =	vmul.f32 v23, v6;
	v51 =	vmul.f32 $2.000000030e-01, v55;
	v50 =	vld.idx.msk [tilespmem:v53+s4+$0x0], $0xffff  }
0xa4: {  	v14 =	vadd.f32 v14, v25;
	v34 =	vadd.s32 $0x4E20, v34;
	v47 =	vld.idx.msk [tilespmem:v12+s4+$0x0], $0xffff;
	v12 =	vadd.f32 $0.0e+00, v28  }
0xa5: {  	v25 =	vadd.s32 $0x7530, v40;
	vm2 =	vge.f32 v45, $0.0e+00;
	v28 =	vmul.f32 v16, v7;
	v13 =	vld.idx.msk [tilespmem:v52+s4+$0x0], $0xffff  }
0xa6: {  	v40 =	vadd.s32 $0x7530, v37;
	v24 =	vadd.f32 v31, v24;
	v31 =	vmul.f32 v32, v6;
	v43 =	vld.idx.msk [tilespmem:v43+s4+$0x0], $0xffff  }
0xa7: {  	v14 =	vadd.f32 v23, v14;
	v16 =	vadd.s32 $0x7530, v20;
	v20 =	vsel vm3, v55, v51;
	v39 =	vld.idx.msk [tilespmem:v39+s9+$0x0], $0xffff  }
0xa8: {  	v19 =	vsel vm0, v19, v33;
	v18 =	vadd.s32 $0x7530, v18;
	v23 =	vld.idx.msk [tilespmem:v29+s4+$0x0], $0xffff;
	v29 =	vadd.f32 v31, v26  }
0xa9: {  	v21 =	vadd.f32 v22, v21;
	v24 =	vadd.f32 v15, v24;
	v22 =	vmul.f32 v20, v7;
	v31 =	vld.idx.msk [tilespmem:v37+s9+$0x0], $0xffff  }
0xaa: {  	v20 =	vmul.f32 v19, v7;
	v15 =	vadd.f32 v54, v47;
	v26 =	vld.idx.msk [tilespmem:v25+s4+$0x0], $0xffff;
	v32 =	vadd.f32 v28, v29  }
0xab: {  	v33 =	vmul.f32 $2.000000030e-01, v45;
	v19 =	vadd.f32 v30, v27;
	v24 =	vadd.f32 v17, v24;
	v28 =	vld.idx.msk [tilespmem:v40+s9+$0x0], $0xffff  }
.Ltmp0:
0xac: {  	v27 =	vadd.f32 v20, v14;
	v25 =	vmul.f32 $2.000000030e-01, v15;
	v29 =	vadd.f32 v35, v43;
	v17 =	vld.idx.msk [tilespmem:v49+s9+$0x0], $0xffff;
	[tilespmem:s6+$0x10] =	vst v32;
	(pc) =	sbr.rel @p0 .LBB2_3-.Ltmp0, $4  }
0xad: {  	v33 =	vsel vm2, v45, v33;
	vm0 =	vge.f32 v19, $0.0e+00;
	vm1 =	vge.f32 v15, $0.0e+00;
	v20 =	vld.idx.msk [tilespmem:v46+s9+$0x0], $0xffff;
	[tilespmem:s6+$0xFFFFFFE0] =	vst v24  }
0xae: {  	v30 =	vmul.f32 $2.000000030e-01, v19;
	v32 =	vadd.f32 v38, v50;
	v14 =	vadd.f32 v39, v23;
	v23 =	vld.idx.msk [tilespmem:v36+s4+$0x0], $0xffff;
	[tilespmem:s6+$0xFFFFFFF0] =	vst v27  }
0xaf: {  	v21 =	vadd.f32 v22, v21;
	vm3 =	vge.f32 v29, $0.0e+00;
	v24 =	vadd.f32 v31, v41;
	v27 =	vld.idx.msk [tilespmem:v48+s4+$0x0], $0xffff  }
0xb0: {  	s14 =	sadd.s32 $0x40, s14;
	v33 =	vmul.f32 v33, v4;
	v22 =	vadd.f32 v42, v44;
	v31 =	vld.idx.msk [tilespmem:v34+s9+$0x0], $0xffff;
	v34 =	vmul.f32 $2.000000030e-01, v29  }
0xb1: {  	v35 =	vmul.f32 $2.000000030e-01, v32  }
0xb2: {  	v26 =	vadd.f32 v28, v26;
	vm2 =	vge.f32 v14, $0.0e+00;
	vm4 =	vge.f32 v32, $0.0e+00  }
0xb3: {  	v15 =	vsel vm1, v15, v25;
	v49 =	vmul.f32 $2.000000030e-01, v24;
	v19 =	vsel vm0, v19, v30  }
0xb4: {  	vm8 =	vge.f32 v24, $0.0e+00;
	v13 =	vadd.f32 v17, v13;
	v52 =	vmul.f32 $2.000000030e-01, v14  }
0xb5: {  	v46 =	vsel vm3, v29, v34;
	vm7 =	vge.f32 v22, $0.0e+00;
	v51 =	vmul.f32 $2.000000030e-01, v22  }
0xb6: {  	v18 =	vld.idx.msk [tilespmem:v18+s9+$0x0], $0xffff;
	v48 =	vadd.f32 $0.0e+00, v33;
	v15 =	vmul.f32 v15, v4;
	v19 =	vmul.f32 v19, v5  }
0xb7: {  	v9 =	vld.idx.msk [tilespmem:v9+s4+$0x0], $0xffff;
	v47 =	vsel vm4, v32, v35;
	v50 =	vmul.f32 $2.000000030e-01, v26;
	vm9 =	vge.f32 v26, $0.0e+00  }
0xb8: {  	v16 =	vld.idx.msk [tilespmem:v16+s4+$0x0], $0xffff;
	v24 =	vsel vm8, v24, v49;
	v28 =	vmul.f32 v46, v5;
	v53 =	vmul.f32 $2.000000030e-01, v13  }
0xb9: {  	v11 =	vld.idx.msk [tilespmem:v11+s9+$0x0], $0xffff;
	vm12 =	vge.f32 v13, $0.0e+00;
	v29 =	vmul.f32 v47, v6;
	v20 =	vadd.f32 v20, v27  }
0xba: {  	v10 =	vld.idx.msk [tilespmem:v10+s4+$0x0], $0xffff;
	v15 =	vadd.f32 $0.0e+00, v15;
	v22 =	vsel vm7, v22, v51;
	v12 =	vadd.f32 v19, v12  }
0xbb: {  	v55 =	vmul.f32 v24, v4;
	v23 =	vadd.f32 v31, v23;
	v17 =	vsel vm9, v26, v50  }
0xbc: {  	v13 =	vsel vm12, v13, v53;
	v22 =	vmul.f32 v22, v6;
	vm10 =	vge.f32 v20, $0.0e+00  }
0xbd: {  	v17 =	vmul.f32 v17, v7;
	v27 =	vmul.f32 $2.000000030e-01, v20;
	v8 =	vadd.f32 v8, v9  }
0xbe: {  	v9 =	vsel vm2, v14, v52;
	v14 =	vadd.f32 v28, v48;
	v16 =	vadd.f32 v18, v16  }
0xbf: {  	v10 =	vadd.f32 v11, v10;
	v18 =	vadd.f32 $0.0e+00, v55;
	v13 =	vmul.f32 v13, v5  }
0xc0: {  	vm11 =	vge.f32 v23, $0.0e+00;
	v11 =	vmul.f32 $2.000000030e-01, v23;
	v54 =	vmul.f32 $2.000000030e-01, v8  }
0xc1: {  	v9 =	vmul.f32 v9, v5;
	vm13 =	vge.f32 v8, $0.0e+00;
	vm14 =	vge.f32 v16, $0.0e+00  }
0xc2: {  	v56 =	vmul.f32 $2.000000030e-01, v16;
	vm15 =	vge.f32 v10, $0.0e+00;
	v8 =	vsel vm13, v8, v54  }
0xc3: {  	v13 =	vadd.f32 v13, v18;
	v11 =	vsel vm11, v23, v11;
	v8 =	vmul.f32 v8, v6  }
0xc4: {  	v9 =	vadd.f32 v9, v15;
	v11 =	vmul.f32 v11, v6;
	v16 =	vsel vm14, v16, v56  }
0xc5: {  	v15 =	vmul.f32 $2.000000030e-01, v10;
	v16 =	vmul.f32 v16, v7;
	v8 =	vadd.f32 v8, v12  }
0xc6: {  	v9 =	vadd.f32 v11, v9;
	v11 =	vsel vm10, v20, v27;
	v12 =	vadd.f32 v29, v13  }
0xc7: {  	v10 =	vsel vm15, v10, v15;
	v11 =	vmul.f32 v11, v7;
	v8 =	vadd.f32 v16, v8  }
0xc8: {  	[tilespmem:s6+$0x0] =	vst v21;
	v10 =	vmul.f32 v10, v7;
	v13 =	vadd.f32 v22, v14;
	v12 =	vadd.f32 v17, v12  }
0xc9: {  	v9 =	vadd.f32 v11, v9;
	[tilespmem:s7+$0x10] =	vst v8  }
0xca: {  	[tilespmem:s7+$0xFFFFFFE0] =	vst v12;
	v8 =	vadd.f32 v10, v13  }
0xcb: {  	[tilespmem:s7+$0xFFFFFFF0] =	vst v9  }
0xcc: {  	[tilespmem:s7+$0x0] =	vst v8  }
0xcd: {  	s14 =	simm.s32 $0x16B00;
	s5 =	rddreg [dreg:$0xb]  }
0xce: {  	[spmem:s5] =	stream.linear.scatter [tilespmem:s14], [sflag:$0x2], $0x1900, $0x38;
	[tilespmem:$0x1C780] =	vst v63  }
0xcf: {  	_ =	swait.ge [sflag:s3], $0x1900  }
0xd0: {  	[sflag:s3] =	ssyncset.done $0x0  }
0xd1: {  	[sflag:s3] =	ssyncadd.s32 $0xFFFFE700  }
0xd2: {  	s6 =	simm.s32 $0x18400;
	[bflag:$0x0] =	sbarrier.arrive $0xFFFF  }
0xd3: {  	[tilespmem:s6], [sflag:$0x1] =	stream.linear.gather [spmem:s13], $0x190, $0x38;
	[tilespmem:$0x1C780] =	vst v63  }
0xd4: {  	s11 =	simm.s32 $0x18590;
	s7 =	rddreg [dreg:$0xc]  }
0xd5: {  	[tilespmem:s11], [sflag:$0x1] =	stream.linear.gather [spmem:s7], $0x190, $0x38;
	[tilespmem:$0x1C780] =	vst v63  }
0xd6: {  	s12 =	simm.s32 $0x18720  }
0xd7: {  	[tilespmem:s12], [sflag:$0x1] =	stream.linear.gather [spmem:s16], $0x190, $0x38;
	[tilespmem:$0x1C780] =	vst v63  }
0xd8: {  	s14 =	simm.s32 $0x188B0  }
0xd9: {  	[tilespmem:s14], [sflag:$0x1] =	stream.linear.gather [spmem:s17], $0x190, $0x38;
	[tilespmem:$0x1C780] =	vst v63  }
0xda: {  	s6 =	simm.s32 $0x18A40  }
0xdb: {  	[tilespmem:s6], [sflag:$0x1] =	stream.linear.gather [spmem:s22], $0x190, $0x38;
	[tilespmem:$0x1C780] =	vst v63  }
0xdc: {  	s7 =	simm.s32 $0x18BD0  }
0xdd: {  	[tilespmem:s7], [sflag:$0x1] =	stream.linear.gather [spmem:s23], $0x190, $0x38;
	[tilespmem:$0x1C780] =	vst v63  }
0xde: {  	s11 =	simm.s32 $0x18D60  }
0xdf: {  	[tilespmem:s11], [sflag:$0x1] =	stream.linear.gather [spmem:s24], $0x190, $0x38;
	[tilespmem:$0x1C780] =	vst v63  }
0xe0: {  	s12 =	simm.s32 $0x18EF0  }
0xe1: {  	[tilespmem:s12], [sflag:$0x1] =	stream.linear.gather [spmem:s25], $0x190, $0x38;
	[tilespmem:$0x1C780] =	vst v63  }
0xe2: {  	s14 =	simm.s32 $0x19080  }
0xe3: {  	[tilespmem:s14], [sflag:$0x1] =	stream.linear.gather [spmem:s26], $0x190, $0x38;
	[tilespmem:$0x1C780] =	vst v63  }
0xe4: {  	s6 =	simm.s32 $0x19210  }
0xe5: {  	[tilespmem:s6], [sflag:$0x1] =	stream.linear.gather [spmem:s28], $0x190, $0x38;
	[tilespmem:$0x1C780] =	vst v63  }
0xe6: {  	s7 =	simm.s32 $0x193A0  }
0xe7: {  	[tilespmem:s7], [sflag:$0x1] =	stream.linear.gather [spmem:s29], $0x190, $0x38;
	[tilespmem:$0x1C780] =	vst v63  }
0xe8: {  	s11 =	simm.s32 $0x19530  }
0xe9: {  	[tilespmem:s11], [sflag:$0x1] =	stream.linear.gather [spmem:s30], $0x190, $0x38;
	[tilespmem:$0x1C780] =	vst v63  }
0xea: {  	s12 =	simm.s32 $0x196C0  }
0xeb: {  	[tilespmem:s12], [sflag:$0x1] =	stream.linear.gather [spmem:s31], $0x190, $0x38;
	[tilespmem:$0x1C780] =	vst v63  }
0xec: {  	s14 =	simm.s32 $0x19850  }
0xed: {  	[tilespmem:s14], [sflag:$0x1] =	stream.linear.gather [spmem:s0], $0x190, $0x38;
	[tilespmem:$0x1C780] =	vst v63  }
0xee: {  	s6 =	simm.s32 $0x199E0  }
0xef: {  	[tilespmem:s6], [sflag:$0x1] =	stream.linear.gather [spmem:s1], $0x190, $0x38;
	[tilespmem:$0x1C780] =	vst v63  }
0xf0: {  	s7 =	simm.s32 $0x19B70  }
0xf1: {  	[tilespmem:s7], [sflag:$0x1] =	stream.linear.gather [spmem:s2], $0x190, $0x38;
	[tilespmem:$0x1C780] =	vst v63  }
0xf2: {  	_ =	swait.ge [sflag:s10], $0x190  }
0xf3: {  	[sflag:s10] =	ssyncset.done $0x0  }
0xf4: {  	[sflag:s10] =	ssyncadd.s32 $0xFFFFFE70  }
0xf5: {  	_ =	swait.ge [sflag:s10], $0x190  }
0xf6: {  	[sflag:s10] =	ssyncset.done $0x0  }
0xf7: {  	[sflag:s10] =	ssyncadd.s32 $0xFFFFFE70  }
0xf8: {  	_ =	swait.ge [sflag:s10], $0x190  }
0xf9: {  	[sflag:s10] =	ssyncset.done $0x0  }
0xfa: {  	[sflag:s10] =	ssyncadd.s32 $0xFFFFFE70  }
0xfb: {  	_ =	swait.ge [sflag:s10], $0x190  }
0xfc: {  	[sflag:s10] =	ssyncset.done $0x0  }
0xfd: {  	[sflag:s10] =	ssyncadd.s32 $0xFFFFFE70  }
0xfe: {  	_ =	swait.ge [sflag:s10], $0x190  }
0xff: {  	[sflag:s10] =	ssyncset.done $0x0  }
0x100: {  	[sflag:s10] =	ssyncadd.s32 $0xFFFFFE70  }
0x101: {  	_ =	swait.ge [sflag:s10], $0x190  }
0x102: {  	[sflag:s10] =	ssyncset.done $0x0  }
0x103: {  	[sflag:s10] =	ssyncadd.s32 $0xFFFFFE70  }
0x104: {  	_ =	swait.ge [sflag:s10], $0x190  }
0x105: {  	[sflag:s10] =	ssyncset.done $0x0  }
0x106: {  	[sflag:s10] =	ssyncadd.s32 $0xFFFFFE70  }
0x107: {  	_ =	swait.ge [sflag:s10], $0x190  }
0x108: {  	[sflag:s10] =	ssyncset.done $0x0  }
0x109: {  	[sflag:s10] =	ssyncadd.s32 $0xFFFFFE70  }
0x10a: {  	_ =	swait.ge [sflag:s10], $0x190  }
0x10b: {  	[sflag:s10] =	ssyncset.done $0x0  }
0x10c: {  	[sflag:s10] =	ssyncadd.s32 $0xFFFFFE70  }
0x10d: {  	_ =	swait.ge [sflag:s10], $0x190  }
0x10e: {  	[sflag:s10] =	ssyncset.done $0x0  }
0x10f: {  	[sflag:s10] =	ssyncadd.s32 $0xFFFFFE70  }
0x110: {  	_ =	swait.ge [sflag:s10], $0x190  }
0x111: {  	[sflag:s10] =	ssyncset.done $0x0  }
0x112: {  	[sflag:s10] =	ssyncadd.s32 $0xFFFFFE70  }
0x113: {  	_ =	swait.ge [sflag:s10], $0x190  }
0x114: {  	[sflag:s10] =	ssyncset.done $0x0  }
0x115: {  	[sflag:s10] =	ssyncadd.s32 $0xFFFFFE70  }
0x116: {  	_ =	swait.ge [sflag:s10], $0x190  }
0x117: {  	[sflag:s10] =	ssyncset.done $0x0  }
0x118: {  	[sflag:s10] =	ssyncadd.s32 $0xFFFFFE70  }
0x119: {  	_ =	swait.ge [sflag:s10], $0x190  }
0x11a: {  	[sflag:s10] =	ssyncset.done $0x0  }
0x11b: {  	[sflag:s10] =	ssyncadd.s32 $0xFFFFFE70  }
0x11c: {  	_ =	swait.ge [sflag:s10], $0x190  }
0x11d: {  	[sflag:s10] =	ssyncset.done $0x0  }
0x11e: {  	[sflag:s10] =	ssyncadd.s32 $0xFFFFFE70  }
0x11f: {  	_ =	swait.ge [sflag:s10], $0x190  }
0x120: {  	[sflag:s10] =	ssyncset.done $0x0  }
0x121: {  	s11 =	simm.s32 $0x19090;
	[sflag:s10] =	ssyncadd.s32 $0xFFFFFE70  }
0x122: {  	v8 =	vld [tilespmem:s11+$0xFFFFF380]  }
0x123: {  	v9 =	vld [tilespmem:s11+$0xFFFFF510]  }
0x124: {  	v10 =	vld [tilespmem:s11+$0xFFFFF500]  }
0x125: {  	v11 =	vld [tilespmem:s11+$0xFFFFF6A0]  }
0x126: {  	v12 =	vld [tilespmem:s11+$0xFFFFF370]  }
0x127: {  	v13 =	vld [tilespmem:s11+$0xFFFFF830]  }
0x128: {  	v14 =	vld [tilespmem:s11+$0xFFFFF690]  }
0x129: {  	v15 =	vld [tilespmem:s11+$0xFFFFF9C0]  }
0x12a: {  	v57 =	vld [tilespmem:s11+$0xFFFFF820]  }
0x12b: {  	v58 =	vld [tilespmem:s11+$0xFFFFFB50]  }
0x12c: {  	v59 =	vld [tilespmem:s11+$0xFFFFF9B0]  }
0x12d: {  	s12 =	simm.s32 $0x0;
	v60 =	vld [tilespmem:s11+$0xFFFFFCE0]  }
0x12e: {  	s6 =	sand.u32 $0x1E0, s12;
	v61 =	vld [tilespmem:s11+$0xFFFFFB40]  }
0x12f: {  	v62 =	vld [tilespmem:s6+$0x18F00]  }
0x130: {  	v63 =	vld [tilespmem:s11+$0xFFFFFCD0]  }
0x131: {  	v42 =	vld [tilespmem:s11+$0x0]  }
0x132: {  	v43 =	vld [tilespmem:s11+$0xFFFFFE60]  }
0x133: {  	v44 =	vld [tilespmem:s11+$0x190]  }
0x134: {  	v45 =	vld [tilespmem:s6+$0x19080]  }
0x135: {  	v46 =	vld [tilespmem:s11+$0x320]  }
0x136: {  	v47 =	vld [tilespmem:s11+$0x180]  }
0x137: {  	v48 =	vld [tilespmem:s11+$0x4B0]  }
0x138: {  	v49 =	vld [tilespmem:s11+$0x310]  }
0x139: {  	v50 =	vld [tilespmem:s11+$0x640]  }
0x13a: {  	v51 =	vld [tilespmem:s11+$0x4A0]  }
0x13b: {  	v52 =	vld [tilespmem:s11+$0x7D0]  }
0x13c: {  	v53 =	vld [tilespmem:s11+$0x630]  }
0x13d: {  	v54 =	vld [tilespmem:s11+$0x960]  }
0x13e: {  	v36 =	vld [tilespmem:s11+$0x7C0]  }
0x13f: {  	v37 =	vld [tilespmem:s6+$0x19B80]  }
0x140: {  	v38 =	vld [tilespmem:s11+$0x950]  }
0x141: {  	v39 =	vld [tilespmem:s11+$0xAE0];
	s11 =	simm.s32 $0x190B0;
	v8 =	vadd.f32 v9, v8  }
0x142: {  	v9 =	vadd.f32 v10, v12;
	v10 =	vld [tilespmem:s11+$0xFFFFF380]  }
0x143: {  	v12 =	vld [tilespmem:s11+$0xFFFFF510];
	v8 =	vadd.f32 v11, v8  }
0x144: {  	v9 =	vadd.f32 v14, v9;
	v11 =	vld [tilespmem:s11+$0xFFFFF500]  }
0x145: {  	v14 =	vld [tilespmem:s11+$0xFFFFF6A0];
	v8 =	vadd.f32 v13, v8  }
0x146: {  	v9 =	vadd.f32 v57, v9;
	v13 =	vld [tilespmem:s11+$0xFFFFF370]  }
0x147: {  	v55 =	vld [tilespmem:s11+$0xFFFFF830];
	v8 =	vadd.f32 v15, v8  }
0x148: {  	v10 =	vadd.f32 v12, v10;
	v9 =	vadd.f32 v59, v9;
	v15 =	vld [tilespmem:s11+$0xFFFFF690]  }
0x149: {  	v12 =	vld [tilespmem:s11+$0xFFFFF9C0];
	v8 =	vadd.f32 v58, v8  }
0x14a: {  	v56 =	vld [tilespmem:s11+$0xFFFFF820];
	v10 =	vadd.f32 v14, v10;
	v9 =	vadd.f32 v61, v9  }
0x14b: {  	v11 =	vadd.f32 v11, v13;
	v13 =	vld [tilespmem:s11+$0xFFFFFB50];
	v8 =	vadd.f32 v60, v8  }
0x14c: {  	v14 =	vld [tilespmem:s11+$0xFFFFF9B0];
	v10 =	vadd.f32 v55, v10;
	v9 =	vadd.f32 v63, v9  }
0x14d: {  	s5 =	simm.s32 $0x20;
	v11 =	vadd.f32 v15, v11;
	v15 =	vld [tilespmem:s11+$0xFFFFFCE0];
	v8 =	vadd.f32 v62, v8  }
0x14e: {  	s14 =	sand.u32 $0x1E0, s5;
	v57 =	vld [tilespmem:s11+$0xFFFFFB40];
	v10 =	vadd.f32 v12, v10;
	v9 =	vadd.f32 v43, v9  }
0x14f: {  	v12 =	vld [tilespmem:s14+$0x18F00];
	v11 =	vadd.f32 v56, v11;
	v8 =	vadd.f32 v42, v8  }
0x150: {  	v58 =	vld [tilespmem:s11+$0xFFFFFCD0];
	v9 =	vadd.f32 v45, v9;
	v10 =	vadd.f32 v13, v10  }
0x151: {  	v13 =	vld [tilespmem:s11+$0x0];
	v11 =	vadd.f32 v14, v11;
	v8 =	vadd.f32 v44, v8  }
0x152: {  	v14 =	vld [tilespmem:s11+$0xFFFFFE60];
	v9 =	vadd.f32 v47, v9;
	v10 =	vadd.f32 v15, v10  }
0x153: {  	v15 =	vld [tilespmem:s11+$0x190];
	v11 =	vadd.f32 v57, v11;
	v8 =	vadd.f32 v46, v8  }
0x154: {  	v59 =	vld [tilespmem:s14+$0x19080];
	v9 =	vadd.f32 v49, v9;
	v10 =	vadd.f32 v12, v10  }
0x155: {  	v12 =	vld [tilespmem:s11+$0x320];
	v11 =	vadd.f32 v58, v11;
	v8 =	vadd.f32 v48, v8  }
0x156: {  	v60 =	vld [tilespmem:s11+$0x180];
	v9 =	vadd.f32 v51, v9;
	v10 =	vadd.f32 v13, v10  }
0x157: {  	v13 =	vld [tilespmem:s11+$0x4B0];
	v11 =	vadd.f32 v14, v11;
	v8 =	vadd.f32 v50, v8  }
0x158: {  	v14 =	vld [tilespmem:s11+$0x310];
	v9 =	vadd.f32 v53, v9;
	v10 =	vadd.f32 v15, v10  }
0x159: {  	v15 =	vld [tilespmem:s11+$0x640];
	v11 =	vadd.f32 v59, v11;
	v8 =	vadd.f32 v52, v8  }
0x15a: {  	v61 =	vld [tilespmem:s11+$0x4A0];
	v9 =	vadd.f32 v36, v9;
	v10 =	vadd.f32 v12, v10  }
0x15b: {  	v62 =	vld [tilespmem:s11+$0x7D0];
	v11 =	vadd.f32 v60, v11;
	v12 =	vadd.f32 v54, v8  }
0x15c: {  	v63 =	vld [tilespmem:s11+$0x630];
	v9 =	vadd.f32 v38, v9;
	v10 =	vadd.f32 v13, v10  }
0x15d: {  	v8 =	vld [tilespmem:s11+$0x960];
	v11 =	vadd.f32 v14, v11;
	v12 =	vadd.f32 v37, v12  }
0x15e: {  	s6 =	simm.s32 $0x19D10;
	v13 =	vadd.f32 v39, v9;
	v9 =	vld [tilespmem:s11+$0x7C0];
	v14 =	vadd.f32 v15, v10  }
0x15f: {  	v10 =	vld [tilespmem:s14+$0x19B80];
	v11 =	vadd.f32 v61, v11;
	[tilespmem:s6+$0x0] =	vst v12  }
0x160: {  	v12 =	vld [tilespmem:s11+$0x950];
	[tilespmem:s6+$0xFFFFFFF0] =	vst v13;
	v13 =	vadd.f32 v62, v14  }
0x161: {  	s7 =	simm.s32 $0x2;
	v14 =	vadd.f32 v63, v11;
	v11 =	vld [tilespmem:s11+$0xAE0];
	s11 =	simm.s32 $0x190D0  }
.LBB2_5:
0x162: {  	v15 =	vld [tilespmem:s11+$0xFFFFF380];
	v8 =	vadd.f32 v8, v13  }
0x163: {  	s7 =	sadd.s32 $0x2, s7;
	v13 =	vld [tilespmem:s11+$0xFFFFF510];
	v9 =	vadd.f32 v9, v14  }
0x164: {  	p0 =	slt.u32 s7, $0x16;
	v14 =	vld [tilespmem:s11+$0xFFFFF500];
	v8 =	vadd.f32 v10, v8  }
0x165: {  	s6 =	sadd.s32 $0x20, s6;
	v10 =	vld [tilespmem:s11+$0xFFFFF6A0];
	v9 =	vadd.f32 v12, v9  }
0x166: {  	v12 =	vld [tilespmem:s11+$0xFFFFF370];
	[tilespmem:s6+$0x0] =	vst v8  }
0x167: {  	v8 =	vld [tilespmem:s11+$0xFFFFF830];
	v9 =	vadd.f32 v11, v9  }
0x168: {  	v11 =	vld [tilespmem:s11+$0xFFFFF690];
	v13 =	vadd.f32 v13, v15  }
0x169: {  	v15 =	vld [tilespmem:s11+$0xFFFFF9C0];
	[tilespmem:s6+$0xFFFFFFF0] =	vst v9  }
0x16a: {  	v9 =	vld [tilespmem:s11+$0xFFFFF820];
	v10 =	vadd.f32 v10, v13  }
0x16b: {  	v12 =	vadd.f32 v14, v12;
	v13 =	vld [tilespmem:s11+$0xFFFFFB50]  }
0x16c: {  	v14 =	vld [tilespmem:s11+$0xFFFFF9B0];
	v8 =	vadd.f32 v8, v10  }
0x16d: {  	s5 =	sadd.s32 $0x20, s5;
	v10 =	vadd.f32 v11, v12;
	v11 =	vld [tilespmem:s11+$0xFFFFFCE0]  }
0x16e: {  	s12 =	sand.u32 $0x1E0, s5;
	v12 =	vld [tilespmem:s11+$0xFFFFFB40];
	v8 =	vadd.f32 v15, v8  }
0x16f: {  	v9 =	vadd.f32 v9, v10;
	v10 =	vld [tilespmem:s12+$0x18F00]  }
0x170: {  	v15 =	vld [tilespmem:s11+$0xFFFFFCD0];
	v8 =	vadd.f32 v13, v8  }
0x171: {  	v9 =	vadd.f32 v14, v9;
	v13 =	vld [tilespmem:s11+$0x0]  }
0x172: {  	v14 =	vld [tilespmem:s11+$0xFFFFFE60];
	v8 =	vadd.f32 v11, v8  }
0x173: {  	v9 =	vadd.f32 v12, v9;
	v11 =	vld [tilespmem:s11+$0x190]  }
0x174: {  	v12 =	vld [tilespmem:s12+$0x19080];
	v8 =	vadd.f32 v10, v8  }
0x175: {  	v9 =	vadd.f32 v15, v9;
	v10 =	vld [tilespmem:s11+$0x320]  }
0x176: {  	v15 =	vld [tilespmem:s11+$0x180];
	v8 =	vadd.f32 v13, v8  }
0x177: {  	v9 =	vadd.f32 v14, v9;
	v13 =	vld [tilespmem:s11+$0x4B0]  }
0x178: {  	v14 =	vld [tilespmem:s11+$0x310];
	v8 =	vadd.f32 v11, v8  }
0x179: {  	v9 =	vadd.f32 v12, v9;
	v11 =	vld [tilespmem:s11+$0x640]  }
0x17a: {  	v12 =	vld [tilespmem:s11+$0x4A0];
	v8 =	vadd.f32 v10, v8  }
0x17b: {  	v9 =	vadd.f32 v15, v9;
	v15 =	vld [tilespmem:s11+$0x7D0]  }
0x17c: {  	v16 =	vld [tilespmem:s11+$0x630];
	v10 =	vadd.f32 v13, v8  }
.Ltmp1:
0x17d: {  	v13 =	vadd.f32 v14, v9;
	v8 =	vld [tilespmem:s11+$0x960];
	(pc) =	sbr.rel @p0 .LBB2_5-.Ltmp1, $4  }
0x17e: {  	v9 =	vld [tilespmem:s11+$0x7C0];
	v11 =	vadd.f32 v11, v10  }
0x17f: {  	v14 =	vadd.f32 v12, v13;
	v10 =	vld [tilespmem:s12+$0x19B80]  }
0x180: {  	v12 =	vld [tilespmem:s11+$0x950];
	v13 =	vadd.f32 v15, v11  }
0x181: {  	v14 =	vadd.f32 v16, v14;
	v11 =	vld [tilespmem:s11+$0xAE0];
	s11 =	sadd.s32 $0x20, s11  }
0x182: {  	_ = 	snop  }
0x183: {  	v9 =	vadd.f32 v9, v14  }
0x184: {  	v8 =	vadd.f32 v8, v13  }
0x185: {  	v9 =	vadd.f32 v12, v9  }
0x186: {  	v8 =	vadd.f32 v10, v8  }
0x187: {  	s5 =	sadd.s32 $0x20, s6;
	v9 =	vadd.f32 v11, v9  }
0x188: {  	[tilespmem:s5+$0x0] =	vst v8  }
0x189: {  	[tilespmem:s5+$0xFFFFFFF0] =	vst v9  }
0x18a: {  	v8 =	vld [tilespmem:$0x18580]  }
0x18b: {  	v9 =	vld [tilespmem:$0x18710];
	_ =	sdelay $0x1  }
0x18c: {  	v50 =	vld [tilespmem:$0x188A0];
	_ =	sdelay $0x1  }
0x18d: {  	v51 =	vld [tilespmem:$0x18A30]  }
0x18e: {  	v8 =	vadd.f32 v9, v8  }
0x18f: {  	v52 =	vld [tilespmem:$0x18BC0]  }
0x190: {  	v8 =	vadd.f32 v50, v8  }
0x191: {  	v53 =	vld [tilespmem:$0x18D50]  }
0x192: {  	v8 =	vadd.f32 v51, v8  }
0x193: {  	v54 =	vld [tilespmem:$0x18EE0]  }
0x194: {  	v8 =	vadd.f32 v52, v8  }
0x195: {  	v55 =	vld [tilespmem:$0x19070]  }
0x196: {  	v8 =	vadd.f32 v53, v8  }
0x197: {  	v56 =	vld [tilespmem:$0x19200]  }
0x198: {  	v8 =	vadd.f32 v54, v8  }
0x199: {  	v57 =	vld [tilespmem:$0x19390]  }
0x19a: {  	v8 =	vadd.f32 v55, v8  }
0x19b: {  	v58 =	vld [tilespmem:$0x19520]  }
0x19c: {  	v8 =	vadd.f32 v56, v8  }
0x19d: {  	v59 =	vld [tilespmem:$0x196B0]  }
0x19e: {  	v8 =	vadd.f32 v57, v8  }
0x19f: {  	v60 =	vld [tilespmem:$0x19840]  }
0x1a0: {  	v8 =	vadd.f32 v58, v8  }
0x1a1: {  	v61 =	vld [tilespmem:$0x199D0]  }
0x1a2: {  	v8 =	vadd.f32 v59, v8  }
0x1a3: {  	v62 =	vld [tilespmem:$0x19B60]  }
0x1a4: {  	v8 =	vadd.f32 v60, v8  }
0x1a5: {  	v63 =	vld [tilespmem:$0x19CF0]  }
0x1a6: {  	v8 =	vadd.f32 v61, v8;
	_ =	sdelay $0x1  }
0x1a7: {  	v8 =	vadd.f32 v62, v8;
	_ =	sdelay $0x1  }
0x1a8: {  	s20 =	sadd.s32 s15, s20;
	v8 =	vadd.f32 v63, v8  }
0x1a9: {  	s21 =	sadd.s32 $0x1, s21;
	s5 =	sshrl.u32 s20, $0x3  }
0x1aa: {  	p0 =	sne.s32 s21, $0x19;
	s5 =	sadd.s32 s8, s5;
	[tilespmem:$0x19E80] =	vst v8  }
0x1ab: {  	[hbm4b:s5+s4] =	stream.linear.scatter [tilespmem:s19], [sflag:$0x2], $0x190, $0x38;
	[tilespmem:$0x1C780] =	vst v63  }
.Ltmp2:
0x1ac: {  	_ =	swait.ge [sflag:s3], $0x190;
	(pc) =	sbr.rel @p0 .LBB2_2-.Ltmp2, $3  }
0x1ad: {  	[sflag:s3] =	ssyncset.done $0x0  }
0x1ae: {  	[sflag:s3] =	ssyncadd.s32 $0xFFFFFE70  }
0x1af: {  	[bflag:$0x0] =	sbarrier.arrive $0xFFFF;
	_ =	sdelay $0x1  }
0x1b0: {  	v4 =	vld [tilespmem:$0x1AD80];
	_ =	sdelay $0x3  }
0x1b1: {  	s5 =	simm.s32 $0x0;
	v5 =	vimm.f32 $-3.000000010e+38;
	s21 =	rddreg [dreg:$0x7];
	s20 =	simm.s32 $0x1A500  }
.LBB2_8:
0x1b2: {  	s6 =	smul.u32 $0x7D0, s5;
	_ =	sdelay $0x1  }
0x1b3: {  	s6 =	sadd.s32 s18, s6  }
0x1b4: {  	s7 =	sshrl.u32 s6, $0x3  }
0x1b5: {  	s6 =	sadd.s32 s8, s7  }
0x1b6: {  	[tilespmem:s19], [sflag:$0x2] =	stream.linear.gather [hbm4b:s6+s4], $0x7D0, $0x38;
	[tilespmem:$0x1C780] =	vst v63  }
0x1b7: {  	_ =	swait.ge [sflag:s3], $0x7D0  }
0x1b8: {  	[sflag:s3] =	ssyncset.done $0x0  }
0x1b9: {  	s7 =	sadd.s32 s21, s7;
	[sflag:s3] =	ssyncadd.s32 $0xFFFFF830  }
0x1ba: {  	[tilespmem:s20], [sflag:$0x2] =	stream.linear.gather [hbm4b:s7+s4], $0x7D0, $0x38;
	[tilespmem:$0x1C780] =	vst v63  }
0x1bb: {  	_ =	swait.ge [sflag:s3], $0x7D0  }
0x1bc: {  	[sflag:s3] =	ssyncset.done $0x0  }
0x1bd: {  	s11 =	simm.s32 $0x1A520;
	[sflag:s3] =	ssyncadd.s32 $0xFFFFF830  }
0x1be: {  	v8 =	vld [tilespmem:s11+$0xFFFFFFF0]  }
0x1bf: {  	s7 =	simm.s32 $0x19D20;
	v6 =	vld [tilespmem:s11+$0xFFFFFFE0]  }
0x1c0: {  	v10 =	vld [tilespmem:s7+$0xFFFFFFE0]  }
0x1c1: {  	v11 =	vld [tilespmem:s7+$0xFFFFFFF0]  }
0x1c2: {  	v12 =	vld [tilespmem:s7+$0x0]  }
0x1c3: {  	v9 =	vld [tilespmem:s7+$0x10]  }
0x1c4: {  	v7 =	vld [tilespmem:s11+$0x0]  }
0x1c5: {  	s12 =	simm.s32 $0x0;
	s14 =	simm.s32 $0x1A560;
	v13 =	vadd.f32 v10, v4;
	v10 =	vld [tilespmem:s11+$0x10];
	s11 =	simm.s32 $0x19D20  }
.LBB2_9:
0x1c6: {  	v14 =	vld [tilespmem:s14+$0xFFFFFFF0];
	v11 =	vadd.f32 v11, v4  }
0x1c7: {  	s7 =	sadd.s32 $0x40, s7;
	s12 =	sadd.s32 $0x4, s12;
	v13 =	vmul.f32 v13, v6;
	v6 =	vld [tilespmem:s14+$0xFFFFFFE0];
	v12 =	vadd.f32 v12, v4  }
0x1c8: {  	p0 =	slt.u32 s12, $0x78;
	v15 =	vld [tilespmem:s7+$0xFFFFFFE0];
	v16 =	vmul.f32 v11, v8;
	v9 =	vadd.f32 v9, v4  }
.Ltmp3:
0x1c9: {  	v11 =	vld [tilespmem:s7+$0xFFFFFFF0];
	[tilespmem:s11+$0xFFFFFFE0] =	vst v13;
	v5 =	vmax.f32 v5, v13;
	v7 =	vmul.f32 v12, v7;
	(pc) =	sbr.rel @p0 .LBB2_9-.Ltmp3, $4  }
0x1ca: {  	v12 =	vld [tilespmem:s7+$0x0];
	[tilespmem:s11+$0xFFFFFFF0] =	vst v16;
	v5 =	vmax.f32 v5, v16;
	v10 =	vmul.f32 v9, v10  }
0x1cb: {  	v9 =	vld [tilespmem:s7+$0x10];
	[tilespmem:s11+$0x0] =	vst v7;
	v5 =	vmax.f32 v5, v7;
	v8 =	vmov v14  }
0x1cc: {  	v7 =	vld [tilespmem:s14+$0x0];
	[tilespmem:s11+$0x10] =	vst v10;
	v5 =	vmax.f32 v5, v10;
	s11 =	smov.u32 s7  }
0x1cd: {  	v13 =	vadd.f32 v15, v4;
	v10 =	vld [tilespmem:s14+$0x10];
	s14 =	sadd.s32 $0x40, s14  }
0x1ce: {  	v11 =	vadd.f32 v11, v4  }
0x1cf: {  	v6 =	vmul.f32 v13, v6;
	v12 =	vadd.f32 v12, v4  }
0x1d0: {  	v8 =	vmul.f32 v11, v8;
	v9 =	vadd.f32 v9, v4  }
0x1d1: {  	[tilespmem:s11+$0xFFFFFFE0] =	vst v6;
	v7 =	vmul.f32 v12, v7  }
0x1d2: {  	[tilespmem:s11+$0xFFFFFFF0] =	vst v8;
	v9 =	vmul.f32 v9, v10  }
0x1d3: {  	[tilespmem:s11+$0x0] =	vst v7  }
0x1d4: {  	[tilespmem:s11+$0x10] =	vst v9  }
0x1d5: {  	v62 =	vld [tilespmem:$0x1A4C0];
	_ =	sdelay $0x1  }
0x1d6: {  	v63 =	vld [tilespmem:$0x1ACC0];
	_ =	sdelay $0x2  }
0x1d7: {  	v10 =	vadd.f32 v62, v4;
	_ =	sdelay $0x1  }
0x1d8: {  	s5 =	sadd.s32 $0x1, s5;
	v10 =	vmul.f32 v10, v63  }
0x1d9: {  	p0 =	sne.s32 s5, $0x5  }
.Ltmp4:
0x1da: {  	v5 =	vmax.f32 v5, v6;
	[tilespmem:$0x1A4C0] =	vst v10;
	(pc) =	sbr.rel @p0 .LBB2_8-.Ltmp4, $4  }
0x1db: {  	v5 =	vmax.f32 v5, v8;
	[hbm4b:s6+s4] =	stream.linear.scatter [tilespmem:s19], [sflag:$0x2], $0x7D0, $0x38;
	[tilespmem:$0x1C780] =	vst v63  }
0x1dc: {  	v5 =	vmax.f32 v5, v7;
	_ =	swait.ge [sflag:s3], $0x7D0  }
0x1dd: {  	v5 =	vmax.f32 v5, v9;
	[sflag:s3] =	ssyncset.done $0x0  }
0x1de: {  	v5 =	vmax.f32 v5, v10;
	[sflag:s3] =	ssyncadd.s32 $0xFFFFF830  }
0x1df: {  	(xrf0) =	vmax.scan.msk.f32 $0xffff, v5;
	_ =	sdelay $0x5  }
0x1e0: {  	v4, _, _ =	vpop (xrf0)  }
0x1e1: {  	s5 =	simm.s32 $0x0;
	v5 =	vimm.f32 $0.0e+00;
	v4 =	vbroadcast v4, $0xF  }
.LBB2_12:
0x1e2: {  	s6 =	smul.u32 $0x7D0, s5;
	_ =	sdelay $0x1  }
0x1e3: {  	s6 =	sadd.s32 s18, s6  }
0x1e4: {  	s6 =	sshrl.u32 s6, $0x3  }
0x1e5: {  	s6 =	sadd.s32 s8, s6  }
0x1e6: {  	[tilespmem:s19], [sflag:$0x2] =	stream.linear.gather [hbm4b:s6+s4], $0x7D0, $0x38;
	[tilespmem:$0x1C780] =	vst v63  }
0x1e7: {  	_ =	swait.ge [sflag:s3], $0x7D0  }
0x1e8: {  	[sflag:s3] =	ssyncset.done $0x0  }
0x1e9: {  	s7 =	simm.s32 $0x19D20;
	[sflag:s3] =	ssyncadd.s32 $0xFFFFF830  }
0x1ea: {  	v6 =	vld [tilespmem:s7+$0xFFFFFFE0];
	_ =	sdelay $0x2  }
0x1eb: {  	v7 =	vld [tilespmem:s7+$0xFFFFFFF0];
	_ =	sdelay $0x1  }
0x1ec: {  	v8 =	vld [tilespmem:s7+$0x0];
	v6 =	vsub.f32 v6, v4;
	_ =	sdelay $0x1  }
0x1ed: {  	s11 =	simm.s32 $0x19D60;
	v9 =	vld [tilespmem:s7+$0x10];
	v6 =	vmul.f32 $1.442695020e+00, v6  }
0x1ee: {  	v10 =	vld [tilespmem:s11+$0xFFFFFFF0];
	v7 =	vsub.f32 v7, v4  }
0x1ef: {  	(erf) = vpow2.f32 v6;
	v6 =	vld [tilespmem:s11+$0xFFFFFFE0]  }
0x1f0: {  	v8 =	vsub.f32 v8, v4;
	v7 =	vmul.f32 $1.442695020e+00, v7;
	_ =	sdelay $0x1  }
0x1f1: {  	v9 =	vsub.f32 v9, v4;
	v8 =	vmul.f32 $1.442695020e+00, v8;
	(erf) = vpow2.f32 v7  }
0x1f2: {  	v10 =	vsub.f32 v10, v4;
	v7 =	vld [tilespmem:s11+$0x0]  }
0x1f3: {  	v9 =	vmul.f32 $1.442695020e+00, v9;
	(erf) = vpow2.f32 v8;
	v8 =	vld [tilespmem:s11+$0x10];
	v6 =	vsub.f32 v6, v4  }
0x1f4: {  	s12 =	simm.s32 $0x19DA0  }
0x1f5: {  	v11 =	vld [tilespmem:s12+$0xFFFFFFE0];
	(erf) = vpow2.f32 v9;
	v6 =	vmul.f32 $1.442695020e+00, v6;
	_ =	sdelay $0x1  }
0x1f6: {  	v12 =	vld [tilespmem:s12+$0xFFFFFFF0];
	v9 =	vmul.f32 $1.442695020e+00, v10;
	v7 =	vsub.f32 v7, v4;
	v10 =	vpop (erf);
	(erf) = vpow2.f32 v6  }
0x1f7: {  	v8 =	vsub.f32 v8, v4  }
0x1f8: {  	v13 =	vmul.f32 $1.442695020e+00, v7;
	v6 =	vld [tilespmem:s12+$0x0];
	v5 =	vadd.f32 v10, v5;
	(erf) = vpow2.f32 v9  }
0x1f9: {  	v9 =	vsub.f32 v11, v4;
	v11 =	vpop (erf)  }
0x1fa: {  	v7 =	vld [tilespmem:s12+$0x10];
	[tilespmem:s7+$0xFFFFFFE0] =	vst v10;
	v10 =	vmul.f32 $1.442695020e+00, v8;
	(erf) = vpow2.f32 v13;
	v5 =	vadd.f32 v11, v5  }
0x1fb: {  	s14 =	simm.s32 $0x8;
	s20 =	simm.s32 $0x19DE0;
	[tilespmem:s7+$0xFFFFFFF0] =	vst v11;
	v8 =	vpop (erf);
	v11 =	vsub.f32 v12, v4  }
.LBB2_13:
0x1fc: {  	v12 =	vld [tilespmem:s20+$0xFFFFFFE0];
	v9 =	vmul.f32 $1.442695020e+00, v9;
	(erf) = vpow2.f32 v10;
	[tilespmem:s7+$0x0] =	vst v8;
	v5 =	vadd.f32 v8, v5  }
0x1fd: {  	s14 =	sadd.s32 $0x4, s14;
	v8 =	vsub.f32 v6, v4;
	v6 =	vpop (erf)  }
0x1fe: {  	p0 =	slt.u32 s14, $0x78;
	v10 =	vmul.f32 $1.442695020e+00, v11;
	v13 =	vld [tilespmem:s20+$0xFFFFFFF0];
	(erf) = vpow2.f32 v9;
	[tilespmem:s7+$0x10] =	vst v6;
	v5 =	vadd.f32 v6, v5;
	s7 =	smov.u32 s11;
	s11 =	smov.u32 s12  }
.Ltmp5:
0x1ff: {  	s12 =	smov.u32 s20;
	v11 =	vsub.f32 v7, v4;
	v7 =	vpop (erf);
	(pc) =	sbr.rel @p0 .LBB2_13-.Ltmp5, $4  }
0x200: {  	v14 =	vmul.f32 $1.442695020e+00, v8;
	v6 =	vld [tilespmem:s20+$0x0];
	(erf) = vpow2.f32 v10;
	[tilespmem:s7+$0xFFFFFFE0] =	vst v7;
	v5 =	vadd.f32 v7, v5  }
0x201: {  	v9 =	vsub.f32 v12, v4;
	v12 =	vpop (erf)  }
0x202: {  	v10 =	vmul.f32 $1.442695020e+00, v11;
	v7 =	vld [tilespmem:s20+$0x10];
	(erf) = vpow2.f32 v14;
	[tilespmem:s7+$0xFFFFFFF0] =	vst v12;
	v5 =	vadd.f32 v12, v5  }
0x203: {  	s20 =	sadd.s32 $0x40, s20;
	v11 =	vsub.f32 v13, v4;
	v8 =	vpop (erf)  }
0x204: {  	_ =	sdelay $0x1  }
0x205: {  	v9 =	vmul.f32 $1.442695020e+00, v9;
	v6 =	vsub.f32 v6, v4  }
0x206: {  	(erf) = vpow2.f32 v10;
	v60 =	vmul.f32 $1.442695020e+00, v11;
	v7 =	vsub.f32 v7, v4  }
0x207: {  	(erf) = vpow2.f32 v9;
	v6 =	vmul.f32 $1.442695020e+00, v6  }
0x208: {  	(erf) = vpow2.f32 v60;
	v7 =	vmul.f32 $1.442695020e+00, v7  }
0x209: {  	(erf) = vpow2.f32 v6  }
0x20a: {  	(erf) = vpow2.f32 v7  }
0x20b: {  	[tilespmem:s7+$0x0] =	vst v8;
	v6 =	vpop (erf)  }
0x20c: {  	[tilespmem:s7+$0x10] =	vst v6;
	v7 =	vpop (erf)  }
0x20d: {  	v61 =	vpop (erf);
	[tilespmem:s11+$0xFFFFFFE0] =	vst v7  }
0x20e: {  	v62 =	vpop (erf);
	[tilespmem:s11+$0xFFFFFFF0] =	vst v61  }
0x20f: {  	[tilespmem:s11+$0x0] =	vst v62;
	v63 =	vpop (erf)  }
0x210: {  	[tilespmem:s11+$0x10] =	vst v63;
	v12 =	vpop (erf)  }
0x211: {  	[tilespmem:s12+$0xFFFFFFE0] =	vst v12;
	v13 =	vpop (erf)  }
0x212: {  	[tilespmem:s12+$0xFFFFFFF0] =	vst v13;
	v14 =	vpop (erf)  }
0x213: {  	[tilespmem:s12+$0x0] =	vst v14;
	v15 =	vpop (erf)  }
0x214: {  	[tilespmem:s12+$0x10] =	vst v15  }
0x215: {  	v16 =	vld [tilespmem:$0x1A4C0];
	_ =	sdelay $0x2  }
0x216: {  	v5 =	vadd.f32 v8, v5;
	_ =	sdelay $0x1  }
0x217: {  	v5 =	vadd.f32 v6, v5;
	v6 =	vsub.f32 v16, v4;
	_ =	sdelay $0x1  }
0x218: {  	v5 =	vadd.f32 v7, v5;
	v6 =	vmul.f32 $1.442695020e+00, v6;
	_ =	sdelay $0x1  }
0x219: {  	v5 =	vadd.f32 v61, v5;
	(erf) = vpow2.f32 v6;
	_ =	sdelay $0x1  }
0x21a: {  	v5 =	vadd.f32 v62, v5;
	_ =	sdelay $0x1  }
0x21b: {  	v5 =	vadd.f32 v63, v5;
	_ =	sdelay $0x1  }
0x21c: {  	v5 =	vadd.f32 v12, v5;
	_ =	sdelay $0x1  }
0x21d: {  	s5 =	sadd.s32 $0x1, s5;
	v5 =	vadd.f32 v13, v5  }
0x21e: {  	p0 =	sne.s32 s5, $0x5;
	v6 =	vpop (erf)  }
.Ltmp6:
0x21f: {  	v5 =	vadd.f32 v14, v5;
	[tilespmem:$0x1A4C0] =	vst v6;
	(pc) =	sbr.rel @p0 .LBB2_12-.Ltmp6, $4  }
0x220: {  	[hbm4b:s6+s4] =	stream.linear.scatter [tilespmem:s19], [sflag:$0x2], $0x7D0, $0x38;
	[tilespmem:$0x1C780] =	vst v63  }
0x221: {  	v5 =	vadd.f32 v15, v5;
	_ =	swait.ge [sflag:s3], $0x7D0  }
0x222: {  	[sflag:s3] =	ssyncset.done $0x0  }
0x223: {  	v5 =	vadd.f32 v6, v5;
	[sflag:s3] =	ssyncadd.s32 $0xFFFFF830  }
0x224: {  	[tilespmem:$0x1AE00] =	vst v4;
	s5 =	rddreg [dreg:$0xd];
	s6 =	simm.s32 $0x1AE00  }
0x225: {  	[hbm4b:s5+s4] =	stream.linear.scatter [tilespmem:s6], [sflag:$0x2], $0x10, $0x38;
	[tilespmem:$0x1C780] =	vst v63  }
0x226: {  	_ =	swait.ge [sflag:s3], $0x10  }
0x227: {  	(xrf2) =	vadd.scan.msk.f32 $0xffff, v5;
	_ =	sdelay $0x9  }
0x228: {  	v4, _, _ =	vpop (xrf2)  }
0x229: {  	[sflag:s3] =	ssyncset.done $0x0;
	v4 =	vbroadcast v4, $0xF  }
0x22a: {  	[sflag:s3] =	ssyncadd.s32 $0xFFFFFFF0  }
0x22b: {  	s14 =	rddreg [dreg:$0xe];
	[tilespmem:$0x1AE00] =	vst v4  }
0x22c: {  	[hbm4b:s14+s4] =	stream.linear.scatter [tilespmem:s6], [sflag:$0x2], $0x10, $0x38;
	[tilespmem:$0x1C780] =	vst v63  }
0x22d: {  	_ =	swait.ge [sflag:s3], $0x10  }
0x22e: {  	s20 =	rddreg [dreg:$0x10]  }
0x22f: {  	s21 =	rddreg [dreg:$0xf];
	s6 =	sadd.s32 $0x1, s20  }
0x230: {  	p0 =	sne.s32 s6, s21  }
.Ltmp7:
0x231: {  	_ = 	snop;
	(pc) =	sbr.rel @p0 .LBB2_1-.Ltmp7, $3  }
0x232: {  	_ =	sdelay $0x1  }
0x233: {  	[sflag:s3] =	ssyncset.done $0x0  }
0x234: {  	[sflag:s3] =	ssyncadd.s32 $0xFFFFFFF0  }
0x235: {  	_ =	sfence.sel $0x180000  }
0x236: {  	[bflag:$0x0] =	sbarrier.arrive $0xFFFF  }
0x237: {  	_ =	strace $0x90000047  }
0x238: {  	s0 =	stileid.u32;
	[bflag:$0x2] =	sbarrier.arrive $0xFFFF  }
0x239: {  	p0 =	sne.s32 s0, $0x0;
	s0 =	rddreg [dreg:$0x4]  }
0x23a: {  	s0 =	sadd.s32 @!p0 $0x100000, s0  }
0x23b: {  	[sflag:s0] =	ssyncadd.tile.s32 @!p0 $0x1;
	_ =	shalt  }
.Lfunc_end2:
_tile_overlayer_lowered:
.L_overlay_start_2:
0x23c: {  	(tag) =	ssettag $0x2  }
0x23d: {  	s0 =	rddreg [dreg:$0x0];
	s2 =	stileid.u32  }
0x23e: {  	s1 =	rddreg [dreg:$0x1];
	p0 =	sne.s32 s2, $0x0  }
0x23f: {  	s3 =	rddreg [dreg:$0x2];
	[bflag:$0x3] =	sbarrier.arrive $0xFFFF;
	s2 =	simm.s32 @!p0 $0x1C02  }
0x240: {  	[timem:s3], [sflag:s2] =	dma.local @!p0 [hbm:s0], s1  }
0x241: {  	s0 =	simm.s32 @!p0 $0x2  }
0x242: {  	_ =	swait.ge @!p0 [sflag:s0], s1  }
0x243: {  	s1 =	ssub.s32 @!p0 $0x0, s1;
	[sflag:s0] =	ssyncset.done @!p0 $0x0  }
0x244: {  	[sflag:s0] =	ssyncadd.s32 @!p0 s1  }
0x245: {  	[bflag:$0x3] =	sbarrier.arrive $0xFFFF  }
0x246: {  	_ =	shalt  }

// kernel: kernel.9.cloned.1.call-start
scs
__scs_entry_jumppad:
0x0: {  	(pc) =	sbr.rel $0x88, $3  }
0x1: {  	(tag) =	ssettag $0x0;
	lr =	simm.s32 $0x1  }
0x2: {  	[smem:$0x3F9A] =	sst lr;
	_ =	strace $0xD0000000  }
0x3: {  	_ = 	snop  }
0x4: {  	_ = 	snop  }
0x5: {  	_ = 	snop  }
0x6: {  	_ = 	snop  }
0x7: {  	_ = 	snop  }
__scs_overlays_trampoline_lowered:
0x8: {  	[smem:$0x3FA9] =	sst s0  }
0x9: {  	[smem:$0x3FAA] =	sst s1  }
0xa: {  	[smem:$0x3FAB] =	sst s2  }
0xb: {  	[smem:$0x3FAC] =	sst s3  }
0xc: {  	[smem:$0x3FAD] =	sst s4  }
0xd: {  	[smem:$0x3FAE] =	sst s5  }
0xe: {  	[smem:$0x3FAF] =	sst s6  }
0xf: {  	[smem:$0x3FB0] =	sst s7  }
0x10: {  	[smem:$0x3FB1] =	sst s8  }
0x11: {  	[smem:$0x3FB2] =	sst s9;
	s0 =	simm.s32 @!p0 $0x0  }
0x12: {  	s1 =	sld [smem:$0x3F98];
	s0 =	simm.s32 @p0 $0x1  }
0x13: {  	[smem:$0x3FB3] =	sst s0;
	s0 =	simm.s32 @!p1 $0x0  }
0x14: {  	s2 =	sld [smem:$0x3F97];
	s0 =	simm.s32 @p1 $0x1  }
0x15: {  	[smem:$0x3FB4] =	sst s0;
	s0 =	simm.s32 @!p2 $0x0  }
0x16: {  	s3 =	sld [smem:$0x3FDB];
	s0 =	simm.s32 @p2 $0x1  }
0x17: {  	s4 =	simm.s32 $0x1BF5;
	[smem:$0x3FB6] =	sst s0  }
0x18: {  	s0 =	sld [smem:$0x3F99];
	_ =	swait.ge [sflag:s4], $0x0  }
0x19: {  	s7 =	sld [smem:$0x3F9A]  }
0x1a: {  	s8 =	sadd.s32 $0xFFFFE003, lr  }
0x1b: {  	s9 =	sadd.s32 $0xFFFFFEF7, lr;
	s5 =	simm.s32 $0xFFFFFFFF;
	p2 =	slt.u32 s8, $0xFFFFF086  }
0x1c: {  	p1 =	slt.u32 s9, $0xF7A;
	s5 =	simm.s32 @!p2 $0x0  }
0x1d: {  	s5 =	simm.s32 @p1 $0x1;
	p0 =	seq.s32 s7, s2  }
0x1e: {  	s7 =	smul.u32 @!p0 $0xF7A, s2;
	p2 =	seq.s32 @!p0 s5, $0x0  }
0x1f: {  	s9 =	smul.u32 $0xF7A, s1;
	s8 =	simm.s32 @!p0 $0x1BF5;
	p2 =	por !p2, p0  }
0x20: {  	[sflag:s8] =	ssyncset.s32 @!p0 $0xFFFFF086;
	s6 =	sadd.s32 @!p0 s3, s7;
	s7 =	simm.s32 @!p0 $0x108  }
0x21: {  	s3 =	sadd.s32 s3, s9;
	s6 =	sadd.s32 @!p0 $0x88, s6;
	s7 =	simm.s32 @p2 $0x1082  }
0x22: {  	[simem:s7], [sflag:s8] =	dma.local @!p0 [hbm:s6], $0xF7A  }
0x23: {  	s9 =	sor.u32 $0xD0000000, s2;
	s6 =	simm.s32 $0x108;
	_ =	swait.ge @!p0 [sflag:s8], $0x0  }
0x24: {  	s3 =	sadd.s32 $0x88, s3;
	s6 =	simm.s32 @!p1 $0x1082;
	[sflag:s4] =	ssyncset.s32 $0xFFFFF086  }
0x25: {  	[simem:s6], [sflag:s4] =	dma.local [hbm:s3], $0xF7A  }
0x26: {  	[smem:$0x3F9A] =	sst s1;
	(tag) =	ssettag s2;
	_ =	strace s9  }
0x27: {  	s1 =	sld [smem:$0x3FAA]  }
0x28: {  	s2 =	sld [smem:$0x3FAB]  }
0x29: {  	s4 =	sld [smem:$0x3FAD]  }
0x2a: {  	p0 =	seq.s32 s5, $0x0;
	s5 =	sld [smem:$0x3FAE]  }
0x2b: {  	s6 =	sld [smem:$0x3FAF]  }
0x2c: {  	s7 =	sld [smem:$0x3FB0]  }
0x2d: {  	s3 =	simm.s32 $0x108;
	s8 =	sld [smem:$0x3FB1]  }
0x2e: {  	s3 =	simm.s32 @!p0 $0x1082;
	s9 =	sld [smem:$0x3FB2]  }
0x2f: {  	lr =	sadd.s32 s0, s3;
	s0 =	sld [smem:$0x3FA9]  }
0x30: {  	s3 =	sld [smem:$0x3FAC]  }
0x31: {  	[smem:$0x3FB5] =	sst s10  }
0x32: {  	s10 =	sld [smem:$0x3FB3];
	_ =	sdelay $0x3  }
0x33: {  	p0 =	seq.s32 s10, $0x1;
	s10 =	sld [smem:$0x3FB5];
	_ =	sdelay $0x3  }
0x34: {  	[smem:$0x3FB5] =	sst s10  }
0x35: {  	s10 =	sld [smem:$0x3FB4];
	_ =	sdelay $0x3  }
0x36: {  	p1 =	seq.s32 s10, $0x1;
	s10 =	sld [smem:$0x3FB5];
	_ =	sdelay $0x3  }
0x37: {  	[smem:$0x3FB5] =	sst s10  }
0x38: {  	s10 =	sld [smem:$0x3FB6]  }
0x39: {  	_ = 	snop;
	(pc) =	sbr.ind lr, $3  }
0x3a: {  	_ = 	snop  }
0x3b: {  	_ = 	snop  }
0x3c: {  	p2 =	seq.s32 s10, $0x1;
	s10 =	sld [smem:$0x3FB5]  }
0x3d: {  	_ =	shalt  }
0x3e: {  	_ =	shalt  }
0x3f: {  	_ =	shalt  }
0x40: {  	_ =	shalt  }
0x41: {  	_ =	shalt  }
0x42: {  	_ =	shalt  }
0x43: {  	_ =	shalt  }
0x44: {  	_ =	shalt  }
0x45: {  	_ =	shalt  }
0x46: {  	_ =	shalt  }
0x47: {  	_ =	shalt  }
0x48: {  	_ =	shalt  }
0x49: {  	_ =	shalt  }
0x4a: {  	_ =	shalt  }
0x4b: {  	_ =	shalt  }
0x4c: {  	_ =	shalt  }
0x4d: {  	_ =	shalt  }
0x4e: {  	_ =	shalt  }
0x4f: {  	_ =	shalt  }
0x50: {  	_ =	shalt  }
0x51: {  	_ =	shalt  }
0x52: {  	_ =	shalt  }
0x53: {  	_ =	shalt  }
0x54: {  	_ =	shalt  }
0x55: {  	_ =	shalt  }
0x56: {  	_ =	shalt  }
0x57: {  	_ =	shalt  }
0x58: {  	_ =	shalt  }
0x59: {  	_ =	shalt  }
0x5a: {  	_ =	shalt  }
0x5b: {  	_ =	shalt  }
0x5c: {  	_ =	shalt  }
0x5d: {  	_ =	shalt  }
0x5e: {  	_ =	shalt  }
0x5f: {  	_ =	shalt  }
0x60: {  	_ =	shalt  }
0x61: {  	_ =	shalt  }
0x62: {  	_ =	shalt  }
0x63: {  	_ =	shalt  }
0x64: {  	_ =	shalt  }
0x65: {  	_ =	shalt  }
0x66: {  	_ =	shalt  }
0x67: {  	_ =	shalt  }
0x68: {  	_ =	shalt  }
0x69: {  	_ =	shalt  }
0x6a: {  	_ =	shalt  }
0x6b: {  	_ =	shalt  }
0x6c: {  	_ =	shalt  }
0x6d: {  	_ =	shalt  }
0x6e: {  	_ =	shalt  }
0x6f: {  	_ =	shalt  }
0x70: {  	_ =	shalt  }
0x71: {  	_ =	shalt  }
0x72: {  	_ =	shalt  }
0x73: {  	_ =	shalt  }
0x74: {  	_ =	shalt  }
0x75: {  	_ =	shalt  }
0x76: {  	_ =	shalt  }
0x77: {  	_ =	shalt  }
0x78: {  	_ =	shalt  }
0x79: {  	_ =	shalt  }
0x7a: {  	_ =	shalt  }
0x7b: {  	_ =	shalt  }
0x7c: {  	_ =	shalt  }
0x7d: {  	_ =	shalt  }
0x7e: {  	_ =	shalt  }
0x7f: {  	_ =	shalt  }
0x80: {  	_ =	shalt  }
0x81: {  	_ =	shalt  }
0x82: {  	_ =	shalt  }
0x83: {  	_ =	shalt  }
0x84: {  	_ =	shalt  }
0x85: {  	_ =	shalt  }
0x86: {  	_ =	shalt  }
0x87: {  	_ =	shalt  }
.Lfunc_end0:
.L_simem_size_0:
called_computation.1_lowered:
.L_overlay_start_0:
0x88: {  	s2 =	sld [smem:$0x3FD9]  }
0x89: {  	s3 =	sld [smem:$0x3FFE];
	_ =	sdelay $0x1  }
0x8a: {  	s1 =	srdreg.scid  }
0x8b: {  	s0 =	sand.u32 $0x1, s1  }
0x8c: {  	s14 =	sshll.u32 s0, $0xA;
	s2 =	sadd.s32 s3, s2  }
0x8d: {  	s2 =	sadd.s32 s2, s14  }
0x8e: {  	[smem:$0x3FC1] =	sst s2  }
0x8f: {  	_ = 	snop  }
0x90: {  	s2 =	sld [smem:$0x3FD0];
	_ =	sdelay $0x2  }
0x91: {  	s15 =	simm.s32 $0xA;
	s4 =	simm.s32 $0x10  }
0x92: {  	[smem:s4], [sflag:s15] =	dma.local [hbm:s2], $0x1  }
0x93: {  	_ =	swait.eq [sflag:s15], $0x1  }
0x94: {  	[sflag:s15] =	ssyncset.done $0x0  }
0x95: {  	[sflag:s15] =	ssyncadd.s32 $0xFFFFFFFF  }
0x96: {  	s16 =	sld [smem:$0x11];
	(tm) =	ssettm $0x1  }
0x97: {  	s17 =	sld [smem:$0x3FFB];
	_ =	sdelay $0x3  }
0x98: {  	_ =	strace s17  }
0x99: {  	s3 =	sld [smem:$0x3FFC];
	_ =	sdelay $0x3  }
0x9a: {  	_ =	strace s3  }
0x9b: {  	s3 =	sld [smem:$0x3FFD];
	_ =	sdelay $0x3  }
0x9c: {  	_ =	strace s3  }
0x9d: {  	_ =	strace $0x8FFFFFFF  }
0x9e: {  	s18 =	sld [smem:$0x3FDB];
	_ =	sdelay $0x1  }
0x9f: {  	s19 =	simm.s32 $_scs_section_size  }
0xa0: {  	s5 =	simm.s32 $_size__tile_overlayer_lowered;
	s6 =	simm.s32 $_tile_overlayer_lowered  }
0xa1: {  	s22 =	simm.s32 $0x1BFF;
	s21 =	sshll.u32 s6, $0x1;
	s3 =	sadd.s32 s19, s18  }
0xa2: {  	s7 =	simm.s32 $0x0;
	s20 =	sshll.u32 s5, $0x1;
	s5 =	sadd.s32 s21, s3  }
0xa3: {  	[timem:s7], [sflag:s22] =	dma.local [hbm:s5], s20  }
0xa4: {  	_ =	swait.ge [sflag:s22], s20  }
0xa5: {  	s4 =	ssub.s32 $0x0, s20;
	[sflag:s22] =	ssyncset.done $0x0  }
0xa6: {  	[sflag:s22] =	ssyncadd.s32 s4;
	_ =	sdelay $0x1  }
0xa7: {  	s23 =	simm.s32 $0x1B8B  }
0xa8: {  	_ =	swait.ge [sflag:s23], $0x1  }
0xa9: {  	[sflag:s23] =	ssyncset.done $0x0  }
0xaa: {  	s25 =	simm.s32 $0x1B8E;
	s24 =	sld [smem:$0x3FFE];
	[sflag:s23] =	ssyncadd.s32 $0xFFFFFFFF  }
0xab: {  	s26 =	simm.s32 $execute0_lowered;
	[smem:$0x3FD2] =	sst s25  }
0xac: {  	s5 =	sshll.u32 s26, $0x1;
	_ =	strace $0x80000049;
	[dreg:$0x1] =	wrdreg $0xFFFFFFFF  }
0xad: {  	s28 =	simm.s32 $_size_execute0_lowered;
	s3 =	sadd.s32 s3, s5;
	[dreg:$0x0] =	wrdreg $0x0  }
0xae: {  	s5 =	sshll.u32 s28, $0x1;
	[dreg:$0x2] =	wrdreg s3  }
0xaf: {  	[dreg:$0x3] =	wrdreg s5  }
0xb0: {  	[dreg:$0x4] =	wrdreg $0xC0  }
0xb1: {  	_ =	task [dreg:s7], $0x5FFFF  }
0xb2: {  	[dreg:$0x1] =	wrdreg $0xFFFFFFFF  }
0xb3: {  	[dreg:$0x0] =	wrdreg $0x60  }
0xb4: {  	[dreg:$0x2] =	wrdreg s24  }
0xb5: {  	[dreg:$0x3] =	wrdreg s16  }
0xb6: {  	[dreg:$0x4] =	wrdreg $0x46000  }
0xb7: {  	[dreg:$0x5] =	wrdreg $0x9  }
0xb8: {  	_ =	task.clear_ibuf [dreg:s7], $0x6FFFF;
	_ =	strace $0x90000049  }
0xb9: {  	s29 =	simm.s32 $0x9;
	_ =	strace $0x8000004B  }
0xba: {  	_ =	swait.ge [sflag:s29], $0x1  }
0xbb: {  	[sflag:s29] =	ssyncadd.s32 $0xFFFFFFFF  }
0xbc: {  	_ =	strace $0x9000004B  }
0xbd: {  	_ =	sfence  }
0xbe: {  	s30 =	sld [smem:$0x0];
	_ =	sdelay $0x2  }
0xbf: {  	s31 =	sshll.u32 s1, $0xD;
	s1 =	sshrl.u32 s1, $0x2  }
0xc0: {  	s3 =	sand.u32 $0x4000, s31;
	s1 =	sadd.s32 s1, s30  }
0xc1: {  	s0 =	sor.u32 s3, s0;
	s1 =	sshll.u32 s1, $0x11  }
0xc2: {  	s0 =	sor.u32 s1, s0  }
0xc3: {  	s0 =	sadd.s32 $0x8F2B, s0  }
0xc4: {  	[sflag:s0] =	ssyncadd.remote.s32 $0x1  }
0xc5: {  	_ =	sfence.sel $0xFFFF  }
0xc6: {  	[dreg:$0x0] =	wrdreg $0xFFFFFFFF;
	(pc) =	sbr.abs _section_cstart, $3  }
0xc7: {  	[dreg:$0x1] =	wrdreg $0xFFFFFFFF  }
0xc8: {  	_ =	task.clear_ibuf [dreg:s7], $0x2FFFF;
	_ =	strace $0x9FFFFFFF  }
0xc9: {  	(tm) =	ssettm $0x7FFFFFFF  }
tec
execute0_lowered:
.L_overlay_start_1:
0x0: {  	(tag) =	ssettag $0x1  }
0x1: {  	s0 =	rddreg [dreg:$0x0]  }
0x2: {  	s2 =	rddreg [dreg:$0x1]  }
0x3: {  	s4 =	rddreg [dreg:$0x2];
	s1 =	simm.s32 $0x0;
	s5 =	srdreg.scid  }
0x4: {  	s12 =	stileid.u32;
	s29 =	simm.s32 $0x1;
	s30 =	simm.s32 $0x0  }
0x5: {  	[smem:$0x7FF] =	sst s1;
	s3 =	sadd.s32 $0x45C00, s0;
	s6 =	sadd.s32 $0x4FA00, s0  }
0x6: {  	s9 =	sand.u32 $0x1, s5;
	s5 =	sadd.s32 $0x32000, s0;
	s8 =	smul.u32 $0x2800, s12  }
0x7: {  	s18 =	smul.u32 $0xA0, s12;
	_ =	strace $0x8000004A;
	[dreg:$0x4] =	wrdreg s6  }
0x8: {  	s7 =	ssub.s32 $0x2, s9;
	s11 =	sshll.u32 s9, $0x4;
	s6 =	sadd.s32 $0x3BE00, s0  }
0x9: {  	s31 =	smul.u32 $0x2800, s9;
	s10 =	sshrl.u32 s7, $0x1;
	s25 =	sor.u32 s12, s11  }
0xa: {  	s26 =	sshrl.u32 s8, $0x2;
	s8 =	sadd.s32 s18, s4;
	s24 =	ssub.s32 s7, s10  }
0xb: {  	s7 =	smul.u32 $0x2710, s25;
	s10 =	sshll.u32 s25, $0x6;
	s11 =	sadd.s32 s26, s4  }
0xc: {  	s12 =	sadd.s32 $0xA00, s8;
	s13 =	sadd.s32 $0x1400, s8;
	s14 =	sadd.s32 $0x1E00, s8  }
0xd: {  	s15 =	sadd.s32 $0x2800, s8;
	s16 =	sadd.s32 $0x3200, s8;
	s17 =	sadd.s32 $0x3C00, s8  }
0xe: {  	s19 =	sadd.s32 $0x4600, s8;
	s20 =	sadd.s32 $0x5000, s8;
	s4 =	sadd.s32 s18, s31  }
0xf: {  	s21 =	sadd.s32 $0x5A00, s8;
	s23 =	sadd.s32 $0x8200, s8;
	[dreg:$0x5] =	wrdreg s19  }
0x10: {  	s26 =	sadd.s32 $0x8C00, s8;
	s28 =	sadd.s32 $0x9600, s8;
	[dreg:$0x6] =	wrdreg s20  }
0x11: {  	[dreg:$0x7] =	wrdreg s21;
	s19 =	sadd.s32 $0x6400, s8;
	s0 =	smax.u32 s24, $0x1  }
0x12: {  	s4 =	sshrl.u32 s4, $0x3;
	s22 =	sshrl.u32 s10, $0x2;
	[dreg:$0x9] =	wrdreg s0  }
0x13: {  	s20 =	sadd.s32 $0x6E00, s8;
	s2 =	sadd.s32 s2, s4;
	[dreg:$0xa] =	wrdreg s22  }
0x14: {  	s21 =	sadd.s32 $0x7800, s8;
	s24 =	sadd.s32 $0x140, s2;
	[dreg:$0x8] =	wrdreg s2  }
0x15: {  	s0 =	simm.s32 $0x2;
	s25 =	sadd.s32 $0x280, s2;
	[dreg:$0xb] =	wrdreg s24  }
0x16: {  	s4 =	simm.s32 $0xC00;
	s31 =	sadd.s32 $0x3C0, s2;
	[dreg:$0xc] =	wrdreg s25  }
0x17: {  	v0 =	vimm.f32 $0.0e+00;
	s2 =	simm.s32 $0x400;
	[dreg:$0xd] =	wrdreg s31;
	s24 =	simm.s32 $0x1400  }
.LBB2_1:
0x18: {  	s9 =	rddreg [dreg:$0x4]  }
0x19: {  	[tilespmem:s1], [sflag:$0x2] =	stream.linear.gather [hbm4b:s9+s1], $0x400, $0x38;
	[tilespmem:$0x5000] =	vst v63  }
0x1a: {  	_ =	swait.ge [sflag:s0], $0x400  }
0x1b: {  	[sflag:s0] =	ssyncset.done $0x0  }
0x1c: {  	[sflag:s0] =	ssyncadd.s32 $0xFFFFFC00  }
0x1d: {  	v63 =	vld [tilespmem:$0x0]  }
0x1e: {  	v62 =	vld [tilespmem:$0x10]  }
0x1f: {  	v60 =	vld [tilespmem:$0x20]  }
0x20: {  	v59 =	vld [tilespmem:$0x30]  }
0x21: {  	v57 =	vld [tilespmem:$0x40]  }
0x22: {  	v56 =	vld [tilespmem:$0x50]  }
0x23: {  	v54 =	vld [tilespmem:$0x60]  }
0x24: {  	v53 =	vld [tilespmem:$0x70]  }
0x25: {  	v50 =	vld [tilespmem:$0x80]  }
0x26: {  	v49 =	vld [tilespmem:$0x90]  }
0x27: {  	v47 =	vld [tilespmem:$0xA0]  }
0x28: {  	v45 =	vld [tilespmem:$0xB0]  }
0x29: {  	v43 =	vld [tilespmem:$0xC0]  }
0x2a: {  	v41 =	vld [tilespmem:$0xD0]  }
0x2b: {  	v38 =	vld [tilespmem:$0xE0]  }
0x2c: {  	v37 =	vld [tilespmem:$0xF0]  }
0x2d: {  	v35 =	vld [tilespmem:$0x100]  }
0x2e: {  	v33 =	vld [tilespmem:$0x110]  }
0x2f: {  	v30 =	vld [tilespmem:$0x120]  }
0x30: {  	v28 =	vld [tilespmem:$0x130]  }
0x31: {  	v25 =	vld [tilespmem:$0x140]  }
0x32: {  	v24 =	vld [tilespmem:$0x150]  }
0x33: {  	v22 =	vld [tilespmem:$0x160]  }
0x34: {  	v20 =	vld [tilespmem:$0x170]  }
0x35: {  	v18 =	vld [tilespmem:$0x180]  }
0x36: {  	v16 =	vld [tilespmem:$0x190]  }
0x37: {  	v13 =	vld [tilespmem:$0x1A0]  }
0x38: {  	v11 =	vld [tilespmem:$0x1B0]  }
0x39: {  	v8 =	vld [tilespmem:$0x1C0]  }
0x3a: {  	v4 =	vld [tilespmem:$0x1D0]  }
0x3b: {  	v2 =	vld [tilespmem:$0x1E0]  }
0x3c: {  	v1 =	vld [tilespmem:$0x1F0]  }
0x3d: {  	v6 =	vld [tilespmem:$0x200]  }
0x3e: {  	v5 =	vld [tilespmem:$0x210]  }
0x3f: {  	v3 =	vld [tilespmem:$0x220]  }
0x40: {  	v61 =	vld [tilespmem:$0x230]  }
0x41: {  	v58 =	vld [tilespmem:$0x240]  }
0x42: {  	v55 =	vld [tilespmem:$0x250]  }
0x43: {  	v52 =	vld [tilespmem:$0x260]  }
0x44: {  	v51 =	vld [tilespmem:$0x270]  }
0x45: {  	v48 =	vld [tilespmem:$0x280]  }
0x46: {  	v46 =	vld [tilespmem:$0x290]  }
0x47: {  	v44 =	vld [tilespmem:$0x2A0]  }
0x48: {  	v42 =	vld [tilespmem:$0x2B0]  }
0x49: {  	v40 =	vld [tilespmem:$0x2C0]  }
0x4a: {  	v39 =	vld [tilespmem:$0x2D0]  }
0x4b: {  	v36 =	vld [tilespmem:$0x2E0]  }
0x4c: {  	v34 =	vld [tilespmem:$0x2F0]  }
0x4d: {  	v7 =	vld [tilespmem:$0x3D0]  }
0x4e: {  	v32 =	vld [tilespmem:$0x300]  }
0x4f: {  	v29 =	vld [tilespmem:$0x310]  }
0x50: {  	v27 =	vld [tilespmem:$0x320]  }
0x51: {  	v26 =	vld [tilespmem:$0x330]  }
0x52: {  	[tilespmem:$0x1FFD0] =	vst v7;
	v7 =	vld [tilespmem:$0x3E0]  }
0x53: {  	v23 =	vld [tilespmem:$0x340]  }
0x54: {  	v21 =	vld [tilespmem:$0x350]  }
0x55: {  	v19 =	vld [tilespmem:$0x360]  }
0x56: {  	v17 =	vld [tilespmem:$0x370]  }
0x57: {  	[tilespmem:$0x1FFE0] =	vst v7;
	v7 =	vld [tilespmem:$0x3F0]  }
0x58: {  	v15 =	vld [tilespmem:$0x380]  }
0x59: {  	v14 =	vld [tilespmem:$0x390]  }
0x5a: {  	v12 =	vld [tilespmem:$0x3A0]  }
0x5b: {  	v10 =	vld [tilespmem:$0x3B0]  }
0x5c: {  	s31 =	simm.s32 $0x1420;
	s25 =	rddreg [dreg:$0xa];
	v9 =	vld [tilespmem:$0x3C0];
	[tilespmem:$0x1FFF0] =	vst v7  }
0x5d: {  	s18 =	smov.u32 s17;
	s17 =	smov.u32 s16;
	v7 =	vld [tilespmem:s25+$0x0];
	[tilespmem:s31+$0xFFFFFFE0] =	vst v0  }
0x5e: {  	s16 =	smov.u32 s15;
	s15 =	smov.u32 s14;
	s14 =	smov.u32 s13;
	[tilespmem:s31+$0x10] =	vst v0  }
0x5f: {  	s13 =	smov.u32 s12;
	s12 =	smov.u32 s11;
	s9 =	simm.s32 $0x0;
	[tilespmem:s31+$0x0] =	vst v0  }
.LBB2_2:
0x60: {  	s9 =	sadd.s32 $0x4, s9  }
0x61: {  	[tilespmem:s31+$0xFFFFFFF0] =	vst v0;
	s31 =	sadd.s32 $0x40, s31;
	p0 =	slt.u32 s9, $0x27C  }
.Ltmp0:
0x62: {  	[tilespmem:s31+$0xFFFFFFE0] =	vst v0;
	(pc) =	sbr.rel @p0 .LBB2_2-.Ltmp0, $3  }
0x63: {  	_ =	sdelay $0x1  }
0x64: {  	[tilespmem:s31+$0x10] =	vst v0  }
0x65: {  	[tilespmem:s31+$0x0] =	vst v0  }
0x66: {  	v31 =	vmax.f32 v63, v62  }
0x67: {  	v31 =	vmax.f32 v31, v60  }
0x68: {  	v31 =	vmax.f32 v31, v59  }
0x69: {  	v31 =	vmax.f32 v31, v57  }
0x6a: {  	v31 =	vmax.f32 v31, v56  }
0x6b: {  	v31 =	vmax.f32 v31, v54  }
0x6c: {  	v31 =	vmax.f32 v31, v53  }
0x6d: {  	v31 =	vmax.f32 v31, v50  }
0x6e: {  	v31 =	vmax.f32 v31, v49  }
0x6f: {  	v31 =	vmax.f32 v31, v47  }
0x70: {  	v31 =	vmax.f32 v31, v45  }
0x71: {  	v31 =	vmax.f32 v31, v43  }
0x72: {  	v31 =	vmax.f32 v31, v41  }
0x73: {  	v31 =	vmax.f32 v31, v38  }
0x74: {  	v31 =	vmax.f32 v31, v37  }
0x75: {  	v31 =	vmax.f32 v31, v35  }
0x76: {  	v31 =	vmax.f32 v31, v33  }
0x77: {  	v31 =	vmax.f32 v31, v30  }
0x78: {  	v31 =	vmax.f32 v31, v28  }
0x79: {  	v31 =	vmax.f32 v31, v25  }
0x7a: {  	v31 =	vmax.f32 v31, v24  }
0x7b: {  	v31 =	vmax.f32 v31, v22  }
0x7c: {  	v31 =	vmax.f32 v31, v20  }
0x7d: {  	v31 =	vmax.f32 v31, v18  }
0x7e: {  	v31 =	vmax.f32 v31, v16  }
0x7f: {  	v31 =	vmax.f32 v31, v13  }
0x80: {  	v31 =	vmax.f32 v31, v11  }
0x81: {  	v31 =	vmax.f32 v31, v8  }
0x82: {  	v31 =	vmax.f32 v31, v4  }
0x83: {  	v31 =	vmax.f32 v31, v2  }
0x84: {  	v31 =	vmax.f32 v31, v1  }
0x85: {  	v63 =	vsub.f32 v63, v31  }
0x86: {  	v62 =	vsub.f32 v62, v31  }
0x87: {  	v63 =	vmul.f32 $1.442695020e+00, v63  }
0x88: {  	v62 =	vmul.f32 $1.442695020e+00, v62  }
0x89: {  	v60 =	vsub.f32 v60, v31;
	(erf) = vpow2.f32 v63  }
0x8a: {  	(erf) = vpow2.f32 v62;
	v62 =	vsub.f32 v59, v31  }
0x8b: {  	v60 =	vmul.f32 $1.442695020e+00, v60  }
0x8c: {  	v63 =	vsub.f32 v57, v31;
	v59 =	vmul.f32 $1.442695020e+00, v62  }
0x8d: {  	(erf) = vpow2.f32 v60  }
0x8e: {  	v57 =	vmul.f32 $1.442695020e+00, v63;
	(erf) = vpow2.f32 v59  }
0x8f: {  	v60 =	vsub.f32 v56, v31  }
0x90: {  	v63 =	vsub.f32 v54, v31;
	(erf) = vpow2.f32 v57  }
0x91: {  	v56 =	vmul.f32 $1.442695020e+00, v60  }
0x92: {  	v54 =	vmul.f32 $1.442695020e+00, v63;
	v62 =	vpop (erf)  }
0x93: {  	(erf) = vpow2.f32 v56;
	v6 =	vmul.f32 v62, v6;
	v62 =	vsub.f32 v53, v31  }
0x94: {  	v57 =	vsub.f32 v50, v31;
	v60 =	vpop (erf);
	(erf) = vpow2.f32 v54  }
0x95: {  	v5 =	vmul.f32 v60, v5;
	v6 =	vadd.f32 $0.0e+00, v6;
	v53 =	vmul.f32 $1.442695020e+00, v62  }
0x96: {  	v50 =	vmul.f32 $1.442695020e+00, v57;
	v63 =	vpop (erf);
	v60 =	vsub.f32 v49, v31  }
0x97: {  	v3 =	vmul.f32 v63, v3;
	v5 =	vadd.f32 v6, v5;
	(erf) = vpow2.f32 v53;
	v59 =	vpop (erf)  }
0x98: {  	v49 =	vmul.f32 $1.442695020e+00, v60;
	v62 =	vmul.f32 v59, v61  }
0x99: {  	(erf) = vpow2.f32 v50;
	v63 =	vpop (erf);
	v50 =	vsub.f32 v47, v31;
	v3 =	vadd.f32 v5, v3  }
0x9a: {  	v56 =	vsub.f32 v45, v31;
	v53 =	vmul.f32 v58, v63  }
0x9b: {  	(erf) = vpow2.f32 v49;
	v47 =	vmul.f32 $1.442695020e+00, v50;
	v3 =	vadd.f32 v3, v62  }
0x9c: {  	v45 =	vmul.f32 $1.442695020e+00, v56;
	v59 =	vsub.f32 v43, v31;
	v54 =	vpop (erf)  }
0x9d: {  	v57 =	vmul.f32 v55, v54;
	(erf) = vpow2.f32 v47;
	v3 =	vadd.f32 v3, v53  }
0x9e: {  	v43 =	vmul.f32 $1.442695020e+00, v59;
	v62 =	vsub.f32 v41, v31;
	v58 =	vpop (erf)  }
0x9f: {  	v60 =	vmul.f32 v52, v58;
	(erf) = vpow2.f32 v45;
	v3 =	vadd.f32 v3, v57  }
0xa0: {  	v47 =	vsub.f32 v38, v31;
	v63 =	vmul.f32 $1.442695020e+00, v62;
	v61 =	vpop (erf)  }
0xa1: {  	(erf) = vpow2.f32 v43;
	v6 =	vmul.f32 v51, v61;
	v3 =	vadd.f32 v3, v60  }
0xa2: {  	v50 =	vsub.f32 v37, v31;
	v38 =	vmul.f32 $1.442695020e+00, v47;
	v45 =	vpop (erf)  }
0xa3: {  	(erf) = vpow2.f32 v63;
	v48 =	vmul.f32 v48, v45;
	v3 =	vadd.f32 v3, v6  }
0xa4: {  	v37 =	vmul.f32 $1.442695020e+00, v50;
	v52 =	vsub.f32 v35, v31;
	v49 =	vpop (erf)  }
0xa5: {  	(erf) = vpow2.f32 v38;
	v5 =	vmul.f32 v46, v49;
	v3 =	vadd.f32 v3, v48  }
0xa6: {  	v55 =	vsub.f32 v33, v31;
	v35 =	vmul.f32 $1.442695020e+00, v52;
	v51 =	vpop (erf)  }
0xa7: {  	(erf) = vpow2.f32 v37;
	v53 =	vmul.f32 v44, v51;
	v3 =	vadd.f32 v3, v5  }
0xa8: {  	v58 =	vsub.f32 v30, v31;
	v33 =	vmul.f32 $1.442695020e+00, v55;
	v54 =	vpop (erf)  }
0xa9: {  	(erf) = vpow2.f32 v35;
	v56 =	vmul.f32 v42, v54;
	v3 =	vadd.f32 v3, v53  }
0xaa: {  	v30 =	vmul.f32 $1.442695020e+00, v58;
	v61 =	vsub.f32 v28, v31;
	v57 =	vpop (erf)  }
0xab: {  	(erf) = vpow2.f32 v33;
	v59 =	vmul.f32 v40, v57;
	v3 =	vadd.f32 v3, v56  }
0xac: {  	v62 =	vmul.f32 $1.442695020e+00, v61;
	v60 =	vpop (erf);
	(erf) = vpow2.f32 v30;
	v30 =	vsub.f32 v25, v31  }
0xad: {  	v6 =	vmul.f32 v39, v60;
	v3 =	vadd.f32 v3, v59  }
0xae: {  	v63 =	vpop (erf);
	(erf) = vpow2.f32 v62;
	v25 =	vmul.f32 $1.442695020e+00, v30  }
0xaf: {  	v33 =	vmul.f32 v36, v63;
	v36 =	vsub.f32 v24, v31;
	v3 =	vadd.f32 v3, v6  }
0xb0: {  	v38 =	vsub.f32 v22, v31;
	v35 =	vpop (erf);
	(erf) = vpow2.f32 v25  }
0xb1: {  	v24 =	vmul.f32 $1.442695020e+00, v36;
	v5 =	vmul.f32 v34, v35;
	v3 =	vadd.f32 v3, v33  }
0xb2: {  	v41 =	vsub.f32 v20, v31;
	v22 =	vmul.f32 $1.442695020e+00, v38;
	v37 =	vpop (erf)  }
0xb3: {  	v39 =	vmul.f32 v32, v37;
	(erf) = vpow2.f32 v24;
	v3 =	vadd.f32 v3, v5  }
0xb4: {  	v20 =	vmul.f32 $1.442695020e+00, v41;
	v44 =	vsub.f32 v18, v31;
	v40 =	vpop (erf)  }
0xb5: {  	(erf) = vpow2.f32 v22;
	v42 =	vmul.f32 v29, v40;
	v3 =	vadd.f32 v3, v39  }
0xb6: {  	v47 =	vsub.f32 v16, v31;
	v18 =	vmul.f32 $1.442695020e+00, v44;
	v43 =	vpop (erf)  }
0xb7: {  	(erf) = vpow2.f32 v20;
	v45 =	vmul.f32 v27, v43;
	v3 =	vadd.f32 v3, v42  }
0xb8: {  	v48 =	vmul.f32 $1.442695020e+00, v47;
	v46 =	vpop (erf)  }
0xb9: {  	(erf) = vpow2.f32 v18;
	v6 =	vmul.f32 v26, v46;
	v3 =	vadd.f32 v3, v45  }
0xba: {  	v50 =	vsub.f32 v13, v31;
	v49 =	vpop (erf)  }
0xbb: {  	(erf) = vpow2.f32 v48;
	v51 =	vmul.f32 v23, v49;
	v3 =	vadd.f32 v3, v6  }
0xbc: {  	v13 =	vmul.f32 $1.442695020e+00, v50;
	v53 =	vsub.f32 v11, v31;
	v52 =	vpop (erf)  }
0xbd: {  	v5 =	vmul.f32 v21, v52;
	v3 =	vadd.f32 v3, v51  }
0xbe: {  	v55 =	vsub.f32 v8, v31;
	v11 =	vmul.f32 $1.442695020e+00, v53;
	(erf) = vpow2.f32 v13;
	v54 =	vpop (erf)  }
0xbf: {  	v56 =	vmul.f32 v19, v54;
	v3 =	vadd.f32 v3, v5  }
0xc0: {  	v2 =	vsub.f32 v2, v31;
	v8 =	vmul.f32 $1.442695020e+00, v55;
	(erf) = vpow2.f32 v11;
	v57 =	vpop (erf)  }
0xc1: {  	v58 =	vsub.f32 v4, v31;
	v59 =	vmul.f32 v17, v57;
	v3 =	vadd.f32 v3, v56  }
0xc2: {  	v1 =	vsub.f32 v1, v31;
	v2 =	vmul.f32 $1.442695020e+00, v2;
	(erf) = vpow2.f32 v8;
	v60 =	vpop (erf)  }
0xc3: {  	v4 =	vmul.f32 $1.442695020e+00, v58;
	v61 =	vmul.f32 v15, v60;
	v3 =	vadd.f32 v3, v59  }
0xc4: {  	v1 =	vmul.f32 $1.442695020e+00, v1;
	v62 =	vpop (erf)  }
0xc5: {  	(erf) = vpow2.f32 v4;
	v4 =	vmul.f32 v14, v62;
	v3 =	vadd.f32 v3, v61;
	_ =	sdelay $0x1  }
0xc6: {  	(erf) = vpow2.f32 v2;
	v2 =	vpop (erf);
	v3 =	vadd.f32 v3, v4  }
0xc7: {  	v2 =	vmul.f32 v12, v2  }
0xc8: {  	(erf) = vpow2.f32 v1;
	v1 =	vpop (erf)  }
0xc9: {  	v1 =	vmul.f32 v10, v1;
	v2 =	vadd.f32 v3, v2  }
0xca: {  	v3 =	vpop (erf)  }
0xcb: {  	v1 =	vadd.f32 v2, v1;
	v2 =	vmul.f32 v9, v3;
	_ =	sdelay $0x1  }
0xcc: {  	v1 =	vadd.f32 v1, v2;
	v2 =	vld [tilespmem:$0x1FFD0];
	_ =	sdelay $0x3  }
0xcd: {  	v3 =	vpop (erf)  }
0xce: {  	v2 =	vmul.f32 v2, v3;
	_ =	sdelay $0x1  }
0xcf: {  	v1 =	vadd.f32 v1, v2;
	v2 =	vld [tilespmem:$0x1FFE0];
	_ =	sdelay $0x3  }
0xd0: {  	v3 =	vpop (erf)  }
0xd1: {  	v2 =	vmul.f32 v2, v3;
	_ =	sdelay $0x1  }
0xd2: {  	v1 =	vadd.f32 v1, v2;
	v2 =	vld [tilespmem:$0x1FFF0];
	_ =	sdelay $0x3  }
0xd3: {  	v63 =	vpop (erf);
	v3 =	vsub.f32 v7, v31  }
0xd4: {  	v2 =	vmul.f32 v2, v63  }
0xd5: {  	v3 =	vmul.f32 $1.442695020e+00, v3  }
0xd6: {  	v1 =	vadd.f32 v1, v2  }
0xd7: {  	(erf) = vpow2.f32 v3  }
0xd8: {  	(erf) = vrcp.f32 v1;
	_ =	sdelay $0x7  }
0xd9: {  	v1 =	vpop (erf)  }
0xda: {  	v2 =	vpop (erf)  }
0xdb: {  	v1 =	vmul.f32 v2, v1  }
0xdc: {  	s22 =	simm.s32 $0x0;
	[tilespmem:s31+$0xFFFFFFF0] =	vst v0  }
.LBB2_4:
0xdd: {  	s9 =	smul.u32 $0x7D0, s22;
	_ =	sdelay $0x1  }
0xde: {  	s9 =	sadd.s32 s7, s9  }
0xdf: {  	s25 =	sshrl.u32 s9, $0x3  }
0xe0: {  	s9 =	sadd.s32 s3, s25  }
0xe1: {  	[tilespmem:s2], [sflag:$0x2] =	stream.linear.gather [hbm4b:s9+s1], $0x7D0, $0x38;
	[tilespmem:$0x5000] =	vst v63  }
0xe2: {  	_ =	swait.ge [sflag:s0], $0x7D0  }
0xe3: {  	[sflag:s0] =	ssyncset.done $0x0  }
0xe4: {  	s11 =	sadd.s32 s5, s25;
	[sflag:s0] =	ssyncadd.s32 $0xFFFFF830  }
0xe5: {  	[tilespmem:s4], [sflag:$0x2] =	stream.linear.gather [hbm4b:s11+s1], $0x7D0, $0x38;
	[tilespmem:$0x5000] =	vst v63  }
0xe6: {  	_ =	swait.ge [sflag:s0], $0x7D0  }
0xe7: {  	[sflag:s0] =	ssyncset.done $0x0  }
0xe8: {  	s10 =	simm.s32 $0x420;
	[sflag:s0] =	ssyncadd.s32 $0xFFFFF830  }
0xe9: {  	v2 =	vld [tilespmem:s10+$0x10];
	_ =	sdelay $0x3  }
0xea: {  	v3 =	vld [tilespmem:s10+$0x0]  }
0xeb: {  	v4 =	vld [tilespmem:s10+$0xFFFFFFE0];
	v2 =	vmul.f32 v2, v1  }
0xec: {  	s9 =	simm.s32 $0x460;
	v5 =	vld [tilespmem:s10+$0xFFFFFFF0]  }
0xed: {  	s31 =	simm.s32 $0xC20;
	v12 =	vld [tilespmem:s9+$0x10];
	[tilespmem:s10+$0x10] =	vst v2  }
0xee: {  	v10 =	vld [tilespmem:s31+$0x10]  }
0xef: {  	v6 =	vld [tilespmem:s9+$0xFFFFFFE0];
	v3 =	vmul.f32 v3, v1  }
0xf0: {  	v11 =	vld [tilespmem:s9+$0x0];
	v4 =	vmul.f32 v4, v1  }
0xf1: {  	v9 =	vld [tilespmem:s9+$0xFFFFFFF0];
	v5 =	vmul.f32 v5, v1;
	[tilespmem:s10+$0x0] =	vst v3  }
0xf2: {  	[tilespmem:s10+$0xFFFFFFE0] =	vst v4;
	v8 =	vld [tilespmem:s31+$0x0]  }
0xf3: {  	[tilespmem:s10+$0xFFFFFFF0] =	vst v5;
	v7 =	vld [tilespmem:s31+$0xFFFFFFE0]  }
0xf4: {  	s11 =	simm.s32 $0x4A0;
	v6 =	vmul.f32 v6, v1;
	v13 =	vmul.f32 v12, v1;
	s10 =	simm.s32 $0x4;
	v12 =	vld [tilespmem:s31+$0xFFFFFFF0]  }
.LBB2_5:
0xf5: {  	v14 =	vld [tilespmem:s11+$0xFFFFFFF0];
	s10 =	sadd.s32 $0x4, s10;
	v15 =	vmul.f32 v11, v1;
	s31 =	sadd.s32 $0x40, s31  }
0xf6: {  	v16 =	vmul.f32 v9, v1;
	p0 =	slt.u32 s10, $0x78;
	[tilespmem:v10+s24+$0x0] =	vst.idx.add.f32.msk $0xffff, v2;
	v2 =	vmov v13  }
0xf7: {  	v11 =	vld [tilespmem:s11+$0x0]  }
0xf8: {  	v13 =	vld [tilespmem:s11+$0x10];
	[tilespmem:s9+$0x10] =	vst v2  }
0xf9: {  	v17 =	vld [tilespmem:s11+$0xFFFFFFE0];
	[tilespmem:s9+$0x0] =	vst v15  }
0xfa: {  	v10 =	vld [tilespmem:s31+$0x10];
	v9 =	vmov v14  }
0xfb: {  	[tilespmem:v8+s24+$0x0] =	vst.idx.add.f32.msk $0xffff, v3;
	v3 =	vmov v15  }
.Ltmp1:
0xfc: {  	[tilespmem:v12+s24+$0x0] =	vst.idx.add.f32.msk $0xffff, v5;
	v5 =	vmov v16;
	(pc) =	sbr.rel @p0 .LBB2_5-.Ltmp1, $4  }
0xfd: {  	[tilespmem:s9+$0xFFFFFFE0] =	vst v6;
	v8 =	vld [tilespmem:s31+$0x0]  }
0xfe: {  	[tilespmem:v7+s24+$0x0] =	vst.idx.add.f32.msk $0xffff, v4;
	v4 =	vmov v6  }
0xff: {  	v6 =	vmul.f32 v17, v1;
	v7 =	vld [tilespmem:s31+$0xFFFFFFE0];
	[tilespmem:s9+$0xFFFFFFF0] =	vst v5;
	s9 =	smov.u32 s11  }
0x100: {  	v13 =	vmul.f32 v13, v1;
	s11 =	sadd.s32 $0x40, s11;
	v12 =	vld [tilespmem:s31+$0xFFFFFFF0]  }
0x101: {  	v11 =	vmul.f32 v11, v1;
	s10 =	sadd.s32 $0x40, s31;
	[tilespmem:s9+$0xFFFFFFE0] =	vst v6  }
0x102: {  	v9 =	vmul.f32 v9, v1;
	[tilespmem:s9+$0x10] =	vst v13;
	v17 =	vld [tilespmem:s10+$0xFFFFFFE0]  }
0x103: {  	[tilespmem:s9+$0x0] =	vst v11;
	v14 =	vld [tilespmem:s10+$0x10]  }
0x104: {  	[tilespmem:s9+$0xFFFFFFF0] =	vst v9;
	v15 =	vld [tilespmem:s10+$0x0]  }
0x105: {  	v16 =	vld [tilespmem:s10+$0xFFFFFFF0]  }
0x106: {  	[tilespmem:v10+s24+$0x0] =	vst.idx.add.f32.msk $0xffff, v2  }
0x107: {  	[tilespmem:v8+s24+$0x0] =	vst.idx.add.f32.msk $0xffff, v3  }
0x108: {  	[tilespmem:v7+s24+$0x0] =	vst.idx.add.f32.msk $0xffff, v4  }
0x109: {  	[tilespmem:v12+s24+$0x0] =	vst.idx.add.f32.msk $0xffff, v5  }
0x10a: {  	[tilespmem:v17+s24+$0x0] =	vst.idx.add.f32.msk $0xffff, v6  }
0x10b: {  	[tilespmem:v14+s24+$0x0] =	vst.idx.add.f32.msk $0xffff, v13  }
0x10c: {  	[tilespmem:v15+s24+$0x0] =	vst.idx.add.f32.msk $0xffff, v11  }
0x10d: {  	[tilespmem:v16+s24+$0x0] =	vst.idx.add.f32.msk $0xffff, v9  }
0x10e: {  	v2 =	vld [tilespmem:$0xBC0]  }
0x10f: {  	v3 =	vld [tilespmem:$0x13C0];
	_ =	sdelay $0x4  }
0x110: {  	v2 =	vmul.f32 v2, v1  }
0x111: {  	s22 =	sadd.s32 $0x1, s22  }
0x112: {  	p0 =	sne.s32 s22, $0x5;
	[tilespmem:$0xBC0] =	vst v2  }
.Ltmp2:
0x113: {  	s31 =	sadd.s32 s6, s25;
	[tilespmem:v3+s24+$0x0] =	vst.idx.add.f32.msk $0xffff, v2;
	(pc) =	sbr.rel @p0 .LBB2_4-.Ltmp2, $4  }
0x114: {  	[hbm4b:s31+s1] =	stream.linear.scatter [tilespmem:s2], [sflag:$0x2], $0x7D0, $0x38;
	[tilespmem:$0x5000] =	vst v63  }
0x115: {  	_ =	swait.ge [sflag:s0], $0x7D0  }
0x116: {  	[sflag:s0] =	ssyncset.done $0x0  }
0x117: {  	[sflag:s0] =	ssyncadd.s32 $0xFFFFF830  }
0x118: {  	[spmem:s12] =	stream.linear.scatter [tilespmem:s24], [sflag:$0x2], $0xA00, $0x38;
	[tilespmem:$0x5000] =	vst v63  }
0x119: {  	_ =	swait.ge [sflag:s0], $0xA00  }
0x11a: {  	[sflag:s0] =	ssyncset.done $0x0  }
0x11b: {  	[sflag:s0] =	ssyncadd.s32 $0xFFFFF600  }
0x11c: {  	s9 =	simm.s32 $0x3C00;
	[bflag:$0x0] =	sbarrier.arrive $0xFFFF  }
0x11d: {  	[tilespmem:s9], [sflag:$0x1] =	stream.linear.gather [spmem:s8], $0xA0, $0x38;
	[tilespmem:$0x5000] =	vst v63  }
0x11e: {  	s22 =	simm.s32 $0x3CA0  }
0x11f: {  	[tilespmem:s22], [sflag:$0x1] =	stream.linear.gather [spmem:s13], $0xA0, $0x38;
	[tilespmem:$0x5000] =	vst v63  }
0x120: {  	s25 =	simm.s32 $0x3D40  }
0x121: {  	[tilespmem:s25], [sflag:$0x1] =	stream.linear.gather [spmem:s14], $0xA0, $0x38;
	[tilespmem:$0x5000] =	vst v63  }
0x122: {  	s10 =	simm.s32 $0x3DE0  }
0x123: {  	[tilespmem:s10], [sflag:$0x1] =	stream.linear.gather [spmem:s15], $0xA0, $0x38;
	[tilespmem:$0x5000] =	vst v63  }
0x124: {  	s11 =	smov.u32 s12;
	s12 =	smov.u32 s13;
	s22 =	simm.s32 $0x3E80  }
0x125: {  	[tilespmem:s22], [sflag:$0x1] =	stream.linear.gather [spmem:s16], $0xA0, $0x38;
	[tilespmem:$0x5000] =	vst v63  }
0x126: {  	s13 =	smov.u32 s14;
	s14 =	smov.u32 s15;
	s25 =	simm.s32 $0x3F20  }
0x127: {  	[tilespmem:s25], [sflag:$0x1] =	stream.linear.gather [spmem:s17], $0xA0, $0x38;
	[tilespmem:$0x5000] =	vst v63  }
0x128: {  	s15 =	smov.u32 s16;
	s10 =	simm.s32 $0x3FC0;
	s16 =	smov.u32 s17  }
0x129: {  	[tilespmem:s10], [sflag:$0x1] =	stream.linear.gather [spmem:s18], $0xA0, $0x38;
	[tilespmem:$0x5000] =	vst v63  }
0x12a: {  	s22 =	simm.s32 $0x4060;
	s17 =	smov.u32 s18;
	s18 =	rddreg [dreg:$0x5]  }
0x12b: {  	[tilespmem:s22], [sflag:$0x1] =	stream.linear.gather [spmem:s18], $0xA0, $0x38;
	[tilespmem:$0x5000] =	vst v63  }
0x12c: {  	s25 =	rddreg [dreg:$0x6];
	s10 =	simm.s32 $0x4100  }
0x12d: {  	[tilespmem:s10], [sflag:$0x1] =	stream.linear.gather [spmem:s25], $0xA0, $0x38;
	[tilespmem:$0x5000] =	vst v63  }
0x12e: {  	s22 =	rddreg [dreg:$0x7];
	s25 =	simm.s32 $0x41A0  }
0x12f: {  	[tilespmem:s25], [sflag:$0x1] =	stream.linear.gather [spmem:s22], $0xA0, $0x38;
	[tilespmem:$0x5000] =	vst v63  }
0x130: {  	s10 =	simm.s32 $0x4240  }
0x131: {  	[tilespmem:s10], [sflag:$0x1] =	stream.linear.gather [spmem:s19], $0xA0, $0x38;
	[tilespmem:$0x5000] =	vst v63  }
0x132: {  	s22 =	simm.s32 $0x42E0  }
0x133: {  	[tilespmem:s22], [sflag:$0x1] =	stream.linear.gather [spmem:s20], $0xA0, $0x38;
	[tilespmem:$0x5000] =	vst v63  }
0x134: {  	s25 =	simm.s32 $0x4380  }
0x135: {  	[tilespmem:s25], [sflag:$0x1] =	stream.linear.gather [spmem:s21], $0xA0, $0x38;
	[tilespmem:$0x5000] =	vst v63  }
0x136: {  	s10 =	simm.s32 $0x4420  }
0x137: {  	[tilespmem:s10], [sflag:$0x1] =	stream.linear.gather [spmem:s23], $0xA0, $0x38;
	[tilespmem:$0x5000] =	vst v63  }
0x138: {  	s22 =	simm.s32 $0x44C0  }
0x139: {  	[tilespmem:s22], [sflag:$0x1] =	stream.linear.gather [spmem:s26], $0xA0, $0x38;
	[tilespmem:$0x5000] =	vst v63  }
0x13a: {  	s25 =	simm.s32 $0x4560  }
0x13b: {  	[tilespmem:s25], [sflag:$0x1] =	stream.linear.gather [spmem:s28], $0xA0, $0x38;
	[tilespmem:$0x5000] =	vst v63  }
0x13c: {  	_ =	swait.ge [sflag:s29], $0xA0  }
0x13d: {  	[sflag:s29] =	ssyncset.done $0x0  }
0x13e: {  	[sflag:s29] =	ssyncadd.s32 $0xFFFFFF60  }
0x13f: {  	_ =	swait.ge [sflag:s29], $0xA0  }
0x140: {  	[sflag:s29] =	ssyncset.done $0x0  }
0x141: {  	[sflag:s29] =	ssyncadd.s32 $0xFFFFFF60  }
0x142: {  	_ =	swait.ge [sflag:s29], $0xA0  }
0x143: {  	[sflag:s29] =	ssyncset.done $0x0  }
0x144: {  	[sflag:s29] =	ssyncadd.s32 $0xFFFFFF60  }
0x145: {  	_ =	swait.ge [sflag:s29], $0xA0  }
0x146: {  	[sflag:s29] =	ssyncset.done $0x0  }
0x147: {  	[sflag:s29] =	ssyncadd.s32 $0xFFFFFF60  }
0x148: {  	_ =	swait.ge [sflag:s29], $0xA0  }
0x149: {  	[sflag:s29] =	ssyncset.done $0x0  }
0x14a: {  	[sflag:s29] =	ssyncadd.s32 $0xFFFFFF60  }
0x14b: {  	_ =	swait.ge [sflag:s29], $0xA0  }
0x14c: {  	[sflag:s29] =	ssyncset.done $0x0  }
0x14d: {  	[sflag:s29] =	ssyncadd.s32 $0xFFFFFF60  }
0x14e: {  	_ =	swait.ge [sflag:s29], $0xA0  }
0x14f: {  	[sflag:s29] =	ssyncset.done $0x0  }
0x150: {  	[sflag:s29] =	ssyncadd.s32 $0xFFFFFF60  }
0x151: {  	_ =	swait.ge [sflag:s29], $0xA0  }
0x152: {  	[sflag:s29] =	ssyncset.done $0x0  }
0x153: {  	[sflag:s29] =	ssyncadd.s32 $0xFFFFFF60  }
0x154: {  	_ =	swait.ge [sflag:s29], $0xA0  }
0x155: {  	[sflag:s29] =	ssyncset.done $0x0  }
0x156: {  	[sflag:s29] =	ssyncadd.s32 $0xFFFFFF60  }
0x157: {  	_ =	swait.ge [sflag:s29], $0xA0  }
0x158: {  	[sflag:s29] =	ssyncset.done $0x0  }
0x159: {  	[sflag:s29] =	ssyncadd.s32 $0xFFFFFF60  }
0x15a: {  	_ =	swait.ge [sflag:s29], $0xA0  }
0x15b: {  	[sflag:s29] =	ssyncset.done $0x0  }
0x15c: {  	[sflag:s29] =	ssyncadd.s32 $0xFFFFFF60  }
0x15d: {  	_ =	swait.ge [sflag:s29], $0xA0  }
0x15e: {  	[sflag:s29] =	ssyncset.done $0x0  }
0x15f: {  	[sflag:s29] =	ssyncadd.s32 $0xFFFFFF60  }
0x160: {  	_ =	swait.ge [sflag:s29], $0xA0  }
0x161: {  	[sflag:s29] =	ssyncset.done $0x0  }
0x162: {  	[sflag:s29] =	ssyncadd.s32 $0xFFFFFF60  }
0x163: {  	_ =	swait.ge [sflag:s29], $0xA0  }
0x164: {  	[sflag:s29] =	ssyncset.done $0x0  }
0x165: {  	[sflag:s29] =	ssyncadd.s32 $0xFFFFFF60  }
0x166: {  	_ =	swait.ge [sflag:s29], $0xA0  }
0x167: {  	[sflag:s29] =	ssyncset.done $0x0  }
0x168: {  	[sflag:s29] =	ssyncadd.s32 $0xFFFFFF60  }
0x169: {  	_ =	swait.ge [sflag:s29], $0xA0  }
0x16a: {  	s10 =	simm.s32 $0x0;
	[sflag:s29] =	ssyncset.done $0x0  }
0x16b: {  	s9 =	sand.u32 $0xE0, s10;
	[sflag:s29] =	ssyncadd.s32 $0xFFFFFF60  }
0x16c: {  	v2 =	vld [tilespmem:s9+$0x4380]  }
0x16d: {  	v3 =	vld [tilespmem:s9+$0x4100]  }
0x16e: {  	s22 =	simm.s32 $0x4110;
	v4 =	vld [tilespmem:s9+$0x3E80]  }
0x16f: {  	v1 =	vld [tilespmem:s22+$0xFFFFFB00]  }
0x170: {  	v5 =	vld [tilespmem:s22+$0xFFFFFBA0]  }
0x171: {  	v6 =	vld [tilespmem:s22+$0xFFFFFB90]  }
0x172: {  	v7 =	vld [tilespmem:s22+$0xFFFFFC40]  }
0x173: {  	v8 =	vld [tilespmem:s22+$0xFFFFFAF0]  }
0x174: {  	v9 =	vld [tilespmem:s22+$0xFFFFFCE0]  }
0x175: {  	v10 =	vld [tilespmem:s22+$0xFFFFFC30]  }
0x176: {  	v11 =	vld [tilespmem:s22+$0xFFFFFD80]  }
0x177: {  	v12 =	vld [tilespmem:s22+$0xFFFFFCD0]  }
0x178: {  	v13 =	vld [tilespmem:s22+$0xFFFFFE20]  }
0x179: {  	v14 =	vld [tilespmem:s22+$0xFFFFFE10]  }
0x17a: {  	v15 =	vld [tilespmem:s22+$0xFFFFFEC0]  }
0x17b: {  	v16 =	vld [tilespmem:s22+$0xFFFFFEB0]  }
0x17c: {  	v17 =	vld [tilespmem:s22+$0xFFFFFF60]  }
0x17d: {  	v18 =	vld [tilespmem:s22+$0xFFFFFF50]  }
0x17e: {  	v19 =	vld [tilespmem:s22+$0x0]  }
0x17f: {  	v20 =	vld [tilespmem:s22+$0x90]  }
0x180: {  	v21 =	vld [tilespmem:s22+$0xA0]  }
0x181: {  	v22 =	vld [tilespmem:s22+$0x130]  }
0x182: {  	v23 =	vld [tilespmem:s22+$0x140]  }
0x183: {  	v24 =	vld [tilespmem:s22+$0x1D0]  }
0x184: {  	v25 =	vld [tilespmem:s22+$0x1E0]  }
0x185: {  	v26 =	vld [tilespmem:s22+$0x310]  }
0x186: {  	v27 =	vld [tilespmem:s22+$0x280]  }
0x187: {  	v28 =	vld [tilespmem:s22+$0x3B0]  }
0x188: {  	v29 =	vld [tilespmem:s22+$0x320]  }
0x189: {  	s31 =	simm.s32 $0x4130;
	v30 =	vld [tilespmem:s22+$0x450]  }
0x18a: {  	v46 =	vld [tilespmem:s31+$0xFFFFFB00];
	v5 =	vadd.f32 v5, v1;
	v6 =	vadd.f32 v6, v8  }
0x18b: {  	v47 =	vld [tilespmem:s31+$0xFFFFFC40]  }
0x18c: {  	v48 =	vld [tilespmem:s31+$0xFFFFFAF0];
	v5 =	vadd.f32 v7, v5;
	v6 =	vadd.f32 v10, v6  }
0x18d: {  	v49 =	vld [tilespmem:s31+$0xFFFFFCE0]  }
0x18e: {  	v50 =	vld [tilespmem:s31+$0xFFFFFC30];
	v5 =	vadd.f32 v9, v5;
	v6 =	vadd.f32 v12, v6  }
0x18f: {  	v51 =	vld [tilespmem:s31+$0xFFFFFD80]  }
0x190: {  	v5 =	vadd.f32 v11, v5;
	v4 =	vadd.f32 v4, v6;
	v6 =	vld [tilespmem:s31+$0xFFFFFBA0]  }
0x191: {  	v52 =	vld [tilespmem:s31+$0xFFFFFCD0]  }
0x192: {  	v11 =	vld [tilespmem:s31+$0xFFFFFB90];
	v5 =	vadd.f32 v13, v5;
	v4 =	vadd.f32 v14, v4  }
0x193: {  	v53 =	vld [tilespmem:s31+$0xFFFFFE10]  }
0x194: {  	v54 =	vld [tilespmem:s31+$0xFFFFFEC0];
	v5 =	vadd.f32 v15, v5;
	v4 =	vadd.f32 v16, v4  }
0x195: {  	s25 =	simm.s32 $0x20;
	v55 =	vld [tilespmem:s31+$0xFFFFFEB0];
	v6 =	vadd.f32 v6, v46  }
0x196: {  	s9 =	sand.u32 $0xE0, s25;
	v56 =	vld [tilespmem:s31+$0xFFFFFF60];
	v5 =	vadd.f32 v17, v5;
	v4 =	vadd.f32 v18, v4  }
0x197: {  	v9 =	vld [tilespmem:s9+$0x3E80];
	v11 =	vadd.f32 v11, v48;
	v6 =	vadd.f32 v47, v6  }
0x198: {  	v5 =	vadd.f32 v19, v5;
	v3 =	vadd.f32 v3, v4;
	v4 =	vld [tilespmem:s31+$0xFFFFFE20]  }
0x199: {  	v57 =	vld [tilespmem:s31+$0xFFFFFF50];
	v11 =	vadd.f32 v50, v11;
	v6 =	vadd.f32 v49, v6  }
0x19a: {  	v59 =	vld [tilespmem:s31+$0x140];
	v5 =	vadd.f32 v21, v5;
	v3 =	vadd.f32 v20, v3  }
0x19b: {  	v61 =	vld [tilespmem:s31+$0x1E0];
	v11 =	vadd.f32 v52, v11;
	v6 =	vadd.f32 v51, v6  }
0x19c: {  	v8 =	vld [tilespmem:s22+$0x3C0];
	v5 =	vadd.f32 v23, v5;
	v3 =	vadd.f32 v22, v3  }
0x19d: {  	v1 =	vld [tilespmem:s9+$0x4380];
	v9 =	vadd.f32 v9, v11;
	v4 =	vadd.f32 v4, v6  }
0x19e: {  	v6 =	vld [tilespmem:s31+$0x0];
	v5 =	vadd.f32 v25, v5;
	v3 =	vadd.f32 v24, v3  }
0x19f: {  	v7 =	vld [tilespmem:s22+$0x460];
	v9 =	vadd.f32 v53, v9;
	v4 =	vadd.f32 v54, v4  }
0x1a0: {  	v5 =	vadd.f32 v27, v5;
	v2 =	vadd.f32 v2, v3;
	v3 =	vld [tilespmem:s31+$0xA0]  }
0x1a1: {  	v10 =	vld [tilespmem:s9+$0x4100];
	v58 =	vadd.f32 v56, v4  }
0x1a2: {  	v11 =	vld [tilespmem:s31+$0x90];
	v9 =	vadd.f32 v55, v9;
	v5 =	vadd.f32 v29, v5  }
0x1a3: {  	v4 =	vld [tilespmem:s31+$0x130];
	v2 =	vadd.f32 v26, v2;
	v60 =	vadd.f32 v6, v58  }
0x1a4: {  	v9 =	vadd.f32 v57, v9;
	v6 =	vld [tilespmem:s31+$0x1D0];
	v5 =	vadd.f32 v8, v5  }
0x1a5: {  	v8 =	vadd.f32 v28, v2;
	v2 =	vld [tilespmem:s31+$0x310];
	v3 =	vadd.f32 v3, v60  }
0x1a6: {  	v9 =	vadd.f32 v10, v9;
	v5 =	vadd.f32 v7, v5;
	v7 =	vld [tilespmem:s31+$0x280]  }
0x1a7: {  	s22 =	simm.s32 $0x410;
	v62 =	vadd.f32 v30, v8;
	v8 =	vld [tilespmem:s31+$0x320];
	v63 =	vadd.f32 v59, v3  }
0x1a8: {  	v10 =	vadd.f32 v11, v9;
	v3 =	vld [tilespmem:s31+$0x3B0];
	[tilespmem:s22+$0x0] =	vst v5  }
0x1a9: {  	s25 =	simm.s32 $0x2;
	s9 =	simm.s32 $0x40;
	[tilespmem:s22+$0xFFFFFFF0] =	vst v62;
	v5 =	vld [tilespmem:s31+$0x450];
	v9 =	vadd.f32 v61, v63  }
.LBB2_8:
0x1aa: {  	s10 =	sand.u32 $0xE0, s9;
	v4 =	vadd.f32 v4, v10;
	v10 =	vld [tilespmem:s31+$0x3C0]  }
0x1ab: {  	v11 =	vld [tilespmem:s10+$0x4380];
	v7 =	vadd.f32 v7, v9  }
0x1ac: {  	v4 =	vadd.f32 v6, v4;
	v6 =	vld [tilespmem:s31+$0x460]  }
0x1ad: {  	v9 =	vld [tilespmem:s10+$0x4100];
	v7 =	vadd.f32 v8, v7  }
0x1ae: {  	s31 =	sadd.s32 $0x20, s31;
	v8 =	vld [tilespmem:s10+$0x3E80];
	v12 =	vadd.f32 v1, v4  }
0x1af: {  	v4 =	vld [tilespmem:s31+$0xFFFFFB00];
	v7 =	vadd.f32 v10, v7  }
0x1b0: {  	s25 =	sadd.s32 $0x2, s25;
	v10 =	vld [tilespmem:s31+$0xFFFFFBA0];
	v2 =	vadd.f32 v2, v12;
	v1 =	vmov v11  }
0x1b1: {  	p0 =	slt.u32 s25, $0x8;
	v11 =	vld [tilespmem:s31+$0xFFFFFB90];
	v6 =	vadd.f32 v6, v7  }
0x1b2: {  	s22 =	sadd.s32 $0x20, s22;
	v7 =	vld [tilespmem:s31+$0xFFFFFC40];
	v2 =	vadd.f32 v3, v2  }
0x1b3: {  	v3 =	vld [tilespmem:s31+$0xFFFFFAF0];
	[tilespmem:s22+$0x0] =	vst v6  }
0x1b4: {  	v6 =	vld [tilespmem:s31+$0xFFFFFCE0];
	v2 =	vadd.f32 v5, v2  }
0x1b5: {  	v5 =	vld [tilespmem:s31+$0xFFFFFC30];
	v4 =	vadd.f32 v10, v4  }
0x1b6: {  	v10 =	vld [tilespmem:s31+$0xFFFFFD80];
	[tilespmem:s22+$0xFFFFFFF0] =	vst v2  }
0x1b7: {  	v2 =	vld [tilespmem:s31+$0xFFFFFCD0];
	v4 =	vadd.f32 v7, v4  }
0x1b8: {  	v3 =	vadd.f32 v11, v3;
	v7 =	vld [tilespmem:s31+$0xFFFFFE20]  }
0x1b9: {  	v11 =	vld [tilespmem:s31+$0xFFFFFE10];
	v4 =	vadd.f32 v6, v4  }
0x1ba: {  	v3 =	vadd.f32 v5, v3;
	v5 =	vld [tilespmem:s31+$0xFFFFFEC0]  }
0x1bb: {  	v6 =	vld [tilespmem:s31+$0xFFFFFEB0];
	v4 =	vadd.f32 v10, v4  }
0x1bc: {  	v2 =	vadd.f32 v2, v3;
	v3 =	vld [tilespmem:s31+$0xFFFFFF60]  }
0x1bd: {  	v10 =	vld [tilespmem:s31+$0xFFFFFF50];
	v4 =	vadd.f32 v7, v4  }
0x1be: {  	v2 =	vadd.f32 v8, v2;
	v7 =	vld [tilespmem:s31+$0x0]  }
0x1bf: {  	v8 =	vld [tilespmem:s31+$0x90];
	v5 =	vadd.f32 v5, v4  }
0x1c0: {  	v2 =	vadd.f32 v11, v2;
	v11 =	vld [tilespmem:s31+$0xA0]  }
0x1c1: {  	v4 =	vld [tilespmem:s31+$0x130];
	v3 =	vadd.f32 v3, v5  }
0x1c2: {  	v2 =	vadd.f32 v6, v2;
	v5 =	vld [tilespmem:s31+$0x140]  }
0x1c3: {  	v6 =	vld [tilespmem:s31+$0x1D0];
	v3 =	vadd.f32 v7, v3  }
0x1c4: {  	v7 =	vadd.f32 v10, v2;
	v12 =	vld [tilespmem:s31+$0x1E0]  }
.Ltmp3:
0x1c5: {  	v2 =	vld [tilespmem:s31+$0x310];
	v10 =	vadd.f32 v11, v3;
	(pc) =	sbr.rel @p0 .LBB2_8-.Ltmp3, $4  }
0x1c6: {  	v9 =	vadd.f32 v9, v7;
	v7 =	vld [tilespmem:s31+$0x280]  }
0x1c7: {  	v3 =	vld [tilespmem:s31+$0x3B0];
	v11 =	vadd.f32 v5, v10  }
0x1c8: {  	v10 =	vadd.f32 v8, v9;
	v8 =	vld [tilespmem:s31+$0x320]  }
0x1c9: {  	s9 =	sadd.s32 $0x20, s9;
	v5 =	vld [tilespmem:s31+$0x450];
	v9 =	vadd.f32 v12, v11  }
0x1ca: {  	v4 =	vadd.f32 v4, v10;
	_ =	sdelay $0x1  }
0x1cb: {  	v10 =	vld [tilespmem:s31+$0x3C0];
	v4 =	vadd.f32 v6, v4  }
0x1cc: {  	v6 =	vadd.f32 v7, v9  }
0x1cd: {  	v7 =	vld [tilespmem:s31+$0x460];
	v1 =	vadd.f32 v1, v4  }
0x1ce: {  	v4 =	vadd.f32 v8, v6  }
0x1cf: {  	v1 =	vadd.f32 v2, v1  }
0x1d0: {  	v2 =	vadd.f32 v10, v4  }
0x1d1: {  	v1 =	vadd.f32 v3, v1  }
0x1d2: {  	v2 =	vadd.f32 v7, v2  }
0x1d3: {  	s9 =	sadd.s32 $0x20, s22;
	v1 =	vadd.f32 v5, v1  }
0x1d4: {  	[tilespmem:s9+$0x0] =	vst v2  }
0x1d5: {  	[tilespmem:s9+$0xFFFFFFF0] =	vst v1  }
0x1d6: {  	s9 =	simm.s32 $0x0;
	s10 =	rddreg [dreg:$0x8]  }
0x1d7: {  	[hbm4b:s10+s9] =	stream.linear.scatter [tilespmem:s2], [sflag:$0x2], $0xA0, $0x38;
	[tilespmem:$0x5000] =	vst v63  }
0x1d8: {  	_ =	swait.ge [sflag:s0], $0xA0  }
0x1d9: {  	[sflag:s0] =	ssyncset.done $0x0  }
0x1da: {  	[sflag:s0] =	ssyncadd.s32 $0xFFFFFF60  }
0x1db: {  	s25 =	simm.s32 $0x1E00;
	[bflag:$0x0] =	sbarrier.arrive $0xFFFF  }
0x1dc: {  	[spmem:s11] =	stream.linear.scatter [tilespmem:s25], [sflag:$0x2], $0xA00, $0x38;
	[tilespmem:$0x5000] =	vst v63  }
0x1dd: {  	_ =	swait.ge [sflag:s0], $0xA00  }
0x1de: {  	[sflag:s0] =	ssyncset.done $0x0  }
0x1df: {  	[sflag:s0] =	ssyncadd.s32 $0xFFFFF600  }
0x1e0: {  	s22 =	simm.s32 $0x3C00;
	[bflag:$0x0] =	sbarrier.arrive $0xFFFF  }
0x1e1: {  	[tilespmem:s22], [sflag:$0x1] =	stream.linear.gather [spmem:s8], $0xA0, $0x38;
	[tilespmem:$0x5000] =	vst v63  }
0x1e2: {  	s25 =	simm.s32 $0x3CA0  }
0x1e3: {  	[tilespmem:s25], [sflag:$0x1] =	stream.linear.gather [spmem:s12], $0xA0, $0x38;
	[tilespmem:$0x5000] =	vst v63  }
0x1e4: {  	s22 =	simm.s32 $0x3D40  }
0x1e5: {  	[tilespmem:s22], [sflag:$0x1] =	stream.linear.gather [spmem:s13], $0xA0, $0x38;
	[tilespmem:$0x5000] =	vst v63  }
0x1e6: {  	s25 =	simm.s32 $0x3DE0  }
0x1e7: {  	[tilespmem:s25], [sflag:$0x1] =	stream.linear.gather [spmem:s14], $0xA0, $0x38;
	[tilespmem:$0x5000] =	vst v63  }
0x1e8: {  	s22 =	simm.s32 $0x3E80  }
0x1e9: {  	[tilespmem:s22], [sflag:$0x1] =	stream.linear.gather [spmem:s15], $0xA0, $0x38;
	[tilespmem:$0x5000] =	vst v63  }
0x1ea: {  	s25 =	simm.s32 $0x3F20  }
0x1eb: {  	[tilespmem:s25], [sflag:$0x1] =	stream.linear.gather [spmem:s16], $0xA0, $0x38;
	[tilespmem:$0x5000] =	vst v63  }
0x1ec: {  	s22 =	simm.s32 $0x3FC0  }
0x1ed: {  	[tilespmem:s22], [sflag:$0x1] =	stream.linear.gather [spmem:s17], $0xA0, $0x38;
	[tilespmem:$0x5000] =	vst v63  }
0x1ee: {  	s25 =	simm.s32 $0x4060  }
0x1ef: {  	[tilespmem:s25], [sflag:$0x1] =	stream.linear.gather [spmem:s18], $0xA0, $0x38;
	[tilespmem:$0x5000] =	vst v63  }
0x1f0: {  	s22 =	rddreg [dreg:$0x6];
	s25 =	simm.s32 $0x4100  }
0x1f1: {  	[tilespmem:s25], [sflag:$0x1] =	stream.linear.gather [spmem:s22], $0xA0, $0x38;
	[tilespmem:$0x5000] =	vst v63  }
0x1f2: {  	s22 =	rddreg [dreg:$0x7];
	s25 =	simm.s32 $0x41A0  }
0x1f3: {  	[tilespmem:s25], [sflag:$0x1] =	stream.linear.gather [spmem:s22], $0xA0, $0x38;
	[tilespmem:$0x5000] =	vst v63  }
0x1f4: {  	s22 =	simm.s32 $0x4240  }
0x1f5: {  	[tilespmem:s22], [sflag:$0x1] =	stream.linear.gather [spmem:s19], $0xA0, $0x38;
	[tilespmem:$0x5000] =	vst v63  }
0x1f6: {  	s25 =	simm.s32 $0x42E0  }
0x1f7: {  	[tilespmem:s25], [sflag:$0x1] =	stream.linear.gather [spmem:s20], $0xA0, $0x38;
	[tilespmem:$0x5000] =	vst v63  }
0x1f8: {  	s22 =	simm.s32 $0x4380  }
0x1f9: {  	[tilespmem:s22], [sflag:$0x1] =	stream.linear.gather [spmem:s21], $0xA0, $0x38;
	[tilespmem:$0x5000] =	vst v63  }
0x1fa: {  	s25 =	simm.s32 $0x4420  }
0x1fb: {  	[tilespmem:s25], [sflag:$0x1] =	stream.linear.gather [spmem:s23], $0xA0, $0x38;
	[tilespmem:$0x5000] =	vst v63  }
0x1fc: {  	s22 =	simm.s32 $0x44C0  }
0x1fd: {  	[tilespmem:s22], [sflag:$0x1] =	stream.linear.gather [spmem:s26], $0xA0, $0x38;
	[tilespmem:$0x5000] =	vst v63  }
0x1fe: {  	s25 =	simm.s32 $0x4560  }
0x1ff: {  	[tilespmem:s25], [sflag:$0x1] =	stream.linear.gather [spmem:s28], $0xA0, $0x38;
	[tilespmem:$0x5000] =	vst v63  }
0x200: {  	_ =	swait.ge [sflag:s29], $0xA0  }
0x201: {  	[sflag:s29] =	ssyncset.done $0x0  }
0x202: {  	[sflag:s29] =	ssyncadd.s32 $0xFFFFFF60  }
0x203: {  	_ =	swait.ge [sflag:s29], $0xA0  }
0x204: {  	[sflag:s29] =	ssyncset.done $0x0  }
0x205: {  	[sflag:s29] =	ssyncadd.s32 $0xFFFFFF60  }
0x206: {  	_ =	swait.ge [sflag:s29], $0xA0  }
0x207: {  	[sflag:s29] =	ssyncset.done $0x0  }
0x208: {  	[sflag:s29] =	ssyncadd.s32 $0xFFFFFF60  }
0x209: {  	_ =	swait.ge [sflag:s29], $0xA0  }
0x20a: {  	[sflag:s29] =	ssyncset.done $0x0  }
0x20b: {  	[sflag:s29] =	ssyncadd.s32 $0xFFFFFF60  }
0x20c: {  	_ =	swait.ge [sflag:s29], $0xA0  }
0x20d: {  	[sflag:s29] =	ssyncset.done $0x0  }
0x20e: {  	[sflag:s29] =	ssyncadd.s32 $0xFFFFFF60  }
0x20f: {  	_ =	swait.ge [sflag:s29], $0xA0  }
0x210: {  	[sflag:s29] =	ssyncset.done $0x0  }
0x211: {  	[sflag:s29] =	ssyncadd.s32 $0xFFFFFF60  }
0x212: {  	_ =	swait.ge [sflag:s29], $0xA0  }
0x213: {  	[sflag:s29] =	ssyncset.done $0x0  }
0x214: {  	[sflag:s29] =	ssyncadd.s32 $0xFFFFFF60  }
0x215: {  	_ =	swait.ge [sflag:s29], $0xA0  }
0x216: {  	[sflag:s29] =	ssyncset.done $0x0  }
0x217: {  	[sflag:s29] =	ssyncadd.s32 $0xFFFFFF60  }
0x218: {  	_ =	swait.ge [sflag:s29], $0xA0  }
0x219: {  	[sflag:s29] =	ssyncset.done $0x0  }
0x21a: {  	[sflag:s29] =	ssyncadd.s32 $0xFFFFFF60  }
0x21b: {  	_ =	swait.ge [sflag:s29], $0xA0  }
0x21c: {  	[sflag:s29] =	ssyncset.done $0x0  }
0x21d: {  	[sflag:s29] =	ssyncadd.s32 $0xFFFFFF60  }
0x21e: {  	_ =	swait.ge [sflag:s29], $0xA0  }
0x21f: {  	[sflag:s29] =	ssyncset.done $0x0  }
0x220: {  	[sflag:s29] =	ssyncadd.s32 $0xFFFFFF60  }
0x221: {  	_ =	swait.ge [sflag:s29], $0xA0  }
0x222: {  	[sflag:s29] =	ssyncset.done $0x0  }
0x223: {  	[sflag:s29] =	ssyncadd.s32 $0xFFFFFF60  }
0x224: {  	_ =	swait.ge [sflag:s29], $0xA0  }
0x225: {  	[sflag:s29] =	ssyncset.done $0x0  }
0x226: {  	[sflag:s29] =	ssyncadd.s32 $0xFFFFFF60  }
0x227: {  	_ =	swait.ge [sflag:s29], $0xA0  }
0x228: {  	[sflag:s29] =	ssyncset.done $0x0  }
0x229: {  	[sflag:s29] =	ssyncadd.s32 $0xFFFFFF60  }
0x22a: {  	_ =	swait.ge [sflag:s29], $0xA0  }
0x22b: {  	[sflag:s29] =	ssyncset.done $0x0  }
0x22c: {  	[sflag:s29] =	ssyncadd.s32 $0xFFFFFF60  }
0x22d: {  	_ =	swait.ge [sflag:s29], $0xA0  }
0x22e: {  	[sflag:s29] =	ssyncset.done $0x0  }
0x22f: {  	s9 =	sand.u32 $0xE0, s9;
	[sflag:s29] =	ssyncadd.s32 $0xFFFFFF60  }
0x230: {  	v2 =	vld [tilespmem:s9+$0x4380]  }
0x231: {  	v3 =	vld [tilespmem:s9+$0x4100]  }
0x232: {  	s22 =	simm.s32 $0x4110;
	v4 =	vld [tilespmem:s9+$0x3E80]  }
0x233: {  	v1 =	vld [tilespmem:s22+$0xFFFFFB00]  }
0x234: {  	v5 =	vld [tilespmem:s22+$0xFFFFFBA0]  }
0x235: {  	v6 =	vld [tilespmem:s22+$0xFFFFFB90]  }
0x236: {  	v7 =	vld [tilespmem:s22+$0xFFFFFC40]  }
0x237: {  	v8 =	vld [tilespmem:s22+$0xFFFFFAF0]  }
0x238: {  	v9 =	vld [tilespmem:s22+$0xFFFFFCE0]  }
0x239: {  	v10 =	vld [tilespmem:s22+$0xFFFFFC30]  }
0x23a: {  	v11 =	vld [tilespmem:s22+$0xFFFFFD80]  }
0x23b: {  	v12 =	vld [tilespmem:s22+$0xFFFFFCD0]  }
0x23c: {  	v13 =	vld [tilespmem:s22+$0xFFFFFE20]  }
0x23d: {  	v14 =	vld [tilespmem:s22+$0xFFFFFE10]  }
0x23e: {  	v15 =	vld [tilespmem:s22+$0xFFFFFEC0]  }
0x23f: {  	v16 =	vld [tilespmem:s22+$0xFFFFFEB0]  }
0x240: {  	v17 =	vld [tilespmem:s22+$0xFFFFFF60]  }
0x241: {  	v18 =	vld [tilespmem:s22+$0xFFFFFF50]  }
0x242: {  	v19 =	vld [tilespmem:s22+$0x0]  }
0x243: {  	v20 =	vld [tilespmem:s22+$0x90]  }
0x244: {  	v21 =	vld [tilespmem:s22+$0xA0]  }
0x245: {  	v22 =	vld [tilespmem:s22+$0x130]  }
0x246: {  	v23 =	vld [tilespmem:s22+$0x140]  }
0x247: {  	v24 =	vld [tilespmem:s22+$0x1D0]  }
0x248: {  	v25 =	vld [tilespmem:s22+$0x1E0]  }
0x249: {  	v26 =	vld [tilespmem:s22+$0x310]  }
0x24a: {  	v27 =	vld [tilespmem:s22+$0x280]  }
0x24b: {  	v28 =	vld [tilespmem:s22+$0x3B0]  }
0x24c: {  	v29 =	vld [tilespmem:s22+$0x320]  }
0x24d: {  	s31 =	simm.s32 $0x4130;
	v30 =	vld [tilespmem:s22+$0x450]  }
0x24e: {  	v46 =	vld [tilespmem:s31+$0xFFFFFB00];
	v5 =	vadd.f32 v5, v1;
	v6 =	vadd.f32 v6, v8  }
0x24f: {  	v47 =	vld [tilespmem:s31+$0xFFFFFC40]  }
0x250: {  	v48 =	vld [tilespmem:s31+$0xFFFFFAF0];
	v5 =	vadd.f32 v7, v5;
	v6 =	vadd.f32 v10, v6  }
0x251: {  	v49 =	vld [tilespmem:s31+$0xFFFFFCE0]  }
0x252: {  	v50 =	vld [tilespmem:s31+$0xFFFFFC30];
	v5 =	vadd.f32 v9, v5;
	v6 =	vadd.f32 v12, v6  }
0x253: {  	v51 =	vld [tilespmem:s31+$0xFFFFFD80]  }
0x254: {  	v5 =	vadd.f32 v11, v5;
	v4 =	vadd.f32 v4, v6;
	v6 =	vld [tilespmem:s31+$0xFFFFFBA0]  }
0x255: {  	v52 =	vld [tilespmem:s31+$0xFFFFFCD0]  }
0x256: {  	v11 =	vld [tilespmem:s31+$0xFFFFFB90];
	v5 =	vadd.f32 v13, v5;
	v4 =	vadd.f32 v14, v4  }
0x257: {  	v53 =	vld [tilespmem:s31+$0xFFFFFE10]  }
0x258: {  	v54 =	vld [tilespmem:s31+$0xFFFFFEC0];
	v5 =	vadd.f32 v15, v5;
	v4 =	vadd.f32 v16, v4  }
0x259: {  	s25 =	simm.s32 $0x20;
	v55 =	vld [tilespmem:s31+$0xFFFFFEB0];
	v6 =	vadd.f32 v6, v46  }
0x25a: {  	s9 =	sand.u32 $0xE0, s25;
	v56 =	vld [tilespmem:s31+$0xFFFFFF60];
	v5 =	vadd.f32 v17, v5;
	v4 =	vadd.f32 v18, v4  }
0x25b: {  	v9 =	vld [tilespmem:s9+$0x3E80];
	v11 =	vadd.f32 v11, v48;
	v6 =	vadd.f32 v47, v6  }
0x25c: {  	v5 =	vadd.f32 v19, v5;
	v3 =	vadd.f32 v3, v4;
	v4 =	vld [tilespmem:s31+$0xFFFFFE20]  }
0x25d: {  	v57 =	vld [tilespmem:s31+$0xFFFFFF50];
	v11 =	vadd.f32 v50, v11;
	v6 =	vadd.f32 v49, v6  }
0x25e: {  	v59 =	vld [tilespmem:s31+$0x140];
	v5 =	vadd.f32 v21, v5;
	v3 =	vadd.f32 v20, v3  }
0x25f: {  	v61 =	vld [tilespmem:s31+$0x1E0];
	v11 =	vadd.f32 v52, v11;
	v6 =	vadd.f32 v51, v6  }
0x260: {  	v8 =	vld [tilespmem:s22+$0x3C0];
	v5 =	vadd.f32 v23, v5;
	v3 =	vadd.f32 v22, v3  }
0x261: {  	v1 =	vld [tilespmem:s9+$0x4380];
	v9 =	vadd.f32 v9, v11;
	v4 =	vadd.f32 v4, v6  }
0x262: {  	v6 =	vld [tilespmem:s31+$0x0];
	v5 =	vadd.f32 v25, v5;
	v3 =	vadd.f32 v24, v3  }
0x263: {  	v7 =	vld [tilespmem:s22+$0x460];
	v9 =	vadd.f32 v53, v9;
	v4 =	vadd.f32 v54, v4  }
0x264: {  	v5 =	vadd.f32 v27, v5;
	v2 =	vadd.f32 v2, v3;
	v3 =	vld [tilespmem:s31+$0xA0]  }
0x265: {  	v10 =	vld [tilespmem:s9+$0x4100];
	v58 =	vadd.f32 v56, v4  }
0x266: {  	v11 =	vld [tilespmem:s31+$0x90];
	v9 =	vadd.f32 v55, v9;
	v5 =	vadd.f32 v29, v5  }
0x267: {  	v4 =	vld [tilespmem:s31+$0x130];
	v2 =	vadd.f32 v26, v2;
	v60 =	vadd.f32 v6, v58  }
0x268: {  	v9 =	vadd.f32 v57, v9;
	v6 =	vld [tilespmem:s31+$0x1D0];
	v5 =	vadd.f32 v8, v5  }
0x269: {  	v8 =	vadd.f32 v28, v2;
	v2 =	vld [tilespmem:s31+$0x310];
	v3 =	vadd.f32 v3, v60  }
0x26a: {  	v9 =	vadd.f32 v10, v9;
	v5 =	vadd.f32 v7, v5;
	v7 =	vld [tilespmem:s31+$0x280]  }
0x26b: {  	s22 =	simm.s32 $0x410;
	v62 =	vadd.f32 v30, v8;
	v8 =	vld [tilespmem:s31+$0x320];
	v63 =	vadd.f32 v59, v3  }
0x26c: {  	v10 =	vadd.f32 v11, v9;
	v3 =	vld [tilespmem:s31+$0x3B0];
	[tilespmem:s22+$0x0] =	vst v5  }
0x26d: {  	s25 =	simm.s32 $0x2;
	s9 =	simm.s32 $0x40;
	[tilespmem:s22+$0xFFFFFFF0] =	vst v62;
	v5 =	vld [tilespmem:s31+$0x450];
	v9 =	vadd.f32 v61, v63  }
.LBB2_10:
0x26e: {  	s10 =	sand.u32 $0xE0, s9;
	v4 =	vadd.f32 v4, v10;
	v10 =	vld [tilespmem:s31+$0x3C0]  }
0x26f: {  	v11 =	vld [tilespmem:s10+$0x4380];
	v7 =	vadd.f32 v7, v9  }
0x270: {  	v4 =	vadd.f32 v6, v4;
	v6 =	vld [tilespmem:s31+$0x460]  }
0x271: {  	v9 =	vld [tilespmem:s10+$0x4100];
	v7 =	vadd.f32 v8, v7  }
0x272: {  	s31 =	sadd.s32 $0x20, s31;
	v8 =	vld [tilespmem:s10+$0x3E80];
	v12 =	vadd.f32 v1, v4  }
0x273: {  	v4 =	vld [tilespmem:s31+$0xFFFFFB00];
	v7 =	vadd.f32 v10, v7  }
0x274: {  	s25 =	sadd.s32 $0x2, s25;
	v10 =	vld [tilespmem:s31+$0xFFFFFBA0];
	v2 =	vadd.f32 v2, v12;
	v1 =	vmov v11  }
0x275: {  	p0 =	slt.u32 s25, $0x8;
	v11 =	vld [tilespmem:s31+$0xFFFFFB90];
	v6 =	vadd.f32 v6, v7  }
0x276: {  	s22 =	sadd.s32 $0x20, s22;
	v7 =	vld [tilespmem:s31+$0xFFFFFC40];
	v2 =	vadd.f32 v3, v2  }
0x277: {  	v3 =	vld [tilespmem:s31+$0xFFFFFAF0];
	[tilespmem:s22+$0x0] =	vst v6  }
0x278: {  	v6 =	vld [tilespmem:s31+$0xFFFFFCE0];
	v2 =	vadd.f32 v5, v2  }
0x279: {  	v5 =	vld [tilespmem:s31+$0xFFFFFC30];
	v4 =	vadd.f32 v10, v4  }
0x27a: {  	v10 =	vld [tilespmem:s31+$0xFFFFFD80];
	[tilespmem:s22+$0xFFFFFFF0] =	vst v2  }
0x27b: {  	v2 =	vld [tilespmem:s31+$0xFFFFFCD0];
	v4 =	vadd.f32 v7, v4  }
0x27c: {  	v3 =	vadd.f32 v11, v3;
	v7 =	vld [tilespmem:s31+$0xFFFFFE20]  }
0x27d: {  	v11 =	vld [tilespmem:s31+$0xFFFFFE10];
	v4 =	vadd.f32 v6, v4  }
0x27e: {  	v3 =	vadd.f32 v5, v3;
	v5 =	vld [tilespmem:s31+$0xFFFFFEC0]  }
0x27f: {  	v6 =	vld [tilespmem:s31+$0xFFFFFEB0];
	v4 =	vadd.f32 v10, v4  }
0x280: {  	v2 =	vadd.f32 v2, v3;
	v3 =	vld [tilespmem:s31+$0xFFFFFF60]  }
0x281: {  	v10 =	vld [tilespmem:s31+$0xFFFFFF50];
	v4 =	vadd.f32 v7, v4  }
0x282: {  	v2 =	vadd.f32 v8, v2;
	v7 =	vld [tilespmem:s31+$0x0]  }
0x283: {  	v8 =	vld [tilespmem:s31+$0x90];
	v5 =	vadd.f32 v5, v4  }
0x284: {  	v2 =	vadd.f32 v11, v2;
	v11 =	vld [tilespmem:s31+$0xA0]  }
0x285: {  	v4 =	vld [tilespmem:s31+$0x130];
	v3 =	vadd.f32 v3, v5  }
0x286: {  	v2 =	vadd.f32 v6, v2;
	v5 =	vld [tilespmem:s31+$0x140]  }
0x287: {  	v6 =	vld [tilespmem:s31+$0x1D0];
	v3 =	vadd.f32 v7, v3  }
0x288: {  	v7 =	vadd.f32 v10, v2;
	v12 =	vld [tilespmem:s31+$0x1E0]  }
.Ltmp4:
0x289: {  	v2 =	vld [tilespmem:s31+$0x310];
	v10 =	vadd.f32 v11, v3;
	(pc) =	sbr.rel @p0 .LBB2_10-.Ltmp4, $4  }
0x28a: {  	v9 =	vadd.f32 v9, v7;
	v7 =	vld [tilespmem:s31+$0x280]  }
0x28b: {  	v3 =	vld [tilespmem:s31+$0x3B0];
	v11 =	vadd.f32 v5, v10  }
0x28c: {  	v10 =	vadd.f32 v8, v9;
	v8 =	vld [tilespmem:s31+$0x320]  }
0x28d: {  	s9 =	sadd.s32 $0x20, s9;
	v5 =	vld [tilespmem:s31+$0x450];
	v9 =	vadd.f32 v12, v11  }
0x28e: {  	v4 =	vadd.f32 v4, v10;
	_ =	sdelay $0x1  }
0x28f: {  	v10 =	vld [tilespmem:s31+$0x3C0];
	v4 =	vadd.f32 v6, v4  }
0x290: {  	v6 =	vadd.f32 v7, v9  }
0x291: {  	v7 =	vld [tilespmem:s31+$0x460];
	v1 =	vadd.f32 v1, v4  }
0x292: {  	v4 =	vadd.f32 v8, v6  }
0x293: {  	v1 =	vadd.f32 v2, v1  }
0x294: {  	v2 =	vadd.f32 v10, v4  }
0x295: {  	v1 =	vadd.f32 v3, v1  }
0x296: {  	v2 =	vadd.f32 v7, v2  }
0x297: {  	s9 =	sadd.s32 $0x20, s22;
	v1 =	vadd.f32 v5, v1  }
0x298: {  	[tilespmem:s9+$0x0] =	vst v2  }
0x299: {  	[tilespmem:s9+$0xFFFFFFF0] =	vst v1  }
0x29a: {  	s9 =	simm.s32 $0x0;
	s10 =	rddreg [dreg:$0xb]  }
0x29b: {  	[hbm4b:s10+s9] =	stream.linear.scatter [tilespmem:s2], [sflag:$0x2], $0xA0, $0x38;
	[tilespmem:$0x5000] =	vst v63  }
0x29c: {  	_ =	swait.ge [sflag:s0], $0xA0  }
0x29d: {  	[sflag:s0] =	ssyncset.done $0x0  }
0x29e: {  	[sflag:s0] =	ssyncadd.s32 $0xFFFFFF60  }
0x29f: {  	s25 =	simm.s32 $0x2800;
	[bflag:$0x0] =	sbarrier.arrive $0xFFFF  }
0x2a0: {  	[spmem:s11] =	stream.linear.scatter [tilespmem:s25], [sflag:$0x2], $0xA00, $0x38;
	[tilespmem:$0x5000] =	vst v63  }
0x2a1: {  	_ =	swait.ge [sflag:s0], $0xA00  }
0x2a2: {  	[sflag:s0] =	ssyncset.done $0x0  }
0x2a3: {  	[sflag:s0] =	ssyncadd.s32 $0xFFFFF600  }
0x2a4: {  	s22 =	simm.s32 $0x3C00;
	[bflag:$0x0] =	sbarrier.arrive $0xFFFF  }
0x2a5: {  	[tilespmem:s22], [sflag:$0x1] =	stream.linear.gather [spmem:s8], $0xA0, $0x38;
	[tilespmem:$0x5000] =	vst v63  }
0x2a6: {  	s25 =	simm.s32 $0x3CA0  }
0x2a7: {  	[tilespmem:s25], [sflag:$0x1] =	stream.linear.gather [spmem:s12], $0xA0, $0x38;
	[tilespmem:$0x5000] =	vst v63  }
0x2a8: {  	s22 =	simm.s32 $0x3D40  }
0x2a9: {  	[tilespmem:s22], [sflag:$0x1] =	stream.linear.gather [spmem:s13], $0xA0, $0x38;
	[tilespmem:$0x5000] =	vst v63  }
0x2aa: {  	s25 =	simm.s32 $0x3DE0  }
0x2ab: {  	[tilespmem:s25], [sflag:$0x1] =	stream.linear.gather [spmem:s14], $0xA0, $0x38;
	[tilespmem:$0x5000] =	vst v63  }
0x2ac: {  	s22 =	simm.s32 $0x3E80  }
0x2ad: {  	[tilespmem:s22], [sflag:$0x1] =	stream.linear.gather [spmem:s15], $0xA0, $0x38;
	[tilespmem:$0x5000] =	vst v63  }
0x2ae: {  	s25 =	simm.s32 $0x3F20  }
0x2af: {  	[tilespmem:s25], [sflag:$0x1] =	stream.linear.gather [spmem:s16], $0xA0, $0x38;
	[tilespmem:$0x5000] =	vst v63  }
0x2b0: {  	s22 =	simm.s32 $0x3FC0  }
0x2b1: {  	[tilespmem:s22], [sflag:$0x1] =	stream.linear.gather [spmem:s17], $0xA0, $0x38;
	[tilespmem:$0x5000] =	vst v63  }
0x2b2: {  	s25 =	simm.s32 $0x4060  }
0x2b3: {  	[tilespmem:s25], [sflag:$0x1] =	stream.linear.gather [spmem:s18], $0xA0, $0x38;
	[tilespmem:$0x5000] =	vst v63  }
0x2b4: {  	s22 =	rddreg [dreg:$0x6];
	s25 =	simm.s32 $0x4100  }
0x2b5: {  	[tilespmem:s25], [sflag:$0x1] =	stream.linear.gather [spmem:s22], $0xA0, $0x38;
	[tilespmem:$0x5000] =	vst v63  }
0x2b6: {  	s22 =	rddreg [dreg:$0x7];
	s25 =	simm.s32 $0x41A0  }
0x2b7: {  	[tilespmem:s25], [sflag:$0x1] =	stream.linear.gather [spmem:s22], $0xA0, $0x38;
	[tilespmem:$0x5000] =	vst v63  }
0x2b8: {  	s22 =	simm.s32 $0x4240  }
0x2b9: {  	[tilespmem:s22], [sflag:$0x1] =	stream.linear.gather [spmem:s19], $0xA0, $0x38;
	[tilespmem:$0x5000] =	vst v63  }
0x2ba: {  	s25 =	simm.s32 $0x42E0  }
0x2bb: {  	[tilespmem:s25], [sflag:$0x1] =	stream.linear.gather [spmem:s20], $0xA0, $0x38;
	[tilespmem:$0x5000] =	vst v63  }
0x2bc: {  	s22 =	simm.s32 $0x4380  }
0x2bd: {  	[tilespmem:s22], [sflag:$0x1] =	stream.linear.gather [spmem:s21], $0xA0, $0x38;
	[tilespmem:$0x5000] =	vst v63  }
0x2be: {  	s25 =	simm.s32 $0x4420  }
0x2bf: {  	[tilespmem:s25], [sflag:$0x1] =	stream.linear.gather [spmem:s23], $0xA0, $0x38;
	[tilespmem:$0x5000] =	vst v63  }
0x2c0: {  	s22 =	simm.s32 $0x44C0  }
0x2c1: {  	[tilespmem:s22], [sflag:$0x1] =	stream.linear.gather [spmem:s26], $0xA0, $0x38;
	[tilespmem:$0x5000] =	vst v63  }
0x2c2: {  	s25 =	simm.s32 $0x4560  }
0x2c3: {  	[tilespmem:s25], [sflag:$0x1] =	stream.linear.gather [spmem:s28], $0xA0, $0x38;
	[tilespmem:$0x5000] =	vst v63  }
0x2c4: {  	_ =	swait.ge [sflag:s29], $0xA0  }
0x2c5: {  	[sflag:s29] =	ssyncset.done $0x0  }
0x2c6: {  	[sflag:s29] =	ssyncadd.s32 $0xFFFFFF60  }
0x2c7: {  	_ =	swait.ge [sflag:s29], $0xA0  }
0x2c8: {  	[sflag:s29] =	ssyncset.done $0x0  }
0x2c9: {  	[sflag:s29] =	ssyncadd.s32 $0xFFFFFF60  }
0x2ca: {  	_ =	swait.ge [sflag:s29], $0xA0  }
0x2cb: {  	[sflag:s29] =	ssyncset.done $0x0  }
0x2cc: {  	[sflag:s29] =	ssyncadd.s32 $0xFFFFFF60  }
0x2cd: {  	_ =	swait.ge [sflag:s29], $0xA0  }
0x2ce: {  	[sflag:s29] =	ssyncset.done $0x0  }
0x2cf: {  	[sflag:s29] =	ssyncadd.s32 $0xFFFFFF60  }
0x2d0: {  	_ =	swait.ge [sflag:s29], $0xA0  }
0x2d1: {  	[sflag:s29] =	ssyncset.done $0x0  }
0x2d2: {  	[sflag:s29] =	ssyncadd.s32 $0xFFFFFF60  }
0x2d3: {  	_ =	swait.ge [sflag:s29], $0xA0  }
0x2d4: {  	[sflag:s29] =	ssyncset.done $0x0  }
0x2d5: {  	[sflag:s29] =	ssyncadd.s32 $0xFFFFFF60  }
0x2d6: {  	_ =	swait.ge [sflag:s29], $0xA0  }
0x2d7: {  	[sflag:s29] =	ssyncset.done $0x0  }
0x2d8: {  	[sflag:s29] =	ssyncadd.s32 $0xFFFFFF60  }
0x2d9: {  	_ =	swait.ge [sflag:s29], $0xA0  }
0x2da: {  	[sflag:s29] =	ssyncset.done $0x0  }
0x2db: {  	[sflag:s29] =	ssyncadd.s32 $0xFFFFFF60  }
0x2dc: {  	_ =	swait.ge [sflag:s29], $0xA0  }
0x2dd: {  	[sflag:s29] =	ssyncset.done $0x0  }
0x2de: {  	[sflag:s29] =	ssyncadd.s32 $0xFFFFFF60  }
0x2df: {  	_ =	swait.ge [sflag:s29], $0xA0  }
0x2e0: {  	[sflag:s29] =	ssyncset.done $0x0  }
0x2e1: {  	[sflag:s29] =	ssyncadd.s32 $0xFFFFFF60  }
0x2e2: {  	_ =	swait.ge [sflag:s29], $0xA0  }
0x2e3: {  	[sflag:s29] =	ssyncset.done $0x0  }
0x2e4: {  	[sflag:s29] =	ssyncadd.s32 $0xFFFFFF60  }
0x2e5: {  	_ =	swait.ge [sflag:s29], $0xA0  }
0x2e6: {  	[sflag:s29] =	ssyncset.done $0x0  }
0x2e7: {  	[sflag:s29] =	ssyncadd.s32 $0xFFFFFF60  }
0x2e8: {  	_ =	swait.ge [sflag:s29], $0xA0  }
0x2e9: {  	[sflag:s29] =	ssyncset.done $0x0  }
0x2ea: {  	[sflag:s29] =	ssyncadd.s32 $0xFFFFFF60  }
0x2eb: {  	_ =	swait.ge [sflag:s29], $0xA0  }
0x2ec: {  	[sflag:s29] =	ssyncset.done $0x0  }
0x2ed: {  	[sflag:s29] =	ssyncadd.s32 $0xFFFFFF60  }
0x2ee: {  	_ =	swait.ge [sflag:s29], $0xA0  }
0x2ef: {  	[sflag:s29] =	ssyncset.done $0x0  }
0x2f0: {  	[sflag:s29] =	ssyncadd.s32 $0xFFFFFF60  }
0x2f1: {  	_ =	swait.ge [sflag:s29], $0xA0  }
0x2f2: {  	[sflag:s29] =	ssyncset.done $0x0  }
0x2f3: {  	s9 =	sand.u32 $0xE0, s9;
	[sflag:s29] =	ssyncadd.s32 $0xFFFFFF60  }
0x2f4: {  	v2 =	vld [tilespmem:s9+$0x4380]  }
0x2f5: {  	v3 =	vld [tilespmem:s9+$0x4100]  }
0x2f6: {  	s22 =	simm.s32 $0x4110;
	v4 =	vld [tilespmem:s9+$0x3E80]  }
0x2f7: {  	v1 =	vld [tilespmem:s22+$0xFFFFFB00]  }
0x2f8: {  	v5 =	vld [tilespmem:s22+$0xFFFFFBA0]  }
0x2f9: {  	v6 =	vld [tilespmem:s22+$0xFFFFFB90]  }
0x2fa: {  	v7 =	vld [tilespmem:s22+$0xFFFFFC40]  }
0x2fb: {  	v8 =	vld [tilespmem:s22+$0xFFFFFAF0]  }
0x2fc: {  	v9 =	vld [tilespmem:s22+$0xFFFFFCE0]  }
0x2fd: {  	v10 =	vld [tilespmem:s22+$0xFFFFFC30]  }
0x2fe: {  	v11 =	vld [tilespmem:s22+$0xFFFFFD80]  }
0x2ff: {  	v12 =	vld [tilespmem:s22+$0xFFFFFCD0]  }
0x300: {  	v13 =	vld [tilespmem:s22+$0xFFFFFE20]  }
0x301: {  	v14 =	vld [tilespmem:s22+$0xFFFFFE10]  }
0x302: {  	v15 =	vld [tilespmem:s22+$0xFFFFFEC0]  }
0x303: {  	v16 =	vld [tilespmem:s22+$0xFFFFFEB0]  }
0x304: {  	v17 =	vld [tilespmem:s22+$0xFFFFFF60]  }
0x305: {  	v18 =	vld [tilespmem:s22+$0xFFFFFF50]  }
0x306: {  	v19 =	vld [tilespmem:s22+$0x0]  }
0x307: {  	v20 =	vld [tilespmem:s22+$0x90]  }
0x308: {  	v21 =	vld [tilespmem:s22+$0xA0]  }
0x309: {  	v22 =	vld [tilespmem:s22+$0x130]  }
0x30a: {  	v23 =	vld [tilespmem:s22+$0x140]  }
0x30b: {  	v24 =	vld [tilespmem:s22+$0x1D0]  }
0x30c: {  	v25 =	vld [tilespmem:s22+$0x1E0]  }
0x30d: {  	v26 =	vld [tilespmem:s22+$0x310]  }
0x30e: {  	v27 =	vld [tilespmem:s22+$0x280]  }
0x30f: {  	v28 =	vld [tilespmem:s22+$0x3B0]  }
0x310: {  	v29 =	vld [tilespmem:s22+$0x320]  }
0x311: {  	s31 =	simm.s32 $0x4130;
	v30 =	vld [tilespmem:s22+$0x450]  }
0x312: {  	v46 =	vld [tilespmem:s31+$0xFFFFFB00];
	v5 =	vadd.f32 v5, v1;
	v6 =	vadd.f32 v6, v8  }
0x313: {  	v47 =	vld [tilespmem:s31+$0xFFFFFC40]  }
0x314: {  	v48 =	vld [tilespmem:s31+$0xFFFFFAF0];
	v5 =	vadd.f32 v7, v5;
	v6 =	vadd.f32 v10, v6  }
0x315: {  	v49 =	vld [tilespmem:s31+$0xFFFFFCE0]  }
0x316: {  	v50 =	vld [tilespmem:s31+$0xFFFFFC30];
	v5 =	vadd.f32 v9, v5;
	v6 =	vadd.f32 v12, v6  }
0x317: {  	v51 =	vld [tilespmem:s31+$0xFFFFFD80]  }
0x318: {  	v5 =	vadd.f32 v11, v5;
	v4 =	vadd.f32 v4, v6;
	v6 =	vld [tilespmem:s31+$0xFFFFFBA0]  }
0x319: {  	v52 =	vld [tilespmem:s31+$0xFFFFFCD0]  }
0x31a: {  	v11 =	vld [tilespmem:s31+$0xFFFFFB90];
	v5 =	vadd.f32 v13, v5;
	v4 =	vadd.f32 v14, v4  }
0x31b: {  	v53 =	vld [tilespmem:s31+$0xFFFFFE10]  }
0x31c: {  	v54 =	vld [tilespmem:s31+$0xFFFFFEC0];
	v5 =	vadd.f32 v15, v5;
	v4 =	vadd.f32 v16, v4  }
0x31d: {  	s25 =	simm.s32 $0x20;
	v55 =	vld [tilespmem:s31+$0xFFFFFEB0];
	v6 =	vadd.f32 v6, v46  }
0x31e: {  	s9 =	sand.u32 $0xE0, s25;
	v56 =	vld [tilespmem:s31+$0xFFFFFF60];
	v5 =	vadd.f32 v17, v5;
	v4 =	vadd.f32 v18, v4  }
0x31f: {  	v9 =	vld [tilespmem:s9+$0x3E80];
	v11 =	vadd.f32 v11, v48;
	v6 =	vadd.f32 v47, v6  }
0x320: {  	v5 =	vadd.f32 v19, v5;
	v3 =	vadd.f32 v3, v4;
	v4 =	vld [tilespmem:s31+$0xFFFFFE20]  }
0x321: {  	v57 =	vld [tilespmem:s31+$0xFFFFFF50];
	v11 =	vadd.f32 v50, v11;
	v6 =	vadd.f32 v49, v6  }
0x322: {  	v59 =	vld [tilespmem:s31+$0x140];
	v5 =	vadd.f32 v21, v5;
	v3 =	vadd.f32 v20, v3  }
0x323: {  	v61 =	vld [tilespmem:s31+$0x1E0];
	v11 =	vadd.f32 v52, v11;
	v6 =	vadd.f32 v51, v6  }
0x324: {  	v8 =	vld [tilespmem:s22+$0x3C0];
	v5 =	vadd.f32 v23, v5;
	v3 =	vadd.f32 v22, v3  }
0x325: {  	v1 =	vld [tilespmem:s9+$0x4380];
	v9 =	vadd.f32 v9, v11;
	v4 =	vadd.f32 v4, v6  }
0x326: {  	v6 =	vld [tilespmem:s31+$0x0];
	v5 =	vadd.f32 v25, v5;
	v3 =	vadd.f32 v24, v3  }
0x327: {  	v7 =	vld [tilespmem:s22+$0x460];
	v9 =	vadd.f32 v53, v9;
	v4 =	vadd.f32 v54, v4  }
0x328: {  	v5 =	vadd.f32 v27, v5;
	v2 =	vadd.f32 v2, v3;
	v3 =	vld [tilespmem:s31+$0xA0]  }
0x329: {  	v10 =	vld [tilespmem:s9+$0x4100];
	v58 =	vadd.f32 v56, v4  }
0x32a: {  	v11 =	vld [tilespmem:s31+$0x90];
	v9 =	vadd.f32 v55, v9;
	v5 =	vadd.f32 v29, v5  }
0x32b: {  	v4 =	vld [tilespmem:s31+$0x130];
	v2 =	vadd.f32 v26, v2;
	v60 =	vadd.f32 v6, v58  }
0x32c: {  	v9 =	vadd.f32 v57, v9;
	v6 =	vld [tilespmem:s31+$0x1D0];
	v5 =	vadd.f32 v8, v5  }
0x32d: {  	v8 =	vadd.f32 v28, v2;
	v2 =	vld [tilespmem:s31+$0x310];
	v3 =	vadd.f32 v3, v60  }
0x32e: {  	v9 =	vadd.f32 v10, v9;
	v5 =	vadd.f32 v7, v5;
	v7 =	vld [tilespmem:s31+$0x280]  }
0x32f: {  	s22 =	simm.s32 $0x410;
	v62 =	vadd.f32 v30, v8;
	v8 =	vld [tilespmem:s31+$0x320];
	v63 =	vadd.f32 v59, v3  }
0x330: {  	v10 =	vadd.f32 v11, v9;
	v3 =	vld [tilespmem:s31+$0x3B0];
	[tilespmem:s22+$0x0] =	vst v5  }
0x331: {  	s25 =	simm.s32 $0x2;
	s9 =	simm.s32 $0x40;
	[tilespmem:s22+$0xFFFFFFF0] =	vst v62;
	v5 =	vld [tilespmem:s31+$0x450];
	v9 =	vadd.f32 v61, v63  }
.LBB2_12:
0x332: {  	s10 =	sand.u32 $0xE0, s9;
	v4 =	vadd.f32 v4, v10;
	v10 =	vld [tilespmem:s31+$0x3C0]  }
0x333: {  	v11 =	vld [tilespmem:s10+$0x4380];
	v7 =	vadd.f32 v7, v9  }
0x334: {  	v4 =	vadd.f32 v6, v4;
	v6 =	vld [tilespmem:s31+$0x460]  }
0x335: {  	v9 =	vld [tilespmem:s10+$0x4100];
	v7 =	vadd.f32 v8, v7  }
0x336: {  	s31 =	sadd.s32 $0x20, s31;
	v8 =	vld [tilespmem:s10+$0x3E80];
	v12 =	vadd.f32 v1, v4  }
0x337: {  	v4 =	vld [tilespmem:s31+$0xFFFFFB00];
	v7 =	vadd.f32 v10, v7  }
0x338: {  	s25 =	sadd.s32 $0x2, s25;
	v10 =	vld [tilespmem:s31+$0xFFFFFBA0];
	v2 =	vadd.f32 v2, v12;
	v1 =	vmov v11  }
0x339: {  	p0 =	slt.u32 s25, $0x8;
	v11 =	vld [tilespmem:s31+$0xFFFFFB90];
	v6 =	vadd.f32 v6, v7  }
0x33a: {  	s22 =	sadd.s32 $0x20, s22;
	v7 =	vld [tilespmem:s31+$0xFFFFFC40];
	v2 =	vadd.f32 v3, v2  }
0x33b: {  	v3 =	vld [tilespmem:s31+$0xFFFFFAF0];
	[tilespmem:s22+$0x0] =	vst v6  }
0x33c: {  	v6 =	vld [tilespmem:s31+$0xFFFFFCE0];
	v2 =	vadd.f32 v5, v2  }
0x33d: {  	v5 =	vld [tilespmem:s31+$0xFFFFFC30];
	v4 =	vadd.f32 v10, v4  }
0x33e: {  	v10 =	vld [tilespmem:s31+$0xFFFFFD80];
	[tilespmem:s22+$0xFFFFFFF0] =	vst v2  }
0x33f: {  	v2 =	vld [tilespmem:s31+$0xFFFFFCD0];
	v4 =	vadd.f32 v7, v4  }
0x340: {  	v3 =	vadd.f32 v11, v3;
	v7 =	vld [tilespmem:s31+$0xFFFFFE20]  }
0x341: {  	v11 =	vld [tilespmem:s31+$0xFFFFFE10];
	v4 =	vadd.f32 v6, v4  }
0x342: {  	v3 =	vadd.f32 v5, v3;
	v5 =	vld [tilespmem:s31+$0xFFFFFEC0]  }
0x343: {  	v6 =	vld [tilespmem:s31+$0xFFFFFEB0];
	v4 =	vadd.f32 v10, v4  }
0x344: {  	v2 =	vadd.f32 v2, v3;
	v3 =	vld [tilespmem:s31+$0xFFFFFF60]  }
0x345: {  	v10 =	vld [tilespmem:s31+$0xFFFFFF50];
	v4 =	vadd.f32 v7, v4  }
0x346: {  	v2 =	vadd.f32 v8, v2;
	v7 =	vld [tilespmem:s31+$0x0]  }
0x347: {  	v8 =	vld [tilespmem:s31+$0x90];
	v5 =	vadd.f32 v5, v4  }
0x348: {  	v2 =	vadd.f32 v11, v2;
	v11 =	vld [tilespmem:s31+$0xA0]  }
0x349: {  	v4 =	vld [tilespmem:s31+$0x130];
	v3 =	vadd.f32 v3, v5  }
0x34a: {  	v2 =	vadd.f32 v6, v2;
	v5 =	vld [tilespmem:s31+$0x140]  }
0x34b: {  	v6 =	vld [tilespmem:s31+$0x1D0];
	v3 =	vadd.f32 v7, v3  }
0x34c: {  	v7 =	vadd.f32 v10, v2;
	v12 =	vld [tilespmem:s31+$0x1E0]  }
.Ltmp5:
0x34d: {  	v2 =	vld [tilespmem:s31+$0x310];
	v10 =	vadd.f32 v11, v3;
	(pc) =	sbr.rel @p0 .LBB2_12-.Ltmp5, $4  }
0x34e: {  	v9 =	vadd.f32 v9, v7;
	v7 =	vld [tilespmem:s31+$0x280]  }
0x34f: {  	v3 =	vld [tilespmem:s31+$0x3B0];
	v11 =	vadd.f32 v5, v10  }
0x350: {  	v10 =	vadd.f32 v8, v9;
	v8 =	vld [tilespmem:s31+$0x320]  }
0x351: {  	s9 =	sadd.s32 $0x20, s9;
	v5 =	vld [tilespmem:s31+$0x450];
	v9 =	vadd.f32 v12, v11  }
0x352: {  	v4 =	vadd.f32 v4, v10;
	_ =	sdelay $0x1  }
0x353: {  	v10 =	vld [tilespmem:s31+$0x3C0];
	v4 =	vadd.f32 v6, v4  }
0x354: {  	v6 =	vadd.f32 v7, v9  }
0x355: {  	v7 =	vld [tilespmem:s31+$0x460];
	v1 =	vadd.f32 v1, v4  }
0x356: {  	v4 =	vadd.f32 v8, v6  }
0x357: {  	v1 =	vadd.f32 v2, v1  }
0x358: {  	v2 =	vadd.f32 v10, v4  }
0x359: {  	v1 =	vadd.f32 v3, v1  }
0x35a: {  	v2 =	vadd.f32 v7, v2  }
0x35b: {  	s9 =	sadd.s32 $0x20, s22;
	v1 =	vadd.f32 v5, v1  }
0x35c: {  	[tilespmem:s9+$0x0] =	vst v2  }
0x35d: {  	[tilespmem:s9+$0xFFFFFFF0] =	vst v1  }
0x35e: {  	s9 =	simm.s32 $0x0;
	s10 =	rddreg [dreg:$0xc]  }
0x35f: {  	[hbm4b:s10+s9] =	stream.linear.scatter [tilespmem:s2], [sflag:$0x2], $0xA0, $0x38;
	[tilespmem:$0x5000] =	vst v63  }
0x360: {  	_ =	swait.ge [sflag:s0], $0xA0  }
0x361: {  	[sflag:s0] =	ssyncset.done $0x0  }
0x362: {  	[sflag:s0] =	ssyncadd.s32 $0xFFFFFF60  }
0x363: {  	s25 =	simm.s32 $0x3200;
	[bflag:$0x0] =	sbarrier.arrive $0xFFFF  }
0x364: {  	[spmem:s11] =	stream.linear.scatter [tilespmem:s25], [sflag:$0x2], $0xA00, $0x38;
	[tilespmem:$0x5000] =	vst v63  }
0x365: {  	_ =	swait.ge [sflag:s0], $0xA00  }
0x366: {  	[sflag:s0] =	ssyncset.done $0x0  }
0x367: {  	[sflag:s0] =	ssyncadd.s32 $0xFFFFF600  }
0x368: {  	s22 =	simm.s32 $0x3C00;
	[bflag:$0x0] =	sbarrier.arrive $0xFFFF  }
0x369: {  	[tilespmem:s22], [sflag:$0x1] =	stream.linear.gather [spmem:s8], $0xA0, $0x38;
	[tilespmem:$0x5000] =	vst v63  }
0x36a: {  	s25 =	simm.s32 $0x3CA0  }
0x36b: {  	[tilespmem:s25], [sflag:$0x1] =	stream.linear.gather [spmem:s12], $0xA0, $0x38;
	[tilespmem:$0x5000] =	vst v63  }
0x36c: {  	s22 =	simm.s32 $0x3D40  }
0x36d: {  	[tilespmem:s22], [sflag:$0x1] =	stream.linear.gather [spmem:s13], $0xA0, $0x38;
	[tilespmem:$0x5000] =	vst v63  }
0x36e: {  	s25 =	simm.s32 $0x3DE0  }
0x36f: {  	[tilespmem:s25], [sflag:$0x1] =	stream.linear.gather [spmem:s14], $0xA0, $0x38;
	[tilespmem:$0x5000] =	vst v63  }
0x370: {  	s22 =	simm.s32 $0x3E80  }
0x371: {  	[tilespmem:s22], [sflag:$0x1] =	stream.linear.gather [spmem:s15], $0xA0, $0x38;
	[tilespmem:$0x5000] =	vst v63  }
0x372: {  	s25 =	simm.s32 $0x3F20  }
0x373: {  	[tilespmem:s25], [sflag:$0x1] =	stream.linear.gather [spmem:s16], $0xA0, $0x38;
	[tilespmem:$0x5000] =	vst v63  }
0x374: {  	s22 =	simm.s32 $0x3FC0  }
0x375: {  	[tilespmem:s22], [sflag:$0x1] =	stream.linear.gather [spmem:s17], $0xA0, $0x38;
	[tilespmem:$0x5000] =	vst v63  }
0x376: {  	s25 =	simm.s32 $0x4060  }
0x377: {  	[tilespmem:s25], [sflag:$0x1] =	stream.linear.gather [spmem:s18], $0xA0, $0x38;
	[tilespmem:$0x5000] =	vst v63  }
0x378: {  	s22 =	rddreg [dreg:$0x6];
	s25 =	simm.s32 $0x4100  }
0x379: {  	[tilespmem:s25], [sflag:$0x1] =	stream.linear.gather [spmem:s22], $0xA0, $0x38;
	[tilespmem:$0x5000] =	vst v63  }
0x37a: {  	s22 =	rddreg [dreg:$0x7];
	s25 =	simm.s32 $0x41A0  }
0x37b: {  	[tilespmem:s25], [sflag:$0x1] =	stream.linear.gather [spmem:s22], $0xA0, $0x38;
	[tilespmem:$0x5000] =	vst v63  }
0x37c: {  	s22 =	simm.s32 $0x4240  }
0x37d: {  	[tilespmem:s22], [sflag:$0x1] =	stream.linear.gather [spmem:s19], $0xA0, $0x38;
	[tilespmem:$0x5000] =	vst v63  }
0x37e: {  	s25 =	simm.s32 $0x42E0  }
0x37f: {  	[tilespmem:s25], [sflag:$0x1] =	stream.linear.gather [spmem:s20], $0xA0, $0x38;
	[tilespmem:$0x5000] =	vst v63  }
0x380: {  	s18 =	simm.s32 $0x4380  }
0x381: {  	[tilespmem:s18], [sflag:$0x1] =	stream.linear.gather [spmem:s21], $0xA0, $0x38;
	[tilespmem:$0x5000] =	vst v63  }
0x382: {  	s22 =	simm.s32 $0x4420  }
0x383: {  	[tilespmem:s22], [sflag:$0x1] =	stream.linear.gather [spmem:s23], $0xA0, $0x38;
	[tilespmem:$0x5000] =	vst v63  }
0x384: {  	s25 =	simm.s32 $0x44C0  }
0x385: {  	[tilespmem:s25], [sflag:$0x1] =	stream.linear.gather [spmem:s26], $0xA0, $0x38;
	[tilespmem:$0x5000] =	vst v63  }
0x386: {  	s18 =	simm.s32 $0x4560  }
0x387: {  	[tilespmem:s18], [sflag:$0x1] =	stream.linear.gather [spmem:s28], $0xA0, $0x38;
	[tilespmem:$0x5000] =	vst v63  }
0x388: {  	_ =	swait.ge [sflag:s29], $0xA0  }
0x389: {  	[sflag:s29] =	ssyncset.done $0x0  }
0x38a: {  	[sflag:s29] =	ssyncadd.s32 $0xFFFFFF60  }
0x38b: {  	_ =	swait.ge [sflag:s29], $0xA0  }
0x38c: {  	[sflag:s29] =	ssyncset.done $0x0  }
0x38d: {  	[sflag:s29] =	ssyncadd.s32 $0xFFFFFF60  }
0x38e: {  	_ =	swait.ge [sflag:s29], $0xA0  }
0x38f: {  	[sflag:s29] =	ssyncset.done $0x0  }
0x390: {  	[sflag:s29] =	ssyncadd.s32 $0xFFFFFF60  }
0x391: {  	_ =	swait.ge [sflag:s29], $0xA0  }
0x392: {  	[sflag:s29] =	ssyncset.done $0x0  }
0x393: {  	[sflag:s29] =	ssyncadd.s32 $0xFFFFFF60  }
0x394: {  	_ =	swait.ge [sflag:s29], $0xA0  }
0x395: {  	[sflag:s29] =	ssyncset.done $0x0  }
0x396: {  	[sflag:s29] =	ssyncadd.s32 $0xFFFFFF60  }
0x397: {  	_ =	swait.ge [sflag:s29], $0xA0  }
0x398: {  	[sflag:s29] =	ssyncset.done $0x0  }
0x399: {  	[sflag:s29] =	ssyncadd.s32 $0xFFFFFF60  }
0x39a: {  	_ =	swait.ge [sflag:s29], $0xA0  }
0x39b: {  	[sflag:s29] =	ssyncset.done $0x0  }
0x39c: {  	[sflag:s29] =	ssyncadd.s32 $0xFFFFFF60  }
0x39d: {  	_ =	swait.ge [sflag:s29], $0xA0  }
0x39e: {  	[sflag:s29] =	ssyncset.done $0x0  }
0x39f: {  	[sflag:s29] =	ssyncadd.s32 $0xFFFFFF60  }
0x3a0: {  	_ =	swait.ge [sflag:s29], $0xA0  }
0x3a1: {  	[sflag:s29] =	ssyncset.done $0x0  }
0x3a2: {  	[sflag:s29] =	ssyncadd.s32 $0xFFFFFF60  }
0x3a3: {  	_ =	swait.ge [sflag:s29], $0xA0  }
0x3a4: {  	[sflag:s29] =	ssyncset.done $0x0  }
0x3a5: {  	[sflag:s29] =	ssyncadd.s32 $0xFFFFFF60  }
0x3a6: {  	_ =	swait.ge [sflag:s29], $0xA0  }
0x3a7: {  	[sflag:s29] =	ssyncset.done $0x0  }
0x3a8: {  	[sflag:s29] =	ssyncadd.s32 $0xFFFFFF60  }
0x3a9: {  	_ =	swait.ge [sflag:s29], $0xA0  }
0x3aa: {  	[sflag:s29] =	ssyncset.done $0x0  }
0x3ab: {  	[sflag:s29] =	ssyncadd.s32 $0xFFFFFF60  }
0x3ac: {  	_ =	swait.ge [sflag:s29], $0xA0  }
0x3ad: {  	[sflag:s29] =	ssyncset.done $0x0  }
0x3ae: {  	[sflag:s29] =	ssyncadd.s32 $0xFFFFFF60  }
0x3af: {  	_ =	swait.ge [sflag:s29], $0xA0  }
0x3b0: {  	[sflag:s29] =	ssyncset.done $0x0  }
0x3b1: {  	[sflag:s29] =	ssyncadd.s32 $0xFFFFFF60  }
0x3b2: {  	_ =	swait.ge [sflag:s29], $0xA0  }
0x3b3: {  	[sflag:s29] =	ssyncset.done $0x0  }
0x3b4: {  	[sflag:s29] =	ssyncadd.s32 $0xFFFFFF60  }
0x3b5: {  	_ =	swait.ge [sflag:s29], $0xA0  }
0x3b6: {  	[sflag:s29] =	ssyncset.done $0x0  }
0x3b7: {  	s9 =	sand.u32 $0xE0, s9;
	[sflag:s29] =	ssyncadd.s32 $0xFFFFFF60  }
0x3b8: {  	v2 =	vld [tilespmem:s9+$0x4380]  }
0x3b9: {  	v3 =	vld [tilespmem:s9+$0x4100]  }
0x3ba: {  	s22 =	simm.s32 $0x4110;
	v4 =	vld [tilespmem:s9+$0x3E80]  }
0x3bb: {  	v1 =	vld [tilespmem:s22+$0xFFFFFB00]  }
0x3bc: {  	v5 =	vld [tilespmem:s22+$0xFFFFFBA0]  }
0x3bd: {  	v6 =	vld [tilespmem:s22+$0xFFFFFB90]  }
0x3be: {  	v7 =	vld [tilespmem:s22+$0xFFFFFC40]  }
0x3bf: {  	v8 =	vld [tilespmem:s22+$0xFFFFFAF0]  }
0x3c0: {  	v9 =	vld [tilespmem:s22+$0xFFFFFCE0]  }
0x3c1: {  	v10 =	vld [tilespmem:s22+$0xFFFFFC30]  }
0x3c2: {  	v11 =	vld [tilespmem:s22+$0xFFFFFD80]  }
0x3c3: {  	v12 =	vld [tilespmem:s22+$0xFFFFFCD0]  }
0x3c4: {  	v13 =	vld [tilespmem:s22+$0xFFFFFE20]  }
0x3c5: {  	v14 =	vld [tilespmem:s22+$0xFFFFFE10]  }
0x3c6: {  	v15 =	vld [tilespmem:s22+$0xFFFFFEC0]  }
0x3c7: {  	v16 =	vld [tilespmem:s22+$0xFFFFFEB0]  }
0x3c8: {  	v17 =	vld [tilespmem:s22+$0xFFFFFF60]  }
0x3c9: {  	v18 =	vld [tilespmem:s22+$0xFFFFFF50]  }
0x3ca: {  	v19 =	vld [tilespmem:s22+$0x0]  }
0x3cb: {  	v20 =	vld [tilespmem:s22+$0x90]  }
0x3cc: {  	v21 =	vld [tilespmem:s22+$0xA0]  }
0x3cd: {  	v22 =	vld [tilespmem:s22+$0x130]  }
0x3ce: {  	v23 =	vld [tilespmem:s22+$0x140]  }
0x3cf: {  	v24 =	vld [tilespmem:s22+$0x1D0]  }
0x3d0: {  	v25 =	vld [tilespmem:s22+$0x1E0]  }
0x3d1: {  	v26 =	vld [tilespmem:s22+$0x310]  }
0x3d2: {  	v27 =	vld [tilespmem:s22+$0x280]  }
0x3d3: {  	v28 =	vld [tilespmem:s22+$0x3B0]  }
0x3d4: {  	v29 =	vld [tilespmem:s22+$0x320]  }
0x3d5: {  	s31 =	simm.s32 $0x4130;
	v30 =	vld [tilespmem:s22+$0x450]  }
0x3d6: {  	v46 =	vld [tilespmem:s31+$0xFFFFFB00];
	v5 =	vadd.f32 v5, v1;
	v6 =	vadd.f32 v6, v8  }
0x3d7: {  	v47 =	vld [tilespmem:s31+$0xFFFFFC40]  }
0x3d8: {  	v48 =	vld [tilespmem:s31+$0xFFFFFAF0];
	v5 =	vadd.f32 v7, v5;
	v6 =	vadd.f32 v10, v6  }
0x3d9: {  	v49 =	vld [tilespmem:s31+$0xFFFFFCE0]  }
0x3da: {  	v50 =	vld [tilespmem:s31+$0xFFFFFC30];
	v5 =	vadd.f32 v9, v5;
	v6 =	vadd.f32 v12, v6  }
0x3db: {  	v51 =	vld [tilespmem:s31+$0xFFFFFD80]  }
0x3dc: {  	v5 =	vadd.f32 v11, v5;
	v4 =	vadd.f32 v4, v6;
	v6 =	vld [tilespmem:s31+$0xFFFFFBA0]  }
0x3dd: {  	v52 =	vld [tilespmem:s31+$0xFFFFFCD0]  }
0x3de: {  	v11 =	vld [tilespmem:s31+$0xFFFFFB90];
	v5 =	vadd.f32 v13, v5;
	v4 =	vadd.f32 v14, v4  }
0x3df: {  	v53 =	vld [tilespmem:s31+$0xFFFFFE10]  }
0x3e0: {  	v54 =	vld [tilespmem:s31+$0xFFFFFEC0];
	v5 =	vadd.f32 v15, v5;
	v4 =	vadd.f32 v16, v4  }
0x3e1: {  	s25 =	simm.s32 $0x20;
	v55 =	vld [tilespmem:s31+$0xFFFFFEB0];
	v6 =	vadd.f32 v6, v46  }
0x3e2: {  	s9 =	sand.u32 $0xE0, s25;
	v56 =	vld [tilespmem:s31+$0xFFFFFF60];
	v5 =	vadd.f32 v17, v5;
	v4 =	vadd.f32 v18, v4  }
0x3e3: {  	v9 =	vld [tilespmem:s9+$0x3E80];
	v11 =	vadd.f32 v11, v48;
	v6 =	vadd.f32 v47, v6  }
0x3e4: {  	v5 =	vadd.f32 v19, v5;
	v3 =	vadd.f32 v3, v4;
	v4 =	vld [tilespmem:s31+$0xFFFFFE20]  }
0x3e5: {  	v57 =	vld [tilespmem:s31+$0xFFFFFF50];
	v11 =	vadd.f32 v50, v11;
	v6 =	vadd.f32 v49, v6  }
0x3e6: {  	v59 =	vld [tilespmem:s31+$0x140];
	v5 =	vadd.f32 v21, v5;
	v3 =	vadd.f32 v20, v3  }
0x3e7: {  	v61 =	vld [tilespmem:s31+$0x1E0];
	v11 =	vadd.f32 v52, v11;
	v6 =	vadd.f32 v51, v6  }
0x3e8: {  	v8 =	vld [tilespmem:s22+$0x3C0];
	v5 =	vadd.f32 v23, v5;
	v3 =	vadd.f32 v22, v3  }
0x3e9: {  	v1 =	vld [tilespmem:s9+$0x4380];
	v9 =	vadd.f32 v9, v11;
	v4 =	vadd.f32 v4, v6  }
0x3ea: {  	v6 =	vld [tilespmem:s31+$0x0];
	v5 =	vadd.f32 v25, v5;
	v3 =	vadd.f32 v24, v3  }
0x3eb: {  	v7 =	vld [tilespmem:s22+$0x460];
	v9 =	vadd.f32 v53, v9;
	v4 =	vadd.f32 v54, v4  }
0x3ec: {  	v5 =	vadd.f32 v27, v5;
	v2 =	vadd.f32 v2, v3;
	v3 =	vld [tilespmem:s31+$0xA0]  }
0x3ed: {  	v10 =	vld [tilespmem:s9+$0x4100];
	v58 =	vadd.f32 v56, v4  }
0x3ee: {  	v11 =	vld [tilespmem:s31+$0x90];
	v9 =	vadd.f32 v55, v9;
	v5 =	vadd.f32 v29, v5  }
0x3ef: {  	v4 =	vld [tilespmem:s31+$0x130];
	v2 =	vadd.f32 v26, v2;
	v60 =	vadd.f32 v6, v58  }
0x3f0: {  	v9 =	vadd.f32 v57, v9;
	v6 =	vld [tilespmem:s31+$0x1D0];
	v5 =	vadd.f32 v8, v5  }
0x3f1: {  	v8 =	vadd.f32 v28, v2;
	v2 =	vld [tilespmem:s31+$0x310];
	v3 =	vadd.f32 v3, v60  }
0x3f2: {  	v9 =	vadd.f32 v10, v9;
	v5 =	vadd.f32 v7, v5;
	v7 =	vld [tilespmem:s31+$0x280]  }
0x3f3: {  	s22 =	simm.s32 $0x410;
	v62 =	vadd.f32 v30, v8;
	v8 =	vld [tilespmem:s31+$0x320];
	v63 =	vadd.f32 v59, v3  }
0x3f4: {  	v10 =	vadd.f32 v11, v9;
	v3 =	vld [tilespmem:s31+$0x3B0];
	[tilespmem:s22+$0x0] =	vst v5  }
0x3f5: {  	s25 =	simm.s32 $0x2;
	s9 =	simm.s32 $0x40;
	[tilespmem:s22+$0xFFFFFFF0] =	vst v62;
	v5 =	vld [tilespmem:s31+$0x450];
	v9 =	vadd.f32 v61, v63  }
.LBB2_14:
0x3f6: {  	s10 =	sand.u32 $0xE0, s9;
	v4 =	vadd.f32 v4, v10;
	v10 =	vld [tilespmem:s31+$0x3C0]  }
0x3f7: {  	v11 =	vld [tilespmem:s10+$0x4380];
	v7 =	vadd.f32 v7, v9  }
0x3f8: {  	v4 =	vadd.f32 v6, v4;
	v6 =	vld [tilespmem:s31+$0x460]  }
0x3f9: {  	v9 =	vld [tilespmem:s10+$0x4100];
	v7 =	vadd.f32 v8, v7  }
0x3fa: {  	s31 =	sadd.s32 $0x20, s31;
	v8 =	vld [tilespmem:s10+$0x3E80];
	v12 =	vadd.f32 v1, v4  }
0x3fb: {  	v4 =	vld [tilespmem:s31+$0xFFFFFB00];
	v7 =	vadd.f32 v10, v7  }
0x3fc: {  	s25 =	sadd.s32 $0x2, s25;
	v10 =	vld [tilespmem:s31+$0xFFFFFBA0];
	v2 =	vadd.f32 v2, v12;
	v1 =	vmov v11  }
0x3fd: {  	p0 =	slt.u32 s25, $0x8;
	v11 =	vld [tilespmem:s31+$0xFFFFFB90];
	v6 =	vadd.f32 v6, v7  }
0x3fe: {  	s22 =	sadd.s32 $0x20, s22;
	v7 =	vld [tilespmem:s31+$0xFFFFFC40];
	v2 =	vadd.f32 v3, v2  }
0x3ff: {  	v3 =	vld [tilespmem:s31+$0xFFFFFAF0];
	[tilespmem:s22+$0x0] =	vst v6  }
0x400: {  	v6 =	vld [tilespmem:s31+$0xFFFFFCE0];
	v2 =	vadd.f32 v5, v2  }
0x401: {  	v5 =	vld [tilespmem:s31+$0xFFFFFC30];
	v4 =	vadd.f32 v10, v4  }
0x402: {  	v10 =	vld [tilespmem:s31+$0xFFFFFD80];
	[tilespmem:s22+$0xFFFFFFF0] =	vst v2  }
0x403: {  	v2 =	vld [tilespmem:s31+$0xFFFFFCD0];
	v4 =	vadd.f32 v7, v4  }
0x404: {  	v3 =	vadd.f32 v11, v3;
	v7 =	vld [tilespmem:s31+$0xFFFFFE20]  }
0x405: {  	v11 =	vld [tilespmem:s31+$0xFFFFFE10];
	v4 =	vadd.f32 v6, v4  }
0x406: {  	v3 =	vadd.f32 v5, v3;
	v5 =	vld [tilespmem:s31+$0xFFFFFEC0]  }
0x407: {  	v6 =	vld [tilespmem:s31+$0xFFFFFEB0];
	v4 =	vadd.f32 v10, v4  }
0x408: {  	v2 =	vadd.f32 v2, v3;
	v3 =	vld [tilespmem:s31+$0xFFFFFF60]  }
0x409: {  	v10 =	vld [tilespmem:s31+$0xFFFFFF50];
	v4 =	vadd.f32 v7, v4  }
0x40a: {  	v2 =	vadd.f32 v8, v2;
	v7 =	vld [tilespmem:s31+$0x0]  }
0x40b: {  	v8 =	vld [tilespmem:s31+$0x90];
	v5 =	vadd.f32 v5, v4  }
0x40c: {  	v2 =	vadd.f32 v11, v2;
	v11 =	vld [tilespmem:s31+$0xA0]  }
0x40d: {  	v4 =	vld [tilespmem:s31+$0x130];
	v3 =	vadd.f32 v3, v5  }
0x40e: {  	v2 =	vadd.f32 v6, v2;
	v5 =	vld [tilespmem:s31+$0x140]  }
0x40f: {  	v6 =	vld [tilespmem:s31+$0x1D0];
	v3 =	vadd.f32 v7, v3  }
0x410: {  	v7 =	vadd.f32 v10, v2;
	v12 =	vld [tilespmem:s31+$0x1E0]  }
.Ltmp6:
0x411: {  	v2 =	vld [tilespmem:s31+$0x310];
	v10 =	vadd.f32 v11, v3;
	(pc) =	sbr.rel @p0 .LBB2_14-.Ltmp6, $4  }
0x412: {  	v9 =	vadd.f32 v9, v7;
	v7 =	vld [tilespmem:s31+$0x280]  }
0x413: {  	v3 =	vld [tilespmem:s31+$0x3B0];
	v11 =	vadd.f32 v5, v10  }
0x414: {  	v10 =	vadd.f32 v8, v9;
	v8 =	vld [tilespmem:s31+$0x320]  }
0x415: {  	s9 =	sadd.s32 $0x20, s9;
	v5 =	vld [tilespmem:s31+$0x450];
	v9 =	vadd.f32 v12, v11  }
0x416: {  	v4 =	vadd.f32 v4, v10;
	_ =	sdelay $0x1  }
0x417: {  	v60 =	vld [tilespmem:s31+$0x3C0];
	v4 =	vadd.f32 v6, v4  }
0x418: {  	v61 =	vadd.f32 v7, v9  }
0x419: {  	v62 =	vld [tilespmem:s31+$0x460];
	v1 =	vadd.f32 v1, v4  }
0x41a: {  	v63 =	vadd.f32 v8, v61  }
0x41b: {  	v1 =	vadd.f32 v2, v1  }
0x41c: {  	v2 =	vadd.f32 v60, v63  }
0x41d: {  	v1 =	vadd.f32 v3, v1  }
0x41e: {  	v2 =	vadd.f32 v62, v2  }
0x41f: {  	s9 =	sadd.s32 $0x20, s22;
	v1 =	vadd.f32 v5, v1  }
0x420: {  	[tilespmem:s9+$0x0] =	vst v2  }
0x421: {  	[tilespmem:s9+$0xFFFFFFF0] =	vst v1  }
0x422: {  	s9 =	rddreg [dreg:$0xd]  }
0x423: {  	[hbm4b:s9+s1] =	stream.linear.scatter [tilespmem:s2], [sflag:$0x2], $0xA0, $0x38;
	[tilespmem:$0x5000] =	vst v63  }
0x424: {  	_ =	swait.ge [sflag:s0], $0xA0  }
0x425: {  	s30 =	sadd.s32 $0x1, s30;
	s31 =	rddreg [dreg:$0x9]  }
0x426: {  	p0 =	sne.s32 s30, s31  }
.Ltmp7:
0x427: {  	_ = 	snop;
	(pc) =	sbr.rel @p0 .LBB2_1-.Ltmp7, $3  }
0x428: {  	[sflag:s0] =	ssyncset.done $0x0  }
0x429: {  	[sflag:s0] =	ssyncadd.s32 $0xFFFFFF60  }
0x42a: {  	[bflag:$0x0] =	sbarrier.arrive $0xFFFF;
	_ =	sdelay $0x1  }
0x42b: {  	_ =	sfence.sel $0x180000  }
0x42c: {  	[bflag:$0x0] =	sbarrier.arrive $0xFFFF  }
0x42d: {  	_ =	strace $0x9000004A  }
0x42e: {  	s0 =	stileid.u32;
	[bflag:$0x2] =	sbarrier.arrive $0xFFFF  }
0x42f: {  	p0 =	sne.s32 s0, $0x0;
	s0 =	rddreg [dreg:$0x3]  }
0x430: {  	s0 =	sadd.s32 @!p0 $0x100000, s0  }
0x431: {  	[sflag:s0] =	ssyncadd.tile.s32 @!p0 $0x1;
	_ =	shalt  }
.Lfunc_end2:
_tile_overlayer_lowered:
.L_overlay_start_2:
0x432: {  	(tag) =	ssettag $0x2  }
0x433: {  	s0 =	rddreg [dreg:$0x0];
	s2 =	stileid.u32  }
0x434: {  	s1 =	rddreg [dreg:$0x1];
	p0 =	sne.s32 s2, $0x0  }
0x435: {  	s3 =	rddreg [dreg:$0x2];
	[bflag:$0x3] =	sbarrier.arrive $0xFFFF;
	s2 =	simm.s32 @!p0 $0x1C02  }
0x436: {  	[timem:s3], [sflag:s2] =	dma.local @!p0 [hbm:s0], s1  }
0x437: {  	s0 =	simm.s32 @!p0 $0x2  }
0x438: {  	_ =	swait.ge @!p0 [sflag:s0], s1  }
0x439: {  	s1 =	ssub.s32 @!p0 $0x0, s1;
	[sflag:s0] =	ssyncset.done @!p0 $0x0  }
0x43a: {  	[sflag:s0] =	ssyncadd.s32 @!p0 s1  }
0x43b: {  	[bflag:$0x3] =	sbarrier.arrive $0xFFFF  }
0x43c: {  	_ =	shalt  }

</sc_bundles>
